<compile_context>
chip_gen: v7x
topology: tpu7x:2x2x1
jax: 0.10.2.dev20260603
libtpu: 0.0.44.dev20260713+nightly
codegen_flags: <defaults>
</compile_context>

<pallas_src>
import functools

import jax
import jax.numpy as jnp
from jax import lax
from jax.experimental import pallas as pl
from jax.experimental.pallas import tpu as pltpu
from jax.experimental.pallas import tpu_sc as plsc

N = 10000
E = 320000
IN_DIM = 128
HID = 32
HEADS = 8
OUT_DIM = 64

ROW1 = 144
ROW2 = 80
CH = 80
NEG = 0.2
RPT = N // 16

_mesh = plsc.VectorSubcoreMesh(core_axis_name="c", subcore_axis_name="s")

def _take16(vec, idx):
    return jnp.take_along_axis(vec, idx, axis=0)



_B = 2000


def _prep1_body(x_ref, w_ref, as_ref, ad_ref, t1_ref, td_ref):
    half = pl.program_id(0)
    h = jnp.dot(x_ref[...], w_ref[...], preferred_element_type=jnp.float32)
    asrc = jnp.dot(h, as_ref[...], preferred_element_type=jnp.float32)
    adst = jnp.dot(h, ad_ref[...], preferred_element_type=jnp.float32)
    hsel = jnp.where(half == 0, h[:, :128], h[:, 128:])
    asel = jnp.where(half == 0, asrc[:, 0:4], asrc[:, 4:8])
    z12 = jnp.zeros((_B, 12), jnp.float32)
    t1_ref[...] = jnp.concatenate([hsel, asel, z12], axis=1)
    td_ref[...] = jnp.concatenate([adst, jnp.zeros((_B, 8), jnp.float32)], axis=1)


def _prep1(x, w1, as1, ad1):
    nb = N // _B
    return pl.pallas_call(
        _prep1_body,
        grid=(2, nb),
        in_specs=[
            pl.BlockSpec((_B, IN_DIM), lambda i, j: (j, 0)),
            pl.BlockSpec((IN_DIM, 256), lambda i, j: (0, 0)),
            pl.BlockSpec((256, 8), lambda i, j: (0, 0)),
            pl.BlockSpec((256, 8), lambda i, j: (0, 0)),
        ],
        out_specs=[
            pl.BlockSpec((_B, ROW1), lambda i, j, nb=nb: (i * nb + j, 0)),
            pl.BlockSpec((_B, 16), lambda i, j: (j, 0)),
        ],
        out_shape=[
            jax.ShapeDtypeStruct((2 * N, ROW1), jnp.float32),
            jax.ShapeDtypeStruct((N, 16), jnp.float32),
        ],
    )(x, w1, as1, ad1)


def _mid_body(alo_ref, ahi_ref, tlo_ref, thi_ref, td_ref, w2_ref, e1_ref,
              as2_ref, ad2_ref, b1_ref, t2_ref, td2_ref):
    asrc8 = jnp.concatenate([tlo_ref[:, 128:132], thi_ref[:, 128:132]], axis=1)
    adst8 = td_ref[:, 0:8]
    a = asrc8 + adst8
    wself = jnp.exp(jnp.where(a > 0, a, NEG * a))
    h1 = jnp.concatenate([tlo_ref[:, 0:128], thi_ref[:, 0:128]], axis=1)
    num = jnp.concatenate([alo_ref[:, 0:128], ahi_ref[:, 0:128]], axis=1)
    den8 = jnp.concatenate([alo_ref[:, 128:132], ahi_ref[:, 128:132]], axis=1)
    den8 = den8 + wself + 1e-16
    e1 = e1_ref[...]
    num = num + jnp.dot(wself, e1, preferred_element_type=jnp.float32) * h1
    den = jnp.dot(den8, e1, preferred_element_type=jnp.float32)
    out1 = jnp.maximum(num / den + b1_ref[0:1, :], 0.0)
    h2 = jnp.dot(out1, w2_ref[...], preferred_element_type=jnp.float32)
    asrc2 = jnp.sum(h2 * as2_ref[0:1, :], axis=1, keepdims=True)
    adst2 = jnp.sum(h2 * ad2_ref[0:1, :], axis=1, keepdims=True)
    z15 = jnp.zeros((_B, 15), jnp.float32)
    t2_ref[...] = jnp.concatenate([h2, asrc2, z15], axis=1)
    td2_ref[...] = jnp.concatenate([adst2, z15], axis=1)


def _mid(acc1, t1, td1, w2, e1, as2, ad2, b1):
    hb = N // _B
    return pl.pallas_call(
        _mid_body,
        grid=(hb,),
        in_specs=[
            pl.BlockSpec((_B, ROW1), lambda i: (i, 0)),
            pl.BlockSpec((_B, ROW1), lambda i, hb=hb: (hb + i, 0)),
            pl.BlockSpec((_B, ROW1), lambda i: (i, 0)),
            pl.BlockSpec((_B, ROW1), lambda i, hb=hb: (hb + i, 0)),
            pl.BlockSpec((_B, 16), lambda i: (i, 0)),
            pl.BlockSpec((256, OUT_DIM), lambda i: (0, 0)),
            pl.BlockSpec((8, 256), lambda i: (0, 0)),
            pl.BlockSpec((8, OUT_DIM), lambda i: (0, 0)),
            pl.BlockSpec((8, OUT_DIM), lambda i: (0, 0)),
            pl.BlockSpec((8, 256), lambda i: (0, 0)),
        ],
        out_specs=[
            pl.BlockSpec((_B, ROW2), lambda i: (i, 0)),
            pl.BlockSpec((_B, 16), lambda i: (i, 0)),
        ],
        out_shape=[
            jax.ShapeDtypeStruct((N, ROW2), jnp.float32),
            jax.ShapeDtypeStruct((N, 16), jnp.float32),
        ],
    )(acc1, acc1, t1, t1, td1, w2, e1, as2, ad2, b1)


def _final_body(a2lo_ref, a2hi_ref, t2_ref, td2_ref, b2_ref, out_ref):
    num = a2lo_ref[:, 0:64] + a2hi_ref[:, 0:64]
    den = a2lo_ref[:, 64:65] + a2hi_ref[:, 64:65]
    h2 = t2_ref[:, 0:64]
    a = t2_ref[:, 64:65] + td2_ref[:, 0:1]
    w = jnp.exp(jnp.where(a > 0, a, NEG * a))
    out_ref[...] = (num + w * h2) / (den + w + 1e-16) + b2_ref[0:1, :]


def _final(acc2, t2, td2, b2):
    hb = N // _B
    return pl.pallas_call(
        _final_body,
        grid=(hb,),
        in_specs=[
            pl.BlockSpec((_B, ROW2), lambda i: (i, 0)),
            pl.BlockSpec((_B, ROW2), lambda i, hb=hb: (hb + i, 0)),
            pl.BlockSpec((_B, ROW2), lambda i: (i, 0)),
            pl.BlockSpec((_B, 16), lambda i: (i, 0)),
            pl.BlockSpec((8, OUT_DIM), lambda i: (0, 0)),
        ],
        out_specs=pl.BlockSpec((_B, OUT_DIM), lambda i: (i, 0)),
        out_shape=jax.ShapeDtypeStruct((N, OUT_DIM), jnp.float32),
    )(acc2, acc2, t2, td2, b2)




def _zero_rows(buf, rows, width):
    z = jnp.zeros((16,), jnp.float32)

    def body(r, _):
        for v in range(width // 16):
            buf[r, pl.ds(16 * v, 16)] = z
        return 0

    lax.fori_loop(0, rows, body, 0)


def _zero_acc(gbuf, acc, base_r):
    for k in range(RPT // CH):
        pltpu.sync_copy(gbuf.at[pl.ds(0, CH)], acc.at[pl.ds(base_r + CH * k, CH)])
    rem = RPT - (RPT // CH) * CH
    if rem:
        pltpu.sync_copy(gbuf.at[pl.ds(0, rem)],
                        acc.at[pl.ds(base_r + RPT - rem, rem)])


def _make_sc(row, split_features, edge_fn):
    ept = E // 16 if split_features else E // 32
    nch = ept // CH

    @functools.partial(
        pl.kernel,
        out_type=jax.ShapeDtypeStruct((2 * N, row), jnp.float32),
        mesh=_mesh,
        compiler_params=pltpu.CompilerParams(use_tc_tiling_on_sc=False),
        scratch_types=[
            pltpu.VMEM((CH,), jnp.int32),
            pltpu.VMEM((CH,), jnp.int32),
            pltpu.VMEM((CH,), jnp.int32),
            pltpu.VMEM((CH,), jnp.int32),
            pltpu.VMEM((CH,), jnp.int32),
            pltpu.VMEM((CH,), jnp.int32),
            pltpu.VMEM((CH + 8, row), jnp.float32),
            pltpu.VMEM((CH + 8, row), jnp.float32),
            pltpu.VMEM((CH + 8, 16), jnp.float32),
            pltpu.VMEM((CH + 8, 16), jnp.float32),
            pltpu.VMEM_SHARED((N, row), jnp.float32),
            pltpu.SemaphoreType.DMA,
            pltpu.SemaphoreType.DMA,
            pltpu.SemaphoreType.DMA,
            pltpu.SemaphoreType.DMA,
            pltpu.SemaphoreType.DMA,
            pltpu.SemaphoreType.DMA,
            pltpu.SemaphoreType.DMA,
            pltpu.SemaphoreType.DMA,
        ],
    )
    def sc_pass(tbl, td, srcv, dstv, out, si0, si1, di0, di1, dc0, dc1,
                gbuf0, gbuf1, dbuf0, dbuf1, acc,
                gs0, gs1, ds0, ds1, ss0, ss1, is0, is1):
        c = lax.axis_index("c")
        s = lax.axis_index("s")
        sib, dib, dsc = (si0, si1), (di0, di1), (dc0, dc1)
        gbufs, dbufs = (gbuf0, gbuf1), (dbuf0, dbuf1)
        gsems, dsems, ssems, isems = (gs0, gs1), (ds0, ds1), (ss0, ss1), (is0, is1)

        tile_e0 = (s * ept) if split_features else ((s * 2 + c) * ept)
        tile_e0 = pl.multiple_of(tile_e0, 8)

        _zero_rows(gbuf0, CH + 8, row)
        _zero_rows(gbuf1, CH + 8, row)
        _zero_rows(dbuf0, CH + 8, 16)
        _zero_rows(dbuf1, CH + 8, 16)
        _zero_acc(gbuf0, acc, s * RPT)
        plsc.subcore_barrier()

        off = c * N if split_features else 0
        lane16 = lax.iota(jnp.int32, 16)

        def adjust_idx(ref):
            nf = CH // 16
            for k in range(nf):
                ref[pl.ds(k * 16, 16)] = ref[pl.ds(k * 16, 16)] + off
            if CH % 16:
                done = 16 - (CH % 16)
                w = ref[pl.ds(CH - 16, 16)]
                ref[pl.ds(CH - 16, 16)] = w + jnp.where(lane16 < done, 0, off)

        def start_idx(j, b):
            e0 = pl.multiple_of(tile_e0 + j * CH, 8)
            pltpu.async_copy(srcv.at[pl.ds(e0, CH)], sib[b], isems[b])
            pltpu.async_copy(dstv.at[pl.ds(e0, CH)], dib[b], isems[b])

        def wait_idx_adjust(j, b):
            e0 = pl.multiple_of(tile_e0 + j * CH, 8)
            pltpu.make_async_copy(srcv.at[pl.ds(e0, CH)], sib[b],
                                  isems[b]).wait()
            pltpu.make_async_copy(dstv.at[pl.ds(e0, CH)], dib[b],
                                  isems[b]).wait()
            if split_features:
                adjust_idx(sib[b])

        def start_gather(j, b):
            pltpu.async_copy(tbl.at[sib[b]], gbufs[b].at[pl.ds(0, CH)],
                             gsems[b])
            pltpu.async_copy(td.at[dib[b]], dbufs[b].at[pl.ds(0, CH)],
                             dsems[b])

        def wait_gather(j, b):
            pltpu.make_async_copy(tbl.at[sib[b]], gbufs[b].at[pl.ds(0, CH)],
                                  gsems[b]).wait()
            pltpu.make_async_copy(td.at[dib[b]], dbufs[b].at[pl.ds(0, CH)],
                                  dsems[b]).wait()

        def start_scatter(j, b):
            pltpu.async_copy(gbufs[b].at[pl.ds(0, CH)], acc.at[dsc[b]],
                             ssems[b], add=True)

        def wait_scatter(j, b):
            pltpu.make_async_copy(gbufs[b].at[pl.ds(0, CH)], acc.at[dsc[b]],
                                  ssems[b]).wait()

        def keep_scatter_idx(b):
            for k in range(CH // 16):
                dsc[b][pl.ds(k * 16, 16)] = dib[b][pl.ds(k * 16, 16)]

        lane = lax.iota(jnp.int32, 16)
        consts = (lane, c)

        pltpu.sync_copy(srcv.at[pl.ds(tile_e0, CH)], si0)
        pltpu.sync_copy(dstv.at[pl.ds(tile_e0, CH)], di0)
        if split_features:
            adjust_idx(si0)
        start_gather(0, 0)
        start_idx(1, 1)

        def pair(jj, _):
            for b in (0, 1):
                j = 2 * jj + b

                @pl.when(j >= 1)
                def _():
                    wait_scatter(j - 1, 1 - b)

                @pl.when(j + 1 < nch)
                def _():
                    wait_idx_adjust(j + 1, 1 - b)
                    start_gather(j + 1, 1 - b)

                wait_gather(j, b)
                keep_scatter_idx(b)

                @pl.when(j + 2 < nch)
                def _():
                    start_idx(j + 2, b)

                edge_fn(gbufs[b], dbufs[b], consts)
                start_scatter(j, b)
            return 0

        lax.fori_loop(0, nch // 2, pair, 0)
        if nch % 2:
            jl = nch - 1
            wait_scatter(jl - 1, 1)
            wait_gather(jl, 0)
            keep_scatter_idx(0)
            edge_fn(gbufs[0], dbufs[0], consts)
            start_scatter(jl, 0)
            wait_scatter(jl, 0)
        else:
            wait_scatter(nch - 1, 1)
        plsc.subcore_barrier()
        pltpu.sync_copy(acc.at[pl.ds(s * RPT, RPT)],
                        out.at[pl.ds(c * N + s * RPT, RPT)])

    return sc_pass


def _edges1(gbuf, dbuf, consts):
    lane, c = consts
    shift_idx = (lane + 4 * c) & 15
    head_idx = [jnp.full((16,), hh, jnp.int32) for hh in range(4)]

    def walpha(e):
        adsh = _take16(dbuf[e, pl.ds(0, 16)], shift_idx)
        a = gbuf[e, pl.ds(128, 16)] + adsh
        a = jnp.where(a > 0, a, NEG * a)
        return jnp.exp(a)

    def edge(e, w):
        wn = walpha(e + 1)
        gbuf[e, pl.ds(128, 16)] = jnp.where(lane < 4, w, 0.0)
        for hh in range(4):
            ws = _take16(w, head_idx[hh])
            for v in (2 * hh, 2 * hh + 1):
                gbuf[e, pl.ds(16 * v, 16)] = gbuf[e, pl.ds(16 * v, 16)] * ws
        return wn

    lax.fori_loop(0, CH, edge, walpha(0))


def _edges2(gbuf, dbuf, consts):
    lane, _ = consts
    zidx = jnp.zeros((16,), jnp.int32)

    def walpha(e):
        a = gbuf[e, pl.ds(64, 16)] + dbuf[e, pl.ds(0, 16)]
        a = jnp.where(a > 0, a, NEG * a)
        return jnp.exp(a)

    def edge(e, w):
        wn = walpha(e + 1)
        gbuf[e, pl.ds(64, 16)] = jnp.where(lane < 1, w, 0.0)
        ws = _take16(w, zidx)
        for v in range(4):
            gbuf[e, pl.ds(16 * v, 16)] = gbuf[e, pl.ds(16 * v, 16)] * ws
        return wn

    lax.fori_loop(0, CH, edge, walpha(0))


_sc1 = _make_sc(ROW1, True, _edges1)
_sc2 = _make_sc(ROW2, False, _edges2)




def kernel(x, edge_index, W1, att_src1, att_dst1, bias1,
           W2, att_src2, att_dst2, bias2):
    src = edge_index[0]
    dst = edge_index[1]
    dst2d = dst.reshape(E // CH, CH)

    e1 = (jnp.arange(256, dtype=jnp.int32) // HID ==
          jnp.arange(HEADS, dtype=jnp.int32)[:, None]).astype(jnp.float32)
    as1 = e1.T * att_src1.reshape(256)[:, None]
    ad1 = e1.T * att_dst1.reshape(256)[:, None]
    as2 = jnp.broadcast_to(att_src2.reshape(1, OUT_DIM), (8, OUT_DIM))
    ad2 = jnp.broadcast_to(att_dst2.reshape(1, OUT_DIM), (8, OUT_DIM))
    b1 = jnp.broadcast_to(bias1.reshape(1, 256), (8, 256))
    b2 = jnp.broadcast_to(bias2.reshape(1, OUT_DIM), (8, OUT_DIM))

    t1, td1 = _prep1(x, W1, as1, ad1)
    acc1 = _sc1(t1, td1, src, dst)
    t2, td2 = _mid(acc1, t1, td1, W2, e1, as2, ad2, b1)
    acc2 = _sc2(t2, td2, src, dst)
    return _final(acc2, t2, td2, b2)

# --- scband reference (transcript-rebuilt; emitter-appended) ---
"""Pipeline reference for scband-gat-61649960567469 (READ-ONLY COPY).

The authoritative reference and input builder live on the scoring server;
editing this copy changes nothing except your own understanding.
"""

import jax, jax.numpy as jnp
import numpy as np

N = 10000
E = 320000
IN_DIM = 128
HID = 32
HEADS = 8
OUT_DIM = 64


def setup_inputs(seed: int = 0) -> dict:
    key = jax.random.key(seed)
    ks = jax.random.split(key, 12)
    x = jax.random.normal(ks[0], (N, IN_DIM), dtype=jnp.float32)
    edge_index = jax.random.randint(ks[1], (2, E), 0, N, dtype=jnp.int32)
    # conv1: GATConv(in_dim=128, out=32, heads=8, concat=True)
    W1 = jax.random.normal(ks[2], (IN_DIM, HEADS * HID), dtype=jnp.float32) * 0.05
    att_src1 = jax.random.normal(ks[3], (1, HEADS, HID), dtype=jnp.float32) * 0.05
    att_dst1 = jax.random.normal(ks[4], (1, HEADS, HID), dtype=jnp.float32) * 0.05
    bias1 = jnp.zeros((HEADS * HID,), dtype=jnp.float32)
    # conv2: GATConv(in=256, out=64, heads=1, concat=False)
    W2 = jax.random.normal(ks[5], (HEADS * HID, 1 * OUT_DIM), dtype=jnp.float32) * 0.05
    att_src2 = jax.random.normal(ks[6], (1, 1, OUT_DIM), dtype=jnp.float32) * 0.05
    att_dst2 = jax.random.normal(ks[7], (1, 1, OUT_DIM), dtype=jnp.float32) * 0.05
    bias2 = jnp.zeros((OUT_DIM,), dtype=jnp.float32)
    return {
        "x": x,
        "edge_index": edge_index,
        "W1": W1,
        "att_src1": att_src1,
        "att_dst1": att_dst1,
        "bias1": bias1,
        "W2": W2,
        "att_src2": att_src2,
        "att_dst2": att_dst2,
        "bias2": bias2,
    }


def _gat_conv(x, edge_index, W, att_src, att_dst, bias, heads, ch, concat):
    n = x.shape[0]
    # add self-loops (PyG GATConv default add_self_loops=True)
    loop = jnp.arange(n, dtype=edge_index.dtype)
    src = jnp.concatenate([edge_index[0], loop])
    dst = jnp.concatenate([edge_index[1], loop])
    h = (x @ W).reshape(n, heads, ch)
    alpha_src = (h * att_src).sum(axis=-1)  # [N, heads]
    alpha_dst = (h * att_dst).sum(axis=-1)  # [N, heads]
    alpha = alpha_src[src] + alpha_dst[dst]  # [E', heads]
    alpha = jax.nn.leaky_relu(alpha, negative_slope=0.2)
    # segment softmax over destination nodes
    m = jax.ops.segment_max(alpha, dst, num_segments=n)
    alpha = jnp.exp(alpha - m[dst])
    denom = jax.ops.segment_sum(alpha, dst, num_segments=n)
    alpha = alpha / (denom[dst] + 1e-16)
    # weighted message aggregation (scatter-add by dst)
    msgs = alpha[:, :, None] * h[src]  # [E', heads, ch]
    out = jax.ops.segment_sum(msgs, dst, num_segments=n)  # [N, heads, ch]
    if concat:
        out = out.reshape(n, heads * ch)
    else:
        out = out.mean(axis=1)
    return out + bias


def reference(x, edge_index, W1, att_src1, att_dst1, bias1, W2, att_src2, att_dst2, bias2):
    # dropout p=0.0 / eval mode -> identity
    h = _gat_conv(x, edge_index, W1, att_src1, att_dst1, bias1, HEADS, HID, True)
    h = jax.nn.relu(h)
    out = _gat_conv(h, edge_index, W2, att_src2, att_dst2, bias2, 1, OUT_DIM, False)
    return out

if __name__ == "__main__":
    import jax
    _d = setup_inputs()
    print(jax.jit(kernel)(*tuple(_d.values())))

</pallas_src>

<mosaic_0001>
#map = affine_map<(d0, d1) -> (0, 0)>
#map1 = affine_map<(d0, d1) -> (0)>
module attributes {stable_mosaic.version = 14 : i64} {
  func.func @sc_pass(%arg0: i32, %arg1: i32, %arg2: memref<10000x80xf32, #tpu.memory_space<hbm>>, %arg3: memref<10000x16xf32, #tpu.memory_space<hbm>>, %arg4: memref<320000xi32, #tpu.memory_space<hbm>>, %arg5: memref<320000xi32, #tpu.memory_space<hbm>>, %arg6: memref<20000x80xf32, #tpu.memory_space<hbm>>, %arg7: memref<80xi32, #tpu.memory_space<vmem>>, %arg8: memref<80xi32, #tpu.memory_space<vmem>>, %arg9: memref<80xi32, #tpu.memory_space<vmem>>, %arg10: memref<80xi32, #tpu.memory_space<vmem>>, %arg11: memref<80xi32, #tpu.memory_space<vmem>>, %arg12: memref<80xi32, #tpu.memory_space<vmem>>, %arg13: memref<88x80xf32, #tpu.memory_space<vmem>>, %arg14: memref<88x80xf32, #tpu.memory_space<vmem>>, %arg15: memref<88x16xf32, #tpu.memory_space<vmem>>, %arg16: memref<88x16xf32, #tpu.memory_space<vmem>>, %arg17: memref<10000x80xf32, #tpu.memory_space<vmem_shared>>, %arg18: memref<!tpu.dma_semaphore, #tpu.memory_space<semaphore_mem>>, %arg19: memref<!tpu.dma_semaphore, #tpu.memory_space<semaphore_mem>>, %arg20: memref<!tpu.dma_semaphore, #tpu.memory_space<semaphore_mem>>, %arg21: memref<!tpu.dma_semaphore, #tpu.memory_space<semaphore_mem>>, %arg22: memref<!tpu.dma_semaphore, #tpu.memory_space<semaphore_mem>>, %arg23: memref<!tpu.dma_semaphore, #tpu.memory_space<semaphore_mem>>, %arg24: memref<!tpu.dma_semaphore, #tpu.memory_space<semaphore_mem>>, %arg25: memref<!tpu.dma_semaphore, #tpu.memory_space<semaphore_mem>>) attributes {dimension_semantics = [#tpu.dimension_semantics<core_parallel>, #tpu.dimension_semantics<subcore_parallel>], iteration_bounds = array<i64: 2, 16>, scalar_prefetch = 0 : i64, scratch_operands = 19 : i64, tpu.core_type = #tpu.core_type<sc_vector_subcore>, window_params = [{transform_indices = #map}, {transform_indices = #map}, {transform_indices = #map1}, {transform_indices = #map1}, {transform_indices = #map}]} {
    %mul3A = arith.constant 2 : i32
    %mul3A_0 = arith.muli %arg1, %mul3A : i32
    %add3A = arith.addi %mul3A_0, %arg0 : i32
    %mul3A_1 = arith.constant 10000 : i32
    %mul3A_2 = arith.muli %add3A, %mul3A_1 : i32
    %multiple_of3A = tpu.assume_multiple %mul3A_2, 8 : i32
    %broadcast_in_dim3A = arith.constant 0.000000e+00 : f32
    %broadcast_in_dim3A_3 = vector.broadcast %broadcast_in_dim3A : f32 to vector<16xf32>
    %scan3A = arith.constant 0 : i32
    %scan3A_4 = arith.constant 0 : i32
    %scan3A_5 = arith.constant 88 : i32
    %scan3A_6 = arith.addi %scan3A_4, %scan3A_5 : i32
    %scan3A_7 = arith.constant 1 : i32
    %scan3A_8 = scf.for %scan3A_176 = %scan3A_4 to %scan3A_6 step %scan3A_7 iter_args(%scan3A_177 = %scan3A) -> (i32)  : i32 {
      %swap3A_178 = arith.index_cast %scan3A_176 : i32 to index
      %swap3A_179 = arith.constant 0 : index
      %swap3A_180 = tpu.vector_load %arg13[%swap3A_178, %swap3A_179] {strides = array<i32>} : memref<88x80xf32, #tpu.memory_space<vmem>>, vector<1x16xf32>,
      %swap3A_181 = vector.shape_cast %swap3A_180 : vector<1x16xf32> to vector<16xf32>
      %swap3A_182 = vector.shape_cast %broadcast_in_dim3A_3 : vector<16xf32> to vector<1x16xf32>
      tpu.vector_store %arg13[%swap3A_178, %swap3A_179], %swap3A_182 {strides = array<i32>} : memref<88x80xf32, #tpu.memory_space<vmem>>, vector<1x16xf32>,
      %swap3A_183 = arith.index_cast %scan3A_176 : i32 to index
      %swap3A_184 = arith.constant 16 : index
      %swap3A_185 = tpu.vector_load %arg13[%swap3A_183, %swap3A_184] {strides = array<i32>} : memref<88x80xf32, #tpu.memory_space<vmem>>, vector<1x16xf32>,
      %swap3A_186 = vector.shape_cast %swap3A_185 : vector<1x16xf32> to vector<16xf32>
      %swap3A_187 = vector.shape_cast %broadcast_in_dim3A_3 : vector<16xf32> to vector<1x16xf32>
      tpu.vector_store %arg13[%swap3A_183, %swap3A_184], %swap3A_187 {strides = array<i32>} : memref<88x80xf32, #tpu.memory_space<vmem>>, vector<1x16xf32>,
      %swap3A_188 = arith.index_cast %scan3A_176 : i32 to index
      %swap3A_189 = arith.constant 32 : index
      %swap3A_190 = tpu.vector_load %arg13[%swap3A_188, %swap3A_189] {strides = array<i32>} : memref<88x80xf32, #tpu.memory_space<vmem>>, vector<1x16xf32>,
      %swap3A_191 = vector.shape_cast %swap3A_190 : vector<1x16xf32> to vector<16xf32>
      %swap3A_192 = vector.shape_cast %broadcast_in_dim3A_3 : vector<16xf32> to vector<1x16xf32>
      tpu.vector_store %arg13[%swap3A_188, %swap3A_189], %swap3A_192 {strides = array<i32>} : memref<88x80xf32, #tpu.memory_space<vmem>>, vector<1x16xf32>,
      %swap3A_193 = arith.index_cast %scan3A_176 : i32 to index
      %swap3A_194 = arith.constant 48 : index
      %swap3A_195 = tpu.vector_load %arg13[%swap3A_193, %swap3A_194] {strides = array<i32>} : memref<88x80xf32, #tpu.memory_space<vmem>>, vector<1x16xf32>,
      %swap3A_196 = vector.shape_cast %swap3A_195 : vector<1x16xf32> to vector<16xf32>
      %swap3A_197 = vector.shape_cast %broadcast_in_dim3A_3 : vector<16xf32> to vector<1x16xf32>
      tpu.vector_store %arg13[%swap3A_193, %swap3A_194], %swap3A_197 {strides = array<i32>} : memref<88x80xf32, #tpu.memory_space<vmem>>, vector<1x16xf32>,
      %swap3A_198 = arith.index_cast %scan3A_176 : i32 to index
      %swap3A_199 = arith.constant 64 : index
      %swap3A_200 = tpu.vector_load %arg13[%swap3A_198, %swap3A_199] {strides = array<i32>} : memref<88x80xf32, #tpu.memory_space<vmem>>, vector<1x16xf32>,
      %swap3A_201 = vector.shape_cast %swap3A_200 : vector<1x16xf32> to vector<16xf32>
      %swap3A_202 = vector.shape_cast %broadcast_in_dim3A_3 : vector<16xf32> to vector<1x16xf32>
      tpu.vector_store %arg13[%swap3A_198, %swap3A_199], %swap3A_202 {strides = array<i32>} : memref<88x80xf32, #tpu.memory_space<vmem>>, vector<1x16xf32>,
      %scan3A_203 = arith.constant 0 : i32
      scf.yield %scan3A_203 : i32
    }
    %scan3A_9 = arith.constant 88 : i32
    %broadcast_in_dim3A_10 = arith.constant 0.000000e+00 : f32
    %broadcast_in_dim3A_11 = vector.broadcast %broadcast_in_dim3A_10 : f32 to vector<16xf32>
    %scan3A_12 = arith.constant 0 : i32
    %scan3A_13 = arith.constant 0 : i32
    %scan3A_14 = arith.constant 88 : i32
    %scan3A_15 = arith.addi %scan3A_13, %scan3A_14 : i32
    %scan3A_16 = arith.constant 1 : i32
    %scan3A_17 = scf.for %scan3A_176 = %scan3A_13 to %scan3A_15 step %scan3A_16 iter_args(%scan3A_177 = %scan3A_12) -> (i32)  : i32 {
      %swap3A_178 = arith.index_cast %scan3A_176 : i32 to index
      %swap3A_179 = arith.constant 0 : index
      %swap3A_180 = tpu.vector_load %arg14[%swap3A_178, %swap3A_179] {strides = array<i32>} : memref<88x80xf32, #tpu.memory_space<vmem>>, vector<1x16xf32>,
      %swap3A_181 = vector.shape_cast %swap3A_180 : vector<1x16xf32> to vector<16xf32>
      %swap3A_182 = vector.shape_cast %broadcast_in_dim3A_11 : vector<16xf32> to vector<1x16xf32>
      tpu.vector_store %arg14[%swap3A_178, %swap3A_179], %swap3A_182 {strides = array<i32>} : memref<88x80xf32, #tpu.memory_space<vmem>>, vector<1x16xf32>,
      %swap3A_183 = arith.index_cast %scan3A_176 : i32 to index
      %swap3A_184 = arith.constant 16 : index
      %swap3A_185 = tpu.vector_load %arg14[%swap3A_183, %swap3A_184] {strides = array<i32>} : memref<88x80xf32, #tpu.memory_space<vmem>>, vector<1x16xf32>,
      %swap3A_186 = vector.shape_cast %swap3A_185 : vector<1x16xf32> to vector<16xf32>
      %swap3A_187 = vector.shape_cast %broadcast_in_dim3A_11 : vector<16xf32> to vector<1x16xf32>
      tpu.vector_store %arg14[%swap3A_183, %swap3A_184], %swap3A_187 {strides = array<i32>} : memref<88x80xf32, #tpu.memory_space<vmem>>, vector<1x16xf32>,
      %swap3A_188 = arith.index_cast %scan3A_176 : i32 to index
      %swap3A_189 = arith.constant 32 : index
      %swap3A_190 = tpu.vector_load %arg14[%swap3A_188, %swap3A_189] {strides = array<i32>} : memref<88x80xf32, #tpu.memory_space<vmem>>, vector<1x16xf32>,
      %swap3A_191 = vector.shape_cast %swap3A_190 : vector<1x16xf32> to vector<16xf32>
      %swap3A_192 = vector.shape_cast %broadcast_in_dim3A_11 : vector<16xf32> to vector<1x16xf32>
      tpu.vector_store %arg14[%swap3A_188, %swap3A_189], %swap3A_192 {strides = array<i32>} : memref<88x80xf32, #tpu.memory_space<vmem>>, vector<1x16xf32>,
      %swap3A_193 = arith.index_cast %scan3A_176 : i32 to index
      %swap3A_194 = arith.constant 48 : index
      %swap3A_195 = tpu.vector_load %arg14[%swap3A_193, %swap3A_194] {strides = array<i32>} : memref<88x80xf32, #tpu.memory_space<vmem>>, vector<1x16xf32>,
      %swap3A_196 = vector.shape_cast %swap3A_195 : vector<1x16xf32> to vector<16xf32>
      %swap3A_197 = vector.shape_cast %broadcast_in_dim3A_11 : vector<16xf32> to vector<1x16xf32>
      tpu.vector_store %arg14[%swap3A_193, %swap3A_194], %swap3A_197 {strides = array<i32>} : memref<88x80xf32, #tpu.memory_space<vmem>>, vector<1x16xf32>,
      %swap3A_198 = arith.index_cast %scan3A_176 : i32 to index
      %swap3A_199 = arith.constant 64 : index
      %swap3A_200 = tpu.vector_load %arg14[%swap3A_198, %swap3A_199] {strides = array<i32>} : memref<88x80xf32, #tpu.memory_space<vmem>>, vector<1x16xf32>,
      %swap3A_201 = vector.shape_cast %swap3A_200 : vector<1x16xf32> to vector<16xf32>
      %swap3A_202 = vector.shape_cast %broadcast_in_dim3A_11 : vector<16xf32> to vector<1x16xf32>
      tpu.vector_store %arg14[%swap3A_198, %swap3A_199], %swap3A_202 {strides = array<i32>} : memref<88x80xf32, #tpu.memory_space<vmem>>, vector<1x16xf32>,
      %scan3A_203 = arith.constant 0 : i32
      scf.yield %scan3A_203 : i32
    }
    %scan3A_18 = arith.constant 88 : i32
    %broadcast_in_dim3A_19 = arith.constant 0.000000e+00 : f32
    %broadcast_in_dim3A_20 = vector.broadcast %broadcast_in_dim3A_19 : f32 to vector<16xf32>
    %scan3A_21 = arith.constant 0 : i32
    %scan3A_22 = arith.constant 0 : i32
    %scan3A_23 = arith.constant 88 : i32
    %scan3A_24 = arith.addi %scan3A_22, %scan3A_23 : i32
    %scan3A_25 = arith.constant 1 : i32
    %scan3A_26 = scf.for %scan3A_176 = %scan3A_22 to %scan3A_24 step %scan3A_25 iter_args(%scan3A_177 = %scan3A_21) -> (i32)  : i32 {
      %swap3A_178 = arith.index_cast %scan3A_176 : i32 to index
      %swap3A_179 = arith.constant 0 : index
      %swap3A_180 = tpu.vector_load %arg15[%swap3A_178, %swap3A_179] {strides = array<i32>} : memref<88x16xf32, #tpu.memory_space<vmem>>, vector<1x16xf32>,
      %swap3A_181 = vector.shape_cast %swap3A_180 : vector<1x16xf32> to vector<16xf32>
      %swap3A_182 = vector.shape_cast %broadcast_in_dim3A_20 : vector<16xf32> to vector<1x16xf32>
      tpu.vector_store %arg15[%swap3A_178, %swap3A_179], %swap3A_182 {strides = array<i32>} : memref<88x16xf32, #tpu.memory_space<vmem>>, vector<1x16xf32>,
      %scan3A_183 = arith.constant 0 : i32
      scf.yield %scan3A_183 : i32
    }
    %scan3A_27 = arith.constant 88 : i32
    %broadcast_in_dim3A_28 = arith.constant 0.000000e+00 : f32
    %broadcast_in_dim3A_29 = vector.broadcast %broadcast_in_dim3A_28 : f32 to vector<16xf32>
    %scan3A_30 = arith.constant 0 : i32
    %scan3A_31 = arith.constant 0 : i32
    %scan3A_32 = arith.constant 88 : i32
    %scan3A_33 = arith.addi %scan3A_31, %scan3A_32 : i32
    %scan3A_34 = arith.constant 1 : i32
    %scan3A_35 = scf.for %scan3A_176 = %scan3A_31 to %scan3A_33 step %scan3A_34 iter_args(%scan3A_177 = %scan3A_30) -> (i32)  : i32 {
      %swap3A_178 = arith.index_cast %scan3A_176 : i32 to index
      %swap3A_179 = arith.constant 0 : index
      %swap3A_180 = tpu.vector_load %arg16[%swap3A_178, %swap3A_179] {strides = array<i32>} : memref<88x16xf32, #tpu.memory_space<vmem>>, vector<1x16xf32>,
      %swap3A_181 = vector.shape_cast %swap3A_180 : vector<1x16xf32> to vector<16xf32>
      %swap3A_182 = vector.shape_cast %broadcast_in_dim3A_29 : vector<16xf32> to vector<1x16xf32>
      tpu.vector_store %arg16[%swap3A_178, %swap3A_179], %swap3A_182 {strides = array<i32>} : memref<88x16xf32, #tpu.memory_space<vmem>>, vector<1x16xf32>,
      %scan3A_183 = arith.constant 0 : i32
      scf.yield %scan3A_183 : i32
    }
    %scan3A_36 = arith.constant 88 : i32
    %mul3A_37 = arith.constant 625 : i32
    %mul3A_38 = arith.muli %arg1, %mul3A_37 : i32
    %add3A_39 = arith.constant 0 : i32
    %add3A_40 = arith.addi %mul3A_38, %add3A_39 : i32
    "tpu.region"() ({
      %run_scoped3A = tpu.sem_alloc : memref<!tpu.dma_semaphore, #tpu.memory_space<semaphore_mem>>
      %dma_start3A_176 = arith.constant 0 : i32
      %dma_start3A_177 = arith.constant 0 : i32
      %dma_start3A_178 = tpu.memref_slice %arg13[%dma_start3A_176, %dma_start3A_177] : memref<88x80xf32, #tpu.memory_space<vmem>> -> memref<80x80xf32, #tpu.memory_space<vmem>>
      %dma_start3A_179 = arith.constant 0 : i32
      %dma_start3A_180 = tpu.memref_slice %arg17[%add3A_40, %dma_start3A_179] : memref<10000x80xf32, #tpu.memory_space<vmem_shared>> -> memref<80x80xf32, #tpu.memory_space<vmem_shared>>
      %dma_start3A_181 = arith.constant 0 : i32
      %dma_start3A_182 = tpu.memref_slice %arg17[%add3A_40, %dma_start3A_181] : memref<10000x80xf32, #tpu.memory_space<vmem_shared>> -> memref<80x80xf32, #tpu.memory_space<vmem_shared>>
      %dma_start3A_183 = arith.constant 0 : i32
      %dma_start3A_184 = arith.constant 0 : i32
      %dma_start3A_185 = tpu.memref_slice %arg13[%dma_start3A_183, %dma_start3A_184] : memref<88x80xf32, #tpu.memory_space<vmem>> -> memref<80x80xf32, #tpu.memory_space<vmem>>
      tpu.enqueue_dma source(%dma_start3A_185 : memref<80x80xf32, #tpu.memory_space<vmem>>) target(%dma_start3A_182 : memref<80x80xf32, #tpu.memory_space<vmem_shared>>) target_semaphore(%run_scoped3A : memref<!tpu.dma_semaphore, #tpu.memory_space<semaphore_mem>>)
      %dma_wait3A_186 = arith.constant 0 : i32
      %dma_wait3A_187 = arith.constant 0 : i32
      %dma_wait3A_188 = tpu.memref_slice %arg13[%dma_wait3A_186, %dma_wait3A_187] : memref<88x80xf32, #tpu.memory_space<vmem>> -> memref<80x80xf32, #tpu.memory_space<vmem>>
      %dma_wait3A_189 = arith.constant 0 : i32
      %dma_wait3A_190 = tpu.memref_slice %arg17[%add3A_40, %dma_wait3A_189] : memref<10000x80xf32, #tpu.memory_space<vmem_shared>> -> memref<80x80xf32, #tpu.memory_space<vmem_shared>>
      %dma_wait3A_191 = arith.constant 0 : i32
      %dma_wait3A_192 = tpu.memref_slice %arg17[%add3A_40, %dma_wait3A_191] : memref<10000x80xf32, #tpu.memory_space<vmem_shared>> -> memref<80x80xf32, #tpu.memory_space<vmem_shared>>
      %dma_wait3A_193 = arith.constant 0 : i32
      %dma_wait3A_194 = arith.constant 0 : i32
      %dma_wait3A_195 = tpu.memref_slice %arg13[%dma_wait3A_193, %dma_wait3A_194] : memref<88x80xf32, #tpu.memory_space<vmem>> -> memref<80x80xf32, #tpu.memory_space<vmem>>
      tpu.wait_dma2 semaphore(%run_scoped3A : memref<!tpu.dma_semaphore, #tpu.memory_space<semaphore_mem>>) src(%dma_wait3A_195 : memref<80x80xf32, #tpu.memory_space<vmem>>) dst(%dma_wait3A_192 : memref<80x80xf32, #tpu.memory_space<vmem_shared>>)
      tpu.yield
    }) : () -> ()
    %add3A_41 = arith.constant 80 : i32
    %add3A_42 = arith.addi %mul3A_38, %add3A_41 : i32
    "tpu.region"() ({
      %run_scoped3A = tpu.sem_alloc : memref<!tpu.dma_semaphore, #tpu.memory_space<semaphore_mem>>
      %dma_start3A_176 = arith.constant 0 : i32
      %dma_start3A_177 = arith.constant 0 : i32
      %dma_start3A_178 = tpu.memref_slice %arg13[%dma_start3A_176, %dma_start3A_177] : memref<88x80xf32, #tpu.memory_space<vmem>> -> memref<80x80xf32, #tpu.memory_space<vmem>>
      %dma_start3A_179 = arith.constant 0 : i32
      %dma_start3A_180 = tpu.memref_slice %arg17[%add3A_42, %dma_start3A_179] : memref<10000x80xf32, #tpu.memory_space<vmem_shared>> -> memref<80x80xf32, #tpu.memory_space<vmem_shared>>
      %dma_start3A_181 = arith.constant 0 : i32
      %dma_start3A_182 = tpu.memref_slice %arg17[%add3A_42, %dma_start3A_181] : memref<10000x80xf32, #tpu.memory_space<vmem_shared>> -> memref<80x80xf32, #tpu.memory_space<vmem_shared>>
      %dma_start3A_183 = arith.constant 0 : i32
      %dma_start3A_184 = arith.constant 0 : i32
      %dma_start3A_185 = tpu.memref_slice %arg13[%dma_start3A_183, %dma_start3A_184] : memref<88x80xf32, #tpu.memory_space<vmem>> -> memref<80x80xf32, #tpu.memory_space<vmem>>
      tpu.enqueue_dma source(%dma_start3A_185 : memref<80x80xf32, #tpu.memory_space<vmem>>) target(%dma_start3A_182 : memref<80x80xf32, #tpu.memory_space<vmem_shared>>) target_semaphore(%run_scoped3A : memref<!tpu.dma_semaphore, #tpu.memory_space<semaphore_mem>>)
      %dma_wait3A_186 = arith.constant 0 : i32
      %dma_wait3A_187 = arith.constant 0 : i32
      %dma_wait3A_188 = tpu.memref_slice %arg13[%dma_wait3A_186, %dma_wait3A_187] : memref<88x80xf32, #tpu.memory_space<vmem>> -> memref<80x80xf32, #tpu.memory_space<vmem>>
      %dma_wait3A_189 = arith.constant 0 : i32
      %dma_wait3A_190 = tpu.memref_slice %arg17[%add3A_42, %dma_wait3A_189] : memref<10000x80xf32, #tpu.memory_space<vmem_shared>> -> memref<80x80xf32, #tpu.memory_space<vmem_shared>>
      %dma_wait3A_191 = arith.constant 0 : i32
      %dma_wait3A_192 = tpu.memref_slice %arg17[%add3A_42, %dma_wait3A_191] : memref<10000x80xf32, #tpu.memory_space<vmem_shared>> -> memref<80x80xf32, #tpu.memory_space<vmem_shared>>
      %dma_wait3A_193 = arith.constant 0 : i32
      %dma_wait3A_194 = arith.constant 0 : i32
      %dma_wait3A_195 = tpu.memref_slice %arg13[%dma_wait3A_193, %dma_wait3A_194] : memref<88x80xf32, #tpu.memory_space<vmem>> -> memref<80x80xf32, #tpu.memory_space<vmem>>
      tpu.wait_dma2 semaphore(%run_scoped3A : memref<!tpu.dma_semaphore, #tpu.memory_space<semaphore_mem>>) src(%dma_wait3A_195 : memref<80x80xf32, #tpu.memory_space<vmem>>) dst(%dma_wait3A_192 : memref<80x80xf32, #tpu.memory_space<vmem_shared>>)
      tpu.yield
    }) : () -> ()
    %add3A_43 = arith.constant 160 : i32
    %add3A_44 = arith.addi %mul3A_38, %add3A_43 : i32
    "tpu.region"() ({
      %run_scoped3A = tpu.sem_alloc : memref<!tpu.dma_semaphore, #tpu.memory_space<semaphore_mem>>
      %dma_start3A_176 = arith.constant 0 : i32
      %dma_start3A_177 = arith.constant 0 : i32
      %dma_start3A_178 = tpu.memref_slice %arg13[%dma_start3A_176, %dma_start3A_177] : memref<88x80xf32, #tpu.memory_space<vmem>> -> memref<80x80xf32, #tpu.memory_space<vmem>>
      %dma_start3A_179 = arith.constant 0 : i32
      %dma_start3A_180 = tpu.memref_slice %arg17[%add3A_44, %dma_start3A_179] : memref<10000x80xf32, #tpu.memory_space<vmem_shared>> -> memref<80x80xf32, #tpu.memory_space<vmem_shared>>
      %dma_start3A_181 = arith.constant 0 : i32
      %dma_start3A_182 = tpu.memref_slice %arg17[%add3A_44, %dma_start3A_181] : memref<10000x80xf32, #tpu.memory_space<vmem_shared>> -> memref<80x80xf32, #tpu.memory_space<vmem_shared>>
      %dma_start3A_183 = arith.constant 0 : i32
      %dma_start3A_184 = arith.constant 0 : i32
      %dma_start3A_185 = tpu.memref_slice %arg13[%dma_start3A_183, %dma_start3A_184] : memref<88x80xf32, #tpu.memory_space<vmem>> -> memref<80x80xf32, #tpu.memory_space<vmem>>
      tpu.enqueue_dma source(%dma_start3A_185 : memref<80x80xf32, #tpu.memory_space<vmem>>) target(%dma_start3A_182 : memref<80x80xf32, #tpu.memory_space<vmem_shared>>) target_semaphore(%run_scoped3A : memref<!tpu.dma_semaphore, #tpu.memory_space<semaphore_mem>>)
      %dma_wait3A_186 = arith.constant 0 : i32
      %dma_wait3A_187 = arith.constant 0 : i32
      %dma_wait3A_188 = tpu.memref_slice %arg13[%dma_wait3A_186, %dma_wait3A_187] : memref<88x80xf32, #tpu.memory_space<vmem>> -> memref<80x80xf32, #tpu.memory_space<vmem>>
      %dma_wait3A_189 = arith.constant 0 : i32
      %dma_wait3A_190 = tpu.memref_slice %arg17[%add3A_44, %dma_wait3A_189] : memref<10000x80xf32, #tpu.memory_space<vmem_shared>> -> memref<80x80xf32, #tpu.memory_space<vmem_shared>>
      %dma_wait3A_191 = arith.constant 0 : i32
      %dma_wait3A_192 = tpu.memref_slice %arg17[%add3A_44, %dma_wait3A_191] : memref<10000x80xf32, #tpu.memory_space<vmem_shared>> -> memref<80x80xf32, #tpu.memory_space<vmem_shared>>
      %dma_wait3A_193 = arith.constant 0 : i32
      %dma_wait3A_194 = arith.constant 0 : i32
      %dma_wait3A_195 = tpu.memref_slice %arg13[%dma_wait3A_193, %dma_wait3A_194] : memref<88x80xf32, #tpu.memory_space<vmem>> -> memref<80x80xf32, #tpu.memory_space<vmem>>
      tpu.wait_dma2 semaphore(%run_scoped3A : memref<!tpu.dma_semaphore, #tpu.memory_space<semaphore_mem>>) src(%dma_wait3A_195 : memref<80x80xf32, #tpu.memory_space<vmem>>) dst(%dma_wait3A_192 : memref<80x80xf32, #tpu.memory_space<vmem_shared>>)
      tpu.yield
    }) : () -> ()
    %add3A_45 = arith.constant 240 : i32
    %add3A_46 = arith.addi %mul3A_38, %add3A_45 : i32
    "tpu.region"() ({
      %run_scoped3A = tpu.sem_alloc : memref<!tpu.dma_semaphore, #tpu.memory_space<semaphore_mem>>
      %dma_start3A_176 = arith.constant 0 : i32
      %dma_start3A_177 = arith.constant 0 : i32
      %dma_start3A_178 = tpu.memref_slice %arg13[%dma_start3A_176, %dma_start3A_177] : memref<88x80xf32, #tpu.memory_space<vmem>> -> memref<80x80xf32, #tpu.memory_space<vmem>>
      %dma_start3A_179 = arith.constant 0 : i32
      %dma_start3A_180 = tpu.memref_slice %arg17[%add3A_46, %dma_start3A_179] : memref<10000x80xf32, #tpu.memory_space<vmem_shared>> -> memref<80x80xf32, #tpu.memory_space<vmem_shared>>
      %dma_start3A_181 = arith.constant 0 : i32
      %dma_start3A_182 = tpu.memref_slice %arg17[%add3A_46, %dma_start3A_181] : memref<10000x80xf32, #tpu.memory_space<vmem_shared>> -> memref<80x80xf32, #tpu.memory_space<vmem_shared>>
      %dma_start3A_183 = arith.constant 0 : i32
      %dma_start3A_184 = arith.constant 0 : i32
      %dma_start3A_185 = tpu.memref_slice %arg13[%dma_start3A_183, %dma_start3A_184] : memref<88x80xf32, #tpu.memory_space<vmem>> -> memref<80x80xf32, #tpu.memory_space<vmem>>
      tpu.enqueue_dma source(%dma_start3A_185 : memref<80x80xf32, #tpu.memory_space<vmem>>) target(%dma_start3A_182 : memref<80x80xf32, #tpu.memory_space<vmem_shared>>) target_semaphore(%run_scoped3A : memref<!tpu.dma_semaphore, #tpu.memory_space<semaphore_mem>>)
      %dma_wait3A_186 = arith.constant 0 : i32
      %dma_wait3A_187 = arith.constant 0 : i32
      %dma_wait3A_188 = tpu.memref_slice %arg13[%dma_wait3A_186, %dma_wait3A_187] : memref<88x80xf32, #tpu.memory_space<vmem>> -> memref<80x80xf32, #tpu.memory_space<vmem>>
      %dma_wait3A_189 = arith.constant 0 : i32
      %dma_wait3A_190 = tpu.memref_slice %arg17[%add3A_46, %dma_wait3A_189] : memref<10000x80xf32, #tpu.memory_space<vmem_shared>> -> memref<80x80xf32, #tpu.memory_space<vmem_shared>>
      %dma_wait3A_191 = arith.constant 0 : i32
      %dma_wait3A_192 = tpu.memref_slice %arg17[%add3A_46, %dma_wait3A_191] : memref<10000x80xf32, #tpu.memory_space<vmem_shared>> -> memref<80x80xf32, #tpu.memory_space<vmem_shared>>
      %dma_wait3A_193 = arith.constant 0 : i32
      %dma_wait3A_194 = arith.constant 0 : i32
      %dma_wait3A_195 = tpu.memref_slice %arg13[%dma_wait3A_193, %dma_wait3A_194] : memref<88x80xf32, #tpu.memory_space<vmem>> -> memref<80x80xf32, #tpu.memory_space<vmem>>
      tpu.wait_dma2 semaphore(%run_scoped3A : memref<!tpu.dma_semaphore, #tpu.memory_space<semaphore_mem>>) src(%dma_wait3A_195 : memref<80x80xf32, #tpu.memory_space<vmem>>) dst(%dma_wait3A_192 : memref<80x80xf32, #tpu.memory_space<vmem_shared>>)
      tpu.yield
    }) : () -> ()
    %add3A_47 = arith.constant 320 : i32
    %add3A_48 = arith.addi %mul3A_38, %add3A_47 : i32
    "tpu.region"() ({
      %run_scoped3A = tpu.sem_alloc : memref<!tpu.dma_semaphore, #tpu.memory_space<semaphore_mem>>
      %dma_start3A_176 = arith.constant 0 : i32
      %dma_start3A_177 = arith.constant 0 : i32
      %dma_start3A_178 = tpu.memref_slice %arg13[%dma_start3A_176, %dma_start3A_177] : memref<88x80xf32, #tpu.memory_space<vmem>> -> memref<80x80xf32, #tpu.memory_space<vmem>>
      %dma_start3A_179 = arith.constant 0 : i32
      %dma_start3A_180 = tpu.memref_slice %arg17[%add3A_48, %dma_start3A_179] : memref<10000x80xf32, #tpu.memory_space<vmem_shared>> -> memref<80x80xf32, #tpu.memory_space<vmem_shared>>
      %dma_start3A_181 = arith.constant 0 : i32
      %dma_start3A_182 = tpu.memref_slice %arg17[%add3A_48, %dma_start3A_181] : memref<10000x80xf32, #tpu.memory_space<vmem_shared>> -> memref<80x80xf32, #tpu.memory_space<vmem_shared>>
      %dma_start3A_183 = arith.constant 0 : i32
      %dma_start3A_184 = arith.constant 0 : i32
      %dma_start3A_185 = tpu.memref_slice %arg13[%dma_start3A_183, %dma_start3A_184] : memref<88x80xf32, #tpu.memory_space<vmem>> -> memref<80x80xf32, #tpu.memory_space<vmem>>
      tpu.enqueue_dma source(%dma_start3A_185 : memref<80x80xf32, #tpu.memory_space<vmem>>) target(%dma_start3A_182 : memref<80x80xf32, #tpu.memory_space<vmem_shared>>) target_semaphore(%run_scoped3A : memref<!tpu.dma_semaphore, #tpu.memory_space<semaphore_mem>>)
      %dma_wait3A_186 = arith.constant 0 : i32
      %dma_wait3A_187 = arith.constant 0 : i32
      %dma_wait3A_188 = tpu.memref_slice %arg13[%dma_wait3A_186, %dma_wait3A_187] : memref<88x80xf32, #tpu.memory_space<vmem>> -> memref<80x80xf32, #tpu.memory_space<vmem>>
      %dma_wait3A_189 = arith.constant 0 : i32
      %dma_wait3A_190 = tpu.memref_slice %arg17[%add3A_48, %dma_wait3A_189] : memref<10000x80xf32, #tpu.memory_space<vmem_shared>> -> memref<80x80xf32, #tpu.memory_space<vmem_shared>>
      %dma_wait3A_191 = arith.constant 0 : i32
      %dma_wait3A_192 = tpu.memref_slice %arg17[%add3A_48, %dma_wait3A_191] : memref<10000x80xf32, #tpu.memory_space<vmem_shared>> -> memref<80x80xf32, #tpu.memory_space<vmem_shared>>
      %dma_wait3A_193 = arith.constant 0 : i32
      %dma_wait3A_194 = arith.constant 0 : i32
      %dma_wait3A_195 = tpu.memref_slice %arg13[%dma_wait3A_193, %dma_wait3A_194] : memref<88x80xf32, #tpu.memory_space<vmem>> -> memref<80x80xf32, #tpu.memory_space<vmem>>
      tpu.wait_dma2 semaphore(%run_scoped3A : memref<!tpu.dma_semaphore, #tpu.memory_space<semaphore_mem>>) src(%dma_wait3A_195 : memref<80x80xf32, #tpu.memory_space<vmem>>) dst(%dma_wait3A_192 : memref<80x80xf32, #tpu.memory_space<vmem_shared>>)
      tpu.yield
    }) : () -> ()
    %add3A_49 = arith.constant 400 : i32
    %add3A_50 = arith.addi %mul3A_38, %add3A_49 : i32
    "tpu.region"() ({
      %run_scoped3A = tpu.sem_alloc : memref<!tpu.dma_semaphore, #tpu.memory_space<semaphore_mem>>
      %dma_start3A_176 = arith.constant 0 : i32
      %dma_start3A_177 = arith.constant 0 : i32
      %dma_start3A_178 = tpu.memref_slice %arg13[%dma_start3A_176, %dma_start3A_177] : memref<88x80xf32, #tpu.memory_space<vmem>> -> memref<80x80xf32, #tpu.memory_space<vmem>>
      %dma_start3A_179 = arith.constant 0 : i32
      %dma_start3A_180 = tpu.memref_slice %arg17[%add3A_50, %dma_start3A_179] : memref<10000x80xf32, #tpu.memory_space<vmem_shared>> -> memref<80x80xf32, #tpu.memory_space<vmem_shared>>
      %dma_start3A_181 = arith.constant 0 : i32
      %dma_start3A_182 = tpu.memref_slice %arg17[%add3A_50, %dma_start3A_181] : memref<10000x80xf32, #tpu.memory_space<vmem_shared>> -> memref<80x80xf32, #tpu.memory_space<vmem_shared>>
      %dma_start3A_183 = arith.constant 0 : i32
      %dma_start3A_184 = arith.constant 0 : i32
      %dma_start3A_185 = tpu.memref_slice %arg13[%dma_start3A_183, %dma_start3A_184] : memref<88x80xf32, #tpu.memory_space<vmem>> -> memref<80x80xf32, #tpu.memory_space<vmem>>
      tpu.enqueue_dma source(%dma_start3A_185 : memref<80x80xf32, #tpu.memory_space<vmem>>) target(%dma_start3A_182 : memref<80x80xf32, #tpu.memory_space<vmem_shared>>) target_semaphore(%run_scoped3A : memref<!tpu.dma_semaphore, #tpu.memory_space<semaphore_mem>>)
      %dma_wait3A_186 = arith.constant 0 : i32
      %dma_wait3A_187 = arith.constant 0 : i32
      %dma_wait3A_188 = tpu.memref_slice %arg13[%dma_wait3A_186, %dma_wait3A_187] : memref<88x80xf32, #tpu.memory_space<vmem>> -> memref<80x80xf32, #tpu.memory_space<vmem>>
      %dma_wait3A_189 = arith.constant 0 : i32
      %dma_wait3A_190 = tpu.memref_slice %arg17[%add3A_50, %dma_wait3A_189] : memref<10000x80xf32, #tpu.memory_space<vmem_shared>> -> memref<80x80xf32, #tpu.memory_space<vmem_shared>>
      %dma_wait3A_191 = arith.constant 0 : i32
      %dma_wait3A_192 = tpu.memref_slice %arg17[%add3A_50, %dma_wait3A_191] : memref<10000x80xf32, #tpu.memory_space<vmem_shared>> -> memref<80x80xf32, #tpu.memory_space<vmem_shared>>
      %dma_wait3A_193 = arith.constant 0 : i32
      %dma_wait3A_194 = arith.constant 0 : i32
      %dma_wait3A_195 = tpu.memref_slice %arg13[%dma_wait3A_193, %dma_wait3A_194] : memref<88x80xf32, #tpu.memory_space<vmem>> -> memref<80x80xf32, #tpu.memory_space<vmem>>
      tpu.wait_dma2 semaphore(%run_scoped3A : memref<!tpu.dma_semaphore, #tpu.memory_space<semaphore_mem>>) src(%dma_wait3A_195 : memref<80x80xf32, #tpu.memory_space<vmem>>) dst(%dma_wait3A_192 : memref<80x80xf32, #tpu.memory_space<vmem_shared>>)
      tpu.yield
    }) : () -> ()
    %add3A_51 = arith.constant 480 : i32
    %add3A_52 = arith.addi %mul3A_38, %add3A_51 : i32
    "tpu.region"() ({
      %run_scoped3A = tpu.sem_alloc : memref<!tpu.dma_semaphore, #tpu.memory_space<semaphore_mem>>
      %dma_start3A_176 = arith.constant 0 : i32
      %dma_start3A_177 = arith.constant 0 : i32
      %dma_start3A_178 = tpu.memref_slice %arg13[%dma_start3A_176, %dma_start3A_177] : memref<88x80xf32, #tpu.memory_space<vmem>> -> memref<80x80xf32, #tpu.memory_space<vmem>>
      %dma_start3A_179 = arith.constant 0 : i32
      %dma_start3A_180 = tpu.memref_slice %arg17[%add3A_52, %dma_start3A_179] : memref<10000x80xf32, #tpu.memory_space<vmem_shared>> -> memref<80x80xf32, #tpu.memory_space<vmem_shared>>
      %dma_start3A_181 = arith.constant 0 : i32
      %dma_start3A_182 = tpu.memref_slice %arg17[%add3A_52, %dma_start3A_181] : memref<10000x80xf32, #tpu.memory_space<vmem_shared>> -> memref<80x80xf32, #tpu.memory_space<vmem_shared>>
      %dma_start3A_183 = arith.constant 0 : i32
      %dma_start3A_184 = arith.constant 0 : i32
      %dma_start3A_185 = tpu.memref_slice %arg13[%dma_start3A_183, %dma_start3A_184] : memref<88x80xf32, #tpu.memory_space<vmem>> -> memref<80x80xf32, #tpu.memory_space<vmem>>
      tpu.enqueue_dma source(%dma_start3A_185 : memref<80x80xf32, #tpu.memory_space<vmem>>) target(%dma_start3A_182 : memref<80x80xf32, #tpu.memory_space<vmem_shared>>) target_semaphore(%run_scoped3A : memref<!tpu.dma_semaphore, #tpu.memory_space<semaphore_mem>>)
      %dma_wait3A_186 = arith.constant 0 : i32
      %dma_wait3A_187 = arith.constant 0 : i32
      %dma_wait3A_188 = tpu.memref_slice %arg13[%dma_wait3A_186, %dma_wait3A_187] : memref<88x80xf32, #tpu.memory_space<vmem>> -> memref<80x80xf32, #tpu.memory_space<vmem>>
      %dma_wait3A_189 = arith.constant 0 : i32
      %dma_wait3A_190 = tpu.memref_slice %arg17[%add3A_52, %dma_wait3A_189] : memref<10000x80xf32, #tpu.memory_space<vmem_shared>> -> memref<80x80xf32, #tpu.memory_space<vmem_shared>>
      %dma_wait3A_191 = arith.constant 0 : i32
      %dma_wait3A_192 = tpu.memref_slice %arg17[%add3A_52, %dma_wait3A_191] : memref<10000x80xf32, #tpu.memory_space<vmem_shared>> -> memref<80x80xf32, #tpu.memory_space<vmem_shared>>
      %dma_wait3A_193 = arith.constant 0 : i32
      %dma_wait3A_194 = arith.constant 0 : i32
      %dma_wait3A_195 = tpu.memref_slice %arg13[%dma_wait3A_193, %dma_wait3A_194] : memref<88x80xf32, #tpu.memory_space<vmem>> -> memref<80x80xf32, #tpu.memory_space<vmem>>
      tpu.wait_dma2 semaphore(%run_scoped3A : memref<!tpu.dma_semaphore, #tpu.memory_space<semaphore_mem>>) src(%dma_wait3A_195 : memref<80x80xf32, #tpu.memory_space<vmem>>) dst(%dma_wait3A_192 : memref<80x80xf32, #tpu.memory_space<vmem_shared>>)
      tpu.yield
    }) : () -> ()
    %add3A_53 = arith.constant 625 : i32
    %add3A_54 = arith.addi %mul3A_38, %add3A_53 : i32
    %sub3A = arith.constant 65 : i32
    %sub3A_55 = arith.subi %add3A_54, %sub3A : i32
    "tpu.region"() ({
      %run_scoped3A = tpu.sem_alloc : memref<!tpu.dma_semaphore, #tpu.memory_space<semaphore_mem>>
      %dma_start3A_176 = arith.constant 0 : i32
      %dma_start3A_177 = arith.constant 0 : i32
      %dma_start3A_178 = tpu.memref_slice %arg13[%dma_start3A_176, %dma_start3A_177] : memref<88x80xf32, #tpu.memory_space<vmem>> -> memref<65x80xf32, #tpu.memory_space<vmem>>
      %dma_start3A_179 = arith.constant 0 : i32
      %dma_start3A_180 = tpu.memref_slice %arg17[%sub3A_55, %dma_start3A_179] : memref<10000x80xf32, #tpu.memory_space<vmem_shared>> -> memref<65x80xf32, #tpu.memory_space<vmem_shared>>
      %dma_start3A_181 = arith.constant 0 : i32
      %dma_start3A_182 = tpu.memref_slice %arg17[%sub3A_55, %dma_start3A_181] : memref<10000x80xf32, #tpu.memory_space<vmem_shared>> -> memref<65x80xf32, #tpu.memory_space<vmem_shared>>
      %dma_start3A_183 = arith.constant 0 : i32
      %dma_start3A_184 = arith.constant 0 : i32
      %dma_start3A_185 = tpu.memref_slice %arg13[%dma_start3A_183, %dma_start3A_184] : memref<88x80xf32, #tpu.memory_space<vmem>> -> memref<65x80xf32, #tpu.memory_space<vmem>>
      tpu.enqueue_dma source(%dma_start3A_185 : memref<65x80xf32, #tpu.memory_space<vmem>>) target(%dma_start3A_182 : memref<65x80xf32, #tpu.memory_space<vmem_shared>>) target_semaphore(%run_scoped3A : memref<!tpu.dma_semaphore, #tpu.memory_space<semaphore_mem>>)
      %dma_wait3A_186 = arith.constant 0 : i32
      %dma_wait3A_187 = arith.constant 0 : i32
      %dma_wait3A_188 = tpu.memref_slice %arg13[%dma_wait3A_186, %dma_wait3A_187] : memref<88x80xf32, #tpu.memory_space<vmem>> -> memref<65x80xf32, #tpu.memory_space<vmem>>
      %dma_wait3A_189 = arith.constant 0 : i32
      %dma_wait3A_190 = tpu.memref_slice %arg17[%sub3A_55, %dma_wait3A_189] : memref<10000x80xf32, #tpu.memory_space<vmem_shared>> -> memref<65x80xf32, #tpu.memory_space<vmem_shared>>
      %dma_wait3A_191 = arith.constant 0 : i32
      %dma_wait3A_192 = tpu.memref_slice %arg17[%sub3A_55, %dma_wait3A_191] : memref<10000x80xf32, #tpu.memory_space<vmem_shared>> -> memref<65x80xf32, #tpu.memory_space<vmem_shared>>
      %dma_wait3A_193 = arith.constant 0 : i32
      %dma_wait3A_194 = arith.constant 0 : i32
      %dma_wait3A_195 = tpu.memref_slice %arg13[%dma_wait3A_193, %dma_wait3A_194] : memref<88x80xf32, #tpu.memory_space<vmem>> -> memref<65x80xf32, #tpu.memory_space<vmem>>
      tpu.wait_dma2 semaphore(%run_scoped3A : memref<!tpu.dma_semaphore, #tpu.memory_space<semaphore_mem>>) src(%dma_wait3A_195 : memref<65x80xf32, #tpu.memory_space<vmem>>) dst(%dma_wait3A_192 : memref<65x80xf32, #tpu.memory_space<vmem_shared>>)
      tpu.yield
    }) : () -> ()
    %barrier3A = arith.constant 0 : index
    tpu.barrier barrier_id(%barrier3A)
    %iota3A = tpu.iota {dimensions = array<i32: 0>} : vector<16xi32>
    %iota3A_56 = tpu.iota {dimensions = array<i32: 0>} : vector<16xi32>
    "tpu.region"() ({
      %run_scoped3A = tpu.sem_alloc : memref<!tpu.dma_semaphore, #tpu.memory_space<semaphore_mem>>
      %dma_start3A_176 = tpu.memref_slice %arg4[%multiple_of3A] : memref<320000xi32, #tpu.memory_space<hbm>> -> memref<80xi32, #tpu.memory_space<hbm>>
      %dma_start3A_177 = tpu.memref_slice %arg4[%multiple_of3A] : memref<320000xi32, #tpu.memory_space<hbm>> -> memref<80xi32, #tpu.memory_space<hbm>>
      tpu.enqueue_dma source(%dma_start3A_177 : memref<80xi32, #tpu.memory_space<hbm>>) target(%arg7 : memref<80xi32, #tpu.memory_space<vmem>>) target_semaphore(%run_scoped3A : memref<!tpu.dma_semaphore, #tpu.memory_space<semaphore_mem>>)
      %dma_wait3A_178 = tpu.memref_slice %arg4[%multiple_of3A] : memref<320000xi32, #tpu.memory_space<hbm>> -> memref<80xi32, #tpu.memory_space<hbm>>
      %dma_wait3A_179 = tpu.memref_slice %arg4[%multiple_of3A] : memref<320000xi32, #tpu.memory_space<hbm>> -> memref<80xi32, #tpu.memory_space<hbm>>
      tpu.wait_dma2 semaphore(%run_scoped3A : memref<!tpu.dma_semaphore, #tpu.memory_space<semaphore_mem>>) src(%dma_wait3A_179 : memref<80xi32, #tpu.memory_space<hbm>>) dst(%arg7 : memref<80xi32, #tpu.memory_space<vmem>>)
      tpu.yield
    }) : () -> ()
    "tpu.region"() ({
      %run_scoped3A = tpu.sem_alloc : memref<!tpu.dma_semaphore, #tpu.memory_space<semaphore_mem>>
      %dma_start3A_176 = tpu.memref_slice %arg5[%multiple_of3A] : memref<320000xi32, #tpu.memory_space<hbm>> -> memref<80xi32, #tpu.memory_space<hbm>>
      %dma_start3A_177 = tpu.memref_slice %arg5[%multiple_of3A] : memref<320000xi32, #tpu.memory_space<hbm>> -> memref<80xi32, #tpu.memory_space<hbm>>
      tpu.enqueue_dma source(%dma_start3A_177 : memref<80xi32, #tpu.memory_space<hbm>>) target(%arg9 : memref<80xi32, #tpu.memory_space<vmem>>) target_semaphore(%run_scoped3A : memref<!tpu.dma_semaphore, #tpu.memory_space<semaphore_mem>>)
      %dma_wait3A_178 = tpu.memref_slice %arg5[%multiple_of3A] : memref<320000xi32, #tpu.memory_space<hbm>> -> memref<80xi32, #tpu.memory_space<hbm>>
      %dma_wait3A_179 = tpu.memref_slice %arg5[%multiple_of3A] : memref<320000xi32, #tpu.memory_space<hbm>> -> memref<80xi32, #tpu.memory_space<hbm>>
      tpu.wait_dma2 semaphore(%run_scoped3A : memref<!tpu.dma_semaphore, #tpu.memory_space<semaphore_mem>>) src(%dma_wait3A_179 : memref<80xi32, #tpu.memory_space<hbm>>) dst(%arg9 : memref<80xi32, #tpu.memory_space<vmem>>)
      tpu.yield
    }) : () -> ()
    %dma_start3A = arith.constant 0 : i32
    %dma_start3A_57 = arith.constant 0 : i32
    %dma_start3A_58 = tpu.memref_slice %arg13[%dma_start3A, %dma_start3A_57] : memref<88x80xf32, #tpu.memory_space<vmem>> -> memref<80x80xf32, #tpu.memory_space<vmem>>
    %dma_start3A_59 = arith.constant 0 : i32
    %dma_start3A_60 = arith.constant 0 : i32
    %dma_start3A_61 = tpu.memref_slice %arg2[%dma_start3A_59, %dma_start3A_60] : memref<10000x80xf32, #tpu.memory_space<hbm>> -> memref<10000x80xf32, #tpu.memory_space<hbm>>
    tpu.enqueue_indirect_dma source(%dma_start3A_61 : memref<10000x80xf32, #tpu.memory_space<hbm>>) target(%dma_start3A_58 : memref<80x80xf32, #tpu.memory_space<vmem>>) offsets(%arg7 : memref<80xi32, #tpu.memory_space<vmem>>) semaphore(%arg18 : memref<!tpu.dma_semaphore, #tpu.memory_space<semaphore_mem>>)
    %dma_start3A_62 = arith.constant 0 : i32
    %dma_start3A_63 = arith.constant 0 : i32
    %dma_start3A_64 = tpu.memref_slice %arg15[%dma_start3A_62, %dma_start3A_63] : memref<88x16xf32, #tpu.memory_space<vmem>> -> memref<80x16xf32, #tpu.memory_space<vmem>>
    %dma_start3A_65 = arith.constant 0 : i32
    %dma_start3A_66 = arith.constant 0 : i32
    %dma_start3A_67 = tpu.memref_slice %arg3[%dma_start3A_65, %dma_start3A_66] : memref<10000x16xf32, #tpu.memory_space<hbm>> -> memref<10000x16xf32, #tpu.memory_space<hbm>>
    tpu.enqueue_indirect_dma source(%dma_start3A_67 : memref<10000x16xf32, #tpu.memory_space<hbm>>) target(%dma_start3A_64 : memref<80x16xf32, #tpu.memory_space<vmem>>) offsets(%arg9 : memref<80xi32, #tpu.memory_space<vmem>>) semaphore(%arg20 : memref<!tpu.dma_semaphore, #tpu.memory_space<semaphore_mem>>)
    %add3A_68 = arith.constant 80 : i32
    %add3A_69 = arith.addi %multiple_of3A, %add3A_68 : i32
    %multiple_of3A_70 = tpu.assume_multiple %add3A_69, 8 : i32
    %dma_start3A_71 = tpu.memref_slice %arg4[%multiple_of3A_70] : memref<320000xi32, #tpu.memory_space<hbm>> -> memref<80xi32, #tpu.memory_space<hbm>>
    %dma_start3A_72 = tpu.memref_slice %arg4[%multiple_of3A_70] : memref<320000xi32, #tpu.memory_space<hbm>> -> memref<80xi32, #tpu.memory_space<hbm>>
    tpu.enqueue_dma source(%dma_start3A_72 : memref<80xi32, #tpu.memory_space<hbm>>) target(%arg8 : memref<80xi32, #tpu.memory_space<vmem>>) target_semaphore(%arg25 : memref<!tpu.dma_semaphore, #tpu.memory_space<semaphore_mem>>)
    %dma_start3A_73 = tpu.memref_slice %arg5[%multiple_of3A_70] : memref<320000xi32, #tpu.memory_space<hbm>> -> memref<80xi32, #tpu.memory_space<hbm>>
    %dma_start3A_74 = tpu.memref_slice %arg5[%multiple_of3A_70] : memref<320000xi32, #tpu.memory_space<hbm>> -> memref<80xi32, #tpu.memory_space<hbm>>
    tpu.enqueue_dma source(%dma_start3A_74 : memref<80xi32, #tpu.memory_space<hbm>>) target(%arg10 : memref<80xi32, #tpu.memory_space<vmem>>) target_semaphore(%arg25 : memref<!tpu.dma_semaphore, #tpu.memory_space<semaphore_mem>>)
    %scan3A_75 = arith.constant 0 : i32
    %scan3A_76 = arith.constant 0 : i32
    %scan3A_77 = arith.constant 62 : i32
    %scan3A_78 = arith.addi %scan3A_76, %scan3A_77 : i32
    %scan3A_79 = arith.constant 1 : i32
    %scan3A_80 = scf.for %scan3A_176 = %scan3A_76 to %scan3A_78 step %scan3A_79 iter_args(%scan3A_177 = %scan3A_75) -> (i32)  : i32 {
      %mul3A_178 = arith.constant 2 : i32
      %mul3A_179 = arith.muli %mul3A_178, %scan3A_176 : i32
      %add3A_180 = arith.constant 0 : i32
      %add3A_181 = arith.addi %mul3A_179, %add3A_180 : i32
      %ge3A = arith.constant 1 : i32
      %ge3A_182 = arith.cmpi sge, %add3A_181, %ge3A : i32
      %convert_element_type3A = arith.extui %ge3A_182 : i1 to i32
      %cond3A = arith.constant 0 : i32
      %cond3A_183 = arith.cmpi ne, %convert_element_type3A, %cond3A : i32
      scf.if %cond3A_183 {
        %sub3A_381 = arith.constant 1 : i32
        %sub3A_382 = arith.subi %add3A_181, %sub3A_381 : i32
        %dma_wait3A_383 = arith.constant 0 : i32
        %dma_wait3A_384 = arith.constant 0 : i32
        %dma_wait3A_385 = tpu.memref_slice %arg14[%dma_wait3A_383, %dma_wait3A_384] : memref<88x80xf32, #tpu.memory_space<vmem>> -> memref<80x80xf32, #tpu.memory_space<vmem>>
        %dma_wait3A_386 = arith.constant 0 : i32
        %dma_wait3A_387 = arith.constant 0 : i32
        %dma_wait3A_388 = tpu.memref_slice %arg17[%dma_wait3A_386, %dma_wait3A_387] : memref<10000x80xf32, #tpu.memory_space<vmem_shared>> -> memref<10000x80xf32, #tpu.memory_space<vmem_shared>>
        tpu.wait_indirect_dma semaphore(%arg23 : memref<!tpu.dma_semaphore, #tpu.memory_space<semaphore_mem>>) src(%dma_wait3A_385 : memref<80x80xf32, #tpu.memory_space<vmem>>) dst(%dma_wait3A_388 : memref<10000x80xf32, #tpu.memory_space<vmem_shared>>)
      } else {
      }
      %add3A_184 = arith.constant 1 : i32
      %add3A_185 = arith.addi %add3A_181, %add3A_184 : i32
      %lt3A = arith.constant 125 : i32
      %lt3A_186 = arith.cmpi slt, %add3A_185, %lt3A : i32
      %convert_element_type3A_187 = arith.extui %lt3A_186 : i1 to i32
      %cond3A_188 = arith.constant 0 : i32
      %cond3A_189 = arith.cmpi ne, %convert_element_type3A_187, %cond3A_188 : i32
      scf.if %cond3A_189 {
        %add3A_381 = arith.constant 1 : i32
        %add3A_382 = arith.addi %add3A_181, %add3A_381 : i32
        %mul3A_383 = arith.constant 80 : i32
        %mul3A_384 = arith.muli %add3A_382, %mul3A_383 : i32
        %add3A_385 = arith.addi %multiple_of3A, %mul3A_384 : i32
        %multiple_of3A_386 = tpu.assume_multiple %add3A_385, 8 : i32
        %dma_wait3A_387 = tpu.memref_slice %arg4[%multiple_of3A_386] : memref<320000xi32, #tpu.memory_space<hbm>> -> memref<80xi32, #tpu.memory_space<hbm>>
        %dma_wait3A_388 = tpu.memref_slice %arg4[%multiple_of3A_386] : memref<320000xi32, #tpu.memory_space<hbm>> -> memref<80xi32, #tpu.memory_space<hbm>>
        tpu.wait_dma2 semaphore(%arg25 : memref<!tpu.dma_semaphore, #tpu.memory_space<semaphore_mem>>) src(%dma_wait3A_388 : memref<80xi32, #tpu.memory_space<hbm>>) dst(%arg8 : memref<80xi32, #tpu.memory_space<vmem>>)
        %dma_wait3A_389 = tpu.memref_slice %arg5[%multiple_of3A_386] : memref<320000xi32, #tpu.memory_space<hbm>> -> memref<80xi32, #tpu.memory_space<hbm>>
        %dma_wait3A_390 = tpu.memref_slice %arg5[%multiple_of3A_386] : memref<320000xi32, #tpu.memory_space<hbm>> -> memref<80xi32, #tpu.memory_space<hbm>>
        tpu.wait_dma2 semaphore(%arg25 : memref<!tpu.dma_semaphore, #tpu.memory_space<semaphore_mem>>) src(%dma_wait3A_390 : memref<80xi32, #tpu.memory_space<hbm>>) dst(%arg10 : memref<80xi32, #tpu.memory_space<vmem>>)
        %add3A_391 = arith.constant 1 : i32
        %add3A_392 = arith.addi %add3A_181, %add3A_391 : i32
        %dma_start3A_393 = arith.constant 0 : i32
        %dma_start3A_394 = arith.constant 0 : i32
        %dma_start3A_395 = tpu.memref_slice %arg14[%dma_start3A_393, %dma_start3A_394] : memref<88x80xf32, #tpu.memory_space<vmem>> -> memref<80x80xf32, #tpu.memory_space<vmem>>
        %dma_start3A_396 = arith.constant 0 : i32
        %dma_start3A_397 = arith.constant 0 : i32
        %dma_start3A_398 = tpu.memref_slice %arg2[%dma_start3A_396, %dma_start3A_397] : memref<10000x80xf32, #tpu.memory_space<hbm>> -> memref<10000x80xf32, #tpu.memory_space<hbm>>
        tpu.enqueue_indirect_dma source(%dma_start3A_398 : memref<10000x80xf32, #tpu.memory_space<hbm>>) target(%dma_start3A_395 : memref<80x80xf32, #tpu.memory_space<vmem>>) offsets(%arg8 : memref<80xi32, #tpu.memory_space<vmem>>) semaphore(%arg19 : memref<!tpu.dma_semaphore, #tpu.memory_space<semaphore_mem>>)
        %dma_start3A_399 = arith.constant 0 : i32
        %dma_start3A_400 = arith.constant 0 : i32
        %dma_start3A_401 = tpu.memref_slice %arg16[%dma_start3A_399, %dma_start3A_400] : memref<88x16xf32, #tpu.memory_space<vmem>> -> memref<80x16xf32, #tpu.memory_space<vmem>>
        %dma_start3A_402 = arith.constant 0 : i32
        %dma_start3A_403 = arith.constant 0 : i32
        %dma_start3A_404 = tpu.memref_slice %arg3[%dma_start3A_402, %dma_start3A_403] : memref<10000x16xf32, #tpu.memory_space<hbm>> -> memref<10000x16xf32, #tpu.memory_space<hbm>>
        tpu.enqueue_indirect_dma source(%dma_start3A_404 : memref<10000x16xf32, #tpu.memory_space<hbm>>) target(%dma_start3A_401 : memref<80x16xf32, #tpu.memory_space<vmem>>) offsets(%arg10 : memref<80xi32, #tpu.memory_space<vmem>>) semaphore(%arg21 : memref<!tpu.dma_semaphore, #tpu.memory_space<semaphore_mem>>)
      } else {
      }
      %dma_wait3A_190 = arith.constant 0 : i32
      %dma_wait3A_191 = arith.constant 0 : i32
      %dma_wait3A_192 = tpu.memref_slice %arg13[%dma_wait3A_190, %dma_wait3A_191] : memref<88x80xf32, #tpu.memory_space<vmem>> -> memref<80x80xf32, #tpu.memory_space<vmem>>
      %dma_wait3A_193 = arith.constant 0 : i32
      %dma_wait3A_194 = arith.constant 0 : i32
      %dma_wait3A_195 = tpu.memref_slice %arg2[%dma_wait3A_193, %dma_wait3A_194] : memref<10000x80xf32, #tpu.memory_space<hbm>> -> memref<10000x80xf32, #tpu.memory_space<hbm>>
      tpu.wait_indirect_dma semaphore(%arg18 : memref<!tpu.dma_semaphore, #tpu.memory_space<semaphore_mem>>) src(%dma_wait3A_195 : memref<10000x80xf32, #tpu.memory_space<hbm>>) dst(%dma_wait3A_192 : memref<80x80xf32, #tpu.memory_space<vmem>>)
      %dma_wait3A_196 = arith.constant 0 : i32
      %dma_wait3A_197 = arith.constant 0 : i32
      %dma_wait3A_198 = tpu.memref_slice %arg15[%dma_wait3A_196, %dma_wait3A_197] : memref<88x16xf32, #tpu.memory_space<vmem>> -> memref<80x16xf32, #tpu.memory_space<vmem>>
      %dma_wait3A_199 = arith.constant 0 : i32
      %dma_wait3A_200 = arith.constant 0 : i32
      %dma_wait3A_201 = tpu.memref_slice %arg3[%dma_wait3A_199, %dma_wait3A_200] : memref<10000x16xf32, #tpu.memory_space<hbm>> -> memref<10000x16xf32, #tpu.memory_space<hbm>>
      tpu.wait_indirect_dma semaphore(%arg20 : memref<!tpu.dma_semaphore, #tpu.memory_space<semaphore_mem>>) src(%dma_wait3A_201 : memref<10000x16xf32, #tpu.memory_space<hbm>>) dst(%dma_wait3A_198 : memref<80x16xf32, #tpu.memory_space<vmem>>)
      %get3A_202 = arith.constant 0 : index
      %get3A_203 = tpu.vector_load %arg9[%get3A_202] {strides = array<i32>} : memref<80xi32, #tpu.memory_space<vmem>>, vector<16xi32>,
      %get3A_204 = vector.shape_cast %get3A_203 : vector<16xi32> to vector<16xi32>
      %swap3A_205 = arith.constant 0 : index
      %swap3A_206 = tpu.vector_load %arg11[%swap3A_205] {strides = array<i32>} : memref<80xi32, #tpu.memory_space<vmem>>, vector<16xi32>,
      %swap3A_207 = vector.shape_cast %swap3A_206 : vector<16xi32> to vector<16xi32>
      %swap3A_208 = vector.shape_cast %get3A_204 : vector<16xi32> to vector<16xi32>
      tpu.vector_store %arg11[%swap3A_205], %swap3A_208 {strides = array<i32>} : memref<80xi32, #tpu.memory_space<vmem>>, vector<16xi32>,
      %get3A_209 = arith.constant 16 : index
      %get3A_210 = tpu.vector_load %arg9[%get3A_209] {strides = array<i32>} : memref<80xi32, #tpu.memory_space<vmem>>, vector<16xi32>,
      %get3A_211 = vector.shape_cast %get3A_210 : vector<16xi32> to vector<16xi32>
      %swap3A_212 = arith.constant 16 : index
      %swap3A_213 = tpu.vector_load %arg11[%swap3A_212] {strides = array<i32>} : memref<80xi32, #tpu.memory_space<vmem>>, vector<16xi32>,
      %swap3A_214 = vector.shape_cast %swap3A_213 : vector<16xi32> to vector<16xi32>
      %swap3A_215 = vector.shape_cast %get3A_211 : vector<16xi32> to vector<16xi32>
      tpu.vector_store %arg11[%swap3A_212], %swap3A_215 {strides = array<i32>} : memref<80xi32, #tpu.memory_space<vmem>>, vector<16xi32>,
      %get3A_216 = arith.constant 32 : index
      %get3A_217 = tpu.vector_load %arg9[%get3A_216] {strides = array<i32>} : memref<80xi32, #tpu.memory_space<vmem>>, vector<16xi32>,
      %get3A_218 = vector.shape_cast %get3A_217 : vector<16xi32> to vector<16xi32>
      %swap3A_219 = arith.constant 32 : index
      %swap3A_220 = tpu.vector_load %arg11[%swap3A_219] {strides = array<i32>} : memref<80xi32, #tpu.memory_space<vmem>>, vector<16xi32>,
      %swap3A_221 = vector.shape_cast %swap3A_220 : vector<16xi32> to vector<16xi32>
      %swap3A_222 = vector.shape_cast %get3A_218 : vector<16xi32> to vector<16xi32>
      tpu.vector_store %arg11[%swap3A_219], %swap3A_222 {strides = array<i32>} : memref<80xi32, #tpu.memory_space<vmem>>, vector<16xi32>,
      %get3A_223 = arith.constant 48 : index
      %get3A_224 = tpu.vector_load %arg9[%get3A_223] {strides = array<i32>} : memref<80xi32, #tpu.memory_space<vmem>>, vector<16xi32>,
      %get3A_225 = vector.shape_cast %get3A_224 : vector<16xi32> to vector<16xi32>
      %swap3A_226 = arith.constant 48 : index
      %swap3A_227 = tpu.vector_load %arg11[%swap3A_226] {strides = array<i32>} : memref<80xi32, #tpu.memory_space<vmem>>, vector<16xi32>,
      %swap3A_228 = vector.shape_cast %swap3A_227 : vector<16xi32> to vector<16xi32>
      %swap3A_229 = vector.shape_cast %get3A_225 : vector<16xi32> to vector<16xi32>
      tpu.vector_store %arg11[%swap3A_226], %swap3A_229 {strides = array<i32>} : memref<80xi32, #tpu.memory_space<vmem>>, vector<16xi32>,
      %get3A_230 = arith.constant 64 : index
      %get3A_231 = tpu.vector_load %arg9[%get3A_230] {strides = array<i32>} : memref<80xi32, #tpu.memory_space<vmem>>, vector<16xi32>,
      %get3A_232 = vector.shape_cast %get3A_231 : vector<16xi32> to vector<16xi32>
      %swap3A_233 = arith.constant 64 : index
      %swap3A_234 = tpu.vector_load %arg11[%swap3A_233] {strides = array<i32>} : memref<80xi32, #tpu.memory_space<vmem>>, vector<16xi32>,
      %swap3A_235 = vector.shape_cast %swap3A_234 : vector<16xi32> to vector<16xi32>
      %swap3A_236 = vector.shape_cast %get3A_232 : vector<16xi32> to vector<16xi32>
      tpu.vector_store %arg11[%swap3A_233], %swap3A_236 {strides = array<i32>} : memref<80xi32, #tpu.memory_space<vmem>>, vector<16xi32>,
      %add3A_237 = arith.constant 2 : i32
      %add3A_238 = arith.addi %add3A_181, %add3A_237 : i32
      %lt3A_239 = arith.constant 125 : i32
      %lt3A_240 = arith.cmpi slt, %add3A_238, %lt3A_239 : i32
      %convert_element_type3A_241 = arith.extui %lt3A_240 : i1 to i32
      %cond3A_242 = arith.constant 0 : i32
      %cond3A_243 = arith.cmpi ne, %convert_element_type3A_241, %cond3A_242 : i32
      scf.if %cond3A_243 {
        %add3A_381 = arith.constant 2 : i32
        %add3A_382 = arith.addi %add3A_181, %add3A_381 : i32
        %mul3A_383 = arith.constant 80 : i32
        %mul3A_384 = arith.muli %add3A_382, %mul3A_383 : i32
        %add3A_385 = arith.addi %multiple_of3A, %mul3A_384 : i32
        %multiple_of3A_386 = tpu.assume_multiple %add3A_385, 8 : i32
        %dma_start3A_387 = tpu.memref_slice %arg4[%multiple_of3A_386] : memref<320000xi32, #tpu.memory_space<hbm>> -> memref<80xi32, #tpu.memory_space<hbm>>
        %dma_start3A_388 = tpu.memref_slice %arg4[%multiple_of3A_386] : memref<320000xi32, #tpu.memory_space<hbm>> -> memref<80xi32, #tpu.memory_space<hbm>>
        tpu.enqueue_dma source(%dma_start3A_388 : memref<80xi32, #tpu.memory_space<hbm>>) target(%arg7 : memref<80xi32, #tpu.memory_space<vmem>>) target_semaphore(%arg24 : memref<!tpu.dma_semaphore, #tpu.memory_space<semaphore_mem>>)
        %dma_start3A_389 = tpu.memref_slice %arg5[%multiple_of3A_386] : memref<320000xi32, #tpu.memory_space<hbm>> -> memref<80xi32, #tpu.memory_space<hbm>>
        %dma_start3A_390 = tpu.memref_slice %arg5[%multiple_of3A_386] : memref<320000xi32, #tpu.memory_space<hbm>> -> memref<80xi32, #tpu.memory_space<hbm>>
        tpu.enqueue_dma source(%dma_start3A_390 : memref<80xi32, #tpu.memory_space<hbm>>) target(%arg9 : memref<80xi32, #tpu.memory_space<vmem>>) target_semaphore(%arg24 : memref<!tpu.dma_semaphore, #tpu.memory_space<semaphore_mem>>)
      } else {
      }
      %broadcast_in_dim3A_244 = arith.constant 0 : i32
      %broadcast_in_dim3A_245 = vector.broadcast %broadcast_in_dim3A_244 : i32 to vector<16xi32>
      %get3A_246 = arith.constant 0 : i32
      %get3A_247 = arith.index_cast %get3A_246 : i32 to index
      %get3A_248 = arith.constant 64 : index
      %get3A_249 = tpu.vector_load %arg13[%get3A_247, %get3A_248] {strides = array<i32>} : memref<88x80xf32, #tpu.memory_space<vmem>>, vector<1x16xf32>,
      %get3A_250 = vector.shape_cast %get3A_249 : vector<1x16xf32> to vector<16xf32>
      %get3A_251 = arith.constant 0 : i32
      %get3A_252 = arith.index_cast %get3A_251 : i32 to index
      %get3A_253 = arith.constant 0 : index
      %get3A_254 = tpu.vector_load %arg15[%get3A_252, %get3A_253] {strides = array<i32>} : memref<88x16xf32, #tpu.memory_space<vmem>>, vector<1x16xf32>,
      %get3A_255 = vector.shape_cast %get3A_254 : vector<1x16xf32> to vector<16xf32>
      %add3A_256 = arith.addf %get3A_250, %get3A_255 : vector<16xf32>
      %gt3A_257 = arith.constant 0.000000e+00 : f32
      %gt3A_258 = vector.broadcast %gt3A_257 : f32 to vector<16xf32>
      %gt3A_259 = arith.cmpf ogt, %add3A_256, %gt3A_258 : vector<16xf32>
      %mul3A_260 = arith.constant 2.000000e-01 : f32
      %mul3A_261 = vector.broadcast %mul3A_260 : f32 to vector<16xf32>
      %mul3A_262 = arith.mulf %mul3A_261, %add3A_256 : vector<16xf32>
      %select_n3A_263 = arith.select %gt3A_259, %add3A_256, %mul3A_262 : vector<16xi1>, vector<16xf32>
      %exp3A_264 = math.exp %select_n3A_263 : vector<16xf32>
      %scan3A_265 = arith.constant 0 : i32
      %scan3A_266 = arith.constant 80 : i32
      %scan3A_267 = arith.addi %scan3A_265, %scan3A_266 : i32
      %scan3A_268 = arith.constant 1 : i32
      %scan3A_269 = scf.for %scan3A_381 = %scan3A_265 to %scan3A_267 step %scan3A_268 iter_args(%scan3A_382 = %exp3A_264) -> (vector<16xf32>)  : i32 {
        %add3A_383 = arith.constant 1 : i32
        %add3A_384 = arith.addi %scan3A_381, %add3A_383 : i32
        %get3A_385 = arith.index_cast %add3A_384 : i32 to index
        %get3A_386 = arith.constant 64 : index
        %get3A_387 = tpu.vector_load %arg13[%get3A_385, %get3A_386] {strides = array<i32>} : memref<88x80xf32, #tpu.memory_space<vmem>>, vector<1x16xf32>,
        %get3A_388 = vector.shape_cast %get3A_387 : vector<1x16xf32> to vector<16xf32>
        %get3A_389 = arith.index_cast %add3A_384 : i32 to index
        %get3A_390 = arith.constant 0 : index
        %get3A_391 = tpu.vector_load %arg15[%get3A_389, %get3A_390] {strides = array<i32>} : memref<88x16xf32, #tpu.memory_space<vmem>>, vector<1x16xf32>,
        %get3A_392 = vector.shape_cast %get3A_391 : vector<1x16xf32> to vector<16xf32>
        %add3A_393 = arith.addf %get3A_388, %get3A_392 : vector<16xf32>
        %gt3A_394 = arith.constant 0.000000e+00 : f32
        %gt3A_395 = vector.broadcast %gt3A_394 : f32 to vector<16xf32>
        %gt3A_396 = arith.cmpf ogt, %add3A_393, %gt3A_395 : vector<16xf32>
        %mul3A_397 = arith.constant 2.000000e-01 : f32
        %mul3A_398 = vector.broadcast %mul3A_397 : f32 to vector<16xf32>
        %mul3A_399 = arith.mulf %mul3A_398, %add3A_393 : vector<16xf32>
        %select_n3A_400 = arith.select %gt3A_396, %add3A_393, %mul3A_399 : vector<16xi1>, vector<16xf32>
        %exp3A_401 = math.exp %select_n3A_400 : vector<16xf32>
        %lt3A_402 = arith.constant 1 : i32
        %lt3A_403 = vector.broadcast %lt3A_402 : i32 to vector<16xi32>
        %lt3A_404 = arith.cmpi slt, %iota3A_56, %lt3A_403 : vector<16xi32>
        %jit3A = arith.constant 0.000000e+00 : f32
        %broadcast_in_dim3A_405 = vector.broadcast %jit3A : f32 to vector<16xf32>
        %select_n3A_406 = arith.select %lt3A_404, %scan3A_382, %broadcast_in_dim3A_405 : vector<16xi1>, vector<16xf32>
        %swap3A_407 = arith.index_cast %scan3A_381 : i32 to index
        %swap3A_408 = arith.constant 64 : index
        %swap3A_409 = tpu.vector_load %arg13[%swap3A_407, %swap3A_408] {strides = array<i32>} : memref<88x80xf32, #tpu.memory_space<vmem>>, vector<1x16xf32>,
        %swap3A_410 = vector.shape_cast %swap3A_409 : vector<1x16xf32> to vector<16xf32>
        %swap3A_411 = vector.shape_cast %select_n3A_406 : vector<16xf32> to vector<1x16xf32>
        tpu.vector_store %arg13[%swap3A_407, %swap3A_408], %swap3A_411 {strides = array<i32>} : memref<88x80xf32, #tpu.memory_space<vmem>>, vector<1x16xf32>,
        %lt3A_412 = arith.constant 0 : i32
        %lt3A_413 = vector.broadcast %lt3A_412 : i32 to vector<16xi32>
        %lt3A_414 = arith.cmpi slt, %broadcast_in_dim3A_245, %lt3A_413 : vector<16xi32>
        %add3A_415 = arith.constant 16 : i32
        %add3A_416 = vector.broadcast %add3A_415 : i32 to vector<16xi32>
        %add3A_417 = arith.addi %broadcast_in_dim3A_245, %add3A_416 : vector<16xi32>
        %select_n3A_418 = arith.select %lt3A_414, %add3A_417, %broadcast_in_dim3A_245 : vector<16xi1>, vector<16xi32>
        %reshape3A = vector.shape_cast %select_n3A_418 : vector<16xi32> to vector<16x1xi32>
        %gather3A = vector.shape_cast %reshape3A : vector<16x1xi32> to vector<16xi32>
        %gather3A_419 = tpu.dynamic_gather %scan3A_382[%gather3A] in [0] : vector<16xf32>, vector<16xi32> -> vector<16xf32>
        %get3A_420 = arith.index_cast %scan3A_381 : i32 to index
        %get3A_421 = arith.constant 0 : index
        %get3A_422 = tpu.vector_load %arg13[%get3A_420, %get3A_421] {strides = array<i32>} : memref<88x80xf32, #tpu.memory_space<vmem>>, vector<1x16xf32>,
        %get3A_423 = vector.shape_cast %get3A_422 : vector<1x16xf32> to vector<16xf32>
        %mul3A_424 = arith.mulf %get3A_423, %gather3A_419 : vector<16xf32>
        %swap3A_425 = arith.index_cast %scan3A_381 : i32 to index
        %swap3A_426 = arith.constant 0 : index
        %swap3A_427 = tpu.vector_load %arg13[%swap3A_425, %swap3A_426] {strides = array<i32>} : memref<88x80xf32, #tpu.memory_space<vmem>>, vector<1x16xf32>,
        %swap3A_428 = vector.shape_cast %swap3A_427 : vector<1x16xf32> to vector<16xf32>
        %swap3A_429 = vector.shape_cast %mul3A_424 : vector<16xf32> to vector<1x16xf32>
        tpu.vector_store %arg13[%swap3A_425, %swap3A_426], %swap3A_429 {strides = array<i32>} : memref<88x80xf32, #tpu.memory_space<vmem>>, vector<1x16xf32>,
        %get3A_430 = arith.index_cast %scan3A_381 : i32 to index
        %get3A_431 = arith.constant 16 : index
        %get3A_432 = tpu.vector_load %arg13[%get3A_430, %get3A_431] {strides = array<i32>} : memref<88x80xf32, #tpu.memory_space<vmem>>, vector<1x16xf32>,
        %get3A_433 = vector.shape_cast %get3A_432 : vector<1x16xf32> to vector<16xf32>
        %mul3A_434 = arith.mulf %get3A_433, %gather3A_419 : vector<16xf32>
        %swap3A_435 = arith.index_cast %scan3A_381 : i32 to index
        %swap3A_436 = arith.constant 16 : index
        %swap3A_437 = tpu.vector_load %arg13[%swap3A_435, %swap3A_436] {strides = array<i32>} : memref<88x80xf32, #tpu.memory_space<vmem>>, vector<1x16xf32>,
        %swap3A_438 = vector.shape_cast %swap3A_437 : vector<1x16xf32> to vector<16xf32>
        %swap3A_439 = vector.shape_cast %mul3A_434 : vector<16xf32> to vector<1x16xf32>
        tpu.vector_store %arg13[%swap3A_435, %swap3A_436], %swap3A_439 {strides = array<i32>} : memref<88x80xf32, #tpu.memory_space<vmem>>, vector<1x16xf32>,
        %get3A_440 = arith.index_cast %scan3A_381 : i32 to index
        %get3A_441 = arith.constant 32 : index
        %get3A_442 = tpu.vector_load %arg13[%get3A_440, %get3A_441] {strides = array<i32>} : memref<88x80xf32, #tpu.memory_space<vmem>>, vector<1x16xf32>,
        %get3A_443 = vector.shape_cast %get3A_442 : vector<1x16xf32> to vector<16xf32>
        %mul3A_444 = arith.mulf %get3A_443, %gather3A_419 : vector<16xf32>
        %swap3A_445 = arith.index_cast %scan3A_381 : i32 to index
        %swap3A_446 = arith.constant 32 : index
        %swap3A_447 = tpu.vector_load %arg13[%swap3A_445, %swap3A_446] {strides = array<i32>} : memref<88x80xf32, #tpu.memory_space<vmem>>, vector<1x16xf32>,
        %swap3A_448 = vector.shape_cast %swap3A_447 : vector<1x16xf32> to vector<16xf32>
        %swap3A_449 = vector.shape_cast %mul3A_444 : vector<16xf32> to vector<1x16xf32>
        tpu.vector_store %arg13[%swap3A_445, %swap3A_446], %swap3A_449 {strides = array<i32>} : memref<88x80xf32, #tpu.memory_space<vmem>>, vector<1x16xf32>,
        %get3A_450 = arith.index_cast %scan3A_381 : i32 to index
        %get3A_451 = arith.constant 48 : index
        %get3A_452 = tpu.vector_load %arg13[%get3A_450, %get3A_451] {strides = array<i32>} : memref<88x80xf32, #tpu.memory_space<vmem>>, vector<1x16xf32>,
        %get3A_453 = vector.shape_cast %get3A_452 : vector<1x16xf32> to vector<16xf32>
        %mul3A_454 = arith.mulf %get3A_453, %gather3A_419 : vector<16xf32>
        %swap3A_455 = arith.index_cast %scan3A_381 : i32 to index
        %swap3A_456 = arith.constant 48 : index
        %swap3A_457 = tpu.vector_load %arg13[%swap3A_455, %swap3A_456] {strides = array<i32>} : memref<88x80xf32, #tpu.memory_space<vmem>>, vector<1x16xf32>,
        %swap3A_458 = vector.shape_cast %swap3A_457 : vector<1x16xf32> to vector<16xf32>
        %swap3A_459 = vector.shape_cast %mul3A_454 : vector<16xf32> to vector<1x16xf32>
        tpu.vector_store %arg13[%swap3A_455, %swap3A_456], %swap3A_459 {strides = array<i32>} : memref<88x80xf32, #tpu.memory_space<vmem>>, vector<1x16xf32>,
        scf.yield %exp3A_401 : vector<16xf32>
      }
      %scan3A_270 = arith.constant 80 : i32
      %dma_start3A_271 = arith.constant 0 : i32
      %dma_start3A_272 = arith.constant 0 : i32
      %dma_start3A_273 = tpu.memref_slice %arg13[%dma_start3A_271, %dma_start3A_272] : memref<88x80xf32, #tpu.memory_space<vmem>> -> memref<80x80xf32, #tpu.memory_space<vmem>>
      %dma_start3A_274 = arith.constant 0 : i32
      %dma_start3A_275 = arith.constant 0 : i32
      %dma_start3A_276 = tpu.memref_slice %arg17[%dma_start3A_274, %dma_start3A_275] : memref<10000x80xf32, #tpu.memory_space<vmem_shared>> -> memref<10000x80xf32, #tpu.memory_space<vmem_shared>>
      tpu.enqueue_indirect_dma source(%dma_start3A_273 : memref<80x80xf32, #tpu.memory_space<vmem>>) target(%dma_start3A_276 : memref<10000x80xf32, #tpu.memory_space<vmem_shared>>) offsets(%arg11 : memref<80xi32, #tpu.memory_space<vmem>>) semaphore(%arg22 : memref<!tpu.dma_semaphore, #tpu.memory_space<semaphore_mem>>) {add = true}
      %mul3A_277 = arith.constant 2 : i32
      %mul3A_278 = arith.muli %mul3A_277, %scan3A_176 : i32
      %add3A_279 = arith.constant 1 : i32
      %add3A_280 = arith.addi %mul3A_278, %add3A_279 : i32
      %ge3A_281 = arith.constant 1 : i32
      %ge3A_282 = arith.cmpi sge, %add3A_280, %ge3A_281 : i32
      %convert_element_type3A_283 = arith.extui %ge3A_282 : i1 to i32
      %cond3A_284 = arith.constant 0 : i32
      %cond3A_285 = arith.cmpi ne, %convert_element_type3A_283, %cond3A_284 : i32
      scf.if %cond3A_285 {
        %sub3A_381 = arith.constant 1 : i32
        %sub3A_382 = arith.subi %add3A_280, %sub3A_381 : i32
        %dma_wait3A_383 = arith.constant 0 : i32
        %dma_wait3A_384 = arith.constant 0 : i32
        %dma_wait3A_385 = tpu.memref_slice %arg13[%dma_wait3A_383, %dma_wait3A_384] : memref<88x80xf32, #tpu.memory_space<vmem>> -> memref<80x80xf32, #tpu.memory_space<vmem>>
        %dma_wait3A_386 = arith.constant 0 : i32
        %dma_wait3A_387 = arith.constant 0 : i32
        %dma_wait3A_388 = tpu.memref_slice %arg17[%dma_wait3A_386, %dma_wait3A_387] : memref<10000x80xf32, #tpu.memory_space<vmem_shared>> -> memref<10000x80xf32, #tpu.memory_space<vmem_shared>>
        tpu.wait_indirect_dma semaphore(%arg22 : memref<!tpu.dma_semaphore, #tpu.memory_space<semaphore_mem>>) src(%dma_wait3A_385 : memref<80x80xf32, #tpu.memory_space<vmem>>) dst(%dma_wait3A_388 : memref<10000x80xf32, #tpu.memory_space<vmem_shared>>)
      } else {
      }
      %add3A_286 = arith.constant 1 : i32
      %add3A_287 = arith.addi %add3A_280, %add3A_286 : i32
      %lt3A_288 = arith.constant 125 : i32
      %lt3A_289 = arith.cmpi slt, %add3A_287, %lt3A_288 : i32
      %convert_element_type3A_290 = arith.extui %lt3A_289 : i1 to i32
      %cond3A_291 = arith.constant 0 : i32
      %cond3A_292 = arith.cmpi ne, %convert_element_type3A_290, %cond3A_291 : i32
      scf.if %cond3A_292 {
        %add3A_381 = arith.constant 1 : i32
        %add3A_382 = arith.addi %add3A_280, %add3A_381 : i32
        %mul3A_383 = arith.constant 80 : i32
        %mul3A_384 = arith.muli %add3A_382, %mul3A_383 : i32
        %add3A_385 = arith.addi %multiple_of3A, %mul3A_384 : i32
        %multiple_of3A_386 = tpu.assume_multiple %add3A_385, 8 : i32
        %dma_wait3A_387 = tpu.memref_slice %arg4[%multiple_of3A_386] : memref<320000xi32, #tpu.memory_space<hbm>> -> memref<80xi32, #tpu.memory_space<hbm>>
        %dma_wait3A_388 = tpu.memref_slice %arg4[%multiple_of3A_386] : memref<320000xi32, #tpu.memory_space<hbm>> -> memref<80xi32, #tpu.memory_space<hbm>>
        tpu.wait_dma2 semaphore(%arg24 : memref<!tpu.dma_semaphore, #tpu.memory_space<semaphore_mem>>) src(%dma_wait3A_388 : memref<80xi32, #tpu.memory_space<hbm>>) dst(%arg7 : memref<80xi32, #tpu.memory_space<vmem>>)
        %dma_wait3A_389 = tpu.memref_slice %arg5[%multiple_of3A_386] : memref<320000xi32, #tpu.memory_space<hbm>> -> memref<80xi32, #tpu.memory_space<hbm>>
        %dma_wait3A_390 = tpu.memref_slice %arg5[%multiple_of3A_386] : memref<320000xi32, #tpu.memory_space<hbm>> -> memref<80xi32, #tpu.memory_space<hbm>>
        tpu.wait_dma2 semaphore(%arg24 : memref<!tpu.dma_semaphore, #tpu.memory_space<semaphore_mem>>) src(%dma_wait3A_390 : memref<80xi32, #tpu.memory_space<hbm>>) dst(%arg9 : memref<80xi32, #tpu.memory_space<vmem>>)
        %add3A_391 = arith.constant 1 : i32
        %add3A_392 = arith.addi %add3A_280, %add3A_391 : i32
        %dma_start3A_393 = arith.constant 0 : i32
        %dma_start3A_394 = arith.constant 0 : i32
        %dma_start3A_395 = tpu.memref_slice %arg13[%dma_start3A_393, %dma_start3A_394] : memref<88x80xf32, #tpu.memory_space<vmem>> -> memref<80x80xf32, #tpu.memory_space<vmem>>
        %dma_start3A_396 = arith.constant 0 : i32
        %dma_start3A_397 = arith.constant 0 : i32
        %dma_start3A_398 = tpu.memref_slice %arg2[%dma_start3A_396, %dma_start3A_397] : memref<10000x80xf32, #tpu.memory_space<hbm>> -> memref<10000x80xf32, #tpu.memory_space<hbm>>
        tpu.enqueue_indirect_dma source(%dma_start3A_398 : memref<10000x80xf32, #tpu.memory_space<hbm>>) target(%dma_start3A_395 : memref<80x80xf32, #tpu.memory_space<vmem>>) offsets(%arg7 : memref<80xi32, #tpu.memory_space<vmem>>) semaphore(%arg18 : memref<!tpu.dma_semaphore, #tpu.memory_space<semaphore_mem>>)
        %dma_start3A_399 = arith.constant 0 : i32
        %dma_start3A_400 = arith.constant 0 : i32
        %dma_start3A_401 = tpu.memref_slice %arg15[%dma_start3A_399, %dma_start3A_400] : memref<88x16xf32, #tpu.memory_space<vmem>> -> memref<80x16xf32, #tpu.memory_space<vmem>>
        %dma_start3A_402 = arith.constant 0 : i32
        %dma_start3A_403 = arith.constant 0 : i32
        %dma_start3A_404 = tpu.memref_slice %arg3[%dma_start3A_402, %dma_start3A_403] : memref<10000x16xf32, #tpu.memory_space<hbm>> -> memref<10000x16xf32, #tpu.memory_space<hbm>>
        tpu.enqueue_indirect_dma source(%dma_start3A_404 : memref<10000x16xf32, #tpu.memory_space<hbm>>) target(%dma_start3A_401 : memref<80x16xf32, #tpu.memory_space<vmem>>) offsets(%arg9 : memref<80xi32, #tpu.memory_space<vmem>>) semaphore(%arg20 : memref<!tpu.dma_semaphore, #tpu.memory_space<semaphore_mem>>)
      } else {
      }
      %dma_wait3A_293 = arith.constant 0 : i32
      %dma_wait3A_294 = arith.constant 0 : i32
      %dma_wait3A_295 = tpu.memref_slice %arg14[%dma_wait3A_293, %dma_wait3A_294] : memref<88x80xf32, #tpu.memory_space<vmem>> -> memref<80x80xf32, #tpu.memory_space<vmem>>
      %dma_wait3A_296 = arith.constant 0 : i32
      %dma_wait3A_297 = arith.constant 0 : i32
      %dma_wait3A_298 = tpu.memref_slice %arg2[%dma_wait3A_296, %dma_wait3A_297] : memref<10000x80xf32, #tpu.memory_space<hbm>> -> memref<10000x80xf32, #tpu.memory_space<hbm>>
      tpu.wait_indirect_dma semaphore(%arg19 : memref<!tpu.dma_semaphore, #tpu.memory_space<semaphore_mem>>) src(%dma_wait3A_298 : memref<10000x80xf32, #tpu.memory_space<hbm>>) dst(%dma_wait3A_295 : memref<80x80xf32, #tpu.memory_space<vmem>>)
      %dma_wait3A_299 = arith.constant 0 : i32
      %dma_wait3A_300 = arith.constant 0 : i32
      %dma_wait3A_301 = tpu.memref_slice %arg16[%dma_wait3A_299, %dma_wait3A_300] : memref<88x16xf32, #tpu.memory_space<vmem>> -> memref<80x16xf32, #tpu.memory_space<vmem>>
      %dma_wait3A_302 = arith.constant 0 : i32
      %dma_wait3A_303 = arith.constant 0 : i32
      %dma_wait3A_304 = tpu.memref_slice %arg3[%dma_wait3A_302, %dma_wait3A_303] : memref<10000x16xf32, #tpu.memory_space<hbm>> -> memref<10000x16xf32, #tpu.memory_space<hbm>>
      tpu.wait_indirect_dma semaphore(%arg21 : memref<!tpu.dma_semaphore, #tpu.memory_space<semaphore_mem>>) src(%dma_wait3A_304 : memref<10000x16xf32, #tpu.memory_space<hbm>>) dst(%dma_wait3A_301 : memref<80x16xf32, #tpu.memory_space<vmem>>)
      %get3A_305 = arith.constant 0 : index
      %get3A_306 = tpu.vector_load %arg10[%get3A_305] {strides = array<i32>} : memref<80xi32, #tpu.memory_space<vmem>>, vector<16xi32>,
      %get3A_307 = vector.shape_cast %get3A_306 : vector<16xi32> to vector<16xi32>
      %swap3A_308 = arith.constant 0 : index
      %swap3A_309 = tpu.vector_load %arg12[%swap3A_308] {strides = array<i32>} : memref<80xi32, #tpu.memory_space<vmem>>, vector<16xi32>,
      %swap3A_310 = vector.shape_cast %swap3A_309 : vector<16xi32> to vector<16xi32>
      %swap3A_311 = vector.shape_cast %get3A_307 : vector<16xi32> to vector<16xi32>
      tpu.vector_store %arg12[%swap3A_308], %swap3A_311 {strides = array<i32>} : memref<80xi32, #tpu.memory_space<vmem>>, vector<16xi32>,
      %get3A_312 = arith.constant 16 : index
      %get3A_313 = tpu.vector_load %arg10[%get3A_312] {strides = array<i32>} : memref<80xi32, #tpu.memory_space<vmem>>, vector<16xi32>,
      %get3A_314 = vector.shape_cast %get3A_313 : vector<16xi32> to vector<16xi32>
      %swap3A_315 = arith.constant 16 : index
      %swap3A_316 = tpu.vector_load %arg12[%swap3A_315] {strides = array<i32>} : memref<80xi32, #tpu.memory_space<vmem>>, vector<16xi32>,
      %swap3A_317 = vector.shape_cast %swap3A_316 : vector<16xi32> to vector<16xi32>
      %swap3A_318 = vector.shape_cast %get3A_314 : vector<16xi32> to vector<16xi32>
      tpu.vector_store %arg12[%swap3A_315], %swap3A_318 {strides = array<i32>} : memref<80xi32, #tpu.memory_space<vmem>>, vector<16xi32>,
      %get3A_319 = arith.constant 32 : index
      %get3A_320 = tpu.vector_load %arg10[%get3A_319] {strides = array<i32>} : memref<80xi32, #tpu.memory_space<vmem>>, vector<16xi32>,
      %get3A_321 = vector.shape_cast %get3A_320 : vector<16xi32> to vector<16xi32>
      %swap3A_322 = arith.constant 32 : index
      %swap3A_323 = tpu.vector_load %arg12[%swap3A_322] {strides = array<i32>} : memref<80xi32, #tpu.memory_space<vmem>>, vector<16xi32>,
      %swap3A_324 = vector.shape_cast %swap3A_323 : vector<16xi32> to vector<16xi32>
      %swap3A_325 = vector.shape_cast %get3A_321 : vector<16xi32> to vector<16xi32>
      tpu.vector_store %arg12[%swap3A_322], %swap3A_325 {strides = array<i32>} : memref<80xi32, #tpu.memory_space<vmem>>, vector<16xi32>,
      %get3A_326 = arith.constant 48 : index
      %get3A_327 = tpu.vector_load %arg10[%get3A_326] {strides = array<i32>} : memref<80xi32, #tpu.memory_space<vmem>>, vector<16xi32>,
      %get3A_328 = vector.shape_cast %get3A_327 : vector<16xi32> to vector<16xi32>
      %swap3A_329 = arith.constant 48 : index
      %swap3A_330 = tpu.vector_load %arg12[%swap3A_329] {strides = array<i32>} : memref<80xi32, #tpu.memory_space<vmem>>, vector<16xi32>,
      %swap3A_331 = vector.shape_cast %swap3A_330 : vector<16xi32> to vector<16xi32>
      %swap3A_332 = vector.shape_cast %get3A_328 : vector<16xi32> to vector<16xi32>
      tpu.vector_store %arg12[%swap3A_329], %swap3A_332 {strides = array<i32>} : memref<80xi32, #tpu.memory_space<vmem>>, vector<16xi32>,
      %get3A_333 = arith.constant 64 : index
      %get3A_334 = tpu.vector_load %arg10[%get3A_333] {strides = array<i32>} : memref<80xi32, #tpu.memory_space<vmem>>, vector<16xi32>,
      %get3A_335 = vector.shape_cast %get3A_334 : vector<16xi32> to vector<16xi32>
      %swap3A_336 = arith.constant 64 : index
      %swap3A_337 = tpu.vector_load %arg12[%swap3A_336] {strides = array<i32>} : memref<80xi32, #tpu.memory_space<vmem>>, vector<16xi32>,
      %swap3A_338 = vector.shape_cast %swap3A_337 : vector<16xi32> to vector<16xi32>
      %swap3A_339 = vector.shape_cast %get3A_335 : vector<16xi32> to vector<16xi32>
      tpu.vector_store %arg12[%swap3A_336], %swap3A_339 {strides = array<i32>} : memref<80xi32, #tpu.memory_space<vmem>>, vector<16xi32>,
      %add3A_340 = arith.constant 2 : i32
      %add3A_341 = arith.addi %add3A_280, %add3A_340 : i32
      %lt3A_342 = arith.constant 125 : i32
      %lt3A_343 = arith.cmpi slt, %add3A_341, %lt3A_342 : i32
      %convert_element_type3A_344 = arith.extui %lt3A_343 : i1 to i32
      %cond3A_345 = arith.constant 0 : i32
      %cond3A_346 = arith.cmpi ne, %convert_element_type3A_344, %cond3A_345 : i32
      scf.if %cond3A_346 {
        %add3A_381 = arith.constant 2 : i32
        %add3A_382 = arith.addi %add3A_280, %add3A_381 : i32
        %mul3A_383 = arith.constant 80 : i32
        %mul3A_384 = arith.muli %add3A_382, %mul3A_383 : i32
        %add3A_385 = arith.addi %multiple_of3A, %mul3A_384 : i32
        %multiple_of3A_386 = tpu.assume_multiple %add3A_385, 8 : i32
        %dma_start3A_387 = tpu.memref_slice %arg4[%multiple_of3A_386] : memref<320000xi32, #tpu.memory_space<hbm>> -> memref<80xi32, #tpu.memory_space<hbm>>
        %dma_start3A_388 = tpu.memref_slice %arg4[%multiple_of3A_386] : memref<320000xi32, #tpu.memory_space<hbm>> -> memref<80xi32, #tpu.memory_space<hbm>>
        tpu.enqueue_dma source(%dma_start3A_388 : memref<80xi32, #tpu.memory_space<hbm>>) target(%arg8 : memref<80xi32, #tpu.memory_space<vmem>>) target_semaphore(%arg25 : memref<!tpu.dma_semaphore, #tpu.memory_space<semaphore_mem>>)
        %dma_start3A_389 = tpu.memref_slice %arg5[%multiple_of3A_386] : memref<320000xi32, #tpu.memory_space<hbm>> -> memref<80xi32, #tpu.memory_space<hbm>>
        %dma_start3A_390 = tpu.memref_slice %arg5[%multiple_of3A_386] : memref<320000xi32, #tpu.memory_space<hbm>> -> memref<80xi32, #tpu.memory_space<hbm>>
        tpu.enqueue_dma source(%dma_start3A_390 : memref<80xi32, #tpu.memory_space<hbm>>) target(%arg10 : memref<80xi32, #tpu.memory_space<vmem>>) target_semaphore(%arg25 : memref<!tpu.dma_semaphore, #tpu.memory_space<semaphore_mem>>)
      } else {
      }
      %broadcast_in_dim3A_347 = arith.constant 0 : i32
      %broadcast_in_dim3A_348 = vector.broadcast %broadcast_in_dim3A_347 : i32 to vector<16xi32>
      %get3A_349 = arith.constant 0 : i32
      %get3A_350 = arith.index_cast %get3A_349 : i32 to index
      %get3A_351 = arith.constant 64 : index
      %get3A_352 = tpu.vector_load %arg14[%get3A_350, %get3A_351] {strides = array<i32>} : memref<88x80xf32, #tpu.memory_space<vmem>>, vector<1x16xf32>,
      %get3A_353 = vector.shape_cast %get3A_352 : vector<1x16xf32> to vector<16xf32>
      %get3A_354 = arith.constant 0 : i32
      %get3A_355 = arith.index_cast %get3A_354 : i32 to index
      %get3A_356 = arith.constant 0 : index
      %get3A_357 = tpu.vector_load %arg16[%get3A_355, %get3A_356] {strides = array<i32>} : memref<88x16xf32, #tpu.memory_space<vmem>>, vector<1x16xf32>,
      %get3A_358 = vector.shape_cast %get3A_357 : vector<1x16xf32> to vector<16xf32>
      %add3A_359 = arith.addf %get3A_353, %get3A_358 : vector<16xf32>
      %gt3A_360 = arith.constant 0.000000e+00 : f32
      %gt3A_361 = vector.broadcast %gt3A_360 : f32 to vector<16xf32>
      %gt3A_362 = arith.cmpf ogt, %add3A_359, %gt3A_361 : vector<16xf32>
      %mul3A_363 = arith.constant 2.000000e-01 : f32
      %mul3A_364 = vector.broadcast %mul3A_363 : f32 to vector<16xf32>
      %mul3A_365 = arith.mulf %mul3A_364, %add3A_359 : vector<16xf32>
      %select_n3A_366 = arith.select %gt3A_362, %add3A_359, %mul3A_365 : vector<16xi1>, vector<16xf32>
      %exp3A_367 = math.exp %select_n3A_366 : vector<16xf32>
      %scan3A_368 = arith.constant 0 : i32
      %scan3A_369 = arith.constant 80 : i32
      %scan3A_370 = arith.addi %scan3A_368, %scan3A_369 : i32
      %scan3A_371 = arith.constant 1 : i32
      %scan3A_372 = scf.for %scan3A_381 = %scan3A_368 to %scan3A_370 step %scan3A_371 iter_args(%scan3A_382 = %exp3A_367) -> (vector<16xf32>)  : i32 {
        %add3A_383 = arith.constant 1 : i32
        %add3A_384 = arith.addi %scan3A_381, %add3A_383 : i32
        %get3A_385 = arith.index_cast %add3A_384 : i32 to index
        %get3A_386 = arith.constant 64 : index
        %get3A_387 = tpu.vector_load %arg14[%get3A_385, %get3A_386] {strides = array<i32>} : memref<88x80xf32, #tpu.memory_space<vmem>>, vector<1x16xf32>,
        %get3A_388 = vector.shape_cast %get3A_387 : vector<1x16xf32> to vector<16xf32>
        %get3A_389 = arith.index_cast %add3A_384 : i32 to index
        %get3A_390 = arith.constant 0 : index
        %get3A_391 = tpu.vector_load %arg16[%get3A_389, %get3A_390] {strides = array<i32>} : memref<88x16xf32, #tpu.memory_space<vmem>>, vector<1x16xf32>,
        %get3A_392 = vector.shape_cast %get3A_391 : vector<1x16xf32> to vector<16xf32>
        %add3A_393 = arith.addf %get3A_388, %get3A_392 : vector<16xf32>
        %gt3A_394 = arith.constant 0.000000e+00 : f32
        %gt3A_395 = vector.broadcast %gt3A_394 : f32 to vector<16xf32>
        %gt3A_396 = arith.cmpf ogt, %add3A_393, %gt3A_395 : vector<16xf32>
        %mul3A_397 = arith.constant 2.000000e-01 : f32
        %mul3A_398 = vector.broadcast %mul3A_397 : f32 to vector<16xf32>
        %mul3A_399 = arith.mulf %mul3A_398, %add3A_393 : vector<16xf32>
        %select_n3A_400 = arith.select %gt3A_396, %add3A_393, %mul3A_399 : vector<16xi1>, vector<16xf32>
        %exp3A_401 = math.exp %select_n3A_400 : vector<16xf32>
        %lt3A_402 = arith.constant 1 : i32
        %lt3A_403 = vector.broadcast %lt3A_402 : i32 to vector<16xi32>
        %lt3A_404 = arith.cmpi slt, %iota3A_56, %lt3A_403 : vector<16xi32>
        %jit3A = arith.constant 0.000000e+00 : f32
        %broadcast_in_dim3A_405 = vector.broadcast %jit3A : f32 to vector<16xf32>
        %select_n3A_406 = arith.select %lt3A_404, %scan3A_382, %broadcast_in_dim3A_405 : vector<16xi1>, vector<16xf32>
        %swap3A_407 = arith.index_cast %scan3A_381 : i32 to index
        %swap3A_408 = arith.constant 64 : index
        %swap3A_409 = tpu.vector_load %arg14[%swap3A_407, %swap3A_408] {strides = array<i32>} : memref<88x80xf32, #tpu.memory_space<vmem>>, vector<1x16xf32>,
        %swap3A_410 = vector.shape_cast %swap3A_409 : vector<1x16xf32> to vector<16xf32>
        %swap3A_411 = vector.shape_cast %select_n3A_406 : vector<16xf32> to vector<1x16xf32>
        tpu.vector_store %arg14[%swap3A_407, %swap3A_408], %swap3A_411 {strides = array<i32>} : memref<88x80xf32, #tpu.memory_space<vmem>>, vector<1x16xf32>,
        %lt3A_412 = arith.constant 0 : i32
        %lt3A_413 = vector.broadcast %lt3A_412 : i32 to vector<16xi32>
        %lt3A_414 = arith.cmpi slt, %broadcast_in_dim3A_348, %lt3A_413 : vector<16xi32>
        %add3A_415 = arith.constant 16 : i32
        %add3A_416 = vector.broadcast %add3A_415 : i32 to vector<16xi32>
        %add3A_417 = arith.addi %broadcast_in_dim3A_348, %add3A_416 : vector<16xi32>
        %select_n3A_418 = arith.select %lt3A_414, %add3A_417, %broadcast_in_dim3A_348 : vector<16xi1>, vector<16xi32>
        %reshape3A = vector.shape_cast %select_n3A_418 : vector<16xi32> to vector<16x1xi32>
        %gather3A = vector.shape_cast %reshape3A : vector<16x1xi32> to vector<16xi32>
        %gather3A_419 = tpu.dynamic_gather %scan3A_382[%gather3A] in [0] : vector<16xf32>, vector<16xi32> -> vector<16xf32>
        %get3A_420 = arith.index_cast %scan3A_381 : i32 to index
        %get3A_421 = arith.constant 0 : index
        %get3A_422 = tpu.vector_load %arg14[%get3A_420, %get3A_421] {strides = array<i32>} : memref<88x80xf32, #tpu.memory_space<vmem>>, vector<1x16xf32>,
        %get3A_423 = vector.shape_cast %get3A_422 : vector<1x16xf32> to vector<16xf32>
        %mul3A_424 = arith.mulf %get3A_423, %gather3A_419 : vector<16xf32>
        %swap3A_425 = arith.index_cast %scan3A_381 : i32 to index
        %swap3A_426 = arith.constant 0 : index
        %swap3A_427 = tpu.vector_load %arg14[%swap3A_425, %swap3A_426] {strides = array<i32>} : memref<88x80xf32, #tpu.memory_space<vmem>>, vector<1x16xf32>,
        %swap3A_428 = vector.shape_cast %swap3A_427 : vector<1x16xf32> to vector<16xf32>
        %swap3A_429 = vector.shape_cast %mul3A_424 : vector<16xf32> to vector<1x16xf32>
        tpu.vector_store %arg14[%swap3A_425, %swap3A_426], %swap3A_429 {strides = array<i32>} : memref<88x80xf32, #tpu.memory_space<vmem>>, vector<1x16xf32>,
        %get3A_430 = arith.index_cast %scan3A_381 : i32 to index
        %get3A_431 = arith.constant 16 : index
        %get3A_432 = tpu.vector_load %arg14[%get3A_430, %get3A_431] {strides = array<i32>} : memref<88x80xf32, #tpu.memory_space<vmem>>, vector<1x16xf32>,
        %get3A_433 = vector.shape_cast %get3A_432 : vector<1x16xf32> to vector<16xf32>
        %mul3A_434 = arith.mulf %get3A_433, %gather3A_419 : vector<16xf32>
        %swap3A_435 = arith.index_cast %scan3A_381 : i32 to index
        %swap3A_436 = arith.constant 16 : index
        %swap3A_437 = tpu.vector_load %arg14[%swap3A_435, %swap3A_436] {strides = array<i32>} : memref<88x80xf32, #tpu.memory_space<vmem>>, vector<1x16xf32>,
        %swap3A_438 = vector.shape_cast %swap3A_437 : vector<1x16xf32> to vector<16xf32>
        %swap3A_439 = vector.shape_cast %mul3A_434 : vector<16xf32> to vector<1x16xf32>
        tpu.vector_store %arg14[%swap3A_435, %swap3A_436], %swap3A_439 {strides = array<i32>} : memref<88x80xf32, #tpu.memory_space<vmem>>, vector<1x16xf32>,
        %get3A_440 = arith.index_cast %scan3A_381 : i32 to index
        %get3A_441 = arith.constant 32 : index
        %get3A_442 = tpu.vector_load %arg14[%get3A_440, %get3A_441] {strides = array<i32>} : memref<88x80xf32, #tpu.memory_space<vmem>>, vector<1x16xf32>,
        %get3A_443 = vector.shape_cast %get3A_442 : vector<1x16xf32> to vector<16xf32>
        %mul3A_444 = arith.mulf %get3A_443, %gather3A_419 : vector<16xf32>
        %swap3A_445 = arith.index_cast %scan3A_381 : i32 to index
        %swap3A_446 = arith.constant 32 : index
        %swap3A_447 = tpu.vector_load %arg14[%swap3A_445, %swap3A_446] {strides = array<i32>} : memref<88x80xf32, #tpu.memory_space<vmem>>, vector<1x16xf32>,
        %swap3A_448 = vector.shape_cast %swap3A_447 : vector<1x16xf32> to vector<16xf32>
        %swap3A_449 = vector.shape_cast %mul3A_444 : vector<16xf32> to vector<1x16xf32>
        tpu.vector_store %arg14[%swap3A_445, %swap3A_446], %swap3A_449 {strides = array<i32>} : memref<88x80xf32, #tpu.memory_space<vmem>>, vector<1x16xf32>,
        %get3A_450 = arith.index_cast %scan3A_381 : i32 to index
        %get3A_451 = arith.constant 48 : index
        %get3A_452 = tpu.vector_load %arg14[%get3A_450, %get3A_451] {strides = array<i32>} : memref<88x80xf32, #tpu.memory_space<vmem>>, vector<1x16xf32>,
        %get3A_453 = vector.shape_cast %get3A_452 : vector<1x16xf32> to vector<16xf32>
        %mul3A_454 = arith.mulf %get3A_453, %gather3A_419 : vector<16xf32>
        %swap3A_455 = arith.index_cast %scan3A_381 : i32 to index
        %swap3A_456 = arith.constant 48 : index
        %swap3A_457 = tpu.vector_load %arg14[%swap3A_455, %swap3A_456] {strides = array<i32>} : memref<88x80xf32, #tpu.memory_space<vmem>>, vector<1x16xf32>,
        %swap3A_458 = vector.shape_cast %swap3A_457 : vector<1x16xf32> to vector<16xf32>
        %swap3A_459 = vector.shape_cast %mul3A_454 : vector<16xf32> to vector<1x16xf32>
        tpu.vector_store %arg14[%swap3A_455, %swap3A_456], %swap3A_459 {strides = array<i32>} : memref<88x80xf32, #tpu.memory_space<vmem>>, vector<1x16xf32>,
        scf.yield %exp3A_401 : vector<16xf32>
      }
      %scan3A_373 = arith.constant 80 : i32
      %dma_start3A_374 = arith.constant 0 : i32
      %dma_start3A_375 = arith.constant 0 : i32
      %dma_start3A_376 = tpu.memref_slice %arg14[%dma_start3A_374, %dma_start3A_375] : memref<88x80xf32, #tpu.memory_space<vmem>> -> memref<80x80xf32, #tpu.memory_space<vmem>>
      %dma_start3A_377 = arith.constant 0 : i32
      %dma_start3A_378 = arith.constant 0 : i32
      %dma_start3A_379 = tpu.memref_slice %arg17[%dma_start3A_377, %dma_start3A_378] : memref<10000x80xf32, #tpu.memory_space<vmem_shared>> -> memref<10000x80xf32, #tpu.memory_space<vmem_shared>>
      tpu.enqueue_indirect_dma source(%dma_start3A_376 : memref<80x80xf32, #tpu.memory_space<vmem>>) target(%dma_start3A_379 : memref<10000x80xf32, #tpu.memory_space<vmem_shared>>) offsets(%arg12 : memref<80xi32, #tpu.memory_space<vmem>>) semaphore(%arg23 : memref<!tpu.dma_semaphore, #tpu.memory_space<semaphore_mem>>) {add = true}
      %scan3A_380 = arith.constant 0 : i32
      scf.yield %scan3A_380 : i32
    }
    %scan3A_81 = arith.constant 62 : i32
    %dma_wait3A = arith.constant 0 : i32
    %dma_wait3A_82 = arith.constant 0 : i32
    %dma_wait3A_83 = tpu.memref_slice %arg14[%dma_wait3A, %dma_wait3A_82] : memref<88x80xf32, #tpu.memory_space<vmem>> -> memref<80x80xf32, #tpu.memory_space<vmem>>
    %dma_wait3A_84 = arith.constant 0 : i32
    %dma_wait3A_85 = arith.constant 0 : i32
    %dma_wait3A_86 = tpu.memref_slice %arg17[%dma_wait3A_84, %dma_wait3A_85] : memref<10000x80xf32, #tpu.memory_space<vmem_shared>> -> memref<10000x80xf32, #tpu.memory_space<vmem_shared>>
    tpu.wait_indirect_dma semaphore(%arg23 : memref<!tpu.dma_semaphore, #tpu.memory_space<semaphore_mem>>) src(%dma_wait3A_83 : memref<80x80xf32, #tpu.memory_space<vmem>>) dst(%dma_wait3A_86 : memref<10000x80xf32, #tpu.memory_space<vmem_shared>>)
    %dma_wait3A_87 = arith.constant 0 : i32
    %dma_wait3A_88 = arith.constant 0 : i32
    %dma_wait3A_89 = tpu.memref_slice %arg13[%dma_wait3A_87, %dma_wait3A_88] : memref<88x80xf32, #tpu.memory_space<vmem>> -> memref<80x80xf32, #tpu.memory_space<vmem>>
    %dma_wait3A_90 = arith.constant 0 : i32
    %dma_wait3A_91 = arith.constant 0 : i32
    %dma_wait3A_92 = tpu.memref_slice %arg2[%dma_wait3A_90, %dma_wait3A_91] : memref<10000x80xf32, #tpu.memory_space<hbm>> -> memref<10000x80xf32, #tpu.memory_space<hbm>>
    tpu.wait_indirect_dma semaphore(%arg18 : memref<!tpu.dma_semaphore, #tpu.memory_space<semaphore_mem>>) src(%dma_wait3A_92 : memref<10000x80xf32, #tpu.memory_space<hbm>>) dst(%dma_wait3A_89 : memref<80x80xf32, #tpu.memory_space<vmem>>)
    %dma_wait3A_93 = arith.constant 0 : i32
    %dma_wait3A_94 = arith.constant 0 : i32
    %dma_wait3A_95 = tpu.memref_slice %arg15[%dma_wait3A_93, %dma_wait3A_94] : memref<88x16xf32, #tpu.memory_space<vmem>> -> memref<80x16xf32, #tpu.memory_space<vmem>>
    %dma_wait3A_96 = arith.constant 0 : i32
    %dma_wait3A_97 = arith.constant 0 : i32
    %dma_wait3A_98 = tpu.memref_slice %arg3[%dma_wait3A_96, %dma_wait3A_97] : memref<10000x16xf32, #tpu.memory_space<hbm>> -> memref<10000x16xf32, #tpu.memory_space<hbm>>
    tpu.wait_indirect_dma semaphore(%arg20 : memref<!tpu.dma_semaphore, #tpu.memory_space<semaphore_mem>>) src(%dma_wait3A_98 : memref<10000x16xf32, #tpu.memory_space<hbm>>) dst(%dma_wait3A_95 : memref<80x16xf32, #tpu.memory_space<vmem>>)
    %get3A = arith.constant 0 : index
    %get3A_99 = tpu.vector_load %arg9[%get3A] {strides = array<i32>} : memref<80xi32, #tpu.memory_space<vmem>>, vector<16xi32>,
    %get3A_100 = vector.shape_cast %get3A_99 : vector<16xi32> to vector<16xi32>
    %swap3A = arith.constant 0 : index
    %swap3A_101 = tpu.vector_load %arg11[%swap3A] {strides = array<i32>} : memref<80xi32, #tpu.memory_space<vmem>>, vector<16xi32>,
    %swap3A_102 = vector.shape_cast %swap3A_101 : vector<16xi32> to vector<16xi32>
    %swap3A_103 = vector.shape_cast %get3A_100 : vector<16xi32> to vector<16xi32>
    tpu.vector_store %arg11[%swap3A], %swap3A_103 {strides = array<i32>} : memref<80xi32, #tpu.memory_space<vmem>>, vector<16xi32>,
    %get3A_104 = arith.constant 16 : index
    %get3A_105 = tpu.vector_load %arg9[%get3A_104] {strides = array<i32>} : memref<80xi32, #tpu.memory_space<vmem>>, vector<16xi32>,
    %get3A_106 = vector.shape_cast %get3A_105 : vector<16xi32> to vector<16xi32>
    %swap3A_107 = arith.constant 16 : index
    %swap3A_108 = tpu.vector_load %arg11[%swap3A_107] {strides = array<i32>} : memref<80xi32, #tpu.memory_space<vmem>>, vector<16xi32>,
    %swap3A_109 = vector.shape_cast %swap3A_108 : vector<16xi32> to vector<16xi32>
    %swap3A_110 = vector.shape_cast %get3A_106 : vector<16xi32> to vector<16xi32>
    tpu.vector_store %arg11[%swap3A_107], %swap3A_110 {strides = array<i32>} : memref<80xi32, #tpu.memory_space<vmem>>, vector<16xi32>,
    %get3A_111 = arith.constant 32 : index
    %get3A_112 = tpu.vector_load %arg9[%get3A_111] {strides = array<i32>} : memref<80xi32, #tpu.memory_space<vmem>>, vector<16xi32>,
    %get3A_113 = vector.shape_cast %get3A_112 : vector<16xi32> to vector<16xi32>
    %swap3A_114 = arith.constant 32 : index
    %swap3A_115 = tpu.vector_load %arg11[%swap3A_114] {strides = array<i32>} : memref<80xi32, #tpu.memory_space<vmem>>, vector<16xi32>,
    %swap3A_116 = vector.shape_cast %swap3A_115 : vector<16xi32> to vector<16xi32>
    %swap3A_117 = vector.shape_cast %get3A_113 : vector<16xi32> to vector<16xi32>
    tpu.vector_store %arg11[%swap3A_114], %swap3A_117 {strides = array<i32>} : memref<80xi32, #tpu.memory_space<vmem>>, vector<16xi32>,
    %get3A_118 = arith.constant 48 : index
    %get3A_119 = tpu.vector_load %arg9[%get3A_118] {strides = array<i32>} : memref<80xi32, #tpu.memory_space<vmem>>, vector<16xi32>,
    %get3A_120 = vector.shape_cast %get3A_119 : vector<16xi32> to vector<16xi32>
    %swap3A_121 = arith.constant 48 : index
    %swap3A_122 = tpu.vector_load %arg11[%swap3A_121] {strides = array<i32>} : memref<80xi32, #tpu.memory_space<vmem>>, vector<16xi32>,
    %swap3A_123 = vector.shape_cast %swap3A_122 : vector<16xi32> to vector<16xi32>
    %swap3A_124 = vector.shape_cast %get3A_120 : vector<16xi32> to vector<16xi32>
    tpu.vector_store %arg11[%swap3A_121], %swap3A_124 {strides = array<i32>} : memref<80xi32, #tpu.memory_space<vmem>>, vector<16xi32>,
    %get3A_125 = arith.constant 64 : index
    %get3A_126 = tpu.vector_load %arg9[%get3A_125] {strides = array<i32>} : memref<80xi32, #tpu.memory_space<vmem>>, vector<16xi32>,
    %get3A_127 = vector.shape_cast %get3A_126 : vector<16xi32> to vector<16xi32>
    %swap3A_128 = arith.constant 64 : index
    %swap3A_129 = tpu.vector_load %arg11[%swap3A_128] {strides = array<i32>} : memref<80xi32, #tpu.memory_space<vmem>>, vector<16xi32>,
    %swap3A_130 = vector.shape_cast %swap3A_129 : vector<16xi32> to vector<16xi32>
    %swap3A_131 = vector.shape_cast %get3A_127 : vector<16xi32> to vector<16xi32>
    tpu.vector_store %arg11[%swap3A_128], %swap3A_131 {strides = array<i32>} : memref<80xi32, #tpu.memory_space<vmem>>, vector<16xi32>,
    %broadcast_in_dim3A_132 = arith.constant 0 : i32
    %broadcast_in_dim3A_133 = vector.broadcast %broadcast_in_dim3A_132 : i32 to vector<16xi32>
    %get3A_134 = arith.constant 0 : i32
    %get3A_135 = arith.index_cast %get3A_134 : i32 to index
    %get3A_136 = arith.constant 64 : index
    %get3A_137 = tpu.vector_load %arg13[%get3A_135, %get3A_136] {strides = array<i32>} : memref<88x80xf32, #tpu.memory_space<vmem>>, vector<1x16xf32>,
    %get3A_138 = vector.shape_cast %get3A_137 : vector<1x16xf32> to vector<16xf32>
    %get3A_139 = arith.constant 0 : i32
    %get3A_140 = arith.index_cast %get3A_139 : i32 to index
    %get3A_141 = arith.constant 0 : index
    %get3A_142 = tpu.vector_load %arg15[%get3A_140, %get3A_141] {strides = array<i32>} : memref<88x16xf32, #tpu.memory_space<vmem>>, vector<1x16xf32>,
    %get3A_143 = vector.shape_cast %get3A_142 : vector<1x16xf32> to vector<16xf32>
    %add3A_144 = arith.addf %get3A_138, %get3A_143 : vector<16xf32>
    %gt3A = arith.constant 0.000000e+00 : f32
    %gt3A_145 = vector.broadcast %gt3A : f32 to vector<16xf32>
    %gt3A_146 = arith.cmpf ogt, %add3A_144, %gt3A_145 : vector<16xf32>
    %mul3A_147 = arith.constant 2.000000e-01 : f32
    %mul3A_148 = vector.broadcast %mul3A_147 : f32 to vector<16xf32>
    %mul3A_149 = arith.mulf %mul3A_148, %add3A_144 : vector<16xf32>
    %select_n3A = arith.select %gt3A_146, %add3A_144, %mul3A_149 : vector<16xi1>, vector<16xf32>
    %exp3A = math.exp %select_n3A : vector<16xf32>
    %scan3A_150 = arith.constant 0 : i32
    %scan3A_151 = arith.constant 80 : i32
    %scan3A_152 = arith.addi %scan3A_150, %scan3A_151 : i32
    %scan3A_153 = arith.constant 1 : i32
    %scan3A_154 = scf.for %scan3A_176 = %scan3A_150 to %scan3A_152 step %scan3A_153 iter_args(%scan3A_177 = %exp3A) -> (vector<16xf32>)  : i32 {
      %add3A_178 = arith.constant 1 : i32
      %add3A_179 = arith.addi %scan3A_176, %add3A_178 : i32
      %get3A_180 = arith.index_cast %add3A_179 : i32 to index
      %get3A_181 = arith.constant 64 : index
      %get3A_182 = tpu.vector_load %arg13[%get3A_180, %get3A_181] {strides = array<i32>} : memref<88x80xf32, #tpu.memory_space<vmem>>, vector<1x16xf32>,
      %get3A_183 = vector.shape_cast %get3A_182 : vector<1x16xf32> to vector<16xf32>
      %get3A_184 = arith.index_cast %add3A_179 : i32 to index
      %get3A_185 = arith.constant 0 : index
      %get3A_186 = tpu.vector_load %arg15[%get3A_184, %get3A_185] {strides = array<i32>} : memref<88x16xf32, #tpu.memory_space<vmem>>, vector<1x16xf32>,
      %get3A_187 = vector.shape_cast %get3A_186 : vector<1x16xf32> to vector<16xf32>
      %add3A_188 = arith.addf %get3A_183, %get3A_187 : vector<16xf32>
      %gt3A_189 = arith.constant 0.000000e+00 : f32
      %gt3A_190 = vector.broadcast %gt3A_189 : f32 to vector<16xf32>
      %gt3A_191 = arith.cmpf ogt, %add3A_188, %gt3A_190 : vector<16xf32>
      %mul3A_192 = arith.constant 2.000000e-01 : f32
      %mul3A_193 = vector.broadcast %mul3A_192 : f32 to vector<16xf32>
      %mul3A_194 = arith.mulf %mul3A_193, %add3A_188 : vector<16xf32>
      %select_n3A_195 = arith.select %gt3A_191, %add3A_188, %mul3A_194 : vector<16xi1>, vector<16xf32>
      %exp3A_196 = math.exp %select_n3A_195 : vector<16xf32>
      %lt3A = arith.constant 1 : i32
      %lt3A_197 = vector.broadcast %lt3A : i32 to vector<16xi32>
      %lt3A_198 = arith.cmpi slt, %iota3A_56, %lt3A_197 : vector<16xi32>
      %jit3A = arith.constant 0.000000e+00 : f32
      %broadcast_in_dim3A_199 = vector.broadcast %jit3A : f32 to vector<16xf32>
      %select_n3A_200 = arith.select %lt3A_198, %scan3A_177, %broadcast_in_dim3A_199 : vector<16xi1>, vector<16xf32>
      %swap3A_201 = arith.index_cast %scan3A_176 : i32 to index
      %swap3A_202 = arith.constant 64 : index
      %swap3A_203 = tpu.vector_load %arg13[%swap3A_201, %swap3A_202] {strides = array<i32>} : memref<88x80xf32, #tpu.memory_space<vmem>>, vector<1x16xf32>,
      %swap3A_204 = vector.shape_cast %swap3A_203 : vector<1x16xf32> to vector<16xf32>
      %swap3A_205 = vector.shape_cast %select_n3A_200 : vector<16xf32> to vector<1x16xf32>
      tpu.vector_store %arg13[%swap3A_201, %swap3A_202], %swap3A_205 {strides = array<i32>} : memref<88x80xf32, #tpu.memory_space<vmem>>, vector<1x16xf32>,
      %lt3A_206 = arith.constant 0 : i32
      %lt3A_207 = vector.broadcast %lt3A_206 : i32 to vector<16xi32>
      %lt3A_208 = arith.cmpi slt, %broadcast_in_dim3A_133, %lt3A_207 : vector<16xi32>
      %add3A_209 = arith.constant 16 : i32
      %add3A_210 = vector.broadcast %add3A_209 : i32 to vector<16xi32>
      %add3A_211 = arith.addi %broadcast_in_dim3A_133, %add3A_210 : vector<16xi32>
      %select_n3A_212 = arith.select %lt3A_208, %add3A_211, %broadcast_in_dim3A_133 : vector<16xi1>, vector<16xi32>
      %reshape3A = vector.shape_cast %select_n3A_212 : vector<16xi32> to vector<16x1xi32>
      %gather3A = vector.shape_cast %reshape3A : vector<16x1xi32> to vector<16xi32>
      %gather3A_213 = tpu.dynamic_gather %scan3A_177[%gather3A] in [0] : vector<16xf32>, vector<16xi32> -> vector<16xf32>
      %get3A_214 = arith.index_cast %scan3A_176 : i32 to index
      %get3A_215 = arith.constant 0 : index
      %get3A_216 = tpu.vector_load %arg13[%get3A_214, %get3A_215] {strides = array<i32>} : memref<88x80xf32, #tpu.memory_space<vmem>>, vector<1x16xf32>,
      %get3A_217 = vector.shape_cast %get3A_216 : vector<1x16xf32> to vector<16xf32>
      %mul3A_218 = arith.mulf %get3A_217, %gather3A_213 : vector<16xf32>
      %swap3A_219 = arith.index_cast %scan3A_176 : i32 to index
      %swap3A_220 = arith.constant 0 : index
      %swap3A_221 = tpu.vector_load %arg13[%swap3A_219, %swap3A_220] {strides = array<i32>} : memref<88x80xf32, #tpu.memory_space<vmem>>, vector<1x16xf32>,
      %swap3A_222 = vector.shape_cast %swap3A_221 : vector<1x16xf32> to vector<16xf32>
      %swap3A_223 = vector.shape_cast %mul3A_218 : vector<16xf32> to vector<1x16xf32>
      tpu.vector_store %arg13[%swap3A_219, %swap3A_220], %swap3A_223 {strides = array<i32>} : memref<88x80xf32, #tpu.memory_space<vmem>>, vector<1x16xf32>,
      %get3A_224 = arith.index_cast %scan3A_176 : i32 to index
      %get3A_225 = arith.constant 16 : index
      %get3A_226 = tpu.vector_load %arg13[%get3A_224, %get3A_225] {strides = array<i32>} : memref<88x80xf32, #tpu.memory_space<vmem>>, vector<1x16xf32>,
      %get3A_227 = vector.shape_cast %get3A_226 : vector<1x16xf32> to vector<16xf32>
      %mul3A_228 = arith.mulf %get3A_227, %gather3A_213 : vector<16xf32>
      %swap3A_229 = arith.index_cast %scan3A_176 : i32 to index
      %swap3A_230 = arith.constant 16 : index
      %swap3A_231 = tpu.vector_load %arg13[%swap3A_229, %swap3A_230] {strides = array<i32>} : memref<88x80xf32, #tpu.memory_space<vmem>>, vector<1x16xf32>,
      %swap3A_232 = vector.shape_cast %swap3A_231 : vector<1x16xf32> to vector<16xf32>
      %swap3A_233 = vector.shape_cast %mul3A_228 : vector<16xf32> to vector<1x16xf32>
      tpu.vector_store %arg13[%swap3A_229, %swap3A_230], %swap3A_233 {strides = array<i32>} : memref<88x80xf32, #tpu.memory_space<vmem>>, vector<1x16xf32>,
      %get3A_234 = arith.index_cast %scan3A_176 : i32 to index
      %get3A_235 = arith.constant 32 : index
      %get3A_236 = tpu.vector_load %arg13[%get3A_234, %get3A_235] {strides = array<i32>} : memref<88x80xf32, #tpu.memory_space<vmem>>, vector<1x16xf32>,
      %get3A_237 = vector.shape_cast %get3A_236 : vector<1x16xf32> to vector<16xf32>
      %mul3A_238 = arith.mulf %get3A_237, %gather3A_213 : vector<16xf32>
      %swap3A_239 = arith.index_cast %scan3A_176 : i32 to index
      %swap3A_240 = arith.constant 32 : index
      %swap3A_241 = tpu.vector_load %arg13[%swap3A_239, %swap3A_240] {strides = array<i32>} : memref<88x80xf32, #tpu.memory_space<vmem>>, vector<1x16xf32>,
      %swap3A_242 = vector.shape_cast %swap3A_241 : vector<1x16xf32> to vector<16xf32>
      %swap3A_243 = vector.shape_cast %mul3A_238 : vector<16xf32> to vector<1x16xf32>
      tpu.vector_store %arg13[%swap3A_239, %swap3A_240], %swap3A_243 {strides = array<i32>} : memref<88x80xf32, #tpu.memory_space<vmem>>, vector<1x16xf32>,
      %get3A_244 = arith.index_cast %scan3A_176 : i32 to index
      %get3A_245 = arith.constant 48 : index
      %get3A_246 = tpu.vector_load %arg13[%get3A_244, %get3A_245] {strides = array<i32>} : memref<88x80xf32, #tpu.memory_space<vmem>>, vector<1x16xf32>,
      %get3A_247 = vector.shape_cast %get3A_246 : vector<1x16xf32> to vector<16xf32>
      %mul3A_248 = arith.mulf %get3A_247, %gather3A_213 : vector<16xf32>
      %swap3A_249 = arith.index_cast %scan3A_176 : i32 to index
      %swap3A_250 = arith.constant 48 : index
      %swap3A_251 = tpu.vector_load %arg13[%swap3A_249, %swap3A_250] {strides = array<i32>} : memref<88x80xf32, #tpu.memory_space<vmem>>, vector<1x16xf32>,
      %swap3A_252 = vector.shape_cast %swap3A_251 : vector<1x16xf32> to vector<16xf32>
      %swap3A_253 = vector.shape_cast %mul3A_248 : vector<16xf32> to vector<1x16xf32>
      tpu.vector_store %arg13[%swap3A_249, %swap3A_250], %swap3A_253 {strides = array<i32>} : memref<88x80xf32, #tpu.memory_space<vmem>>, vector<1x16xf32>,
      scf.yield %exp3A_196 : vector<16xf32>
    }
    %scan3A_155 = arith.constant 80 : i32
    %dma_start3A_156 = arith.constant 0 : i32
    %dma_start3A_157 = arith.constant 0 : i32
    %dma_start3A_158 = tpu.memref_slice %arg13[%dma_start3A_156, %dma_start3A_157] : memref<88x80xf32, #tpu.memory_space<vmem>> -> memref<80x80xf32, #tpu.memory_space<vmem>>
    %dma_start3A_159 = arith.constant 0 : i32
    %dma_start3A_160 = arith.constant 0 : i32
    %dma_start3A_161 = tpu.memref_slice %arg17[%dma_start3A_159, %dma_start3A_160] : memref<10000x80xf32, #tpu.memory_space<vmem_shared>> -> memref<10000x80xf32, #tpu.memory_space<vmem_shared>>
    tpu.enqueue_indirect_dma source(%dma_start3A_158 : memref<80x80xf32, #tpu.memory_space<vmem>>) target(%dma_start3A_161 : memref<10000x80xf32, #tpu.memory_space<vmem_shared>>) offsets(%arg11 : memref<80xi32, #tpu.memory_space<vmem>>) semaphore(%arg22 : memref<!tpu.dma_semaphore, #tpu.memory_space<semaphore_mem>>) {add = true}
    %dma_wait3A_162 = arith.constant 0 : i32
    %dma_wait3A_163 = arith.constant 0 : i32
    %dma_wait3A_164 = tpu.memref_slice %arg13[%dma_wait3A_162, %dma_wait3A_163] : memref<88x80xf32, #tpu.memory_space<vmem>> -> memref<80x80xf32, #tpu.memory_space<vmem>>
    %dma_wait3A_165 = arith.constant 0 : i32
    %dma_wait3A_166 = arith.constant 0 : i32
    %dma_wait3A_167 = tpu.memref_slice %arg17[%dma_wait3A_165, %dma_wait3A_166] : memref<10000x80xf32, #tpu.memory_space<vmem_shared>> -> memref<10000x80xf32, #tpu.memory_space<vmem_shared>>
    tpu.wait_indirect_dma semaphore(%arg22 : memref<!tpu.dma_semaphore, #tpu.memory_space<semaphore_mem>>) src(%dma_wait3A_164 : memref<80x80xf32, #tpu.memory_space<vmem>>) dst(%dma_wait3A_167 : memref<10000x80xf32, #tpu.memory_space<vmem_shared>>)
    %barrier3A_168 = arith.constant 0 : index
    tpu.barrier barrier_id(%barrier3A_168)
    %mul3A_169 = arith.constant 625 : i32
    %mul3A_170 = arith.muli %arg1, %mul3A_169 : i32
    %mul3A_171 = arith.constant 10000 : i32
    %mul3A_172 = arith.muli %arg0, %mul3A_171 : i32
    %mul3A_173 = arith.constant 625 : i32
    %mul3A_174 = arith.muli %arg1, %mul3A_173 : i32
    %add3A_175 = arith.addi %mul3A_172, %mul3A_174 : i32
    "tpu.region"() ({
      %run_scoped3A = tpu.sem_alloc : memref<!tpu.dma_semaphore, #tpu.memory_space<semaphore_mem>>
      %dma_start3A_176 = arith.constant 0 : i32
      %dma_start3A_177 = tpu.memref_slice %arg6[%add3A_175, %dma_start3A_176] : memref<20000x80xf32, #tpu.memory_space<hbm>> -> memref<625x80xf32, #tpu.memory_space<hbm>>
      %dma_start3A_178 = arith.constant 0 : i32
      %dma_start3A_179 = tpu.memref_slice %arg17[%mul3A_170, %dma_start3A_178] : memref<10000x80xf32, #tpu.memory_space<vmem_shared>> -> memref<625x80xf32, #tpu.memory_space<vmem_shared>>
      tpu.enqueue_dma source(%dma_start3A_179 : memref<625x80xf32, #tpu.memory_space<vmem_shared>>) target(%dma_start3A_177 : memref<625x80xf32, #tpu.memory_space<hbm>>) target_semaphore(%run_scoped3A : memref<!tpu.dma_semaphore, #tpu.memory_space<semaphore_mem>>)
      %dma_wait3A_180 = arith.constant 0 : i32
      %dma_wait3A_181 = tpu.memref_slice %arg6[%add3A_175, %dma_wait3A_180] : memref<20000x80xf32, #tpu.memory_space<hbm>> -> memref<625x80xf32, #tpu.memory_space<hbm>>
      %dma_wait3A_182 = arith.constant 0 : i32
      %dma_wait3A_183 = tpu.memref_slice %arg17[%mul3A_170, %dma_wait3A_182] : memref<10000x80xf32, #tpu.memory_space<vmem_shared>> -> memref<625x80xf32, #tpu.memory_space<vmem_shared>>
      tpu.wait_dma2 semaphore(%run_scoped3A : memref<!tpu.dma_semaphore, #tpu.memory_space<semaphore_mem>>) src(%dma_wait3A_183 : memref<625x80xf32, #tpu.memory_space<vmem_shared>>) dst(%dma_wait3A_181 : memref<625x80xf32, #tpu.memory_space<hbm>>)
      tpu.yield
    }) : () -> ()
    return
  }
}

#map = affine_map<(d0, d1) -> (0, 0)>
#map1 = affine_map<(d0, d1) -> (0)>
module attributes {stable_mosaic.version = 14 : i64} {
  func.func @sc_pass(%arg0: i32, %arg1: i32, %arg2: memref<20000x144xf32, #tpu.memory_space<hbm>>, %arg3: memref<10000x16xf32, #tpu.memory_space<hbm>>, %arg4: memref<320000xi32, #tpu.memory_space<hbm>>, %arg5: memref<320000xi32, #tpu.memory_space<hbm>>, %arg6: memref<20000x144xf32, #tpu.memory_space<hbm>>, %arg7: memref<80xi32, #tpu.memory_space<vmem>>, %arg8: memref<80xi32, #tpu.memory_space<vmem>>, %arg9: memref<80xi32, #tpu.memory_space<vmem>>, %arg10: memref<80xi32, #tpu.memory_space<vmem>>, %arg11: memref<80xi32, #tpu.memory_space<vmem>>, %arg12: memref<80xi32, #tpu.memory_space<vmem>>, %arg13: memref<88x144xf32, #tpu.memory_space<vmem>>, %arg14: memref<88x144xf32, #tpu.memory_space<vmem>>, %arg15: memref<88x16xf32, #tpu.memory_space<vmem>>, %arg16: memref<88x16xf32, #tpu.memory_space<vmem>>, %arg17: memref<10000x144xf32, #tpu.memory_space<vmem_shared>>, %arg18: memref<!tpu.dma_semaphore, #tpu.memory_space<semaphore_mem>>, %arg19: memref<!tpu.dma_semaphore, #tpu.memory_space<semaphore_mem>>, %arg20: memref<!tpu.dma_semaphore, #tpu.memory_space<semaphore_mem>>, %arg21: memref<!tpu.dma_semaphore, #tpu.memory_space<semaphore_mem>>, %arg22: memref<!tpu.dma_semaphore, #tpu.memory_space<semaphore_mem>>, %arg23: memref<!tpu.dma_semaphore, #tpu.memory_space<semaphore_mem>>, %arg24: memref<!tpu.dma_semaphore, #tpu.memory_space<semaphore_mem>>, %arg25: memref<!tpu.dma_semaphore, #tpu.memory_space<semaphore_mem>>) attributes {dimension_semantics = [#tpu.dimension_semantics<core_parallel>, #tpu.dimension_semantics<subcore_parallel>], iteration_bounds = array<i64: 2, 16>, scalar_prefetch = 0 : i64, scratch_operands = 19 : i64, tpu.core_type = #tpu.core_type<sc_vector_subcore>, window_params = [{transform_indices = #map}, {transform_indices = #map}, {transform_indices = #map1}, {transform_indices = #map1}, {transform_indices = #map}]} {
    %mul3A = arith.constant 20000 : i32
    %mul3A_0 = arith.muli %arg1, %mul3A : i32
    %multiple_of3A = tpu.assume_multiple %mul3A_0, 8 : i32
    %broadcast_in_dim3A = arith.constant 0.000000e+00 : f32
    %broadcast_in_dim3A_1 = vector.broadcast %broadcast_in_dim3A : f32 to vector<16xf32>
    %scan3A = arith.constant 0 : i32
    %scan3A_2 = arith.constant 0 : i32
    %scan3A_3 = arith.constant 88 : i32
    %scan3A_4 = arith.addi %scan3A_2, %scan3A_3 : i32
    %scan3A_5 = arith.constant 1 : i32
    %scan3A_6 = scf.for %scan3A_137 = %scan3A_2 to %scan3A_4 step %scan3A_5 iter_args(%scan3A_138 = %scan3A) -> (i32)  : i32 {
      %swap3A_139 = arith.index_cast %scan3A_137 : i32 to index
      %swap3A_140 = arith.constant 0 : index
      %swap3A_141 = tpu.vector_load %arg13[%swap3A_139, %swap3A_140] {strides = array<i32>} : memref<88x144xf32, #tpu.memory_space<vmem>>, vector<1x16xf32>,
      %swap3A_142 = vector.shape_cast %swap3A_141 : vector<1x16xf32> to vector<16xf32>
      %swap3A_143 = vector.shape_cast %broadcast_in_dim3A_1 : vector<16xf32> to vector<1x16xf32>
      tpu.vector_store %arg13[%swap3A_139, %swap3A_140], %swap3A_143 {strides = array<i32>} : memref<88x144xf32, #tpu.memory_space<vmem>>, vector<1x16xf32>,
      %swap3A_144 = arith.index_cast %scan3A_137 : i32 to index
      %swap3A_145 = arith.constant 16 : index
      %swap3A_146 = tpu.vector_load %arg13[%swap3A_144, %swap3A_145] {strides = array<i32>} : memref<88x144xf32, #tpu.memory_space<vmem>>, vector<1x16xf32>,
      %swap3A_147 = vector.shape_cast %swap3A_146 : vector<1x16xf32> to vector<16xf32>
      %swap3A_148 = vector.shape_cast %broadcast_in_dim3A_1 : vector<16xf32> to vector<1x16xf32>
      tpu.vector_store %arg13[%swap3A_144, %swap3A_145], %swap3A_148 {strides = array<i32>} : memref<88x144xf32, #tpu.memory_space<vmem>>, vector<1x16xf32>,
      %swap3A_149 = arith.index_cast %scan3A_137 : i32 to index
      %swap3A_150 = arith.constant 32 : index
      %swap3A_151 = tpu.vector_load %arg13[%swap3A_149, %swap3A_150] {strides = array<i32>} : memref<88x144xf32, #tpu.memory_space<vmem>>, vector<1x16xf32>,
      %swap3A_152 = vector.shape_cast %swap3A_151 : vector<1x16xf32> to vector<16xf32>
      %swap3A_153 = vector.shape_cast %broadcast_in_dim3A_1 : vector<16xf32> to vector<1x16xf32>
      tpu.vector_store %arg13[%swap3A_149, %swap3A_150], %swap3A_153 {strides = array<i32>} : memref<88x144xf32, #tpu.memory_space<vmem>>, vector<1x16xf32>,
      %swap3A_154 = arith.index_cast %scan3A_137 : i32 to index
      %swap3A_155 = arith.constant 48 : index
      %swap3A_156 = tpu.vector_load %arg13[%swap3A_154, %swap3A_155] {strides = array<i32>} : memref<88x144xf32, #tpu.memory_space<vmem>>, vector<1x16xf32>,
      %swap3A_157 = vector.shape_cast %swap3A_156 : vector<1x16xf32> to vector<16xf32>
      %swap3A_158 = vector.shape_cast %broadcast_in_dim3A_1 : vector<16xf32> to vector<1x16xf32>
      tpu.vector_store %arg13[%swap3A_154, %swap3A_155], %swap3A_158 {strides = array<i32>} : memref<88x144xf32, #tpu.memory_space<vmem>>, vector<1x16xf32>,
      %swap3A_159 = arith.index_cast %scan3A_137 : i32 to index
      %swap3A_160 = arith.constant 64 : index
      %swap3A_161 = tpu.vector_load %arg13[%swap3A_159, %swap3A_160] {strides = array<i32>} : memref<88x144xf32, #tpu.memory_space<vmem>>, vector<1x16xf32>,
      %swap3A_162 = vector.shape_cast %swap3A_161 : vector<1x16xf32> to vector<16xf32>
      %swap3A_163 = vector.shape_cast %broadcast_in_dim3A_1 : vector<16xf32> to vector<1x16xf32>
      tpu.vector_store %arg13[%swap3A_159, %swap3A_160], %swap3A_163 {strides = array<i32>} : memref<88x144xf32, #tpu.memory_space<vmem>>, vector<1x16xf32>,
      %swap3A_164 = arith.index_cast %scan3A_137 : i32 to index
      %swap3A_165 = arith.constant 80 : index
      %swap3A_166 = tpu.vector_load %arg13[%swap3A_164, %swap3A_165] {strides = array<i32>} : memref<88x144xf32, #tpu.memory_space<vmem>>, vector<1x16xf32>,
      %swap3A_167 = vector.shape_cast %swap3A_166 : vector<1x16xf32> to vector<16xf32>
      %swap3A_168 = vector.shape_cast %broadcast_in_dim3A_1 : vector<16xf32> to vector<1x16xf32>
      tpu.vector_store %arg13[%swap3A_164, %swap3A_165], %swap3A_168 {strides = array<i32>} : memref<88x144xf32, #tpu.memory_space<vmem>>, vector<1x16xf32>,
      %swap3A_169 = arith.index_cast %scan3A_137 : i32 to index
      %swap3A_170 = arith.constant 96 : index
      %swap3A_171 = tpu.vector_load %arg13[%swap3A_169, %swap3A_170] {strides = array<i32>} : memref<88x144xf32, #tpu.memory_space<vmem>>, vector<1x16xf32>,
      %swap3A_172 = vector.shape_cast %swap3A_171 : vector<1x16xf32> to vector<16xf32>
      %swap3A_173 = vector.shape_cast %broadcast_in_dim3A_1 : vector<16xf32> to vector<1x16xf32>
      tpu.vector_store %arg13[%swap3A_169, %swap3A_170], %swap3A_173 {strides = array<i32>} : memref<88x144xf32, #tpu.memory_space<vmem>>, vector<1x16xf32>,
      %swap3A_174 = arith.index_cast %scan3A_137 : i32 to index
      %swap3A_175 = arith.constant 112 : index
      %swap3A_176 = tpu.vector_load %arg13[%swap3A_174, %swap3A_175] {strides = array<i32>} : memref<88x144xf32, #tpu.memory_space<vmem>>, vector<1x16xf32>,
      %swap3A_177 = vector.shape_cast %swap3A_176 : vector<1x16xf32> to vector<16xf32>
      %swap3A_178 = vector.shape_cast %broadcast_in_dim3A_1 : vector<16xf32> to vector<1x16xf32>
      tpu.vector_store %arg13[%swap3A_174, %swap3A_175], %swap3A_178 {strides = array<i32>} : memref<88x144xf32, #tpu.memory_space<vmem>>, vector<1x16xf32>,
      %swap3A_179 = arith.index_cast %scan3A_137 : i32 to index
      %swap3A_180 = arith.constant 128 : index
      %swap3A_181 = tpu.vector_load %arg13[%swap3A_179, %swap3A_180] {strides = array<i32>} : memref<88x144xf32, #tpu.memory_space<vmem>>, vector<1x16xf32>,
      %swap3A_182 = vector.shape_cast %swap3A_181 : vector<1x16xf32> to vector<16xf32>
      %swap3A_183 = vector.shape_cast %broadcast_in_dim3A_1 : vector<16xf32> to vector<1x16xf32>
      tpu.vector_store %arg13[%swap3A_179, %swap3A_180], %swap3A_183 {strides = array<i32>} : memref<88x144xf32, #tpu.memory_space<vmem>>, vector<1x16xf32>,
      %scan3A_184 = arith.constant 0 : i32
      scf.yield %scan3A_184 : i32
    }
    %scan3A_7 = arith.constant 88 : i32
    %broadcast_in_dim3A_8 = arith.constant 0.000000e+00 : f32
    %broadcast_in_dim3A_9 = vector.broadcast %broadcast_in_dim3A_8 : f32 to vector<16xf32>
    %scan3A_10 = arith.constant 0 : i32
    %scan3A_11 = arith.constant 0 : i32
    %scan3A_12 = arith.constant 88 : i32
    %scan3A_13 = arith.addi %scan3A_11, %scan3A_12 : i32
    %scan3A_14 = arith.constant 1 : i32
    %scan3A_15 = scf.for %scan3A_137 = %scan3A_11 to %scan3A_13 step %scan3A_14 iter_args(%scan3A_138 = %scan3A_10) -> (i32)  : i32 {
      %swap3A_139 = arith.index_cast %scan3A_137 : i32 to index
      %swap3A_140 = arith.constant 0 : index
      %swap3A_141 = tpu.vector_load %arg14[%swap3A_139, %swap3A_140] {strides = array<i32>} : memref<88x144xf32, #tpu.memory_space<vmem>>, vector<1x16xf32>,
      %swap3A_142 = vector.shape_cast %swap3A_141 : vector<1x16xf32> to vector<16xf32>
      %swap3A_143 = vector.shape_cast %broadcast_in_dim3A_9 : vector<16xf32> to vector<1x16xf32>
      tpu.vector_store %arg14[%swap3A_139, %swap3A_140], %swap3A_143 {strides = array<i32>} : memref<88x144xf32, #tpu.memory_space<vmem>>, vector<1x16xf32>,
      %swap3A_144 = arith.index_cast %scan3A_137 : i32 to index
      %swap3A_145 = arith.constant 16 : index
      %swap3A_146 = tpu.vector_load %arg14[%swap3A_144, %swap3A_145] {strides = array<i32>} : memref<88x144xf32, #tpu.memory_space<vmem>>, vector<1x16xf32>,
      %swap3A_147 = vector.shape_cast %swap3A_146 : vector<1x16xf32> to vector<16xf32>
      %swap3A_148 = vector.shape_cast %broadcast_in_dim3A_9 : vector<16xf32> to vector<1x16xf32>
      tpu.vector_store %arg14[%swap3A_144, %swap3A_145], %swap3A_148 {strides = array<i32>} : memref<88x144xf32, #tpu.memory_space<vmem>>, vector<1x16xf32>,
      %swap3A_149 = arith.index_cast %scan3A_137 : i32 to index
      %swap3A_150 = arith.constant 32 : index
      %swap3A_151 = tpu.vector_load %arg14[%swap3A_149, %swap3A_150] {strides = array<i32>} : memref<88x144xf32, #tpu.memory_space<vmem>>, vector<1x16xf32>,
      %swap3A_152 = vector.shape_cast %swap3A_151 : vector<1x16xf32> to vector<16xf32>
      %swap3A_153 = vector.shape_cast %broadcast_in_dim3A_9 : vector<16xf32> to vector<1x16xf32>
      tpu.vector_store %arg14[%swap3A_149, %swap3A_150], %swap3A_153 {strides = array<i32>} : memref<88x144xf32, #tpu.memory_space<vmem>>, vector<1x16xf32>,
      %swap3A_154 = arith.index_cast %scan3A_137 : i32 to index
      %swap3A_155 = arith.constant 48 : index
      %swap3A_156 = tpu.vector_load %arg14[%swap3A_154, %swap3A_155] {strides = array<i32>} : memref<88x144xf32, #tpu.memory_space<vmem>>, vector<1x16xf32>,
      %swap3A_157 = vector.shape_cast %swap3A_156 : vector<1x16xf32> to vector<16xf32>
      %swap3A_158 = vector.shape_cast %broadcast_in_dim3A_9 : vector<16xf32> to vector<1x16xf32>
      tpu.vector_store %arg14[%swap3A_154, %swap3A_155], %swap3A_158 {strides = array<i32>} : memref<88x144xf32, #tpu.memory_space<vmem>>, vector<1x16xf32>,
      %swap3A_159 = arith.index_cast %scan3A_137 : i32 to index
      %swap3A_160 = arith.constant 64 : index
      %swap3A_161 = tpu.vector_load %arg14[%swap3A_159, %swap3A_160] {strides = array<i32>} : memref<88x144xf32, #tpu.memory_space<vmem>>, vector<1x16xf32>,
      %swap3A_162 = vector.shape_cast %swap3A_161 : vector<1x16xf32> to vector<16xf32>
      %swap3A_163 = vector.shape_cast %broadcast_in_dim3A_9 : vector<16xf32> to vector<1x16xf32>
      tpu.vector_store %arg14[%swap3A_159, %swap3A_160], %swap3A_163 {strides = array<i32>} : memref<88x144xf32, #tpu.memory_space<vmem>>, vector<1x16xf32>,
      %swap3A_164 = arith.index_cast %scan3A_137 : i32 to index
      %swap3A_165 = arith.constant 80 : index
      %swap3A_166 = tpu.vector_load %arg14[%swap3A_164, %swap3A_165] {strides = array<i32>} : memref<88x144xf32, #tpu.memory_space<vmem>>, vector<1x16xf32>,
      %swap3A_167 = vector.shape_cast %swap3A_166 : vector<1x16xf32> to vector<16xf32>
      %swap3A_168 = vector.shape_cast %broadcast_in_dim3A_9 : vector<16xf32> to vector<1x16xf32>
      tpu.vector_store %arg14[%swap3A_164, %swap3A_165], %swap3A_168 {strides = array<i32>} : memref<88x144xf32, #tpu.memory_space<vmem>>, vector<1x16xf32>,
      %swap3A_169 = arith.index_cast %scan3A_137 : i32 to index
      %swap3A_170 = arith.constant 96 : index
      %swap3A_171 = tpu.vector_load %arg14[%swap3A_169, %swap3A_170] {strides = array<i32>} : memref<88x144xf32, #tpu.memory_space<vmem>>, vector<1x16xf32>,
      %swap3A_172 = vector.shape_cast %swap3A_171 : vector<1x16xf32> to vector<16xf32>
      %swap3A_173 = vector.shape_cast %broadcast_in_dim3A_9 : vector<16xf32> to vector<1x16xf32>
      tpu.vector_store %arg14[%swap3A_169, %swap3A_170], %swap3A_173 {strides = array<i32>} : memref<88x144xf32, #tpu.memory_space<vmem>>, vector<1x16xf32>,
      %swap3A_174 = arith.index_cast %scan3A_137 : i32 to index
      %swap3A_175 = arith.constant 112 : index
      %swap3A_176 = tpu.vector_load %arg14[%swap3A_174, %swap3A_175] {strides = array<i32>} : memref<88x144xf32, #tpu.memory_space<vmem>>, vector<1x16xf32>,
      %swap3A_177 = vector.shape_cast %swap3A_176 : vector<1x16xf32> to vector<16xf32>
      %swap3A_178 = vector.shape_cast %broadcast_in_dim3A_9 : vector<16xf32> to vector<1x16xf32>
      tpu.vector_store %arg14[%swap3A_174, %swap3A_175], %swap3A_178 {strides = array<i32>} : memref<88x144xf32, #tpu.memory_space<vmem>>, vector<1x16xf32>,
      %swap3A_179 = arith.index_cast %scan3A_137 : i32 to index
      %swap3A_180 = arith.constant 128 : index
      %swap3A_181 = tpu.vector_load %arg14[%swap3A_179, %swap3A_180] {strides = array<i32>} : memref<88x144xf32, #tpu.memory_space<vmem>>, vector<1x16xf32>,
      %swap3A_182 = vector.shape_cast %swap3A_181 : vector<1x16xf32> to vector<16xf32>
      %swap3A_183 = vector.shape_cast %broadcast_in_dim3A_9 : vector<16xf32> to vector<1x16xf32>
      tpu.vector_store %arg14[%swap3A_179, %swap3A_180], %swap3A_183 {strides = array<i32>} : memref<88x144xf32, #tpu.memory_space<vmem>>, vector<1x16xf32>,
      %scan3A_184 = arith.constant 0 : i32
      scf.yield %scan3A_184 : i32
    }
    %scan3A_16 = arith.constant 88 : i32
    %broadcast_in_dim3A_17 = arith.constant 0.000000e+00 : f32
    %broadcast_in_dim3A_18 = vector.broadcast %broadcast_in_dim3A_17 : f32 to vector<16xf32>
    %scan3A_19 = arith.constant 0 : i32
    %scan3A_20 = arith.constant 0 : i32
    %scan3A_21 = arith.constant 88 : i32
    %scan3A_22 = arith.addi %scan3A_20, %scan3A_21 : i32
    %scan3A_23 = arith.constant 1 : i32
    %scan3A_24 = scf.for %scan3A_137 = %scan3A_20 to %scan3A_22 step %scan3A_23 iter_args(%scan3A_138 = %scan3A_19) -> (i32)  : i32 {
      %swap3A_139 = arith.index_cast %scan3A_137 : i32 to index
      %swap3A_140 = arith.constant 0 : index
      %swap3A_141 = tpu.vector_load %arg15[%swap3A_139, %swap3A_140] {strides = array<i32>} : memref<88x16xf32, #tpu.memory_space<vmem>>, vector<1x16xf32>,
      %swap3A_142 = vector.shape_cast %swap3A_141 : vector<1x16xf32> to vector<16xf32>
      %swap3A_143 = vector.shape_cast %broadcast_in_dim3A_18 : vector<16xf32> to vector<1x16xf32>
      tpu.vector_store %arg15[%swap3A_139, %swap3A_140], %swap3A_143 {strides = array<i32>} : memref<88x16xf32, #tpu.memory_space<vmem>>, vector<1x16xf32>,
      %scan3A_144 = arith.constant 0 : i32
      scf.yield %scan3A_144 : i32
    }
    %scan3A_25 = arith.constant 88 : i32
    %broadcast_in_dim3A_26 = arith.constant 0.000000e+00 : f32
    %broadcast_in_dim3A_27 = vector.broadcast %broadcast_in_dim3A_26 : f32 to vector<16xf32>
    %scan3A_28 = arith.constant 0 : i32
    %scan3A_29 = arith.constant 0 : i32
    %scan3A_30 = arith.constant 88 : i32
    %scan3A_31 = arith.addi %scan3A_29, %scan3A_30 : i32
    %scan3A_32 = arith.constant 1 : i32
    %scan3A_33 = scf.for %scan3A_137 = %scan3A_29 to %scan3A_31 step %scan3A_32 iter_args(%scan3A_138 = %scan3A_28) -> (i32)  : i32 {
      %swap3A_139 = arith.index_cast %scan3A_137 : i32 to index
      %swap3A_140 = arith.constant 0 : index
      %swap3A_141 = tpu.vector_load %arg16[%swap3A_139, %swap3A_140] {strides = array<i32>} : memref<88x16xf32, #tpu.memory_space<vmem>>, vector<1x16xf32>,
      %swap3A_142 = vector.shape_cast %swap3A_141 : vector<1x16xf32> to vector<16xf32>
      %swap3A_143 = vector.shape_cast %broadcast_in_dim3A_27 : vector<16xf32> to vector<1x16xf32>
      tpu.vector_store %arg16[%swap3A_139, %swap3A_140], %swap3A_143 {strides = array<i32>} : memref<88x16xf32, #tpu.memory_space<vmem>>, vector<1x16xf32>,
      %scan3A_144 = arith.constant 0 : i32
      scf.yield %scan3A_144 : i32
    }
    %scan3A_34 = arith.constant 88 : i32
    %mul3A_35 = arith.constant 625 : i32
    %mul3A_36 = arith.muli %arg1, %mul3A_35 : i32
    %add3A = arith.constant 0 : i32
    %add3A_37 = arith.addi %mul3A_36, %add3A : i32
    "tpu.region"() ({
      %run_scoped3A = tpu.sem_alloc : memref<!tpu.dma_semaphore, #tpu.memory_space<semaphore_mem>>
      %dma_start3A_137 = arith.constant 0 : i32
      %dma_start3A_138 = arith.constant 0 : i32
      %dma_start3A_139 = tpu.memref_slice %arg13[%dma_start3A_137, %dma_start3A_138] : memref<88x144xf32, #tpu.memory_space<vmem>> -> memref<80x144xf32, #tpu.memory_space<vmem>>
      %dma_start3A_140 = arith.constant 0 : i32
      %dma_start3A_141 = tpu.memref_slice %arg17[%add3A_37, %dma_start3A_140] : memref<10000x144xf32, #tpu.memory_space<vmem_shared>> -> memref<80x144xf32, #tpu.memory_space<vmem_shared>>
      %dma_start3A_142 = arith.constant 0 : i32
      %dma_start3A_143 = tpu.memref_slice %arg17[%add3A_37, %dma_start3A_142] : memref<10000x144xf32, #tpu.memory_space<vmem_shared>> -> memref<80x144xf32, #tpu.memory_space<vmem_shared>>
      %dma_start3A_144 = arith.constant 0 : i32
      %dma_start3A_145 = arith.constant 0 : i32
      %dma_start3A_146 = tpu.memref_slice %arg13[%dma_start3A_144, %dma_start3A_145] : memref<88x144xf32, #tpu.memory_space<vmem>> -> memref<80x144xf32, #tpu.memory_space<vmem>>
      tpu.enqueue_dma source(%dma_start3A_146 : memref<80x144xf32, #tpu.memory_space<vmem>>) target(%dma_start3A_143 : memref<80x144xf32, #tpu.memory_space<vmem_shared>>) target_semaphore(%run_scoped3A : memref<!tpu.dma_semaphore, #tpu.memory_space<semaphore_mem>>)
      %dma_wait3A_147 = arith.constant 0 : i32
      %dma_wait3A_148 = arith.constant 0 : i32
      %dma_wait3A_149 = tpu.memref_slice %arg13[%dma_wait3A_147, %dma_wait3A_148] : memref<88x144xf32, #tpu.memory_space<vmem>> -> memref<80x144xf32, #tpu.memory_space<vmem>>
      %dma_wait3A_150 = arith.constant 0 : i32
      %dma_wait3A_151 = tpu.memref_slice %arg17[%add3A_37, %dma_wait3A_150] : memref<10000x144xf32, #tpu.memory_space<vmem_shared>> -> memref<80x144xf32, #tpu.memory_space<vmem_shared>>
      %dma_wait3A_152 = arith.constant 0 : i32
      %dma_wait3A_153 = tpu.memref_slice %arg17[%add3A_37, %dma_wait3A_152] : memref<10000x144xf32, #tpu.memory_space<vmem_shared>> -> memref<80x144xf32, #tpu.memory_space<vmem_shared>>
      %dma_wait3A_154 = arith.constant 0 : i32
      %dma_wait3A_155 = arith.constant 0 : i32
      %dma_wait3A_156 = tpu.memref_slice %arg13[%dma_wait3A_154, %dma_wait3A_155] : memref<88x144xf32, #tpu.memory_space<vmem>> -> memref<80x144xf32, #tpu.memory_space<vmem>>
      tpu.wait_dma2 semaphore(%run_scoped3A : memref<!tpu.dma_semaphore, #tpu.memory_space<semaphore_mem>>) src(%dma_wait3A_156 : memref<80x144xf32, #tpu.memory_space<vmem>>) dst(%dma_wait3A_153 : memref<80x144xf32, #tpu.memory_space<vmem_shared>>)
      tpu.yield
    }) : () -> ()
    %add3A_38 = arith.constant 80 : i32
    %add3A_39 = arith.addi %mul3A_36, %add3A_38 : i32
    "tpu.region"() ({
      %run_scoped3A = tpu.sem_alloc : memref<!tpu.dma_semaphore, #tpu.memory_space<semaphore_mem>>
      %dma_start3A_137 = arith.constant 0 : i32
      %dma_start3A_138 = arith.constant 0 : i32
      %dma_start3A_139 = tpu.memref_slice %arg13[%dma_start3A_137, %dma_start3A_138] : memref<88x144xf32, #tpu.memory_space<vmem>> -> memref<80x144xf32, #tpu.memory_space<vmem>>
      %dma_start3A_140 = arith.constant 0 : i32
      %dma_start3A_141 = tpu.memref_slice %arg17[%add3A_39, %dma_start3A_140] : memref<10000x144xf32, #tpu.memory_space<vmem_shared>> -> memref<80x144xf32, #tpu.memory_space<vmem_shared>>
      %dma_start3A_142 = arith.constant 0 : i32
      %dma_start3A_143 = tpu.memref_slice %arg17[%add3A_39, %dma_start3A_142] : memref<10000x144xf32, #tpu.memory_space<vmem_shared>> -> memref<80x144xf32, #tpu.memory_space<vmem_shared>>
      %dma_start3A_144 = arith.constant 0 : i32
      %dma_start3A_145 = arith.constant 0 : i32
      %dma_start3A_146 = tpu.memref_slice %arg13[%dma_start3A_144, %dma_start3A_145] : memref<88x144xf32, #tpu.memory_space<vmem>> -> memref<80x144xf32, #tpu.memory_space<vmem>>
      tpu.enqueue_dma source(%dma_start3A_146 : memref<80x144xf32, #tpu.memory_space<vmem>>) target(%dma_start3A_143 : memref<80x144xf32, #tpu.memory_space<vmem_shared>>) target_semaphore(%run_scoped3A : memref<!tpu.dma_semaphore, #tpu.memory_space<semaphore_mem>>)
      %dma_wait3A_147 = arith.constant 0 : i32
      %dma_wait3A_148 = arith.constant 0 : i32
      %dma_wait3A_149 = tpu.memref_slice %arg13[%dma_wait3A_147, %dma_wait3A_148] : memref<88x144xf32, #tpu.memory_space<vmem>> -> memref<80x144xf32, #tpu.memory_space<vmem>>
      %dma_wait3A_150 = arith.constant 0 : i32
      %dma_wait3A_151 = tpu.memref_slice %arg17[%add3A_39, %dma_wait3A_150] : memref<10000x144xf32, #tpu.memory_space<vmem_shared>> -> memref<80x144xf32, #tpu.memory_space<vmem_shared>>
      %dma_wait3A_152 = arith.constant 0 : i32
      %dma_wait3A_153 = tpu.memref_slice %arg17[%add3A_39, %dma_wait3A_152] : memref<10000x144xf32, #tpu.memory_space<vmem_shared>> -> memref<80x144xf32, #tpu.memory_space<vmem_shared>>
      %dma_wait3A_154 = arith.constant 0 : i32
      %dma_wait3A_155 = arith.constant 0 : i32
      %dma_wait3A_156 = tpu.memref_slice %arg13[%dma_wait3A_154, %dma_wait3A_155] : memref<88x144xf32, #tpu.memory_space<vmem>> -> memref<80x144xf32, #tpu.memory_space<vmem>>
      tpu.wait_dma2 semaphore(%run_scoped3A : memref<!tpu.dma_semaphore, #tpu.memory_space<semaphore_mem>>) src(%dma_wait3A_156 : memref<80x144xf32, #tpu.memory_space<vmem>>) dst(%dma_wait3A_153 : memref<80x144xf32, #tpu.memory_space<vmem_shared>>)
      tpu.yield
    }) : () -> ()
    %add3A_40 = arith.constant 160 : i32
    %add3A_41 = arith.addi %mul3A_36, %add3A_40 : i32
    "tpu.region"() ({
      %run_scoped3A = tpu.sem_alloc : memref<!tpu.dma_semaphore, #tpu.memory_space<semaphore_mem>>
      %dma_start3A_137 = arith.constant 0 : i32
      %dma_start3A_138 = arith.constant 0 : i32
      %dma_start3A_139 = tpu.memref_slice %arg13[%dma_start3A_137, %dma_start3A_138] : memref<88x144xf32, #tpu.memory_space<vmem>> -> memref<80x144xf32, #tpu.memory_space<vmem>>
      %dma_start3A_140 = arith.constant 0 : i32
      %dma_start3A_141 = tpu.memref_slice %arg17[%add3A_41, %dma_start3A_140] : memref<10000x144xf32, #tpu.memory_space<vmem_shared>> -> memref<80x144xf32, #tpu.memory_space<vmem_shared>>
      %dma_start3A_142 = arith.constant 0 : i32
      %dma_start3A_143 = tpu.memref_slice %arg17[%add3A_41, %dma_start3A_142] : memref<10000x144xf32, #tpu.memory_space<vmem_shared>> -> memref<80x144xf32, #tpu.memory_space<vmem_shared>>
      %dma_start3A_144 = arith.constant 0 : i32
      %dma_start3A_145 = arith.constant 0 : i32
      %dma_start3A_146 = tpu.memref_slice %arg13[%dma_start3A_144, %dma_start3A_145] : memref<88x144xf32, #tpu.memory_space<vmem>> -> memref<80x144xf32, #tpu.memory_space<vmem>>
      tpu.enqueue_dma source(%dma_start3A_146 : memref<80x144xf32, #tpu.memory_space<vmem>>) target(%dma_start3A_143 : memref<80x144xf32, #tpu.memory_space<vmem_shared>>) target_semaphore(%run_scoped3A : memref<!tpu.dma_semaphore, #tpu.memory_space<semaphore_mem>>)
      %dma_wait3A_147 = arith.constant 0 : i32
      %dma_wait3A_148 = arith.constant 0 : i32
      %dma_wait3A_149 = tpu.memref_slice %arg13[%dma_wait3A_147, %dma_wait3A_148] : memref<88x144xf32, #tpu.memory_space<vmem>> -> memref<80x144xf32, #tpu.memory_space<vmem>>
      %dma_wait3A_150 = arith.constant 0 : i32
      %dma_wait3A_151 = tpu.memref_slice %arg17[%add3A_41, %dma_wait3A_150] : memref<10000x144xf32, #tpu.memory_space<vmem_shared>> -> memref<80x144xf32, #tpu.memory_space<vmem_shared>>
      %dma_wait3A_152 = arith.constant 0 : i32
      %dma_wait3A_153 = tpu.memref_slice %arg17[%add3A_41, %dma_wait3A_152] : memref<10000x144xf32, #tpu.memory_space<vmem_shared>> -> memref<80x144xf32, #tpu.memory_space<vmem_shared>>
      %dma_wait3A_154 = arith.constant 0 : i32
      %dma_wait3A_155 = arith.constant 0 : i32
      %dma_wait3A_156 = tpu.memref_slice %arg13[%dma_wait3A_154, %dma_wait3A_155] : memref<88x144xf32, #tpu.memory_space<vmem>> -> memref<80x144xf32, #tpu.memory_space<vmem>>
      tpu.wait_dma2 semaphore(%run_scoped3A : memref<!tpu.dma_semaphore, #tpu.memory_space<semaphore_mem>>) src(%dma_wait3A_156 : memref<80x144xf32, #tpu.memory_space<vmem>>) dst(%dma_wait3A_153 : memref<80x144xf32, #tpu.memory_space<vmem_shared>>)
      tpu.yield
    }) : () -> ()
    %add3A_42 = arith.constant 240 : i32
    %add3A_43 = arith.addi %mul3A_36, %add3A_42 : i32
    "tpu.region"() ({
      %run_scoped3A = tpu.sem_alloc : memref<!tpu.dma_semaphore, #tpu.memory_space<semaphore_mem>>
      %dma_start3A_137 = arith.constant 0 : i32
      %dma_start3A_138 = arith.constant 0 : i32
      %dma_start3A_139 = tpu.memref_slice %arg13[%dma_start3A_137, %dma_start3A_138] : memref<88x144xf32, #tpu.memory_space<vmem>> -> memref<80x144xf32, #tpu.memory_space<vmem>>
      %dma_start3A_140 = arith.constant 0 : i32
      %dma_start3A_141 = tpu.memref_slice %arg17[%add3A_43, %dma_start3A_140] : memref<10000x144xf32, #tpu.memory_space<vmem_shared>> -> memref<80x144xf32, #tpu.memory_space<vmem_shared>>
      %dma_start3A_142 = arith.constant 0 : i32
      %dma_start3A_143 = tpu.memref_slice %arg17[%add3A_43, %dma_start3A_142] : memref<10000x144xf32, #tpu.memory_space<vmem_shared>> -> memref<80x144xf32, #tpu.memory_space<vmem_shared>>
      %dma_start3A_144 = arith.constant 0 : i32
      %dma_start3A_145 = arith.constant 0 : i32
      %dma_start3A_146 = tpu.memref_slice %arg13[%dma_start3A_144, %dma_start3A_145] : memref<88x144xf32, #tpu.memory_space<vmem>> -> memref<80x144xf32, #tpu.memory_space<vmem>>
      tpu.enqueue_dma source(%dma_start3A_146 : memref<80x144xf32, #tpu.memory_space<vmem>>) target(%dma_start3A_143 : memref<80x144xf32, #tpu.memory_space<vmem_shared>>) target_semaphore(%run_scoped3A : memref<!tpu.dma_semaphore, #tpu.memory_space<semaphore_mem>>)
      %dma_wait3A_147 = arith.constant 0 : i32
      %dma_wait3A_148 = arith.constant 0 : i32
      %dma_wait3A_149 = tpu.memref_slice %arg13[%dma_wait3A_147, %dma_wait3A_148] : memref<88x144xf32, #tpu.memory_space<vmem>> -> memref<80x144xf32, #tpu.memory_space<vmem>>
      %dma_wait3A_150 = arith.constant 0 : i32
      %dma_wait3A_151 = tpu.memref_slice %arg17[%add3A_43, %dma_wait3A_150] : memref<10000x144xf32, #tpu.memory_space<vmem_shared>> -> memref<80x144xf32, #tpu.memory_space<vmem_shared>>
      %dma_wait3A_152 = arith.constant 0 : i32
      %dma_wait3A_153 = tpu.memref_slice %arg17[%add3A_43, %dma_wait3A_152] : memref<10000x144xf32, #tpu.memory_space<vmem_shared>> -> memref<80x144xf32, #tpu.memory_space<vmem_shared>>
      %dma_wait3A_154 = arith.constant 0 : i32
      %dma_wait3A_155 = arith.constant 0 : i32
      %dma_wait3A_156 = tpu.memref_slice %arg13[%dma_wait3A_154, %dma_wait3A_155] : memref<88x144xf32, #tpu.memory_space<vmem>> -> memref<80x144xf32, #tpu.memory_space<vmem>>
      tpu.wait_dma2 semaphore(%run_scoped3A : memref<!tpu.dma_semaphore, #tpu.memory_space<semaphore_mem>>) src(%dma_wait3A_156 : memref<80x144xf32, #tpu.memory_space<vmem>>) dst(%dma_wait3A_153 : memref<80x144xf32, #tpu.memory_space<vmem_shared>>)
      tpu.yield
    }) : () -> ()
    %add3A_44 = arith.constant 320 : i32
    %add3A_45 = arith.addi %mul3A_36, %add3A_44 : i32
    "tpu.region"() ({
      %run_scoped3A = tpu.sem_alloc : memref<!tpu.dma_semaphore, #tpu.memory_space<semaphore_mem>>
      %dma_start3A_137 = arith.constant 0 : i32
      %dma_start3A_138 = arith.constant 0 : i32
      %dma_start3A_139 = tpu.memref_slice %arg13[%dma_start3A_137, %dma_start3A_138] : memref<88x144xf32, #tpu.memory_space<vmem>> -> memref<80x144xf32, #tpu.memory_space<vmem>>
      %dma_start3A_140 = arith.constant 0 : i32
      %dma_start3A_141 = tpu.memref_slice %arg17[%add3A_45, %dma_start3A_140] : memref<10000x144xf32, #tpu.memory_space<vmem_shared>> -> memref<80x144xf32, #tpu.memory_space<vmem_shared>>
      %dma_start3A_142 = arith.constant 0 : i32
      %dma_start3A_143 = tpu.memref_slice %arg17[%add3A_45, %dma_start3A_142] : memref<10000x144xf32, #tpu.memory_space<vmem_shared>> -> memref<80x144xf32, #tpu.memory_space<vmem_shared>>
      %dma_start3A_144 = arith.constant 0 : i32
      %dma_start3A_145 = arith.constant 0 : i32
      %dma_start3A_146 = tpu.memref_slice %arg13[%dma_start3A_144, %dma_start3A_145] : memref<88x144xf32, #tpu.memory_space<vmem>> -> memref<80x144xf32, #tpu.memory_space<vmem>>
      tpu.enqueue_dma source(%dma_start3A_146 : memref<80x144xf32, #tpu.memory_space<vmem>>) target(%dma_start3A_143 : memref<80x144xf32, #tpu.memory_space<vmem_shared>>) target_semaphore(%run_scoped3A : memref<!tpu.dma_semaphore, #tpu.memory_space<semaphore_mem>>)
      %dma_wait3A_147 = arith.constant 0 : i32
      %dma_wait3A_148 = arith.constant 0 : i32
      %dma_wait3A_149 = tpu.memref_slice %arg13[%dma_wait3A_147, %dma_wait3A_148] : memref<88x144xf32, #tpu.memory_space<vmem>> -> memref<80x144xf32, #tpu.memory_space<vmem>>
      %dma_wait3A_150 = arith.constant 0 : i32
      %dma_wait3A_151 = tpu.memref_slice %arg17[%add3A_45, %dma_wait3A_150] : memref<10000x144xf32, #tpu.memory_space<vmem_shared>> -> memref<80x144xf32, #tpu.memory_space<vmem_shared>>
      %dma_wait3A_152 = arith.constant 0 : i32
      %dma_wait3A_153 = tpu.memref_slice %arg17[%add3A_45, %dma_wait3A_152] : memref<10000x144xf32, #tpu.memory_space<vmem_shared>> -> memref<80x144xf32, #tpu.memory_space<vmem_shared>>
      %dma_wait3A_154 = arith.constant 0 : i32
      %dma_wait3A_155 = arith.constant 0 : i32
      %dma_wait3A_156 = tpu.memref_slice %arg13[%dma_wait3A_154, %dma_wait3A_155] : memref<88x144xf32, #tpu.memory_space<vmem>> -> memref<80x144xf32, #tpu.memory_space<vmem>>
      tpu.wait_dma2 semaphore(%run_scoped3A : memref<!tpu.dma_semaphore, #tpu.memory_space<semaphore_mem>>) src(%dma_wait3A_156 : memref<80x144xf32, #tpu.memory_space<vmem>>) dst(%dma_wait3A_153 : memref<80x144xf32, #tpu.memory_space<vmem_shared>>)
      tpu.yield
    }) : () -> ()
    %add3A_46 = arith.constant 400 : i32
    %add3A_47 = arith.addi %mul3A_36, %add3A_46 : i32
    "tpu.region"() ({
      %run_scoped3A = tpu.sem_alloc : memref<!tpu.dma_semaphore, #tpu.memory_space<semaphore_mem>>
      %dma_start3A_137 = arith.constant 0 : i32
      %dma_start3A_138 = arith.constant 0 : i32
      %dma_start3A_139 = tpu.memref_slice %arg13[%dma_start3A_137, %dma_start3A_138] : memref<88x144xf32, #tpu.memory_space<vmem>> -> memref<80x144xf32, #tpu.memory_space<vmem>>
      %dma_start3A_140 = arith.constant 0 : i32
      %dma_start3A_141 = tpu.memref_slice %arg17[%add3A_47, %dma_start3A_140] : memref<10000x144xf32, #tpu.memory_space<vmem_shared>> -> memref<80x144xf32, #tpu.memory_space<vmem_shared>>
      %dma_start3A_142 = arith.constant 0 : i32
      %dma_start3A_143 = tpu.memref_slice %arg17[%add3A_47, %dma_start3A_142] : memref<10000x144xf32, #tpu.memory_space<vmem_shared>> -> memref<80x144xf32, #tpu.memory_space<vmem_shared>>
      %dma_start3A_144 = arith.constant 0 : i32
      %dma_start3A_145 = arith.constant 0 : i32
      %dma_start3A_146 = tpu.memref_slice %arg13[%dma_start3A_144, %dma_start3A_145] : memref<88x144xf32, #tpu.memory_space<vmem>> -> memref<80x144xf32, #tpu.memory_space<vmem>>
      tpu.enqueue_dma source(%dma_start3A_146 : memref<80x144xf32, #tpu.memory_space<vmem>>) target(%dma_start3A_143 : memref<80x144xf32, #tpu.memory_space<vmem_shared>>) target_semaphore(%run_scoped3A : memref<!tpu.dma_semaphore, #tpu.memory_space<semaphore_mem>>)
      %dma_wait3A_147 = arith.constant 0 : i32
      %dma_wait3A_148 = arith.constant 0 : i32
      %dma_wait3A_149 = tpu.memref_slice %arg13[%dma_wait3A_147, %dma_wait3A_148] : memref<88x144xf32, #tpu.memory_space<vmem>> -> memref<80x144xf32, #tpu.memory_space<vmem>>
      %dma_wait3A_150 = arith.constant 0 : i32
      %dma_wait3A_151 = tpu.memref_slice %arg17[%add3A_47, %dma_wait3A_150] : memref<10000x144xf32, #tpu.memory_space<vmem_shared>> -> memref<80x144xf32, #tpu.memory_space<vmem_shared>>
      %dma_wait3A_152 = arith.constant 0 : i32
      %dma_wait3A_153 = tpu.memref_slice %arg17[%add3A_47, %dma_wait3A_152] : memref<10000x144xf32, #tpu.memory_space<vmem_shared>> -> memref<80x144xf32, #tpu.memory_space<vmem_shared>>
      %dma_wait3A_154 = arith.constant 0 : i32
      %dma_wait3A_155 = arith.constant 0 : i32
      %dma_wait3A_156 = tpu.memref_slice %arg13[%dma_wait3A_154, %dma_wait3A_155] : memref<88x144xf32, #tpu.memory_space<vmem>> -> memref<80x144xf32, #tpu.memory_space<vmem>>
      tpu.wait_dma2 semaphore(%run_scoped3A : memref<!tpu.dma_semaphore, #tpu.memory_space<semaphore_mem>>) src(%dma_wait3A_156 : memref<80x144xf32, #tpu.memory_space<vmem>>) dst(%dma_wait3A_153 : memref<80x144xf32, #tpu.memory_space<vmem_shared>>)
      tpu.yield
    }) : () -> ()
    %add3A_48 = arith.constant 480 : i32
    %add3A_49 = arith.addi %mul3A_36, %add3A_48 : i32
    "tpu.region"() ({
      %run_scoped3A = tpu.sem_alloc : memref<!tpu.dma_semaphore, #tpu.memory_space<semaphore_mem>>
      %dma_start3A_137 = arith.constant 0 : i32
      %dma_start3A_138 = arith.constant 0 : i32
      %dma_start3A_139 = tpu.memref_slice %arg13[%dma_start3A_137, %dma_start3A_138] : memref<88x144xf32, #tpu.memory_space<vmem>> -> memref<80x144xf32, #tpu.memory_space<vmem>>
      %dma_start3A_140 = arith.constant 0 : i32
      %dma_start3A_141 = tpu.memref_slice %arg17[%add3A_49, %dma_start3A_140] : memref<10000x144xf32, #tpu.memory_space<vmem_shared>> -> memref<80x144xf32, #tpu.memory_space<vmem_shared>>
      %dma_start3A_142 = arith.constant 0 : i32
      %dma_start3A_143 = tpu.memref_slice %arg17[%add3A_49, %dma_start3A_142] : memref<10000x144xf32, #tpu.memory_space<vmem_shared>> -> memref<80x144xf32, #tpu.memory_space<vmem_shared>>
      %dma_start3A_144 = arith.constant 0 : i32
      %dma_start3A_145 = arith.constant 0 : i32
      %dma_start3A_146 = tpu.memref_slice %arg13[%dma_start3A_144, %dma_start3A_145] : memref<88x144xf32, #tpu.memory_space<vmem>> -> memref<80x144xf32, #tpu.memory_space<vmem>>
      tpu.enqueue_dma source(%dma_start3A_146 : memref<80x144xf32, #tpu.memory_space<vmem>>) target(%dma_start3A_143 : memref<80x144xf32, #tpu.memory_space<vmem_shared>>) target_semaphore(%run_scoped3A : memref<!tpu.dma_semaphore, #tpu.memory_space<semaphore_mem>>)
      %dma_wait3A_147 = arith.constant 0 : i32
      %dma_wait3A_148 = arith.constant 0 : i32
      %dma_wait3A_149 = tpu.memref_slice %arg13[%dma_wait3A_147, %dma_wait3A_148] : memref<88x144xf32, #tpu.memory_space<vmem>> -> memref<80x144xf32, #tpu.memory_space<vmem>>
      %dma_wait3A_150 = arith.constant 0 : i32
      %dma_wait3A_151 = tpu.memref_slice %arg17[%add3A_49, %dma_wait3A_150] : memref<10000x144xf32, #tpu.memory_space<vmem_shared>> -> memref<80x144xf32, #tpu.memory_space<vmem_shared>>
      %dma_wait3A_152 = arith.constant 0 : i32
      %dma_wait3A_153 = tpu.memref_slice %arg17[%add3A_49, %dma_wait3A_152] : memref<10000x144xf32, #tpu.memory_space<vmem_shared>> -> memref<80x144xf32, #tpu.memory_space<vmem_shared>>
      %dma_wait3A_154 = arith.constant 0 : i32
      %dma_wait3A_155 = arith.constant 0 : i32
      %dma_wait3A_156 = tpu.memref_slice %arg13[%dma_wait3A_154, %dma_wait3A_155] : memref<88x144xf32, #tpu.memory_space<vmem>> -> memref<80x144xf32, #tpu.memory_space<vmem>>
      tpu.wait_dma2 semaphore(%run_scoped3A : memref<!tpu.dma_semaphore, #tpu.memory_space<semaphore_mem>>) src(%dma_wait3A_156 : memref<80x144xf32, #tpu.memory_space<vmem>>) dst(%dma_wait3A_153 : memref<80x144xf32, #tpu.memory_space<vmem_shared>>)
      tpu.yield
    }) : () -> ()
    %add3A_50 = arith.constant 625 : i32
    %add3A_51 = arith.addi %mul3A_36, %add3A_50 : i32
    %sub3A = arith.constant 65 : i32
    %sub3A_52 = arith.subi %add3A_51, %sub3A : i32
    "tpu.region"() ({
      %run_scoped3A = tpu.sem_alloc : memref<!tpu.dma_semaphore, #tpu.memory_space<semaphore_mem>>
      %dma_start3A_137 = arith.constant 0 : i32
      %dma_start3A_138 = arith.constant 0 : i32
      %dma_start3A_139 = tpu.memref_slice %arg13[%dma_start3A_137, %dma_start3A_138] : memref<88x144xf32, #tpu.memory_space<vmem>> -> memref<65x144xf32, #tpu.memory_space<vmem>>
      %dma_start3A_140 = arith.constant 0 : i32
      %dma_start3A_141 = tpu.memref_slice %arg17[%sub3A_52, %dma_start3A_140] : memref<10000x144xf32, #tpu.memory_space<vmem_shared>> -> memref<65x144xf32, #tpu.memory_space<vmem_shared>>
      %dma_start3A_142 = arith.constant 0 : i32
      %dma_start3A_143 = tpu.memref_slice %arg17[%sub3A_52, %dma_start3A_142] : memref<10000x144xf32, #tpu.memory_space<vmem_shared>> -> memref<65x144xf32, #tpu.memory_space<vmem_shared>>
      %dma_start3A_144 = arith.constant 0 : i32
      %dma_start3A_145 = arith.constant 0 : i32
      %dma_start3A_146 = tpu.memref_slice %arg13[%dma_start3A_144, %dma_start3A_145] : memref<88x144xf32, #tpu.memory_space<vmem>> -> memref<65x144xf32, #tpu.memory_space<vmem>>
      tpu.enqueue_dma source(%dma_start3A_146 : memref<65x144xf32, #tpu.memory_space<vmem>>) target(%dma_start3A_143 : memref<65x144xf32, #tpu.memory_space<vmem_shared>>) target_semaphore(%run_scoped3A : memref<!tpu.dma_semaphore, #tpu.memory_space<semaphore_mem>>)
      %dma_wait3A_147 = arith.constant 0 : i32
      %dma_wait3A_148 = arith.constant 0 : i32
      %dma_wait3A_149 = tpu.memref_slice %arg13[%dma_wait3A_147, %dma_wait3A_148] : memref<88x144xf32, #tpu.memory_space<vmem>> -> memref<65x144xf32, #tpu.memory_space<vmem>>
      %dma_wait3A_150 = arith.constant 0 : i32
      %dma_wait3A_151 = tpu.memref_slice %arg17[%sub3A_52, %dma_wait3A_150] : memref<10000x144xf32, #tpu.memory_space<vmem_shared>> -> memref<65x144xf32, #tpu.memory_space<vmem_shared>>
      %dma_wait3A_152 = arith.constant 0 : i32
      %dma_wait3A_153 = tpu.memref_slice %arg17[%sub3A_52, %dma_wait3A_152] : memref<10000x144xf32, #tpu.memory_space<vmem_shared>> -> memref<65x144xf32, #tpu.memory_space<vmem_shared>>
      %dma_wait3A_154 = arith.constant 0 : i32
      %dma_wait3A_155 = arith.constant 0 : i32
      %dma_wait3A_156 = tpu.memref_slice %arg13[%dma_wait3A_154, %dma_wait3A_155] : memref<88x144xf32, #tpu.memory_space<vmem>> -> memref<65x144xf32, #tpu.memory_space<vmem>>
      tpu.wait_dma2 semaphore(%run_scoped3A : memref<!tpu.dma_semaphore, #tpu.memory_space<semaphore_mem>>) src(%dma_wait3A_156 : memref<65x144xf32, #tpu.memory_space<vmem>>) dst(%dma_wait3A_153 : memref<65x144xf32, #tpu.memory_space<vmem_shared>>)
      tpu.yield
    }) : () -> ()
    %barrier3A = arith.constant 0 : index
    tpu.barrier barrier_id(%barrier3A)
    %mul3A_53 = arith.constant 10000 : i32
    %mul3A_54 = arith.muli %arg0, %mul3A_53 : i32
    %iota3A = tpu.iota {dimensions = array<i32: 0>} : vector<16xi32>
    %iota3A_55 = tpu.iota {dimensions = array<i32: 0>} : vector<16xi32>
    "tpu.region"() ({
      %run_scoped3A = tpu.sem_alloc : memref<!tpu.dma_semaphore, #tpu.memory_space<semaphore_mem>>
      %dma_start3A_137 = tpu.memref_slice %arg4[%multiple_of3A] : memref<320000xi32, #tpu.memory_space<hbm>> -> memref<80xi32, #tpu.memory_space<hbm>>
      %dma_start3A_138 = tpu.memref_slice %arg4[%multiple_of3A] : memref<320000xi32, #tpu.memory_space<hbm>> -> memref<80xi32, #tpu.memory_space<hbm>>
      tpu.enqueue_dma source(%dma_start3A_138 : memref<80xi32, #tpu.memory_space<hbm>>) target(%arg7 : memref<80xi32, #tpu.memory_space<vmem>>) target_semaphore(%run_scoped3A : memref<!tpu.dma_semaphore, #tpu.memory_space<semaphore_mem>>)
      %dma_wait3A_139 = tpu.memref_slice %arg4[%multiple_of3A] : memref<320000xi32, #tpu.memory_space<hbm>> -> memref<80xi32, #tpu.memory_space<hbm>>
      %dma_wait3A_140 = tpu.memref_slice %arg4[%multiple_of3A] : memref<320000xi32, #tpu.memory_space<hbm>> -> memref<80xi32, #tpu.memory_space<hbm>>
      tpu.wait_dma2 semaphore(%run_scoped3A : memref<!tpu.dma_semaphore, #tpu.memory_space<semaphore_mem>>) src(%dma_wait3A_140 : memref<80xi32, #tpu.memory_space<hbm>>) dst(%arg7 : memref<80xi32, #tpu.memory_space<vmem>>)
      tpu.yield
    }) : () -> ()
    "tpu.region"() ({
      %run_scoped3A = tpu.sem_alloc : memref<!tpu.dma_semaphore, #tpu.memory_space<semaphore_mem>>
      %dma_start3A_137 = tpu.memref_slice %arg5[%multiple_of3A] : memref<320000xi32, #tpu.memory_space<hbm>> -> memref<80xi32, #tpu.memory_space<hbm>>
      %dma_start3A_138 = tpu.memref_slice %arg5[%multiple_of3A] : memref<320000xi32, #tpu.memory_space<hbm>> -> memref<80xi32, #tpu.memory_space<hbm>>
      tpu.enqueue_dma source(%dma_start3A_138 : memref<80xi32, #tpu.memory_space<hbm>>) target(%arg9 : memref<80xi32, #tpu.memory_space<vmem>>) target_semaphore(%run_scoped3A : memref<!tpu.dma_semaphore, #tpu.memory_space<semaphore_mem>>)
      %dma_wait3A_139 = tpu.memref_slice %arg5[%multiple_of3A] : memref<320000xi32, #tpu.memory_space<hbm>> -> memref<80xi32, #tpu.memory_space<hbm>>
      %dma_wait3A_140 = tpu.memref_slice %arg5[%multiple_of3A] : memref<320000xi32, #tpu.memory_space<hbm>> -> memref<80xi32, #tpu.memory_space<hbm>>
      tpu.wait_dma2 semaphore(%run_scoped3A : memref<!tpu.dma_semaphore, #tpu.memory_space<semaphore_mem>>) src(%dma_wait3A_140 : memref<80xi32, #tpu.memory_space<hbm>>) dst(%arg9 : memref<80xi32, #tpu.memory_space<vmem>>)
      tpu.yield
    }) : () -> ()
    %get3A = arith.constant 0 : index
    %get3A_56 = tpu.vector_load %arg7[%get3A] {strides = array<i32>} : memref<80xi32, #tpu.memory_space<vmem>>, vector<16xi32>,
    %get3A_57 = vector.shape_cast %get3A_56 : vector<16xi32> to vector<16xi32>
    %add3A_58 = vector.broadcast %mul3A_54 : i32 to vector<16xi32>
    %add3A_59 = arith.addi %get3A_57, %add3A_58 : vector<16xi32>
    %swap3A = arith.constant 0 : index
    %swap3A_60 = tpu.vector_load %arg7[%swap3A] {strides = array<i32>} : memref<80xi32, #tpu.memory_space<vmem>>, vector<16xi32>,
    %swap3A_61 = vector.shape_cast %swap3A_60 : vector<16xi32> to vector<16xi32>
    %swap3A_62 = vector.shape_cast %add3A_59 : vector<16xi32> to vector<16xi32>
    tpu.vector_store %arg7[%swap3A], %swap3A_62 {strides = array<i32>} : memref<80xi32, #tpu.memory_space<vmem>>, vector<16xi32>,
    %get3A_63 = arith.constant 16 : index
    %get3A_64 = tpu.vector_load %arg7[%get3A_63] {strides = array<i32>} : memref<80xi32, #tpu.memory_space<vmem>>, vector<16xi32>,
    %get3A_65 = vector.shape_cast %get3A_64 : vector<16xi32> to vector<16xi32>
    %add3A_66 = vector.broadcast %mul3A_54 : i32 to vector<16xi32>
    %add3A_67 = arith.addi %get3A_65, %add3A_66 : vector<16xi32>
    %swap3A_68 = arith.constant 16 : index
    %swap3A_69 = tpu.vector_load %arg7[%swap3A_68] {strides = array<i32>} : memref<80xi32, #tpu.memory_space<vmem>>, vector<16xi32>,
    %swap3A_70 = vector.shape_cast %swap3A_69 : vector<16xi32> to vector<16xi32>
    %swap3A_71 = vector.shape_cast %add3A_67 : vector<16xi32> to vector<16xi32>
    tpu.vector_store %arg7[%swap3A_68], %swap3A_71 {strides = array<i32>} : memref<80xi32, #tpu.memory_space<vmem>>, vector<16xi32>,
    %get3A_72 = arith.constant 32 : index
    %get3A_73 = tpu.vector_load %arg7[%get3A_72] {strides = array<i32>} : memref<80xi32, #tpu.memory_space<vmem>>, vector<16xi32>,
    %get3A_74 = vector.shape_cast %get3A_73 : vector<16xi32> to vector<16xi32>
    %add3A_75 = vector.broadcast %mul3A_54 : i32 to vector<16xi32>
    %add3A_76 = arith.addi %get3A_74, %add3A_75 : vector<16xi32>
    %swap3A_77 = arith.constant 32 : index
    %swap3A_78 = tpu.vector_load %arg7[%swap3A_77] {strides = array<i32>} : memref<80xi32, #tpu.memory_space<vmem>>, vector<16xi32>,
    %swap3A_79 = vector.shape_cast %swap3A_78 : vector<16xi32> to vector<16xi32>
    %swap3A_80 = vector.shape_cast %add3A_76 : vector<16xi32> to vector<16xi32>
    tpu.vector_store %arg7[%swap3A_77], %swap3A_80 {strides = array<i32>} : memref<80xi32, #tpu.memory_space<vmem>>, vector<16xi32>,
    %get3A_81 = arith.constant 48 : index
    %get3A_82 = tpu.vector_load %arg7[%get3A_81] {strides = array<i32>} : memref<80xi32, #tpu.memory_space<vmem>>, vector<16xi32>,
    %get3A_83 = vector.shape_cast %get3A_82 : vector<16xi32> to vector<16xi32>
    %add3A_84 = vector.broadcast %mul3A_54 : i32 to vector<16xi32>
    %add3A_85 = arith.addi %get3A_83, %add3A_84 : vector<16xi32>
    %swap3A_86 = arith.constant 48 : index
    %swap3A_87 = tpu.vector_load %arg7[%swap3A_86] {strides = array<i32>} : memref<80xi32, #tpu.memory_space<vmem>>, vector<16xi32>,
    %swap3A_88 = vector.shape_cast %swap3A_87 : vector<16xi32> to vector<16xi32>
    %swap3A_89 = vector.shape_cast %add3A_85 : vector<16xi32> to vector<16xi32>
    tpu.vector_store %arg7[%swap3A_86], %swap3A_89 {strides = array<i32>} : memref<80xi32, #tpu.memory_space<vmem>>, vector<16xi32>,
    %get3A_90 = arith.constant 64 : index
    %get3A_91 = tpu.vector_load %arg7[%get3A_90] {strides = array<i32>} : memref<80xi32, #tpu.memory_space<vmem>>, vector<16xi32>,
    %get3A_92 = vector.shape_cast %get3A_91 : vector<16xi32> to vector<16xi32>
    %add3A_93 = vector.broadcast %mul3A_54 : i32 to vector<16xi32>
    %add3A_94 = arith.addi %get3A_92, %add3A_93 : vector<16xi32>
    %swap3A_95 = arith.constant 64 : index
    %swap3A_96 = tpu.vector_load %arg7[%swap3A_95] {strides = array<i32>} : memref<80xi32, #tpu.memory_space<vmem>>, vector<16xi32>,
    %swap3A_97 = vector.shape_cast %swap3A_96 : vector<16xi32> to vector<16xi32>
    %swap3A_98 = vector.shape_cast %add3A_94 : vector<16xi32> to vector<16xi32>
    tpu.vector_store %arg7[%swap3A_95], %swap3A_98 {strides = array<i32>} : memref<80xi32, #tpu.memory_space<vmem>>, vector<16xi32>,
    %dma_start3A = arith.constant 0 : i32
    %dma_start3A_99 = arith.constant 0 : i32
    %dma_start3A_100 = tpu.memref_slice %arg13[%dma_start3A, %dma_start3A_99] : memref<88x144xf32, #tpu.memory_space<vmem>> -> memref<80x144xf32, #tpu.memory_space<vmem>>
    %dma_start3A_101 = arith.constant 0 : i32
    %dma_start3A_102 = arith.constant 0 : i32
    %dma_start3A_103 = tpu.memref_slice %arg2[%dma_start3A_101, %dma_start3A_102] : memref<20000x144xf32, #tpu.memory_space<hbm>> -> memref<20000x144xf32, #tpu.memory_space<hbm>>
    tpu.enqueue_indirect_dma source(%dma_start3A_103 : memref<20000x144xf32, #tpu.memory_space<hbm>>) target(%dma_start3A_100 : memref<80x144xf32, #tpu.memory_space<vmem>>) offsets(%arg7 : memref<80xi32, #tpu.memory_space<vmem>>) semaphore(%arg18 : memref<!tpu.dma_semaphore, #tpu.memory_space<semaphore_mem>>)
    %dma_start3A_104 = arith.constant 0 : i32
    %dma_start3A_105 = arith.constant 0 : i32
    %dma_start3A_106 = tpu.memref_slice %arg15[%dma_start3A_104, %dma_start3A_105] : memref<88x16xf32, #tpu.memory_space<vmem>> -> memref<80x16xf32, #tpu.memory_space<vmem>>
    %dma_start3A_107 = arith.constant 0 : i32
    %dma_start3A_108 = arith.constant 0 : i32
    %dma_start3A_109 = tpu.memref_slice %arg3[%dma_start3A_107, %dma_start3A_108] : memref<10000x16xf32, #tpu.memory_space<hbm>> -> memref<10000x16xf32, #tpu.memory_space<hbm>>
    tpu.enqueue_indirect_dma source(%dma_start3A_109 : memref<10000x16xf32, #tpu.memory_space<hbm>>) target(%dma_start3A_106 : memref<80x16xf32, #tpu.memory_space<vmem>>) offsets(%arg9 : memref<80xi32, #tpu.memory_space<vmem>>) semaphore(%arg20 : memref<!tpu.dma_semaphore, #tpu.memory_space<semaphore_mem>>)
    %add3A_110 = arith.constant 80 : i32
    %add3A_111 = arith.addi %multiple_of3A, %add3A_110 : i32
    %multiple_of3A_112 = tpu.assume_multiple %add3A_111, 8 : i32
    %dma_start3A_113 = tpu.memref_slice %arg4[%multiple_of3A_112] : memref<320000xi32, #tpu.memory_space<hbm>> -> memref<80xi32, #tpu.memory_space<hbm>>
    %dma_start3A_114 = tpu.memref_slice %arg4[%multiple_of3A_112] : memref<320000xi32, #tpu.memory_space<hbm>> -> memref<80xi32, #tpu.memory_space<hbm>>
    tpu.enqueue_dma source(%dma_start3A_114 : memref<80xi32, #tpu.memory_space<hbm>>) target(%arg8 : memref<80xi32, #tpu.memory_space<vmem>>) target_semaphore(%arg25 : memref<!tpu.dma_semaphore, #tpu.memory_space<semaphore_mem>>)
    %dma_start3A_115 = tpu.memref_slice %arg5[%multiple_of3A_112] : memref<320000xi32, #tpu.memory_space<hbm>> -> memref<80xi32, #tpu.memory_space<hbm>>
    %dma_start3A_116 = tpu.memref_slice %arg5[%multiple_of3A_112] : memref<320000xi32, #tpu.memory_space<hbm>> -> memref<80xi32, #tpu.memory_space<hbm>>
    tpu.enqueue_dma source(%dma_start3A_116 : memref<80xi32, #tpu.memory_space<hbm>>) target(%arg10 : memref<80xi32, #tpu.memory_space<vmem>>) target_semaphore(%arg25 : memref<!tpu.dma_semaphore, #tpu.memory_space<semaphore_mem>>)
    %scan3A_117 = arith.constant 0 : i32
    %scan3A_118 = arith.constant 0 : i32
    %scan3A_119 = arith.constant 125 : i32
    %scan3A_120 = arith.addi %scan3A_118, %scan3A_119 : i32
    %scan3A_121 = arith.constant 1 : i32
    %scan3A_122 = scf.for %scan3A_137 = %scan3A_118 to %scan3A_120 step %scan3A_121 iter_args(%scan3A_138 = %scan3A_117) -> (i32)  : i32 {
      %mul3A_139 = arith.constant 2 : i32
      %mul3A_140 = arith.muli %mul3A_139, %scan3A_137 : i32
      %add3A_141 = arith.constant 0 : i32
      %add3A_142 = arith.addi %mul3A_140, %add3A_141 : i32
      %ge3A = arith.constant 1 : i32
      %ge3A_143 = arith.cmpi sge, %add3A_142, %ge3A : i32
      %convert_element_type3A = arith.extui %ge3A_143 : i1 to i32
      %cond3A = arith.constant 0 : i32
      %cond3A_144 = arith.cmpi ne, %convert_element_type3A, %cond3A : i32
      scf.if %cond3A_144 {
        %sub3A_382 = arith.constant 1 : i32
        %sub3A_383 = arith.subi %add3A_142, %sub3A_382 : i32
        %dma_wait3A_384 = arith.constant 0 : i32
        %dma_wait3A_385 = arith.constant 0 : i32
        %dma_wait3A_386 = tpu.memref_slice %arg14[%dma_wait3A_384, %dma_wait3A_385] : memref<88x144xf32, #tpu.memory_space<vmem>> -> memref<80x144xf32, #tpu.memory_space<vmem>>
        %dma_wait3A_387 = arith.constant 0 : i32
        %dma_wait3A_388 = arith.constant 0 : i32
        %dma_wait3A_389 = tpu.memref_slice %arg17[%dma_wait3A_387, %dma_wait3A_388] : memref<10000x144xf32, #tpu.memory_space<vmem_shared>> -> memref<10000x144xf32, #tpu.memory_space<vmem_shared>>
        tpu.wait_indirect_dma semaphore(%arg23 : memref<!tpu.dma_semaphore, #tpu.memory_space<semaphore_mem>>) src(%dma_wait3A_386 : memref<80x144xf32, #tpu.memory_space<vmem>>) dst(%dma_wait3A_389 : memref<10000x144xf32, #tpu.memory_space<vmem_shared>>)
      } else {
      }
      %add3A_145 = arith.constant 1 : i32
      %add3A_146 = arith.addi %add3A_142, %add3A_145 : i32
      %lt3A = arith.constant 250 : i32
      %lt3A_147 = arith.cmpi slt, %add3A_146, %lt3A : i32
      %convert_element_type3A_148 = arith.extui %lt3A_147 : i1 to i32
      %cond3A_149 = arith.constant 0 : i32
      %cond3A_150 = arith.cmpi ne, %convert_element_type3A_148, %cond3A_149 : i32
      scf.if %cond3A_150 {
        %add3A_382 = arith.constant 1 : i32
        %add3A_383 = arith.addi %add3A_142, %add3A_382 : i32
        %mul3A_384 = arith.constant 80 : i32
        %mul3A_385 = arith.muli %add3A_383, %mul3A_384 : i32
        %add3A_386 = arith.addi %multiple_of3A, %mul3A_385 : i32
        %multiple_of3A_387 = tpu.assume_multiple %add3A_386, 8 : i32
        %dma_wait3A_388 = tpu.memref_slice %arg4[%multiple_of3A_387] : memref<320000xi32, #tpu.memory_space<hbm>> -> memref<80xi32, #tpu.memory_space<hbm>>
        %dma_wait3A_389 = tpu.memref_slice %arg4[%multiple_of3A_387] : memref<320000xi32, #tpu.memory_space<hbm>> -> memref<80xi32, #tpu.memory_space<hbm>>
        tpu.wait_dma2 semaphore(%arg25 : memref<!tpu.dma_semaphore, #tpu.memory_space<semaphore_mem>>) src(%dma_wait3A_389 : memref<80xi32, #tpu.memory_space<hbm>>) dst(%arg8 : memref<80xi32, #tpu.memory_space<vmem>>)
        %dma_wait3A_390 = tpu.memref_slice %arg5[%multiple_of3A_387] : memref<320000xi32, #tpu.memory_space<hbm>> -> memref<80xi32, #tpu.memory_space<hbm>>
        %dma_wait3A_391 = tpu.memref_slice %arg5[%multiple_of3A_387] : memref<320000xi32, #tpu.memory_space<hbm>> -> memref<80xi32, #tpu.memory_space<hbm>>
        tpu.wait_dma2 semaphore(%arg25 : memref<!tpu.dma_semaphore, #tpu.memory_space<semaphore_mem>>) src(%dma_wait3A_391 : memref<80xi32, #tpu.memory_space<hbm>>) dst(%arg10 : memref<80xi32, #tpu.memory_space<vmem>>)
        %get3A_392 = arith.constant 0 : index
        %get3A_393 = tpu.vector_load %arg8[%get3A_392] {strides = array<i32>} : memref<80xi32, #tpu.memory_space<vmem>>, vector<16xi32>,
        %get3A_394 = vector.shape_cast %get3A_393 : vector<16xi32> to vector<16xi32>
        %add3A_395 = vector.broadcast %mul3A_54 : i32 to vector<16xi32>
        %add3A_396 = arith.addi %get3A_394, %add3A_395 : vector<16xi32>
        %swap3A_397 = arith.constant 0 : index
        %swap3A_398 = tpu.vector_load %arg8[%swap3A_397] {strides = array<i32>} : memref<80xi32, #tpu.memory_space<vmem>>, vector<16xi32>,
        %swap3A_399 = vector.shape_cast %swap3A_398 : vector<16xi32> to vector<16xi32>
        %swap3A_400 = vector.shape_cast %add3A_396 : vector<16xi32> to vector<16xi32>
        tpu.vector_store %arg8[%swap3A_397], %swap3A_400 {strides = array<i32>} : memref<80xi32, #tpu.memory_space<vmem>>, vector<16xi32>,
        %get3A_401 = arith.constant 16 : index
        %get3A_402 = tpu.vector_load %arg8[%get3A_401] {strides = array<i32>} : memref<80xi32, #tpu.memory_space<vmem>>, vector<16xi32>,
        %get3A_403 = vector.shape_cast %get3A_402 : vector<16xi32> to vector<16xi32>
        %add3A_404 = vector.broadcast %mul3A_54 : i32 to vector<16xi32>
        %add3A_405 = arith.addi %get3A_403, %add3A_404 : vector<16xi32>
        %swap3A_406 = arith.constant 16 : index
        %swap3A_407 = tpu.vector_load %arg8[%swap3A_406] {strides = array<i32>} : memref<80xi32, #tpu.memory_space<vmem>>, vector<16xi32>,
        %swap3A_408 = vector.shape_cast %swap3A_407 : vector<16xi32> to vector<16xi32>
        %swap3A_409 = vector.shape_cast %add3A_405 : vector<16xi32> to vector<16xi32>
        tpu.vector_store %arg8[%swap3A_406], %swap3A_409 {strides = array<i32>} : memref<80xi32, #tpu.memory_space<vmem>>, vector<16xi32>,
        %get3A_410 = arith.constant 32 : index
        %get3A_411 = tpu.vector_load %arg8[%get3A_410] {strides = array<i32>} : memref<80xi32, #tpu.memory_space<vmem>>, vector<16xi32>,
        %get3A_412 = vector.shape_cast %get3A_411 : vector<16xi32> to vector<16xi32>
        %add3A_413 = vector.broadcast %mul3A_54 : i32 to vector<16xi32>
        %add3A_414 = arith.addi %get3A_412, %add3A_413 : vector<16xi32>
        %swap3A_415 = arith.constant 32 : index
        %swap3A_416 = tpu.vector_load %arg8[%swap3A_415] {strides = array<i32>} : memref<80xi32, #tpu.memory_space<vmem>>, vector<16xi32>,
        %swap3A_417 = vector.shape_cast %swap3A_416 : vector<16xi32> to vector<16xi32>
        %swap3A_418 = vector.shape_cast %add3A_414 : vector<16xi32> to vector<16xi32>
        tpu.vector_store %arg8[%swap3A_415], %swap3A_418 {strides = array<i32>} : memref<80xi32, #tpu.memory_space<vmem>>, vector<16xi32>,
        %get3A_419 = arith.constant 48 : index
        %get3A_420 = tpu.vector_load %arg8[%get3A_419] {strides = array<i32>} : memref<80xi32, #tpu.memory_space<vmem>>, vector<16xi32>,
        %get3A_421 = vector.shape_cast %get3A_420 : vector<16xi32> to vector<16xi32>
        %add3A_422 = vector.broadcast %mul3A_54 : i32 to vector<16xi32>
        %add3A_423 = arith.addi %get3A_421, %add3A_422 : vector<16xi32>
        %swap3A_424 = arith.constant 48 : index
        %swap3A_425 = tpu.vector_load %arg8[%swap3A_424] {strides = array<i32>} : memref<80xi32, #tpu.memory_space<vmem>>, vector<16xi32>,
        %swap3A_426 = vector.shape_cast %swap3A_425 : vector<16xi32> to vector<16xi32>
        %swap3A_427 = vector.shape_cast %add3A_423 : vector<16xi32> to vector<16xi32>
        tpu.vector_store %arg8[%swap3A_424], %swap3A_427 {strides = array<i32>} : memref<80xi32, #tpu.memory_space<vmem>>, vector<16xi32>,
        %get3A_428 = arith.constant 64 : index
        %get3A_429 = tpu.vector_load %arg8[%get3A_428] {strides = array<i32>} : memref<80xi32, #tpu.memory_space<vmem>>, vector<16xi32>,
        %get3A_430 = vector.shape_cast %get3A_429 : vector<16xi32> to vector<16xi32>
        %add3A_431 = vector.broadcast %mul3A_54 : i32 to vector<16xi32>
        %add3A_432 = arith.addi %get3A_430, %add3A_431 : vector<16xi32>
        %swap3A_433 = arith.constant 64 : index
        %swap3A_434 = tpu.vector_load %arg8[%swap3A_433] {strides = array<i32>} : memref<80xi32, #tpu.memory_space<vmem>>, vector<16xi32>,
        %swap3A_435 = vector.shape_cast %swap3A_434 : vector<16xi32> to vector<16xi32>
        %swap3A_436 = vector.shape_cast %add3A_432 : vector<16xi32> to vector<16xi32>
        tpu.vector_store %arg8[%swap3A_433], %swap3A_436 {strides = array<i32>} : memref<80xi32, #tpu.memory_space<vmem>>, vector<16xi32>,
        %add3A_437 = arith.constant 1 : i32
        %add3A_438 = arith.addi %add3A_142, %add3A_437 : i32
        %dma_start3A_439 = arith.constant 0 : i32
        %dma_start3A_440 = arith.constant 0 : i32
        %dma_start3A_441 = tpu.memref_slice %arg14[%dma_start3A_439, %dma_start3A_440] : memref<88x144xf32, #tpu.memory_space<vmem>> -> memref<80x144xf32, #tpu.memory_space<vmem>>
        %dma_start3A_442 = arith.constant 0 : i32
        %dma_start3A_443 = arith.constant 0 : i32
        %dma_start3A_444 = tpu.memref_slice %arg2[%dma_start3A_442, %dma_start3A_443] : memref<20000x144xf32, #tpu.memory_space<hbm>> -> memref<20000x144xf32, #tpu.memory_space<hbm>>
        tpu.enqueue_indirect_dma source(%dma_start3A_444 : memref<20000x144xf32, #tpu.memory_space<hbm>>) target(%dma_start3A_441 : memref<80x144xf32, #tpu.memory_space<vmem>>) offsets(%arg8 : memref<80xi32, #tpu.memory_space<vmem>>) semaphore(%arg19 : memref<!tpu.dma_semaphore, #tpu.memory_space<semaphore_mem>>)
        %dma_start3A_445 = arith.constant 0 : i32
        %dma_start3A_446 = arith.constant 0 : i32
        %dma_start3A_447 = tpu.memref_slice %arg16[%dma_start3A_445, %dma_start3A_446] : memref<88x16xf32, #tpu.memory_space<vmem>> -> memref<80x16xf32, #tpu.memory_space<vmem>>
        %dma_start3A_448 = arith.constant 0 : i32
        %dma_start3A_449 = arith.constant 0 : i32
        %dma_start3A_450 = tpu.memref_slice %arg3[%dma_start3A_448, %dma_start3A_449] : memref<10000x16xf32, #tpu.memory_space<hbm>> -> memref<10000x16xf32, #tpu.memory_space<hbm>>
        tpu.enqueue_indirect_dma source(%dma_start3A_450 : memref<10000x16xf32, #tpu.memory_space<hbm>>) target(%dma_start3A_447 : memref<80x16xf32, #tpu.memory_space<vmem>>) offsets(%arg10 : memref<80xi32, #tpu.memory_space<vmem>>) semaphore(%arg21 : memref<!tpu.dma_semaphore, #tpu.memory_space<semaphore_mem>>)
      } else {
      }
      %dma_wait3A_151 = arith.constant 0 : i32
      %dma_wait3A_152 = arith.constant 0 : i32
      %dma_wait3A_153 = tpu.memref_slice %arg13[%dma_wait3A_151, %dma_wait3A_152] : memref<88x144xf32, #tpu.memory_space<vmem>> -> memref<80x144xf32, #tpu.memory_space<vmem>>
      %dma_wait3A_154 = arith.constant 0 : i32
      %dma_wait3A_155 = arith.constant 0 : i32
      %dma_wait3A_156 = tpu.memref_slice %arg2[%dma_wait3A_154, %dma_wait3A_155] : memref<20000x144xf32, #tpu.memory_space<hbm>> -> memref<20000x144xf32, #tpu.memory_space<hbm>>
      tpu.wait_indirect_dma semaphore(%arg18 : memref<!tpu.dma_semaphore, #tpu.memory_space<semaphore_mem>>) src(%dma_wait3A_156 : memref<20000x144xf32, #tpu.memory_space<hbm>>) dst(%dma_wait3A_153 : memref<80x144xf32, #tpu.memory_space<vmem>>)
      %dma_wait3A_157 = arith.constant 0 : i32
      %dma_wait3A_158 = arith.constant 0 : i32
      %dma_wait3A_159 = tpu.memref_slice %arg15[%dma_wait3A_157, %dma_wait3A_158] : memref<88x16xf32, #tpu.memory_space<vmem>> -> memref<80x16xf32, #tpu.memory_space<vmem>>
      %dma_wait3A_160 = arith.constant 0 : i32
      %dma_wait3A_161 = arith.constant 0 : i32
      %dma_wait3A_162 = tpu.memref_slice %arg3[%dma_wait3A_160, %dma_wait3A_161] : memref<10000x16xf32, #tpu.memory_space<hbm>> -> memref<10000x16xf32, #tpu.memory_space<hbm>>
      tpu.wait_indirect_dma semaphore(%arg20 : memref<!tpu.dma_semaphore, #tpu.memory_space<semaphore_mem>>) src(%dma_wait3A_162 : memref<10000x16xf32, #tpu.memory_space<hbm>>) dst(%dma_wait3A_159 : memref<80x16xf32, #tpu.memory_space<vmem>>)
      %get3A_163 = arith.constant 0 : index
      %get3A_164 = tpu.vector_load %arg9[%get3A_163] {strides = array<i32>} : memref<80xi32, #tpu.memory_space<vmem>>, vector<16xi32>,
      %get3A_165 = vector.shape_cast %get3A_164 : vector<16xi32> to vector<16xi32>
      %swap3A_166 = arith.constant 0 : index
      %swap3A_167 = tpu.vector_load %arg11[%swap3A_166] {strides = array<i32>} : memref<80xi32, #tpu.memory_space<vmem>>, vector<16xi32>,
      %swap3A_168 = vector.shape_cast %swap3A_167 : vector<16xi32> to vector<16xi32>
      %swap3A_169 = vector.shape_cast %get3A_165 : vector<16xi32> to vector<16xi32>
      tpu.vector_store %arg11[%swap3A_166], %swap3A_169 {strides = array<i32>} : memref<80xi32, #tpu.memory_space<vmem>>, vector<16xi32>,
      %get3A_170 = arith.constant 16 : index
      %get3A_171 = tpu.vector_load %arg9[%get3A_170] {strides = array<i32>} : memref<80xi32, #tpu.memory_space<vmem>>, vector<16xi32>,
      %get3A_172 = vector.shape_cast %get3A_171 : vector<16xi32> to vector<16xi32>
      %swap3A_173 = arith.constant 16 : index
      %swap3A_174 = tpu.vector_load %arg11[%swap3A_173] {strides = array<i32>} : memref<80xi32, #tpu.memory_space<vmem>>, vector<16xi32>,
      %swap3A_175 = vector.shape_cast %swap3A_174 : vector<16xi32> to vector<16xi32>
      %swap3A_176 = vector.shape_cast %get3A_172 : vector<16xi32> to vector<16xi32>
      tpu.vector_store %arg11[%swap3A_173], %swap3A_176 {strides = array<i32>} : memref<80xi32, #tpu.memory_space<vmem>>, vector<16xi32>,
      %get3A_177 = arith.constant 32 : index
      %get3A_178 = tpu.vector_load %arg9[%get3A_177] {strides = array<i32>} : memref<80xi32, #tpu.memory_space<vmem>>, vector<16xi32>,
      %get3A_179 = vector.shape_cast %get3A_178 : vector<16xi32> to vector<16xi32>
      %swap3A_180 = arith.constant 32 : index
      %swap3A_181 = tpu.vector_load %arg11[%swap3A_180] {strides = array<i32>} : memref<80xi32, #tpu.memory_space<vmem>>, vector<16xi32>,
      %swap3A_182 = vector.shape_cast %swap3A_181 : vector<16xi32> to vector<16xi32>
      %swap3A_183 = vector.shape_cast %get3A_179 : vector<16xi32> to vector<16xi32>
      tpu.vector_store %arg11[%swap3A_180], %swap3A_183 {strides = array<i32>} : memref<80xi32, #tpu.memory_space<vmem>>, vector<16xi32>,
      %get3A_184 = arith.constant 48 : index
      %get3A_185 = tpu.vector_load %arg9[%get3A_184] {strides = array<i32>} : memref<80xi32, #tpu.memory_space<vmem>>, vector<16xi32>,
      %get3A_186 = vector.shape_cast %get3A_185 : vector<16xi32> to vector<16xi32>
      %swap3A_187 = arith.constant 48 : index
      %swap3A_188 = tpu.vector_load %arg11[%swap3A_187] {strides = array<i32>} : memref<80xi32, #tpu.memory_space<vmem>>, vector<16xi32>,
      %swap3A_189 = vector.shape_cast %swap3A_188 : vector<16xi32> to vector<16xi32>
      %swap3A_190 = vector.shape_cast %get3A_186 : vector<16xi32> to vector<16xi32>
      tpu.vector_store %arg11[%swap3A_187], %swap3A_190 {strides = array<i32>} : memref<80xi32, #tpu.memory_space<vmem>>, vector<16xi32>,
      %get3A_191 = arith.constant 64 : index
      %get3A_192 = tpu.vector_load %arg9[%get3A_191] {strides = array<i32>} : memref<80xi32, #tpu.memory_space<vmem>>, vector<16xi32>,
      %get3A_193 = vector.shape_cast %get3A_192 : vector<16xi32> to vector<16xi32>
      %swap3A_194 = arith.constant 64 : index
      %swap3A_195 = tpu.vector_load %arg11[%swap3A_194] {strides = array<i32>} : memref<80xi32, #tpu.memory_space<vmem>>, vector<16xi32>,
      %swap3A_196 = vector.shape_cast %swap3A_195 : vector<16xi32> to vector<16xi32>
      %swap3A_197 = vector.shape_cast %get3A_193 : vector<16xi32> to vector<16xi32>
      tpu.vector_store %arg11[%swap3A_194], %swap3A_197 {strides = array<i32>} : memref<80xi32, #tpu.memory_space<vmem>>, vector<16xi32>,
      %add3A_198 = arith.constant 2 : i32
      %add3A_199 = arith.addi %add3A_142, %add3A_198 : i32
      %lt3A_200 = arith.constant 250 : i32
      %lt3A_201 = arith.cmpi slt, %add3A_199, %lt3A_200 : i32
      %convert_element_type3A_202 = arith.extui %lt3A_201 : i1 to i32
      %cond3A_203 = arith.constant 0 : i32
      %cond3A_204 = arith.cmpi ne, %convert_element_type3A_202, %cond3A_203 : i32
      scf.if %cond3A_204 {
        %add3A_382 = arith.constant 2 : i32
        %add3A_383 = arith.addi %add3A_142, %add3A_382 : i32
        %mul3A_384 = arith.constant 80 : i32
        %mul3A_385 = arith.muli %add3A_383, %mul3A_384 : i32
        %add3A_386 = arith.addi %multiple_of3A, %mul3A_385 : i32
        %multiple_of3A_387 = tpu.assume_multiple %add3A_386, 8 : i32
        %dma_start3A_388 = tpu.memref_slice %arg4[%multiple_of3A_387] : memref<320000xi32, #tpu.memory_space<hbm>> -> memref<80xi32, #tpu.memory_space<hbm>>
        %dma_start3A_389 = tpu.memref_slice %arg4[%multiple_of3A_387] : memref<320000xi32, #tpu.memory_space<hbm>> -> memref<80xi32, #tpu.memory_space<hbm>>
        tpu.enqueue_dma source(%dma_start3A_389 : memref<80xi32, #tpu.memory_space<hbm>>) target(%arg7 : memref<80xi32, #tpu.memory_space<vmem>>) target_semaphore(%arg24 : memref<!tpu.dma_semaphore, #tpu.memory_space<semaphore_mem>>)
        %dma_start3A_390 = tpu.memref_slice %arg5[%multiple_of3A_387] : memref<320000xi32, #tpu.memory_space<hbm>> -> memref<80xi32, #tpu.memory_space<hbm>>
        %dma_start3A_391 = tpu.memref_slice %arg5[%multiple_of3A_387] : memref<320000xi32, #tpu.memory_space<hbm>> -> memref<80xi32, #tpu.memory_space<hbm>>
        tpu.enqueue_dma source(%dma_start3A_391 : memref<80xi32, #tpu.memory_space<hbm>>) target(%arg9 : memref<80xi32, #tpu.memory_space<vmem>>) target_semaphore(%arg24 : memref<!tpu.dma_semaphore, #tpu.memory_space<semaphore_mem>>)
      } else {
      }
      %mul3A_205 = arith.constant 4 : i32
      %mul3A_206 = arith.muli %mul3A_205, %arg0 : i32
      %add3A_207 = vector.broadcast %mul3A_206 : i32 to vector<16xi32>
      %add3A_208 = arith.addi %iota3A_55, %add3A_207 : vector<16xi32>
      %and3A = arith.constant 15 : i32
      %and3A_209 = vector.broadcast %and3A : i32 to vector<16xi32>
      %and3A_210 = arith.andi %add3A_208, %and3A_209 : vector<16xi32>
      %broadcast_in_dim3A_211 = arith.constant 0 : i32
      %broadcast_in_dim3A_212 = vector.broadcast %broadcast_in_dim3A_211 : i32 to vector<16xi32>
      %broadcast_in_dim3A_213 = arith.constant 1 : i32
      %broadcast_in_dim3A_214 = vector.broadcast %broadcast_in_dim3A_213 : i32 to vector<16xi32>
      %broadcast_in_dim3A_215 = arith.constant 2 : i32
      %broadcast_in_dim3A_216 = vector.broadcast %broadcast_in_dim3A_215 : i32 to vector<16xi32>
      %broadcast_in_dim3A_217 = arith.constant 3 : i32
      %broadcast_in_dim3A_218 = vector.broadcast %broadcast_in_dim3A_217 : i32 to vector<16xi32>
      %get3A_219 = arith.constant 0 : i32
      %get3A_220 = arith.index_cast %get3A_219 : i32 to index
      %get3A_221 = arith.constant 0 : index
      %get3A_222 = tpu.vector_load %arg15[%get3A_220, %get3A_221] {strides = array<i32>} : memref<88x16xf32, #tpu.memory_space<vmem>>, vector<1x16xf32>,
      %get3A_223 = vector.shape_cast %get3A_222 : vector<1x16xf32> to vector<16xf32>
      %lt3A_224 = arith.constant 0 : i32
      %lt3A_225 = vector.broadcast %lt3A_224 : i32 to vector<16xi32>
      %lt3A_226 = arith.cmpi slt, %and3A_210, %lt3A_225 : vector<16xi32>
      %add3A_227 = arith.constant 16 : i32
      %add3A_228 = vector.broadcast %add3A_227 : i32 to vector<16xi32>
      %add3A_229 = arith.addi %and3A_210, %add3A_228 : vector<16xi32>
      %select_n3A = arith.select %lt3A_226, %add3A_229, %and3A_210 : vector<16xi1>, vector<16xi32>
      %reshape3A = vector.shape_cast %select_n3A : vector<16xi32> to vector<16x1xi32>
      %gather3A = vector.shape_cast %reshape3A : vector<16x1xi32> to vector<16xi32>
      %gather3A_230 = tpu.dynamic_gather %get3A_223[%gather3A] in [0] : vector<16xf32>, vector<16xi32> -> vector<16xf32>
      %get3A_231 = arith.constant 0 : i32
      %get3A_232 = arith.index_cast %get3A_231 : i32 to index
      %get3A_233 = arith.constant 128 : index
      %get3A_234 = tpu.vector_load %arg13[%get3A_232, %get3A_233] {strides = array<i32>} : memref<88x144xf32, #tpu.memory_space<vmem>>, vector<1x16xf32>,
      %get3A_235 = vector.shape_cast %get3A_234 : vector<1x16xf32> to vector<16xf32>
      %add3A_236 = arith.addf %get3A_235, %gather3A_230 : vector<16xf32>
      %gt3A = arith.constant 0.000000e+00 : f32
      %gt3A_237 = vector.broadcast %gt3A : f32 to vector<16xf32>
      %gt3A_238 = arith.cmpf ogt, %add3A_236, %gt3A_237 : vector<16xf32>
      %mul3A_239 = arith.constant 2.000000e-01 : f32
      %mul3A_240 = vector.broadcast %mul3A_239 : f32 to vector<16xf32>
      %mul3A_241 = arith.mulf %mul3A_240, %add3A_236 : vector<16xf32>
      %select_n3A_242 = arith.select %gt3A_238, %add3A_236, %mul3A_241 : vector<16xi1>, vector<16xf32>
      %exp3A = math.exp %select_n3A_242 : vector<16xf32>
      %scan3A_243 = arith.constant 0 : i32
      %scan3A_244 = arith.constant 80 : i32
      %scan3A_245 = arith.addi %scan3A_243, %scan3A_244 : i32
      %scan3A_246 = arith.constant 1 : i32
      %scan3A_247 = scf.for %scan3A_382 = %scan3A_243 to %scan3A_245 step %scan3A_246 iter_args(%scan3A_383 = %exp3A) -> (vector<16xf32>)  : i32 {
        %add3A_384 = arith.constant 1 : i32
        %add3A_385 = arith.addi %scan3A_382, %add3A_384 : i32
        %get3A_386 = arith.index_cast %add3A_385 : i32 to index
        %get3A_387 = arith.constant 0 : index
        %get3A_388 = tpu.vector_load %arg15[%get3A_386, %get3A_387] {strides = array<i32>} : memref<88x16xf32, #tpu.memory_space<vmem>>, vector<1x16xf32>,
        %get3A_389 = vector.shape_cast %get3A_388 : vector<1x16xf32> to vector<16xf32>
        %lt3A_390 = arith.constant 0 : i32
        %lt3A_391 = vector.broadcast %lt3A_390 : i32 to vector<16xi32>
        %lt3A_392 = arith.cmpi slt, %and3A_210, %lt3A_391 : vector<16xi32>
        %add3A_393 = arith.constant 16 : i32
        %add3A_394 = vector.broadcast %add3A_393 : i32 to vector<16xi32>
        %add3A_395 = arith.addi %and3A_210, %add3A_394 : vector<16xi32>
        %select_n3A_396 = arith.select %lt3A_392, %add3A_395, %and3A_210 : vector<16xi1>, vector<16xi32>
        %reshape3A_397 = vector.shape_cast %select_n3A_396 : vector<16xi32> to vector<16x1xi32>
        %gather3A_398 = vector.shape_cast %reshape3A_397 : vector<16x1xi32> to vector<16xi32>
        %gather3A_399 = tpu.dynamic_gather %get3A_389[%gather3A_398] in [0] : vector<16xf32>, vector<16xi32> -> vector<16xf32>
        %get3A_400 = arith.index_cast %add3A_385 : i32 to index
        %get3A_401 = arith.constant 128 : index
        %get3A_402 = tpu.vector_load %arg13[%get3A_400, %get3A_401] {strides = array<i32>} : memref<88x144xf32, #tpu.memory_space<vmem>>, vector<1x16xf32>,
        %get3A_403 = vector.shape_cast %get3A_402 : vector<1x16xf32> to vector<16xf32>
        %add3A_404 = arith.addf %get3A_403, %gather3A_399 : vector<16xf32>
        %gt3A_405 = arith.constant 0.000000e+00 : f32
        %gt3A_406 = vector.broadcast %gt3A_405 : f32 to vector<16xf32>
        %gt3A_407 = arith.cmpf ogt, %add3A_404, %gt3A_406 : vector<16xf32>
        %mul3A_408 = arith.constant 2.000000e-01 : f32
        %mul3A_409 = vector.broadcast %mul3A_408 : f32 to vector<16xf32>
        %mul3A_410 = arith.mulf %mul3A_409, %add3A_404 : vector<16xf32>
        %select_n3A_411 = arith.select %gt3A_407, %add3A_404, %mul3A_410 : vector<16xi1>, vector<16xf32>
        %exp3A_412 = math.exp %select_n3A_411 : vector<16xf32>
        %lt3A_413 = arith.constant 4 : i32
        %lt3A_414 = vector.broadcast %lt3A_413 : i32 to vector<16xi32>
        %lt3A_415 = arith.cmpi slt, %iota3A_55, %lt3A_414 : vector<16xi32>
        %jit3A = arith.constant 0.000000e+00 : f32
        %broadcast_in_dim3A_416 = vector.broadcast %jit3A : f32 to vector<16xf32>
        %select_n3A_417 = arith.select %lt3A_415, %scan3A_383, %broadcast_in_dim3A_416 : vector<16xi1>, vector<16xf32>
        %swap3A_418 = arith.index_cast %scan3A_382 : i32 to index
        %swap3A_419 = arith.constant 128 : index
        %swap3A_420 = tpu.vector_load %arg13[%swap3A_418, %swap3A_419] {strides = array<i32>} : memref<88x144xf32, #tpu.memory_space<vmem>>, vector<1x16xf32>,
        %swap3A_421 = vector.shape_cast %swap3A_420 : vector<1x16xf32> to vector<16xf32>
        %swap3A_422 = vector.shape_cast %select_n3A_417 : vector<16xf32> to vector<1x16xf32>
        tpu.vector_store %arg13[%swap3A_418, %swap3A_419], %swap3A_422 {strides = array<i32>} : memref<88x144xf32, #tpu.memory_space<vmem>>, vector<1x16xf32>,
        %lt3A_423 = arith.constant 0 : i32
        %lt3A_424 = vector.broadcast %lt3A_423 : i32 to vector<16xi32>
        %lt3A_425 = arith.cmpi slt, %broadcast_in_dim3A_212, %lt3A_424 : vector<16xi32>
        %add3A_426 = arith.constant 16 : i32
        %add3A_427 = vector.broadcast %add3A_426 : i32 to vector<16xi32>
        %add3A_428 = arith.addi %broadcast_in_dim3A_212, %add3A_427 : vector<16xi32>
        %select_n3A_429 = arith.select %lt3A_425, %add3A_428, %broadcast_in_dim3A_212 : vector<16xi1>, vector<16xi32>
        %reshape3A_430 = vector.shape_cast %select_n3A_429 : vector<16xi32> to vector<16x1xi32>
        %gather3A_431 = vector.shape_cast %reshape3A_430 : vector<16x1xi32> to vector<16xi32>
        %gather3A_432 = tpu.dynamic_gather %scan3A_383[%gather3A_431] in [0] : vector<16xf32>, vector<16xi32> -> vector<16xf32>
        %get3A_433 = arith.index_cast %scan3A_382 : i32 to index
        %get3A_434 = arith.constant 0 : index
        %get3A_435 = tpu.vector_load %arg13[%get3A_433, %get3A_434] {strides = array<i32>} : memref<88x144xf32, #tpu.memory_space<vmem>>, vector<1x16xf32>,
        %get3A_436 = vector.shape_cast %get3A_435 : vector<1x16xf32> to vector<16xf32>
        %mul3A_437 = arith.mulf %get3A_436, %gather3A_432 : vector<16xf32>
        %swap3A_438 = arith.index_cast %scan3A_382 : i32 to index
        %swap3A_439 = arith.constant 0 : index
        %swap3A_440 = tpu.vector_load %arg13[%swap3A_438, %swap3A_439] {strides = array<i32>} : memref<88x144xf32, #tpu.memory_space<vmem>>, vector<1x16xf32>,
        %swap3A_441 = vector.shape_cast %swap3A_440 : vector<1x16xf32> to vector<16xf32>
        %swap3A_442 = vector.shape_cast %mul3A_437 : vector<16xf32> to vector<1x16xf32>
        tpu.vector_store %arg13[%swap3A_438, %swap3A_439], %swap3A_442 {strides = array<i32>} : memref<88x144xf32, #tpu.memory_space<vmem>>, vector<1x16xf32>,
        %get3A_443 = arith.index_cast %scan3A_382 : i32 to index
        %get3A_444 = arith.constant 16 : index
        %get3A_445 = tpu.vector_load %arg13[%get3A_443, %get3A_444] {strides = array<i32>} : memref<88x144xf32, #tpu.memory_space<vmem>>, vector<1x16xf32>,
        %get3A_446 = vector.shape_cast %get3A_445 : vector<1x16xf32> to vector<16xf32>
        %mul3A_447 = arith.mulf %get3A_446, %gather3A_432 : vector<16xf32>
        %swap3A_448 = arith.index_cast %scan3A_382 : i32 to index
        %swap3A_449 = arith.constant 16 : index
        %swap3A_450 = tpu.vector_load %arg13[%swap3A_448, %swap3A_449] {strides = array<i32>} : memref<88x144xf32, #tpu.memory_space<vmem>>, vector<1x16xf32>,
        %swap3A_451 = vector.shape_cast %swap3A_450 : vector<1x16xf32> to vector<16xf32>
        %swap3A_452 = vector.shape_cast %mul3A_447 : vector<16xf32> to vector<1x16xf32>
        tpu.vector_store %arg13[%swap3A_448, %swap3A_449], %swap3A_452 {strides = array<i32>} : memref<88x144xf32, #tpu.memory_space<vmem>>, vector<1x16xf32>,
        %lt3A_453 = arith.constant 0 : i32
        %lt3A_454 = vector.broadcast %lt3A_453 : i32 to vector<16xi32>
        %lt3A_455 = arith.cmpi slt, %broadcast_in_dim3A_214, %lt3A_454 : vector<16xi32>
        %add3A_456 = arith.constant 16 : i32
        %add3A_457 = vector.broadcast %add3A_456 : i32 to vector<16xi32>
        %add3A_458 = arith.addi %broadcast_in_dim3A_214, %add3A_457 : vector<16xi32>
        %select_n3A_459 = arith.select %lt3A_455, %add3A_458, %broadcast_in_dim3A_214 : vector<16xi1>, vector<16xi32>
        %reshape3A_460 = vector.shape_cast %select_n3A_459 : vector<16xi32> to vector<16x1xi32>
        %gather3A_461 = vector.shape_cast %reshape3A_460 : vector<16x1xi32> to vector<16xi32>
        %gather3A_462 = tpu.dynamic_gather %scan3A_383[%gather3A_461] in [0] : vector<16xf32>, vector<16xi32> -> vector<16xf32>
        %get3A_463 = arith.index_cast %scan3A_382 : i32 to index
        %get3A_464 = arith.constant 32 : index
        %get3A_465 = tpu.vector_load %arg13[%get3A_463, %get3A_464] {strides = array<i32>} : memref<88x144xf32, #tpu.memory_space<vmem>>, vector<1x16xf32>,
        %get3A_466 = vector.shape_cast %get3A_465 : vector<1x16xf32> to vector<16xf32>
        %mul3A_467 = arith.mulf %get3A_466, %gather3A_462 : vector<16xf32>
        %swap3A_468 = arith.index_cast %scan3A_382 : i32 to index
        %swap3A_469 = arith.constant 32 : index
        %swap3A_470 = tpu.vector_load %arg13[%swap3A_468, %swap3A_469] {strides = array<i32>} : memref<88x144xf32, #tpu.memory_space<vmem>>, vector<1x16xf32>,
        %swap3A_471 = vector.shape_cast %swap3A_470 : vector<1x16xf32> to vector<16xf32>
        %swap3A_472 = vector.shape_cast %mul3A_467 : vector<16xf32> to vector<1x16xf32>
        tpu.vector_store %arg13[%swap3A_468, %swap3A_469], %swap3A_472 {strides = array<i32>} : memref<88x144xf32, #tpu.memory_space<vmem>>, vector<1x16xf32>,
        %get3A_473 = arith.index_cast %scan3A_382 : i32 to index
        %get3A_474 = arith.constant 48 : index
        %get3A_475 = tpu.vector_load %arg13[%get3A_473, %get3A_474] {strides = array<i32>} : memref<88x144xf32, #tpu.memory_space<vmem>>, vector<1x16xf32>,
        %get3A_476 = vector.shape_cast %get3A_475 : vector<1x16xf32> to vector<16xf32>
        %mul3A_477 = arith.mulf %get3A_476, %gather3A_462 : vector<16xf32>
        %swap3A_478 = arith.index_cast %scan3A_382 : i32 to index
        %swap3A_479 = arith.constant 48 : index
        %swap3A_480 = tpu.vector_load %arg13[%swap3A_478, %swap3A_479] {strides = array<i32>} : memref<88x144xf32, #tpu.memory_space<vmem>>, vector<1x16xf32>,
        %swap3A_481 = vector.shape_cast %swap3A_480 : vector<1x16xf32> to vector<16xf32>
        %swap3A_482 = vector.shape_cast %mul3A_477 : vector<16xf32> to vector<1x16xf32>
        tpu.vector_store %arg13[%swap3A_478, %swap3A_479], %swap3A_482 {strides = array<i32>} : memref<88x144xf32, #tpu.memory_space<vmem>>, vector<1x16xf32>,
        %lt3A_483 = arith.constant 0 : i32
        %lt3A_484 = vector.broadcast %lt3A_483 : i32 to vector<16xi32>
        %lt3A_485 = arith.cmpi slt, %broadcast_in_dim3A_216, %lt3A_484 : vector<16xi32>
        %add3A_486 = arith.constant 16 : i32
        %add3A_487 = vector.broadcast %add3A_486 : i32 to vector<16xi32>
        %add3A_488 = arith.addi %broadcast_in_dim3A_216, %add3A_487 : vector<16xi32>
        %select_n3A_489 = arith.select %lt3A_485, %add3A_488, %broadcast_in_dim3A_216 : vector<16xi1>, vector<16xi32>
        %reshape3A_490 = vector.shape_cast %select_n3A_489 : vector<16xi32> to vector<16x1xi32>
        %gather3A_491 = vector.shape_cast %reshape3A_490 : vector<16x1xi32> to vector<16xi32>
        %gather3A_492 = tpu.dynamic_gather %scan3A_383[%gather3A_491] in [0] : vector<16xf32>, vector<16xi32> -> vector<16xf32>
        %get3A_493 = arith.index_cast %scan3A_382 : i32 to index
        %get3A_494 = arith.constant 64 : index
        %get3A_495 = tpu.vector_load %arg13[%get3A_493, %get3A_494] {strides = array<i32>} : memref<88x144xf32, #tpu.memory_space<vmem>>, vector<1x16xf32>,
        %get3A_496 = vector.shape_cast %get3A_495 : vector<1x16xf32> to vector<16xf32>
        %mul3A_497 = arith.mulf %get3A_496, %gather3A_492 : vector<16xf32>
        %swap3A_498 = arith.index_cast %scan3A_382 : i32 to index
        %swap3A_499 = arith.constant 64 : index
        %swap3A_500 = tpu.vector_load %arg13[%swap3A_498, %swap3A_499] {strides = array<i32>} : memref<88x144xf32, #tpu.memory_space<vmem>>, vector<1x16xf32>,
        %swap3A_501 = vector.shape_cast %swap3A_500 : vector<1x16xf32> to vector<16xf32>
        %swap3A_502 = vector.shape_cast %mul3A_497 : vector<16xf32> to vector<1x16xf32>
        tpu.vector_store %arg13[%swap3A_498, %swap3A_499], %swap3A_502 {strides = array<i32>} : memref<88x144xf32, #tpu.memory_space<vmem>>, vector<1x16xf32>,
        %get3A_503 = arith.index_cast %scan3A_382 : i32 to index
        %get3A_504 = arith.constant 80 : index
        %get3A_505 = tpu.vector_load %arg13[%get3A_503, %get3A_504] {strides = array<i32>} : memref<88x144xf32, #tpu.memory_space<vmem>>, vector<1x16xf32>,
        %get3A_506 = vector.shape_cast %get3A_505 : vector<1x16xf32> to vector<16xf32>
        %mul3A_507 = arith.mulf %get3A_506, %gather3A_492 : vector<16xf32>
        %swap3A_508 = arith.index_cast %scan3A_382 : i32 to index
        %swap3A_509 = arith.constant 80 : index
        %swap3A_510 = tpu.vector_load %arg13[%swap3A_508, %swap3A_509] {strides = array<i32>} : memref<88x144xf32, #tpu.memory_space<vmem>>, vector<1x16xf32>,
        %swap3A_511 = vector.shape_cast %swap3A_510 : vector<1x16xf32> to vector<16xf32>
        %swap3A_512 = vector.shape_cast %mul3A_507 : vector<16xf32> to vector<1x16xf32>
        tpu.vector_store %arg13[%swap3A_508, %swap3A_509], %swap3A_512 {strides = array<i32>} : memref<88x144xf32, #tpu.memory_space<vmem>>, vector<1x16xf32>,
        %lt3A_513 = arith.constant 0 : i32
        %lt3A_514 = vector.broadcast %lt3A_513 : i32 to vector<16xi32>
        %lt3A_515 = arith.cmpi slt, %broadcast_in_dim3A_218, %lt3A_514 : vector<16xi32>
        %add3A_516 = arith.constant 16 : i32
        %add3A_517 = vector.broadcast %add3A_516 : i32 to vector<16xi32>
        %add3A_518 = arith.addi %broadcast_in_dim3A_218, %add3A_517 : vector<16xi32>
        %select_n3A_519 = arith.select %lt3A_515, %add3A_518, %broadcast_in_dim3A_218 : vector<16xi1>, vector<16xi32>
        %reshape3A_520 = vector.shape_cast %select_n3A_519 : vector<16xi32> to vector<16x1xi32>
        %gather3A_521 = vector.shape_cast %reshape3A_520 : vector<16x1xi32> to vector<16xi32>
        %gather3A_522 = tpu.dynamic_gather %scan3A_383[%gather3A_521] in [0] : vector<16xf32>, vector<16xi32> -> vector<16xf32>
        %get3A_523 = arith.index_cast %scan3A_382 : i32 to index
        %get3A_524 = arith.constant 96 : index
        %get3A_525 = tpu.vector_load %arg13[%get3A_523, %get3A_524] {strides = array<i32>} : memref<88x144xf32, #tpu.memory_space<vmem>>, vector<1x16xf32>,
        %get3A_526 = vector.shape_cast %get3A_525 : vector<1x16xf32> to vector<16xf32>
        %mul3A_527 = arith.mulf %get3A_526, %gather3A_522 : vector<16xf32>
        %swap3A_528 = arith.index_cast %scan3A_382 : i32 to index
        %swap3A_529 = arith.constant 96 : index
        %swap3A_530 = tpu.vector_load %arg13[%swap3A_528, %swap3A_529] {strides = array<i32>} : memref<88x144xf32, #tpu.memory_space<vmem>>, vector<1x16xf32>,
        %swap3A_531 = vector.shape_cast %swap3A_530 : vector<1x16xf32> to vector<16xf32>
        %swap3A_532 = vector.shape_cast %mul3A_527 : vector<16xf32> to vector<1x16xf32>
        tpu.vector_store %arg13[%swap3A_528, %swap3A_529], %swap3A_532 {strides = array<i32>} : memref<88x144xf32, #tpu.memory_space<vmem>>, vector<1x16xf32>,
        %get3A_533 = arith.index_cast %scan3A_382 : i32 to index
        %get3A_534 = arith.constant 112 : index
        %get3A_535 = tpu.vector_load %arg13[%get3A_533, %get3A_534] {strides = array<i32>} : memref<88x144xf32, #tpu.memory_space<vmem>>, vector<1x16xf32>,
        %get3A_536 = vector.shape_cast %get3A_535 : vector<1x16xf32> to vector<16xf32>
        %mul3A_537 = arith.mulf %get3A_536, %gather3A_522 : vector<16xf32>
        %swap3A_538 = arith.index_cast %scan3A_382 : i32 to index
        %swap3A_539 = arith.constant 112 : index
        %swap3A_540 = tpu.vector_load %arg13[%swap3A_538, %swap3A_539] {strides = array<i32>} : memref<88x144xf32, #tpu.memory_space<vmem>>, vector<1x16xf32>,
        %swap3A_541 = vector.shape_cast %swap3A_540 : vector<1x16xf32> to vector<16xf32>
        %swap3A_542 = vector.shape_cast %mul3A_537 : vector<16xf32> to vector<1x16xf32>
        tpu.vector_store %arg13[%swap3A_538, %swap3A_539], %swap3A_542 {strides = array<i32>} : memref<88x144xf32, #tpu.memory_space<vmem>>, vector<1x16xf32>,
        scf.yield %exp3A_412 : vector<16xf32>
      }
      %scan3A_248 = arith.constant 80 : i32
      %dma_start3A_249 = arith.constant 0 : i32
      %dma_start3A_250 = arith.constant 0 : i32
      %dma_start3A_251 = tpu.memref_slice %arg13[%dma_start3A_249, %dma_start3A_250] : memref<88x144xf32, #tpu.memory_space<vmem>> -> memref<80x144xf32, #tpu.memory_space<vmem>>
      %dma_start3A_252 = arith.constant 0 : i32
      %dma_start3A_253 = arith.constant 0 : i32
      %dma_start3A_254 = tpu.memref_slice %arg17[%dma_start3A_252, %dma_start3A_253] : memref<10000x144xf32, #tpu.memory_space<vmem_shared>> -> memref<10000x144xf32, #tpu.memory_space<vmem_shared>>
      tpu.enqueue_indirect_dma source(%dma_start3A_251 : memref<80x144xf32, #tpu.memory_space<vmem>>) target(%dma_start3A_254 : memref<10000x144xf32, #tpu.memory_space<vmem_shared>>) offsets(%arg11 : memref<80xi32, #tpu.memory_space<vmem>>) semaphore(%arg22 : memref<!tpu.dma_semaphore, #tpu.memory_space<semaphore_mem>>) {add = true}
      %mul3A_255 = arith.constant 2 : i32
      %mul3A_256 = arith.muli %mul3A_255, %scan3A_137 : i32
      %add3A_257 = arith.constant 1 : i32
      %add3A_258 = arith.addi %mul3A_256, %add3A_257 : i32
      %ge3A_259 = arith.constant 1 : i32
      %ge3A_260 = arith.cmpi sge, %add3A_258, %ge3A_259 : i32
      %convert_element_type3A_261 = arith.extui %ge3A_260 : i1 to i32
      %cond3A_262 = arith.constant 0 : i32
      %cond3A_263 = arith.cmpi ne, %convert_element_type3A_261, %cond3A_262 : i32
      scf.if %cond3A_263 {
        %sub3A_382 = arith.constant 1 : i32
        %sub3A_383 = arith.subi %add3A_258, %sub3A_382 : i32
        %dma_wait3A_384 = arith.constant 0 : i32
        %dma_wait3A_385 = arith.constant 0 : i32
        %dma_wait3A_386 = tpu.memref_slice %arg13[%dma_wait3A_384, %dma_wait3A_385] : memref<88x144xf32, #tpu.memory_space<vmem>> -> memref<80x144xf32, #tpu.memory_space<vmem>>
        %dma_wait3A_387 = arith.constant 0 : i32
        %dma_wait3A_388 = arith.constant 0 : i32
        %dma_wait3A_389 = tpu.memref_slice %arg17[%dma_wait3A_387, %dma_wait3A_388] : memref<10000x144xf32, #tpu.memory_space<vmem_shared>> -> memref<10000x144xf32, #tpu.memory_space<vmem_shared>>
        tpu.wait_indirect_dma semaphore(%arg22 : memref<!tpu.dma_semaphore, #tpu.memory_space<semaphore_mem>>) src(%dma_wait3A_386 : memref<80x144xf32, #tpu.memory_space<vmem>>) dst(%dma_wait3A_389 : memref<10000x144xf32, #tpu.memory_space<vmem_shared>>)
      } else {
      }
      %add3A_264 = arith.constant 1 : i32
      %add3A_265 = arith.addi %add3A_258, %add3A_264 : i32
      %lt3A_266 = arith.constant 250 : i32
      %lt3A_267 = arith.cmpi slt, %add3A_265, %lt3A_266 : i32
      %convert_element_type3A_268 = arith.extui %lt3A_267 : i1 to i32
      %cond3A_269 = arith.constant 0 : i32
      %cond3A_270 = arith.cmpi ne, %convert_element_type3A_268, %cond3A_269 : i32
      scf.if %cond3A_270 {
        %add3A_382 = arith.constant 1 : i32
        %add3A_383 = arith.addi %add3A_258, %add3A_382 : i32
        %mul3A_384 = arith.constant 80 : i32
        %mul3A_385 = arith.muli %add3A_383, %mul3A_384 : i32
        %add3A_386 = arith.addi %multiple_of3A, %mul3A_385 : i32
        %multiple_of3A_387 = tpu.assume_multiple %add3A_386, 8 : i32
        %dma_wait3A_388 = tpu.memref_slice %arg4[%multiple_of3A_387] : memref<320000xi32, #tpu.memory_space<hbm>> -> memref<80xi32, #tpu.memory_space<hbm>>
        %dma_wait3A_389 = tpu.memref_slice %arg4[%multiple_of3A_387] : memref<320000xi32, #tpu.memory_space<hbm>> -> memref<80xi32, #tpu.memory_space<hbm>>
        tpu.wait_dma2 semaphore(%arg24 : memref<!tpu.dma_semaphore, #tpu.memory_space<semaphore_mem>>) src(%dma_wait3A_389 : memref<80xi32, #tpu.memory_space<hbm>>) dst(%arg7 : memref<80xi32, #tpu.memory_space<vmem>>)
        %dma_wait3A_390 = tpu.memref_slice %arg5[%multiple_of3A_387] : memref<320000xi32, #tpu.memory_space<hbm>> -> memref<80xi32, #tpu.memory_space<hbm>>
        %dma_wait3A_391 = tpu.memref_slice %arg5[%multiple_of3A_387] : memref<320000xi32, #tpu.memory_space<hbm>> -> memref<80xi32, #tpu.memory_space<hbm>>
        tpu.wait_dma2 semaphore(%arg24 : memref<!tpu.dma_semaphore, #tpu.memory_space<semaphore_mem>>) src(%dma_wait3A_391 : memref<80xi32, #tpu.memory_space<hbm>>) dst(%arg9 : memref<80xi32, #tpu.memory_space<vmem>>)
        %get3A_392 = arith.constant 0 : index
        %get3A_393 = tpu.vector_load %arg7[%get3A_392] {strides = array<i32>} : memref<80xi32, #tpu.memory_space<vmem>>, vector<16xi32>,
        %get3A_394 = vector.shape_cast %get3A_393 : vector<16xi32> to vector<16xi32>
        %add3A_395 = vector.broadcast %mul3A_54 : i32 to vector<16xi32>
        %add3A_396 = arith.addi %get3A_394, %add3A_395 : vector<16xi32>
        %swap3A_397 = arith.constant 0 : index
        %swap3A_398 = tpu.vector_load %arg7[%swap3A_397] {strides = array<i32>} : memref<80xi32, #tpu.memory_space<vmem>>, vector<16xi32>,
        %swap3A_399 = vector.shape_cast %swap3A_398 : vector<16xi32> to vector<16xi32>
        %swap3A_400 = vector.shape_cast %add3A_396 : vector<16xi32> to vector<16xi32>
        tpu.vector_store %arg7[%swap3A_397], %swap3A_400 {strides = array<i32>} : memref<80xi32, #tpu.memory_space<vmem>>, vector<16xi32>,
        %get3A_401 = arith.constant 16 : index
        %get3A_402 = tpu.vector_load %arg7[%get3A_401] {strides = array<i32>} : memref<80xi32, #tpu.memory_space<vmem>>, vector<16xi32>,
        %get3A_403 = vector.shape_cast %get3A_402 : vector<16xi32> to vector<16xi32>
        %add3A_404 = vector.broadcast %mul3A_54 : i32 to vector<16xi32>
        %add3A_405 = arith.addi %get3A_403, %add3A_404 : vector<16xi32>
        %swap3A_406 = arith.constant 16 : index
        %swap3A_407 = tpu.vector_load %arg7[%swap3A_406] {strides = array<i32>} : memref<80xi32, #tpu.memory_space<vmem>>, vector<16xi32>,
        %swap3A_408 = vector.shape_cast %swap3A_407 : vector<16xi32> to vector<16xi32>
        %swap3A_409 = vector.shape_cast %add3A_405 : vector<16xi32> to vector<16xi32>
        tpu.vector_store %arg7[%swap3A_406], %swap3A_409 {strides = array<i32>} : memref<80xi32, #tpu.memory_space<vmem>>, vector<16xi32>,
        %get3A_410 = arith.constant 32 : index
        %get3A_411 = tpu.vector_load %arg7[%get3A_410] {strides = array<i32>} : memref<80xi32, #tpu.memory_space<vmem>>, vector<16xi32>,
        %get3A_412 = vector.shape_cast %get3A_411 : vector<16xi32> to vector<16xi32>
        %add3A_413 = vector.broadcast %mul3A_54 : i32 to vector<16xi32>
        %add3A_414 = arith.addi %get3A_412, %add3A_413 : vector<16xi32>
        %swap3A_415 = arith.constant 32 : index
        %swap3A_416 = tpu.vector_load %arg7[%swap3A_415] {strides = array<i32>} : memref<80xi32, #tpu.memory_space<vmem>>, vector<16xi32>,
        %swap3A_417 = vector.shape_cast %swap3A_416 : vector<16xi32> to vector<16xi32>
        %swap3A_418 = vector.shape_cast %add3A_414 : vector<16xi32> to vector<16xi32>
        tpu.vector_store %arg7[%swap3A_415], %swap3A_418 {strides = array<i32>} : memref<80xi32, #tpu.memory_space<vmem>>, vector<16xi32>,
        %get3A_419 = arith.constant 48 : index
        %get3A_420 = tpu.vector_load %arg7[%get3A_419] {strides = array<i32>} : memref<80xi32, #tpu.memory_space<vmem>>, vector<16xi32>,
        %get3A_421 = vector.shape_cast %get3A_420 : vector<16xi32> to vector<16xi32>
        %add3A_422 = vector.broadcast %mul3A_54 : i32 to vector<16xi32>
        %add3A_423 = arith.addi %get3A_421, %add3A_422 : vector<16xi32>
        %swap3A_424 = arith.constant 48 : index
        %swap3A_425 = tpu.vector_load %arg7[%swap3A_424] {strides = array<i32>} : memref<80xi32, #tpu.memory_space<vmem>>, vector<16xi32>,
        %swap3A_426 = vector.shape_cast %swap3A_425 : vector<16xi32> to vector<16xi32>
        %swap3A_427 = vector.shape_cast %add3A_423 : vector<16xi32> to vector<16xi32>
        tpu.vector_store %arg7[%swap3A_424], %swap3A_427 {strides = array<i32>} : memref<80xi32, #tpu.memory_space<vmem>>, vector<16xi32>,
        %get3A_428 = arith.constant 64 : index
        %get3A_429 = tpu.vector_load %arg7[%get3A_428] {strides = array<i32>} : memref<80xi32, #tpu.memory_space<vmem>>, vector<16xi32>,
        %get3A_430 = vector.shape_cast %get3A_429 : vector<16xi32> to vector<16xi32>
        %add3A_431 = vector.broadcast %mul3A_54 : i32 to vector<16xi32>
        %add3A_432 = arith.addi %get3A_430, %add3A_431 : vector<16xi32>
        %swap3A_433 = arith.constant 64 : index
        %swap3A_434 = tpu.vector_load %arg7[%swap3A_433] {strides = array<i32>} : memref<80xi32, #tpu.memory_space<vmem>>, vector<16xi32>,
        %swap3A_435 = vector.shape_cast %swap3A_434 : vector<16xi32> to vector<16xi32>
        %swap3A_436 = vector.shape_cast %add3A_432 : vector<16xi32> to vector<16xi32>
        tpu.vector_store %arg7[%swap3A_433], %swap3A_436 {strides = array<i32>} : memref<80xi32, #tpu.memory_space<vmem>>, vector<16xi32>,
        %add3A_437 = arith.constant 1 : i32
        %add3A_438 = arith.addi %add3A_258, %add3A_437 : i32
        %dma_start3A_439 = arith.constant 0 : i32
        %dma_start3A_440 = arith.constant 0 : i32
        %dma_start3A_441 = tpu.memref_slice %arg13[%dma_start3A_439, %dma_start3A_440] : memref<88x144xf32, #tpu.memory_space<vmem>> -> memref<80x144xf32, #tpu.memory_space<vmem>>
        %dma_start3A_442 = arith.constant 0 : i32
        %dma_start3A_443 = arith.constant 0 : i32
        %dma_start3A_444 = tpu.memref_slice %arg2[%dma_start3A_442, %dma_start3A_443] : memref<20000x144xf32, #tpu.memory_space<hbm>> -> memref<20000x144xf32, #tpu.memory_space<hbm>>
        tpu.enqueue_indirect_dma source(%dma_start3A_444 : memref<20000x144xf32, #tpu.memory_space<hbm>>) target(%dma_start3A_441 : memref<80x144xf32, #tpu.memory_space<vmem>>) offsets(%arg7 : memref<80xi32, #tpu.memory_space<vmem>>) semaphore(%arg18 : memref<!tpu.dma_semaphore, #tpu.memory_space<semaphore_mem>>)
        %dma_start3A_445 = arith.constant 0 : i32
        %dma_start3A_446 = arith.constant 0 : i32
        %dma_start3A_447 = tpu.memref_slice %arg15[%dma_start3A_445, %dma_start3A_446] : memref<88x16xf32, #tpu.memory_space<vmem>> -> memref<80x16xf32, #tpu.memory_space<vmem>>
        %dma_start3A_448 = arith.constant 0 : i32
        %dma_start3A_449 = arith.constant 0 : i32
        %dma_start3A_450 = tpu.memref_slice %arg3[%dma_start3A_448, %dma_start3A_449] : memref<10000x16xf32, #tpu.memory_space<hbm>> -> memref<10000x16xf32, #tpu.memory_space<hbm>>
        tpu.enqueue_indirect_dma source(%dma_start3A_450 : memref<10000x16xf32, #tpu.memory_space<hbm>>) target(%dma_start3A_447 : memref<80x16xf32, #tpu.memory_space<vmem>>) offsets(%arg9 : memref<80xi32, #tpu.memory_space<vmem>>) semaphore(%arg20 : memref<!tpu.dma_semaphore, #tpu.memory_space<semaphore_mem>>)
      } else {
      }
      %dma_wait3A_271 = arith.constant 0 : i32
      %dma_wait3A_272 = arith.constant 0 : i32
      %dma_wait3A_273 = tpu.memref_slice %arg14[%dma_wait3A_271, %dma_wait3A_272] : memref<88x144xf32, #tpu.memory_space<vmem>> -> memref<80x144xf32, #tpu.memory_space<vmem>>
      %dma_wait3A_274 = arith.constant 0 : i32
      %dma_wait3A_275 = arith.constant 0 : i32
      %dma_wait3A_276 = tpu.memref_slice %arg2[%dma_wait3A_274, %dma_wait3A_275] : memref<20000x144xf32, #tpu.memory_space<hbm>> -> memref<20000x144xf32, #tpu.memory_space<hbm>>
      tpu.wait_indirect_dma semaphore(%arg19 : memref<!tpu.dma_semaphore, #tpu.memory_space<semaphore_mem>>) src(%dma_wait3A_276 : memref<20000x144xf32, #tpu.memory_space<hbm>>) dst(%dma_wait3A_273 : memref<80x144xf32, #tpu.memory_space<vmem>>)
      %dma_wait3A_277 = arith.constant 0 : i32
      %dma_wait3A_278 = arith.constant 0 : i32
      %dma_wait3A_279 = tpu.memref_slice %arg16[%dma_wait3A_277, %dma_wait3A_278] : memref<88x16xf32, #tpu.memory_space<vmem>> -> memref<80x16xf32, #tpu.memory_space<vmem>>
      %dma_wait3A_280 = arith.constant 0 : i32
      %dma_wait3A_281 = arith.constant 0 : i32
      %dma_wait3A_282 = tpu.memref_slice %arg3[%dma_wait3A_280, %dma_wait3A_281] : memref<10000x16xf32, #tpu.memory_space<hbm>> -> memref<10000x16xf32, #tpu.memory_space<hbm>>
      tpu.wait_indirect_dma semaphore(%arg21 : memref<!tpu.dma_semaphore, #tpu.memory_space<semaphore_mem>>) src(%dma_wait3A_282 : memref<10000x16xf32, #tpu.memory_space<hbm>>) dst(%dma_wait3A_279 : memref<80x16xf32, #tpu.memory_space<vmem>>)
      %get3A_283 = arith.constant 0 : index
      %get3A_284 = tpu.vector_load %arg10[%get3A_283] {strides = array<i32>} : memref<80xi32, #tpu.memory_space<vmem>>, vector<16xi32>,
      %get3A_285 = vector.shape_cast %get3A_284 : vector<16xi32> to vector<16xi32>
      %swap3A_286 = arith.constant 0 : index
      %swap3A_287 = tpu.vector_load %arg12[%swap3A_286] {strides = array<i32>} : memref<80xi32, #tpu.memory_space<vmem>>, vector<16xi32>,
      %swap3A_288 = vector.shape_cast %swap3A_287 : vector<16xi32> to vector<16xi32>
      %swap3A_289 = vector.shape_cast %get3A_285 : vector<16xi32> to vector<16xi32>
      tpu.vector_store %arg12[%swap3A_286], %swap3A_289 {strides = array<i32>} : memref<80xi32, #tpu.memory_space<vmem>>, vector<16xi32>,
      %get3A_290 = arith.constant 16 : index
      %get3A_291 = tpu.vector_load %arg10[%get3A_290] {strides = array<i32>} : memref<80xi32, #tpu.memory_space<vmem>>, vector<16xi32>,
      %get3A_292 = vector.shape_cast %get3A_291 : vector<16xi32> to vector<16xi32>
      %swap3A_293 = arith.constant 16 : index
      %swap3A_294 = tpu.vector_load %arg12[%swap3A_293] {strides = array<i32>} : memref<80xi32, #tpu.memory_space<vmem>>, vector<16xi32>,
      %swap3A_295 = vector.shape_cast %swap3A_294 : vector<16xi32> to vector<16xi32>
      %swap3A_296 = vector.shape_cast %get3A_292 : vector<16xi32> to vector<16xi32>
      tpu.vector_store %arg12[%swap3A_293], %swap3A_296 {strides = array<i32>} : memref<80xi32, #tpu.memory_space<vmem>>, vector<16xi32>,
      %get3A_297 = arith.constant 32 : index
      %get3A_298 = tpu.vector_load %arg10[%get3A_297] {strides = array<i32>} : memref<80xi32, #tpu.memory_space<vmem>>, vector<16xi32>,
      %get3A_299 = vector.shape_cast %get3A_298 : vector<16xi32> to vector<16xi32>
      %swap3A_300 = arith.constant 32 : index
      %swap3A_301 = tpu.vector_load %arg12[%swap3A_300] {strides = array<i32>} : memref<80xi32, #tpu.memory_space<vmem>>, vector<16xi32>,
      %swap3A_302 = vector.shape_cast %swap3A_301 : vector<16xi32> to vector<16xi32>
      %swap3A_303 = vector.shape_cast %get3A_299 : vector<16xi32> to vector<16xi32>
      tpu.vector_store %arg12[%swap3A_300], %swap3A_303 {strides = array<i32>} : memref<80xi32, #tpu.memory_space<vmem>>, vector<16xi32>,
      %get3A_304 = arith.constant 48 : index
      %get3A_305 = tpu.vector_load %arg10[%get3A_304] {strides = array<i32>} : memref<80xi32, #tpu.memory_space<vmem>>, vector<16xi32>,
      %get3A_306 = vector.shape_cast %get3A_305 : vector<16xi32> to vector<16xi32>
      %swap3A_307 = arith.constant 48 : index
      %swap3A_308 = tpu.vector_load %arg12[%swap3A_307] {strides = array<i32>} : memref<80xi32, #tpu.memory_space<vmem>>, vector<16xi32>,
      %swap3A_309 = vector.shape_cast %swap3A_308 : vector<16xi32> to vector<16xi32>
      %swap3A_310 = vector.shape_cast %get3A_306 : vector<16xi32> to vector<16xi32>
      tpu.vector_store %arg12[%swap3A_307], %swap3A_310 {strides = array<i32>} : memref<80xi32, #tpu.memory_space<vmem>>, vector<16xi32>,
      %get3A_311 = arith.constant 64 : index
      %get3A_312 = tpu.vector_load %arg10[%get3A_311] {strides = array<i32>} : memref<80xi32, #tpu.memory_space<vmem>>, vector<16xi32>,
      %get3A_313 = vector.shape_cast %get3A_312 : vector<16xi32> to vector<16xi32>
      %swap3A_314 = arith.constant 64 : index
      %swap3A_315 = tpu.vector_load %arg12[%swap3A_314] {strides = array<i32>} : memref<80xi32, #tpu.memory_space<vmem>>, vector<16xi32>,
      %swap3A_316 = vector.shape_cast %swap3A_315 : vector<16xi32> to vector<16xi32>
      %swap3A_317 = vector.shape_cast %get3A_313 : vector<16xi32> to vector<16xi32>
      tpu.vector_store %arg12[%swap3A_314], %swap3A_317 {strides = array<i32>} : memref<80xi32, #tpu.memory_space<vmem>>, vector<16xi32>,
      %add3A_318 = arith.constant 2 : i32
      %add3A_319 = arith.addi %add3A_258, %add3A_318 : i32
      %lt3A_320 = arith.constant 250 : i32
      %lt3A_321 = arith.cmpi slt, %add3A_319, %lt3A_320 : i32
      %convert_element_type3A_322 = arith.extui %lt3A_321 : i1 to i32
      %cond3A_323 = arith.constant 0 : i32
      %cond3A_324 = arith.cmpi ne, %convert_element_type3A_322, %cond3A_323 : i32
      scf.if %cond3A_324 {
        %add3A_382 = arith.constant 2 : i32
        %add3A_383 = arith.addi %add3A_258, %add3A_382 : i32
        %mul3A_384 = arith.constant 80 : i32
        %mul3A_385 = arith.muli %add3A_383, %mul3A_384 : i32
        %add3A_386 = arith.addi %multiple_of3A, %mul3A_385 : i32
        %multiple_of3A_387 = tpu.assume_multiple %add3A_386, 8 : i32
        %dma_start3A_388 = tpu.memref_slice %arg4[%multiple_of3A_387] : memref<320000xi32, #tpu.memory_space<hbm>> -> memref<80xi32, #tpu.memory_space<hbm>>
        %dma_start3A_389 = tpu.memref_slice %arg4[%multiple_of3A_387] : memref<320000xi32, #tpu.memory_space<hbm>> -> memref<80xi32, #tpu.memory_space<hbm>>
        tpu.enqueue_dma source(%dma_start3A_389 : memref<80xi32, #tpu.memory_space<hbm>>) target(%arg8 : memref<80xi32, #tpu.memory_space<vmem>>) target_semaphore(%arg25 : memref<!tpu.dma_semaphore, #tpu.memory_space<semaphore_mem>>)
        %dma_start3A_390 = tpu.memref_slice %arg5[%multiple_of3A_387] : memref<320000xi32, #tpu.memory_space<hbm>> -> memref<80xi32, #tpu.memory_space<hbm>>
        %dma_start3A_391 = tpu.memref_slice %arg5[%multiple_of3A_387] : memref<320000xi32, #tpu.memory_space<hbm>> -> memref<80xi32, #tpu.memory_space<hbm>>
        tpu.enqueue_dma source(%dma_start3A_391 : memref<80xi32, #tpu.memory_space<hbm>>) target(%arg10 : memref<80xi32, #tpu.memory_space<vmem>>) target_semaphore(%arg25 : memref<!tpu.dma_semaphore, #tpu.memory_space<semaphore_mem>>)
      } else {
      }
      %mul3A_325 = arith.constant 4 : i32
      %mul3A_326 = arith.muli %mul3A_325, %arg0 : i32
      %add3A_327 = vector.broadcast %mul3A_326 : i32 to vector<16xi32>
      %add3A_328 = arith.addi %iota3A_55, %add3A_327 : vector<16xi32>
      %and3A_329 = arith.constant 15 : i32
      %and3A_330 = vector.broadcast %and3A_329 : i32 to vector<16xi32>
      %and3A_331 = arith.andi %add3A_328, %and3A_330 : vector<16xi32>
      %broadcast_in_dim3A_332 = arith.constant 0 : i32
      %broadcast_in_dim3A_333 = vector.broadcast %broadcast_in_dim3A_332 : i32 to vector<16xi32>
      %broadcast_in_dim3A_334 = arith.constant 1 : i32
      %broadcast_in_dim3A_335 = vector.broadcast %broadcast_in_dim3A_334 : i32 to vector<16xi32>
      %broadcast_in_dim3A_336 = arith.constant 2 : i32
      %broadcast_in_dim3A_337 = vector.broadcast %broadcast_in_dim3A_336 : i32 to vector<16xi32>
      %broadcast_in_dim3A_338 = arith.constant 3 : i32
      %broadcast_in_dim3A_339 = vector.broadcast %broadcast_in_dim3A_338 : i32 to vector<16xi32>
      %get3A_340 = arith.constant 0 : i32
      %get3A_341 = arith.index_cast %get3A_340 : i32 to index
      %get3A_342 = arith.constant 0 : index
      %get3A_343 = tpu.vector_load %arg16[%get3A_341, %get3A_342] {strides = array<i32>} : memref<88x16xf32, #tpu.memory_space<vmem>>, vector<1x16xf32>,
      %get3A_344 = vector.shape_cast %get3A_343 : vector<1x16xf32> to vector<16xf32>
      %lt3A_345 = arith.constant 0 : i32
      %lt3A_346 = vector.broadcast %lt3A_345 : i32 to vector<16xi32>
      %lt3A_347 = arith.cmpi slt, %and3A_331, %lt3A_346 : vector<16xi32>
      %add3A_348 = arith.constant 16 : i32
      %add3A_349 = vector.broadcast %add3A_348 : i32 to vector<16xi32>
      %add3A_350 = arith.addi %and3A_331, %add3A_349 : vector<16xi32>
      %select_n3A_351 = arith.select %lt3A_347, %add3A_350, %and3A_331 : vector<16xi1>, vector<16xi32>
      %reshape3A_352 = vector.shape_cast %select_n3A_351 : vector<16xi32> to vector<16x1xi32>
      %gather3A_353 = vector.shape_cast %reshape3A_352 : vector<16x1xi32> to vector<16xi32>
      %gather3A_354 = tpu.dynamic_gather %get3A_344[%gather3A_353] in [0] : vector<16xf32>, vector<16xi32> -> vector<16xf32>
      %get3A_355 = arith.constant 0 : i32
      %get3A_356 = arith.index_cast %get3A_355 : i32 to index
      %get3A_357 = arith.constant 128 : index
      %get3A_358 = tpu.vector_load %arg14[%get3A_356, %get3A_357] {strides = array<i32>} : memref<88x144xf32, #tpu.memory_space<vmem>>, vector<1x16xf32>,
      %get3A_359 = vector.shape_cast %get3A_358 : vector<1x16xf32> to vector<16xf32>
      %add3A_360 = arith.addf %get3A_359, %gather3A_354 : vector<16xf32>
      %gt3A_361 = arith.constant 0.000000e+00 : f32
      %gt3A_362 = vector.broadcast %gt3A_361 : f32 to vector<16xf32>
      %gt3A_363 = arith.cmpf ogt, %add3A_360, %gt3A_362 : vector<16xf32>
      %mul3A_364 = arith.constant 2.000000e-01 : f32
      %mul3A_365 = vector.broadcast %mul3A_364 : f32 to vector<16xf32>
      %mul3A_366 = arith.mulf %mul3A_365, %add3A_360 : vector<16xf32>
      %select_n3A_367 = arith.select %gt3A_363, %add3A_360, %mul3A_366 : vector<16xi1>, vector<16xf32>
      %exp3A_368 = math.exp %select_n3A_367 : vector<16xf32>
      %scan3A_369 = arith.constant 0 : i32
      %scan3A_370 = arith.constant 80 : i32
      %scan3A_371 = arith.addi %scan3A_369, %scan3A_370 : i32
      %scan3A_372 = arith.constant 1 : i32
      %scan3A_373 = scf.for %scan3A_382 = %scan3A_369 to %scan3A_371 step %scan3A_372 iter_args(%scan3A_383 = %exp3A_368) -> (vector<16xf32>)  : i32 {
        %add3A_384 = arith.constant 1 : i32
        %add3A_385 = arith.addi %scan3A_382, %add3A_384 : i32
        %get3A_386 = arith.index_cast %add3A_385 : i32 to index
        %get3A_387 = arith.constant 0 : index
        %get3A_388 = tpu.vector_load %arg16[%get3A_386, %get3A_387] {strides = array<i32>} : memref<88x16xf32, #tpu.memory_space<vmem>>, vector<1x16xf32>,
        %get3A_389 = vector.shape_cast %get3A_388 : vector<1x16xf32> to vector<16xf32>
        %lt3A_390 = arith.constant 0 : i32
        %lt3A_391 = vector.broadcast %lt3A_390 : i32 to vector<16xi32>
        %lt3A_392 = arith.cmpi slt, %and3A_331, %lt3A_391 : vector<16xi32>
        %add3A_393 = arith.constant 16 : i32
        %add3A_394 = vector.broadcast %add3A_393 : i32 to vector<16xi32>
        %add3A_395 = arith.addi %and3A_331, %add3A_394 : vector<16xi32>
        %select_n3A_396 = arith.select %lt3A_392, %add3A_395, %and3A_331 : vector<16xi1>, vector<16xi32>
        %reshape3A_397 = vector.shape_cast %select_n3A_396 : vector<16xi32> to vector<16x1xi32>
        %gather3A_398 = vector.shape_cast %reshape3A_397 : vector<16x1xi32> to vector<16xi32>
        %gather3A_399 = tpu.dynamic_gather %get3A_389[%gather3A_398] in [0] : vector<16xf32>, vector<16xi32> -> vector<16xf32>
        %get3A_400 = arith.index_cast %add3A_385 : i32 to index
        %get3A_401 = arith.constant 128 : index
        %get3A_402 = tpu.vector_load %arg14[%get3A_400, %get3A_401] {strides = array<i32>} : memref<88x144xf32, #tpu.memory_space<vmem>>, vector<1x16xf32>,
        %get3A_403 = vector.shape_cast %get3A_402 : vector<1x16xf32> to vector<16xf32>
        %add3A_404 = arith.addf %get3A_403, %gather3A_399 : vector<16xf32>
        %gt3A_405 = arith.constant 0.000000e+00 : f32
        %gt3A_406 = vector.broadcast %gt3A_405 : f32 to vector<16xf32>
        %gt3A_407 = arith.cmpf ogt, %add3A_404, %gt3A_406 : vector<16xf32>
        %mul3A_408 = arith.constant 2.000000e-01 : f32
        %mul3A_409 = vector.broadcast %mul3A_408 : f32 to vector<16xf32>
        %mul3A_410 = arith.mulf %mul3A_409, %add3A_404 : vector<16xf32>
        %select_n3A_411 = arith.select %gt3A_407, %add3A_404, %mul3A_410 : vector<16xi1>, vector<16xf32>
        %exp3A_412 = math.exp %select_n3A_411 : vector<16xf32>
        %lt3A_413 = arith.constant 4 : i32
        %lt3A_414 = vector.broadcast %lt3A_413 : i32 to vector<16xi32>
        %lt3A_415 = arith.cmpi slt, %iota3A_55, %lt3A_414 : vector<16xi32>
        %jit3A = arith.constant 0.000000e+00 : f32
        %broadcast_in_dim3A_416 = vector.broadcast %jit3A : f32 to vector<16xf32>
        %select_n3A_417 = arith.select %lt3A_415, %scan3A_383, %broadcast_in_dim3A_416 : vector<16xi1>, vector<16xf32>
        %swap3A_418 = arith.index_cast %scan3A_382 : i32 to index
        %swap3A_419 = arith.constant 128 : index
        %swap3A_420 = tpu.vector_load %arg14[%swap3A_418, %swap3A_419] {strides = array<i32>} : memref<88x144xf32, #tpu.memory_space<vmem>>, vector<1x16xf32>,
        %swap3A_421 = vector.shape_cast %swap3A_420 : vector<1x16xf32> to vector<16xf32>
        %swap3A_422 = vector.shape_cast %select_n3A_417 : vector<16xf32> to vector<1x16xf32>
        tpu.vector_store %arg14[%swap3A_418, %swap3A_419], %swap3A_422 {strides = array<i32>} : memref<88x144xf32, #tpu.memory_space<vmem>>, vector<1x16xf32>,
        %lt3A_423 = arith.constant 0 : i32
        %lt3A_424 = vector.broadcast %lt3A_423 : i32 to vector<16xi32>
        %lt3A_425 = arith.cmpi slt, %broadcast_in_dim3A_333, %lt3A_424 : vector<16xi32>
        %add3A_426 = arith.constant 16 : i32
        %add3A_427 = vector.broadcast %add3A_426 : i32 to vector<16xi32>
        %add3A_428 = arith.addi %broadcast_in_dim3A_333, %add3A_427 : vector<16xi32>
        %select_n3A_429 = arith.select %lt3A_425, %add3A_428, %broadcast_in_dim3A_333 : vector<16xi1>, vector<16xi32>
        %reshape3A_430 = vector.shape_cast %select_n3A_429 : vector<16xi32> to vector<16x1xi32>
        %gather3A_431 = vector.shape_cast %reshape3A_430 : vector<16x1xi32> to vector<16xi32>
        %gather3A_432 = tpu.dynamic_gather %scan3A_383[%gather3A_431] in [0] : vector<16xf32>, vector<16xi32> -> vector<16xf32>
        %get3A_433 = arith.index_cast %scan3A_382 : i32 to index
        %get3A_434 = arith.constant 0 : index
        %get3A_435 = tpu.vector_load %arg14[%get3A_433, %get3A_434] {strides = array<i32>} : memref<88x144xf32, #tpu.memory_space<vmem>>, vector<1x16xf32>,
        %get3A_436 = vector.shape_cast %get3A_435 : vector<1x16xf32> to vector<16xf32>
        %mul3A_437 = arith.mulf %get3A_436, %gather3A_432 : vector<16xf32>
        %swap3A_438 = arith.index_cast %scan3A_382 : i32 to index
        %swap3A_439 = arith.constant 0 : index
        %swap3A_440 = tpu.vector_load %arg14[%swap3A_438, %swap3A_439] {strides = array<i32>} : memref<88x144xf32, #tpu.memory_space<vmem>>, vector<1x16xf32>,
        %swap3A_441 = vector.shape_cast %swap3A_440 : vector<1x16xf32> to vector<16xf32>
        %swap3A_442 = vector.shape_cast %mul3A_437 : vector<16xf32> to vector<1x16xf32>
        tpu.vector_store %arg14[%swap3A_438, %swap3A_439], %swap3A_442 {strides = array<i32>} : memref<88x144xf32, #tpu.memory_space<vmem>>, vector<1x16xf32>,
        %get3A_443 = arith.index_cast %scan3A_382 : i32 to index
        %get3A_444 = arith.constant 16 : index
        %get3A_445 = tpu.vector_load %arg14[%get3A_443, %get3A_444] {strides = array<i32>} : memref<88x144xf32, #tpu.memory_space<vmem>>, vector<1x16xf32>,
        %get3A_446 = vector.shape_cast %get3A_445 : vector<1x16xf32> to vector<16xf32>
        %mul3A_447 = arith.mulf %get3A_446, %gather3A_432 : vector<16xf32>
        %swap3A_448 = arith.index_cast %scan3A_382 : i32 to index
        %swap3A_449 = arith.constant 16 : index
        %swap3A_450 = tpu.vector_load %arg14[%swap3A_448, %swap3A_449] {strides = array<i32>} : memref<88x144xf32, #tpu.memory_space<vmem>>, vector<1x16xf32>,
        %swap3A_451 = vector.shape_cast %swap3A_450 : vector<1x16xf32> to vector<16xf32>
        %swap3A_452 = vector.shape_cast %mul3A_447 : vector<16xf32> to vector<1x16xf32>
        tpu.vector_store %arg14[%swap3A_448, %swap3A_449], %swap3A_452 {strides = array<i32>} : memref<88x144xf32, #tpu.memory_space<vmem>>, vector<1x16xf32>,
        %lt3A_453 = arith.constant 0 : i32
        %lt3A_454 = vector.broadcast %lt3A_453 : i32 to vector<16xi32>
        %lt3A_455 = arith.cmpi slt, %broadcast_in_dim3A_335, %lt3A_454 : vector<16xi32>
        %add3A_456 = arith.constant 16 : i32
        %add3A_457 = vector.broadcast %add3A_456 : i32 to vector<16xi32>
        %add3A_458 = arith.addi %broadcast_in_dim3A_335, %add3A_457 : vector<16xi32>
        %select_n3A_459 = arith.select %lt3A_455, %add3A_458, %broadcast_in_dim3A_335 : vector<16xi1>, vector<16xi32>
        %reshape3A_460 = vector.shape_cast %select_n3A_459 : vector<16xi32> to vector<16x1xi32>
        %gather3A_461 = vector.shape_cast %reshape3A_460 : vector<16x1xi32> to vector<16xi32>
        %gather3A_462 = tpu.dynamic_gather %scan3A_383[%gather3A_461] in [0] : vector<16xf32>, vector<16xi32> -> vector<16xf32>
        %get3A_463 = arith.index_cast %scan3A_382 : i32 to index
        %get3A_464 = arith.constant 32 : index
        %get3A_465 = tpu.vector_load %arg14[%get3A_463, %get3A_464] {strides = array<i32>} : memref<88x144xf32, #tpu.memory_space<vmem>>, vector<1x16xf32>,
        %get3A_466 = vector.shape_cast %get3A_465 : vector<1x16xf32> to vector<16xf32>
        %mul3A_467 = arith.mulf %get3A_466, %gather3A_462 : vector<16xf32>
        %swap3A_468 = arith.index_cast %scan3A_382 : i32 to index
        %swap3A_469 = arith.constant 32 : index
        %swap3A_470 = tpu.vector_load %arg14[%swap3A_468, %swap3A_469] {strides = array<i32>} : memref<88x144xf32, #tpu.memory_space<vmem>>, vector<1x16xf32>,
        %swap3A_471 = vector.shape_cast %swap3A_470 : vector<1x16xf32> to vector<16xf32>
        %swap3A_472 = vector.shape_cast %mul3A_467 : vector<16xf32> to vector<1x16xf32>
        tpu.vector_store %arg14[%swap3A_468, %swap3A_469], %swap3A_472 {strides = array<i32>} : memref<88x144xf32, #tpu.memory_space<vmem>>, vector<1x16xf32>,
        %get3A_473 = arith.index_cast %scan3A_382 : i32 to index
        %get3A_474 = arith.constant 48 : index
        %get3A_475 = tpu.vector_load %arg14[%get3A_473, %get3A_474] {strides = array<i32>} : memref<88x144xf32, #tpu.memory_space<vmem>>, vector<1x16xf32>,
        %get3A_476 = vector.shape_cast %get3A_475 : vector<1x16xf32> to vector<16xf32>
        %mul3A_477 = arith.mulf %get3A_476, %gather3A_462 : vector<16xf32>
        %swap3A_478 = arith.index_cast %scan3A_382 : i32 to index
        %swap3A_479 = arith.constant 48 : index
        %swap3A_480 = tpu.vector_load %arg14[%swap3A_478, %swap3A_479] {strides = array<i32>} : memref<88x144xf32, #tpu.memory_space<vmem>>, vector<1x16xf32>,
        %swap3A_481 = vector.shape_cast %swap3A_480 : vector<1x16xf32> to vector<16xf32>
        %swap3A_482 = vector.shape_cast %mul3A_477 : vector<16xf32> to vector<1x16xf32>
        tpu.vector_store %arg14[%swap3A_478, %swap3A_479], %swap3A_482 {strides = array<i32>} : memref<88x144xf32, #tpu.memory_space<vmem>>, vector<1x16xf32>,
        %lt3A_483 = arith.constant 0 : i32
        %lt3A_484 = vector.broadcast %lt3A_483 : i32 to vector<16xi32>
        %lt3A_485 = arith.cmpi slt, %broadcast_in_dim3A_337, %lt3A_484 : vector<16xi32>
        %add3A_486 = arith.constant 16 : i32
        %add3A_487 = vector.broadcast %add3A_486 : i32 to vector<16xi32>
        %add3A_488 = arith.addi %broadcast_in_dim3A_337, %add3A_487 : vector<16xi32>
        %select_n3A_489 = arith.select %lt3A_485, %add3A_488, %broadcast_in_dim3A_337 : vector<16xi1>, vector<16xi32>
        %reshape3A_490 = vector.shape_cast %select_n3A_489 : vector<16xi32> to vector<16x1xi32>
        %gather3A_491 = vector.shape_cast %reshape3A_490 : vector<16x1xi32> to vector<16xi32>
        %gather3A_492 = tpu.dynamic_gather %scan3A_383[%gather3A_491] in [0] : vector<16xf32>, vector<16xi32> -> vector<16xf32>
        %get3A_493 = arith.index_cast %scan3A_382 : i32 to index
        %get3A_494 = arith.constant 64 : index
        %get3A_495 = tpu.vector_load %arg14[%get3A_493, %get3A_494] {strides = array<i32>} : memref<88x144xf32, #tpu.memory_space<vmem>>, vector<1x16xf32>,
        %get3A_496 = vector.shape_cast %get3A_495 : vector<1x16xf32> to vector<16xf32>
        %mul3A_497 = arith.mulf %get3A_496, %gather3A_492 : vector<16xf32>
        %swap3A_498 = arith.index_cast %scan3A_382 : i32 to index
        %swap3A_499 = arith.constant 64 : index
        %swap3A_500 = tpu.vector_load %arg14[%swap3A_498, %swap3A_499] {strides = array<i32>} : memref<88x144xf32, #tpu.memory_space<vmem>>, vector<1x16xf32>,
        %swap3A_501 = vector.shape_cast %swap3A_500 : vector<1x16xf32> to vector<16xf32>
        %swap3A_502 = vector.shape_cast %mul3A_497 : vector<16xf32> to vector<1x16xf32>
        tpu.vector_store %arg14[%swap3A_498, %swap3A_499], %swap3A_502 {strides = array<i32>} : memref<88x144xf32, #tpu.memory_space<vmem>>, vector<1x16xf32>,
        %get3A_503 = arith.index_cast %scan3A_382 : i32 to index
        %get3A_504 = arith.constant 80 : index
        %get3A_505 = tpu.vector_load %arg14[%get3A_503, %get3A_504] {strides = array<i32>} : memref<88x144xf32, #tpu.memory_space<vmem>>, vector<1x16xf32>,
        %get3A_506 = vector.shape_cast %get3A_505 : vector<1x16xf32> to vector<16xf32>
        %mul3A_507 = arith.mulf %get3A_506, %gather3A_492 : vector<16xf32>
        %swap3A_508 = arith.index_cast %scan3A_382 : i32 to index
        %swap3A_509 = arith.constant 80 : index
        %swap3A_510 = tpu.vector_load %arg14[%swap3A_508, %swap3A_509] {strides = array<i32>} : memref<88x144xf32, #tpu.memory_space<vmem>>, vector<1x16xf32>,
        %swap3A_511 = vector.shape_cast %swap3A_510 : vector<1x16xf32> to vector<16xf32>
        %swap3A_512 = vector.shape_cast %mul3A_507 : vector<16xf32> to vector<1x16xf32>
        tpu.vector_store %arg14[%swap3A_508, %swap3A_509], %swap3A_512 {strides = array<i32>} : memref<88x144xf32, #tpu.memory_space<vmem>>, vector<1x16xf32>,
        %lt3A_513 = arith.constant 0 : i32
        %lt3A_514 = vector.broadcast %lt3A_513 : i32 to vector<16xi32>
        %lt3A_515 = arith.cmpi slt, %broadcast_in_dim3A_339, %lt3A_514 : vector<16xi32>
        %add3A_516 = arith.constant 16 : i32
        %add3A_517 = vector.broadcast %add3A_516 : i32 to vector<16xi32>
        %add3A_518 = arith.addi %broadcast_in_dim3A_339, %add3A_517 : vector<16xi32>
        %select_n3A_519 = arith.select %lt3A_515, %add3A_518, %broadcast_in_dim3A_339 : vector<16xi1>, vector<16xi32>
        %reshape3A_520 = vector.shape_cast %select_n3A_519 : vector<16xi32> to vector<16x1xi32>
        %gather3A_521 = vector.shape_cast %reshape3A_520 : vector<16x1xi32> to vector<16xi32>
        %gather3A_522 = tpu.dynamic_gather %scan3A_383[%gather3A_521] in [0] : vector<16xf32>, vector<16xi32> -> vector<16xf32>
        %get3A_523 = arith.index_cast %scan3A_382 : i32 to index
        %get3A_524 = arith.constant 96 : index
        %get3A_525 = tpu.vector_load %arg14[%get3A_523, %get3A_524] {strides = array<i32>} : memref<88x144xf32, #tpu.memory_space<vmem>>, vector<1x16xf32>,
        %get3A_526 = vector.shape_cast %get3A_525 : vector<1x16xf32> to vector<16xf32>
        %mul3A_527 = arith.mulf %get3A_526, %gather3A_522 : vector<16xf32>
        %swap3A_528 = arith.index_cast %scan3A_382 : i32 to index
        %swap3A_529 = arith.constant 96 : index
        %swap3A_530 = tpu.vector_load %arg14[%swap3A_528, %swap3A_529] {strides = array<i32>} : memref<88x144xf32, #tpu.memory_space<vmem>>, vector<1x16xf32>,
        %swap3A_531 = vector.shape_cast %swap3A_530 : vector<1x16xf32> to vector<16xf32>
        %swap3A_532 = vector.shape_cast %mul3A_527 : vector<16xf32> to vector<1x16xf32>
        tpu.vector_store %arg14[%swap3A_528, %swap3A_529], %swap3A_532 {strides = array<i32>} : memref<88x144xf32, #tpu.memory_space<vmem>>, vector<1x16xf32>,
        %get3A_533 = arith.index_cast %scan3A_382 : i32 to index
        %get3A_534 = arith.constant 112 : index
        %get3A_535 = tpu.vector_load %arg14[%get3A_533, %get3A_534] {strides = array<i32>} : memref<88x144xf32, #tpu.memory_space<vmem>>, vector<1x16xf32>,
        %get3A_536 = vector.shape_cast %get3A_535 : vector<1x16xf32> to vector<16xf32>
        %mul3A_537 = arith.mulf %get3A_536, %gather3A_522 : vector<16xf32>
        %swap3A_538 = arith.index_cast %scan3A_382 : i32 to index
        %swap3A_539 = arith.constant 112 : index
        %swap3A_540 = tpu.vector_load %arg14[%swap3A_538, %swap3A_539] {strides = array<i32>} : memref<88x144xf32, #tpu.memory_space<vmem>>, vector<1x16xf32>,
        %swap3A_541 = vector.shape_cast %swap3A_540 : vector<1x16xf32> to vector<16xf32>
        %swap3A_542 = vector.shape_cast %mul3A_537 : vector<16xf32> to vector<1x16xf32>
        tpu.vector_store %arg14[%swap3A_538, %swap3A_539], %swap3A_542 {strides = array<i32>} : memref<88x144xf32, #tpu.memory_space<vmem>>, vector<1x16xf32>,
        scf.yield %exp3A_412 : vector<16xf32>
      }
      %scan3A_374 = arith.constant 80 : i32
      %dma_start3A_375 = arith.constant 0 : i32
      %dma_start3A_376 = arith.constant 0 : i32
      %dma_start3A_377 = tpu.memref_slice %arg14[%dma_start3A_375, %dma_start3A_376] : memref<88x144xf32, #tpu.memory_space<vmem>> -> memref<80x144xf32, #tpu.memory_space<vmem>>
      %dma_start3A_378 = arith.constant 0 : i32
      %dma_start3A_379 = arith.constant 0 : i32
      %dma_start3A_380 = tpu.memref_slice %arg17[%dma_start3A_378, %dma_start3A_379] : memref<10000x144xf32, #tpu.memory_space<vmem_shared>> -> memref<10000x144xf32, #tpu.memory_space<vmem_shared>>
      tpu.enqueue_indirect_dma source(%dma_start3A_377 : memref<80x144xf32, #tpu.memory_space<vmem>>) target(%dma_start3A_380 : memref<10000x144xf32, #tpu.memory_space<vmem_shared>>) offsets(%arg12 : memref<80xi32, #tpu.memory_space<vmem>>) semaphore(%arg23 : memref<!tpu.dma_semaphore, #tpu.memory_space<semaphore_mem>>) {add = true}
      %scan3A_381 = arith.constant 0 : i32
      scf.yield %scan3A_381 : i32
    }
    %scan3A_123 = arith.constant 125 : i32
    %dma_wait3A = arith.constant 0 : i32
    %dma_wait3A_124 = arith.constant 0 : i32
    %dma_wait3A_125 = tpu.memref_slice %arg14[%dma_wait3A, %dma_wait3A_124] : memref<88x144xf32, #tpu.memory_space<vmem>> -> memref<80x144xf32, #tpu.memory_space<vmem>>
    %dma_wait3A_126 = arith.constant 0 : i32
    %dma_wait3A_127 = arith.constant 0 : i32
    %dma_wait3A_128 = tpu.memref_slice %arg17[%dma_wait3A_126, %dma_wait3A_127] : memref<10000x144xf32, #tpu.memory_space<vmem_shared>> -> memref<10000x144xf32, #tpu.memory_space<vmem_shared>>
    tpu.wait_indirect_dma semaphore(%arg23 : memref<!tpu.dma_semaphore, #tpu.memory_space<semaphore_mem>>) src(%dma_wait3A_125 : memref<80x144xf32, #tpu.memory_space<vmem>>) dst(%dma_wait3A_128 : memref<10000x144xf32, #tpu.memory_space<vmem_shared>>)
    %barrier3A_129 = arith.constant 0 : index
    tpu.barrier barrier_id(%barrier3A_129)
    %mul3A_130 = arith.constant 625 : i32
    %mul3A_131 = arith.muli %arg1, %mul3A_130 : i32
    %mul3A_132 = arith.constant 10000 : i32
    %mul3A_133 = arith.muli %arg0, %mul3A_132 : i32
    %mul3A_134 = arith.constant 625 : i32
    %mul3A_135 = arith.muli %arg1, %mul3A_134 : i32
    %add3A_136 = arith.addi %mul3A_133, %mul3A_135 : i32
    "tpu.region"() ({
      %run_scoped3A = tpu.sem_alloc : memref<!tpu.dma_semaphore, #tpu.memory_space<semaphore_mem>>
      %dma_start3A_137 = arith.constant 0 : i32
      %dma_start3A_138 = tpu.memref_slice %arg6[%add3A_136, %dma_start3A_137] : memref<20000x144xf32, #tpu.memory_space<hbm>> -> memref<625x144xf32, #tpu.memory_space<hbm>>
      %dma_start3A_139 = arith.constant 0 : i32
      %dma_start3A_140 = tpu.memref_slice %arg17[%mul3A_131, %dma_start3A_139] : memref<10000x144xf32, #tpu.memory_space<vmem_shared>> -> memref<625x144xf32, #tpu.memory_space<vmem_shared>>
      tpu.enqueue_dma source(%dma_start3A_140 : memref<625x144xf32, #tpu.memory_space<vmem_shared>>) target(%dma_start3A_138 : memref<625x144xf32, #tpu.memory_space<hbm>>) target_semaphore(%run_scoped3A : memref<!tpu.dma_semaphore, #tpu.memory_space<semaphore_mem>>)
      %dma_wait3A_141 = arith.constant 0 : i32
      %dma_wait3A_142 = tpu.memref_slice %arg6[%add3A_136, %dma_wait3A_141] : memref<20000x144xf32, #tpu.memory_space<hbm>> -> memref<625x144xf32, #tpu.memory_space<hbm>>
      %dma_wait3A_143 = arith.constant 0 : i32
      %dma_wait3A_144 = tpu.memref_slice %arg17[%mul3A_131, %dma_wait3A_143] : memref<10000x144xf32, #tpu.memory_space<vmem_shared>> -> memref<625x144xf32, #tpu.memory_space<vmem_shared>>
      tpu.wait_dma2 semaphore(%run_scoped3A : memref<!tpu.dma_semaphore, #tpu.memory_space<semaphore_mem>>) src(%dma_wait3A_144 : memref<625x144xf32, #tpu.memory_space<vmem_shared>>) dst(%dma_wait3A_142 : memref<625x144xf32, #tpu.memory_space<hbm>>)
      tpu.yield
    }) : () -> ()
    return
  }
}

module attributes {stable_mosaic.version = 14 : i64} {
  func.func @_prep1_body(%arg0: i32, %arg1: i32, %arg2: memref<2000x128xf32, #tpu.memory_space<vmem>>, %arg3: memref<128x256xf32, #tpu.memory_space<vmem>>, %arg4: memref<256x8xf32, #tpu.memory_space<vmem>>, %arg5: memref<256x8xf32, #tpu.memory_space<vmem>>, %arg6: memref<2000x144xf32, #tpu.memory_space<vmem>>, %arg7: memref<2000x16xf32, #tpu.memory_space<vmem>>) attributes {dimension_semantics = [#tpu.dimension_semantics<arbitrary>, #tpu.dimension_semantics<arbitrary>], iteration_bounds = array<i64: 2, 5>, scalar_prefetch = 0 : i64, scratch_operands = 0 : i64, tpu.core_type = #tpu.core_type<tc>, window_params = [{transform_indices = @transform_0, window_bounds = array<i64: 2000, 128>}, {pipeline_mode = #tpu.pipeline_mode<synchronous>, transform_indices = @transform_1, window_bounds = array<i64: 128, 256>}, {pipeline_mode = #tpu.pipeline_mode<synchronous>, transform_indices = @transform_2, window_bounds = array<i64: 256, 8>}, {pipeline_mode = #tpu.pipeline_mode<synchronous>, transform_indices = @transform_3, window_bounds = array<i64: 256, 8>}, {transform_indices = @transform_4, window_bounds = array<i64: 2000, 144>}, {transform_indices = @transform_5, window_bounds = array<i64: 2000, 16>}]} {
    %get3A = arith.constant 0 : index
    %get3A_0 = arith.constant 0 : index
    %get3A_1 = vector.load %arg2[%get3A, %get3A_0] : memref<2000x128xf32, #tpu.memory_space<vmem>>, vector<2000x128xf32>
    %get3A_2 = arith.constant 0 : index
    %get3A_3 = arith.constant 0 : index
    %get3A_4 = vector.load %arg3[%get3A_2, %get3A_3] : memref<128x256xf32, #tpu.memory_space<vmem>>, vector<128x256xf32>
    %dot_general3A = arith.constant dense<0.000000e+00> : vector<2000x256xf32>
    %dot_general3A_5 = tpu.matmul %get3A_1, %get3A_4, %dot_general3A {dimension_numbers = #tpu.dot_dimension_numbers<[1], [0], [0], [1], [0, 0, 1, 1], [], []>, transpose_lhs_hint = false} : vector<2000x128xf32>, vector<128x256xf32>, vector<2000x256xf32> -> vector<2000x256xf32>
    %get3A_6 = arith.constant 0 : index
    %get3A_7 = arith.constant 0 : index
    %get3A_8 = vector.load %arg4[%get3A_6, %get3A_7] : memref<256x8xf32, #tpu.memory_space<vmem>>, vector<256x8xf32>
    %dot_general3A_9 = arith.constant dense<0.000000e+00> : vector<2000x8xf32>
    %dot_general3A_10 = tpu.matmul %dot_general3A_5, %get3A_8, %dot_general3A_9 {dimension_numbers = #tpu.dot_dimension_numbers<[1], [0], [0], [1], [0, 0, 1, 1], [], []>, transpose_lhs_hint = false} : vector<2000x256xf32>, vector<256x8xf32>, vector<2000x8xf32> -> vector<2000x8xf32>
    %get3A_11 = arith.constant 0 : index
    %get3A_12 = arith.constant 0 : index
    %get3A_13 = vector.load %arg5[%get3A_11, %get3A_12] : memref<256x8xf32, #tpu.memory_space<vmem>>, vector<256x8xf32>
    %dot_general3A_14 = arith.constant dense<0.000000e+00> : vector<2000x8xf32>
    %dot_general3A_15 = tpu.matmul %dot_general3A_5, %get3A_13, %dot_general3A_14 {dimension_numbers = #tpu.dot_dimension_numbers<[1], [0], [0], [1], [0, 0, 1, 1], [], []>, transpose_lhs_hint = false} : vector<2000x256xf32>, vector<256x8xf32>, vector<2000x8xf32> -> vector<2000x8xf32>
    %eq3A = arith.constant 0 : i32
    %eq3A_16 = arith.cmpi eq, %arg0, %eq3A : i32
    %slice3A = vector.extract_strided_slice %dot_general3A_5 {offsets = [0, 0], sizes = [2000, 128], strides = [1, 1]} : vector<2000x256xf32> to vector<2000x128xf32>
    %slice3A_17 = vector.extract_strided_slice %dot_general3A_5 {offsets = [0, 128], sizes = [2000, 128], strides = [1, 1]} : vector<2000x256xf32> to vector<2000x128xf32>
    %select_n3A = arith.select %eq3A_16, %slice3A, %slice3A_17 : vector<2000x128xf32>
    %eq3A_18 = arith.constant 0 : i32
    %eq3A_19 = arith.cmpi eq, %arg0, %eq3A_18 : i32
    %slice3A_20 = vector.extract_strided_slice %dot_general3A_10 {offsets = [0, 0], sizes = [2000, 4], strides = [1, 1]} : vector<2000x8xf32> to vector<2000x4xf32>
    %slice3A_21 = vector.extract_strided_slice %dot_general3A_10 {offsets = [0, 4], sizes = [2000, 4], strides = [1, 1]} : vector<2000x8xf32> to vector<2000x4xf32>
    %select_n3A_22 = arith.select %eq3A_19, %slice3A_20, %slice3A_21 : vector<2000x4xf32>
    %broadcast_in_dim3A = arith.constant 0.000000e+00 : f32
    %broadcast_in_dim3A_23 = vector.broadcast %broadcast_in_dim3A : f32 to vector<2000x12xf32>
    %concatenate3A = tpu.concatenate %select_n3A, %select_n3A_22, %broadcast_in_dim3A_23 in 1 : vector<2000x128xf32>, vector<2000x4xf32>, vector<2000x12xf32> -> vector<2000x144xf32>
    %swap3A = arith.constant 0 : index
    %swap3A_24 = arith.constant 0 : index
    %swap3A_25 = vector.load %arg6[%swap3A, %swap3A_24] : memref<2000x144xf32, #tpu.memory_space<vmem>>, vector<2000x144xf32>
    tpu.vector_store %arg6[%swap3A, %swap3A_24], %concatenate3A {strides = array<i32>} : memref<2000x144xf32, #tpu.memory_space<vmem>>, vector<2000x144xf32>,
    %broadcast_in_dim3A_26 = arith.constant 0.000000e+00 : f32
    %broadcast_in_dim3A_27 = vector.broadcast %broadcast_in_dim3A_26 : f32 to vector<2000x8xf32>
    %concatenate3A_28 = tpu.concatenate %dot_general3A_15, %broadcast_in_dim3A_27 in 1 : vector<2000x8xf32>, vector<2000x8xf32> -> vector<2000x16xf32>
    %swap3A_29 = arith.constant 0 : index
    %swap3A_30 = arith.constant 0 : index
    %swap3A_31 = vector.load %arg7[%swap3A_29, %swap3A_30] : memref<2000x16xf32, #tpu.memory_space<vmem>>, vector<2000x16xf32>
    tpu.vector_store %arg7[%swap3A_29, %swap3A_30], %concatenate3A_28 {strides = array<i32>} : memref<2000x16xf32, #tpu.memory_space<vmem>>, vector<2000x16xf32>,
    return
  }
  func.func @transform_0(%arg0: i32, %arg1: i32) -> (i32, i32) {
    %c0_i32 = arith.constant 0 : i32
    %c0_i32_0 = arith.constant 0 : i32
    return %arg1, %c0_i32 : i32, i32
  }
  func.func @transform_1(%arg0: i32, %arg1: i32) -> (i32, i32) {
    %c0_i32 = arith.constant 0 : i32
    %c0_i32_0 = arith.constant 0 : i32
    %c0_i32_1 = arith.constant 0 : i32
    return %c0_i32, %c0_i32_0 : i32, i32
  }
  func.func @transform_2(%arg0: i32, %arg1: i32) -> (i32, i32) {
    %c0_i32 = arith.constant 0 : i32
    %c0_i32_0 = arith.constant 0 : i32
    %c0_i32_1 = arith.constant 0 : i32
    return %c0_i32, %c0_i32_0 : i32, i32
  }
  func.func @transform_3(%arg0: i32, %arg1: i32) -> (i32, i32) {
    %c0_i32 = arith.constant 0 : i32
    %c0_i32_0 = arith.constant 0 : i32
    %c0_i32_1 = arith.constant 0 : i32
    return %c0_i32, %c0_i32_0 : i32, i32
  }
  func.func @transform_4(%arg0: i32, %arg1: i32) -> (i32, i32) {
    %mul3A = arith.constant 5 : i32
    %mul3A_0 = arith.muli %arg0, %mul3A : i32
    %add3A = arith.addi %mul3A_0, %arg1 : i32
    %c0_i32 = arith.constant 0 : i32
    %c0_i32_1 = arith.constant 0 : i32
    return %add3A, %c0_i32 : i32, i32
  }
  func.func @transform_5(%arg0: i32, %arg1: i32) -> (i32, i32) {
    %c0_i32 = arith.constant 0 : i32
    %c0_i32_0 = arith.constant 0 : i32
    return %arg1, %c0_i32 : i32, i32
  }
}

module attributes {stable_mosaic.version = 14 : i64} {
  func.func @_mid_body(%arg0: i32, %arg1: memref<2000x144xf32, #tpu.memory_space<vmem>>, %arg2: memref<2000x144xf32, #tpu.memory_space<vmem>>, %arg3: memref<2000x144xf32, #tpu.memory_space<vmem>>, %arg4: memref<2000x144xf32, #tpu.memory_space<vmem>>, %arg5: memref<2000x16xf32, #tpu.memory_space<vmem>>, %arg6: memref<256x64xf32, #tpu.memory_space<vmem>>, %arg7: memref<8x256xf32, #tpu.memory_space<vmem>>, %arg8: memref<8x64xf32, #tpu.memory_space<vmem>>, %arg9: memref<8x64xf32, #tpu.memory_space<vmem>>, %arg10: memref<8x256xf32, #tpu.memory_space<vmem>>, %arg11: memref<2000x80xf32, #tpu.memory_space<vmem>>, %arg12: memref<2000x16xf32, #tpu.memory_space<vmem>>) attributes {dimension_semantics = [#tpu.dimension_semantics<arbitrary>], iteration_bounds = array<i64: 5>, scalar_prefetch = 0 : i64, scratch_operands = 0 : i64, tpu.core_type = #tpu.core_type<tc>, window_params = [{transform_indices = @transform_0, window_bounds = array<i64: 2000, 144>}, {transform_indices = @transform_1, window_bounds = array<i64: 2000, 144>}, {transform_indices = @transform_2, window_bounds = array<i64: 2000, 144>}, {transform_indices = @transform_3, window_bounds = array<i64: 2000, 144>}, {transform_indices = @transform_4, window_bounds = array<i64: 2000, 16>}, {pipeline_mode = #tpu.pipeline_mode<synchronous>, transform_indices = @transform_5, window_bounds = array<i64: 256, 64>}, {pipeline_mode = #tpu.pipeline_mode<synchronous>, transform_indices = @transform_6, window_bounds = array<i64: 8, 256>}, {pipeline_mode = #tpu.pipeline_mode<synchronous>, transform_indices = @transform_7, window_bounds = array<i64: 8, 64>}, {pipeline_mode = #tpu.pipeline_mode<synchronous>, transform_indices = @transform_8, window_bounds = array<i64: 8, 64>}, {pipeline_mode = #tpu.pipeline_mode<synchronous>, transform_indices = @transform_9, window_bounds = array<i64: 8, 256>}, {transform_indices = @transform_10, window_bounds = array<i64: 2000, 80>}, {transform_indices = @transform_11, window_bounds = array<i64: 2000, 16>}]} {
    %get3A = arith.constant 0 : index
    %get3A_0 = arith.constant 128 : index
    %get3A_1 = vector.load %arg3[%get3A, %get3A_0] : memref<2000x144xf32, #tpu.memory_space<vmem>>, vector<2000x4xf32>
    %get3A_2 = arith.constant 0 : index
    %get3A_3 = arith.constant 128 : index
    %get3A_4 = vector.load %arg4[%get3A_2, %get3A_3] : memref<2000x144xf32, #tpu.memory_space<vmem>>, vector<2000x4xf32>
    %concatenate3A = tpu.concatenate %get3A_1, %get3A_4 in 1 : vector<2000x4xf32>, vector<2000x4xf32> -> vector<2000x8xf32>
    %get3A_5 = arith.constant 0 : index
    %get3A_6 = arith.constant 0 : index
    %get3A_7 = vector.load %arg5[%get3A_5, %get3A_6] : memref<2000x16xf32, #tpu.memory_space<vmem>>, vector<2000x8xf32>
    %add3A = arith.addf %concatenate3A, %get3A_7 : vector<2000x8xf32>
    %gt3A = arith.constant 0.000000e+00 : f32
    %gt3A_8 = vector.broadcast %gt3A : f32 to vector<2000x8xf32>
    %gt3A_9 = arith.cmpf ogt, %add3A, %gt3A_8 : vector<2000x8xf32>
    %mul3A = arith.constant 2.000000e-01 : f32
    %mul3A_10 = vector.broadcast %mul3A : f32 to vector<2000x8xf32>
    %mul3A_11 = arith.mulf %mul3A_10, %add3A : vector<2000x8xf32>
    %select_n3A = arith.select %gt3A_9, %add3A, %mul3A_11 : vector<2000x8xi1>, vector<2000x8xf32>
    %exp3A = math.exp %select_n3A : vector<2000x8xf32>
    %get3A_12 = arith.constant 0 : index
    %get3A_13 = arith.constant 0 : index
    %get3A_14 = vector.load %arg3[%get3A_12, %get3A_13] : memref<2000x144xf32, #tpu.memory_space<vmem>>, vector<2000x128xf32>
    %get3A_15 = arith.constant 0 : index
    %get3A_16 = arith.constant 0 : index
    %get3A_17 = vector.load %arg4[%get3A_15, %get3A_16] : memref<2000x144xf32, #tpu.memory_space<vmem>>, vector<2000x128xf32>
    %concatenate3A_18 = tpu.concatenate %get3A_14, %get3A_17 in 1 : vector<2000x128xf32>, vector<2000x128xf32> -> vector<2000x256xf32>
    %get3A_19 = arith.constant 0 : index
    %get3A_20 = arith.constant 0 : index
    %get3A_21 = vector.load %arg1[%get3A_19, %get3A_20] : memref<2000x144xf32, #tpu.memory_space<vmem>>, vector<2000x128xf32>
    %get3A_22 = arith.constant 0 : index
    %get3A_23 = arith.constant 0 : index
    %get3A_24 = vector.load %arg2[%get3A_22, %get3A_23] : memref<2000x144xf32, #tpu.memory_space<vmem>>, vector<2000x128xf32>
    %concatenate3A_25 = tpu.concatenate %get3A_21, %get3A_24 in 1 : vector<2000x128xf32>, vector<2000x128xf32> -> vector<2000x256xf32>
    %get3A_26 = arith.constant 0 : index
    %get3A_27 = arith.constant 128 : index
    %get3A_28 = vector.load %arg1[%get3A_26, %get3A_27] : memref<2000x144xf32, #tpu.memory_space<vmem>>, vector<2000x4xf32>
    %get3A_29 = arith.constant 0 : index
    %get3A_30 = arith.constant 128 : index
    %get3A_31 = vector.load %arg2[%get3A_29, %get3A_30] : memref<2000x144xf32, #tpu.memory_space<vmem>>, vector<2000x4xf32>
    %concatenate3A_32 = tpu.concatenate %get3A_28, %get3A_31 in 1 : vector<2000x4xf32>, vector<2000x4xf32> -> vector<2000x8xf32>
    %add3A_33 = arith.addf %concatenate3A_32, %exp3A : vector<2000x8xf32>
    %add3A_34 = arith.constant 1.000000e-16 : f32
    %add3A_35 = vector.broadcast %add3A_34 : f32 to vector<2000x8xf32>
    %add3A_36 = arith.addf %add3A_33, %add3A_35 : vector<2000x8xf32>
    %get3A_37 = arith.constant 0 : index
    %get3A_38 = arith.constant 0 : index
    %get3A_39 = vector.load %arg7[%get3A_37, %get3A_38] : memref<8x256xf32, #tpu.memory_space<vmem>>, vector<8x256xf32>
    %dot_general3A = arith.constant dense<0.000000e+00> : vector<2000x256xf32>
    %dot_general3A_40 = tpu.matmul %exp3A, %get3A_39, %dot_general3A {dimension_numbers = #tpu.dot_dimension_numbers<[1], [0], [0], [1], [0, 0, 1, 1], [], []>, transpose_lhs_hint = false} : vector<2000x8xf32>, vector<8x256xf32>, vector<2000x256xf32> -> vector<2000x256xf32>
    %mul3A_41 = arith.mulf %dot_general3A_40, %concatenate3A_18 : vector<2000x256xf32>
    %add3A_42 = arith.addf %concatenate3A_25, %mul3A_41 : vector<2000x256xf32>
    %dot_general3A_43 = arith.constant dense<0.000000e+00> : vector<2000x256xf32>
    %dot_general3A_44 = tpu.matmul %add3A_36, %get3A_39, %dot_general3A_43 {dimension_numbers = #tpu.dot_dimension_numbers<[1], [0], [0], [1], [0, 0, 1, 1], [], []>, transpose_lhs_hint = false} : vector<2000x8xf32>, vector<8x256xf32>, vector<2000x256xf32> -> vector<2000x256xf32>
    %div3A = arith.divf %add3A_42, %dot_general3A_44 : vector<2000x256xf32>
    %get3A_45 = arith.constant 0 : index
    %get3A_46 = arith.constant 0 : index
    %get3A_47 = vector.load %arg10[%get3A_45, %get3A_46] : memref<8x256xf32, #tpu.memory_space<vmem>>, vector<1x256xf32>
    %add3A_48 = vector.broadcast %get3A_47 : vector<1x256xf32> to vector<2000x256xf32>
    %add3A_49 = arith.addf %div3A, %add3A_48 : vector<2000x256xf32>
    %max3A = arith.constant 0.000000e+00 : f32
    %max3A_50 = vector.broadcast %max3A : f32 to vector<2000x256xf32>
    %max3A_51 = arith.maximumf %add3A_49, %max3A_50 : vector<2000x256xf32>
    %get3A_52 = arith.constant 0 : index
    %get3A_53 = arith.constant 0 : index
    %get3A_54 = vector.load %arg6[%get3A_52, %get3A_53] : memref<256x64xf32, #tpu.memory_space<vmem>>, vector<256x64xf32>
    %dot_general3A_55 = arith.constant dense<0.000000e+00> : vector<2000x64xf32>
    %dot_general3A_56 = tpu.matmul %max3A_51, %get3A_54, %dot_general3A_55 {dimension_numbers = #tpu.dot_dimension_numbers<[1], [0], [0], [1], [0, 0, 1, 1], [], []>, transpose_lhs_hint = false} : vector<2000x256xf32>, vector<256x64xf32>, vector<2000x64xf32> -> vector<2000x64xf32>
    %get3A_57 = arith.constant 0 : index
    %get3A_58 = arith.constant 0 : index
    %get3A_59 = vector.load %arg8[%get3A_57, %get3A_58] : memref<8x64xf32, #tpu.memory_space<vmem>>, vector<1x64xf32>
    %mul3A_60 = vector.broadcast %get3A_59 : vector<1x64xf32> to vector<2000x64xf32>
    %mul3A_61 = arith.mulf %dot_general3A_56, %mul3A_60 : vector<2000x64xf32>
    %reduce_sum3A = arith.constant dense<0.000000e+00> : vector<2000xf32>
    %reduce_sum3A_62 = vector.multi_reduction <add>, %mul3A_61, %reduce_sum3A [1] : vector<2000x64xf32> to vector<2000xf32>
    %broadcast_in_dim3A = vector.shape_cast %reduce_sum3A_62 : vector<2000xf32> to vector<2000x1xf32>
    %get3A_63 = arith.constant 0 : index
    %get3A_64 = arith.constant 0 : index
    %get3A_65 = vector.load %arg9[%get3A_63, %get3A_64] : memref<8x64xf32, #tpu.memory_space<vmem>>, vector<1x64xf32>
    %mul3A_66 = vector.broadcast %get3A_65 : vector<1x64xf32> to vector<2000x64xf32>
    %mul3A_67 = arith.mulf %dot_general3A_56, %mul3A_66 : vector<2000x64xf32>
    %reduce_sum3A_68 = arith.constant dense<0.000000e+00> : vector<2000xf32>
    %reduce_sum3A_69 = vector.multi_reduction <add>, %mul3A_67, %reduce_sum3A_68 [1] : vector<2000x64xf32> to vector<2000xf32>
    %broadcast_in_dim3A_70 = vector.shape_cast %reduce_sum3A_69 : vector<2000xf32> to vector<2000x1xf32>
    %broadcast_in_dim3A_71 = arith.constant 0.000000e+00 : f32
    %broadcast_in_dim3A_72 = vector.broadcast %broadcast_in_dim3A_71 : f32 to vector<2000x15xf32>
    %concatenate3A_73 = tpu.concatenate %dot_general3A_56, %broadcast_in_dim3A, %broadcast_in_dim3A_72 in 1 : vector<2000x64xf32>, vector<2000x1xf32>, vector<2000x15xf32> -> vector<2000x80xf32>
    %swap3A = arith.constant 0 : index
    %swap3A_74 = arith.constant 0 : index
    %swap3A_75 = vector.load %arg11[%swap3A, %swap3A_74] : memref<2000x80xf32, #tpu.memory_space<vmem>>, vector<2000x80xf32>
    tpu.vector_store %arg11[%swap3A, %swap3A_74], %concatenate3A_73 {strides = array<i32>} : memref<2000x80xf32, #tpu.memory_space<vmem>>, vector<2000x80xf32>,
    %concatenate3A_76 = tpu.concatenate %broadcast_in_dim3A_70, %broadcast_in_dim3A_72 in 1 : vector<2000x1xf32>, vector<2000x15xf32> -> vector<2000x16xf32>
    %swap3A_77 = arith.constant 0 : index
    %swap3A_78 = arith.constant 0 : index
    %swap3A_79 = vector.load %arg12[%swap3A_77, %swap3A_78] : memref<2000x16xf32, #tpu.memory_space<vmem>>, vector<2000x16xf32>
    tpu.vector_store %arg12[%swap3A_77, %swap3A_78], %concatenate3A_76 {strides = array<i32>} : memref<2000x16xf32, #tpu.memory_space<vmem>>, vector<2000x16xf32>,
    return
  }
  func.func @transform_0(%arg0: i32) -> (i32, i32) {
    %c0_i32 = arith.constant 0 : i32
    %c0_i32_0 = arith.constant 0 : i32
    return %arg0, %c0_i32 : i32, i32
  }
  func.func @transform_1(%arg0: i32) -> (i32, i32) {
    %add3A = arith.constant 5 : i32
    %add3A_0 = arith.addi %add3A, %arg0 : i32
    %c0_i32 = arith.constant 0 : i32
    %c0_i32_1 = arith.constant 0 : i32
    return %add3A_0, %c0_i32 : i32, i32
  }
  func.func @transform_2(%arg0: i32) -> (i32, i32) {
    %c0_i32 = arith.constant 0 : i32
    %c0_i32_0 = arith.constant 0 : i32
    return %arg0, %c0_i32 : i32, i32
  }
  func.func @transform_3(%arg0: i32) -> (i32, i32) {
    %add3A = arith.constant 5 : i32
    %add3A_0 = arith.addi %add3A, %arg0 : i32
    %c0_i32 = arith.constant 0 : i32
    %c0_i32_1 = arith.constant 0 : i32
    return %add3A_0, %c0_i32 : i32, i32
  }
  func.func @transform_4(%arg0: i32) -> (i32, i32) {
    %c0_i32 = arith.constant 0 : i32
    %c0_i32_0 = arith.constant 0 : i32
    return %arg0, %c0_i32 : i32, i32
  }
  func.func @transform_5(%arg0: i32) -> (i32, i32) {
    %c0_i32 = arith.constant 0 : i32
    %c0_i32_0 = arith.constant 0 : i32
    %c0_i32_1 = arith.constant 0 : i32
    return %c0_i32, %c0_i32_0 : i32, i32
  }
  func.func @transform_6(%arg0: i32) -> (i32, i32) {
    %c0_i32 = arith.constant 0 : i32
    %c0_i32_0 = arith.constant 0 : i32
    %c0_i32_1 = arith.constant 0 : i32
    return %c0_i32, %c0_i32_0 : i32, i32
  }
  func.func @transform_7(%arg0: i32) -> (i32, i32) {
    %c0_i32 = arith.constant 0 : i32
    %c0_i32_0 = arith.constant 0 : i32
    %c0_i32_1 = arith.constant 0 : i32
    return %c0_i32, %c0_i32_0 : i32, i32
  }
  func.func @transform_8(%arg0: i32) -> (i32, i32) {
    %c0_i32 = arith.constant 0 : i32
    %c0_i32_0 = arith.constant 0 : i32
    %c0_i32_1 = arith.constant 0 : i32
    return %c0_i32, %c0_i32_0 : i32, i32
  }
  func.func @transform_9(%arg0: i32) -> (i32, i32) {
    %c0_i32 = arith.constant 0 : i32
    %c0_i32_0 = arith.constant 0 : i32
    %c0_i32_1 = arith.constant 0 : i32
    return %c0_i32, %c0_i32_0 : i32, i32
  }
  func.func @transform_10(%arg0: i32) -> (i32, i32) {
    %c0_i32 = arith.constant 0 : i32
    %c0_i32_0 = arith.constant 0 : i32
    return %arg0, %c0_i32 : i32, i32
  }
  func.func @transform_11(%arg0: i32) -> (i32, i32) {
    %c0_i32 = arith.constant 0 : i32
    %c0_i32_0 = arith.constant 0 : i32
    return %arg0, %c0_i32 : i32, i32
  }
}

module attributes {stable_mosaic.version = 14 : i64} {
  func.func @_final_body(%arg0: i32, %arg1: memref<2000x80xf32, #tpu.memory_space<vmem>>, %arg2: memref<2000x80xf32, #tpu.memory_space<vmem>>, %arg3: memref<2000x80xf32, #tpu.memory_space<vmem>>, %arg4: memref<2000x16xf32, #tpu.memory_space<vmem>>, %arg5: memref<8x64xf32, #tpu.memory_space<vmem>>, %arg6: memref<2000x64xf32, #tpu.memory_space<vmem>>) attributes {dimension_semantics = [#tpu.dimension_semantics<arbitrary>], iteration_bounds = array<i64: 5>, scalar_prefetch = 0 : i64, scratch_operands = 0 : i64, tpu.core_type = #tpu.core_type<tc>, window_params = [{transform_indices = @transform_0, window_bounds = array<i64: 2000, 80>}, {transform_indices = @transform_1, window_bounds = array<i64: 2000, 80>}, {transform_indices = @transform_2, window_bounds = array<i64: 2000, 80>}, {transform_indices = @transform_3, window_bounds = array<i64: 2000, 16>}, {pipeline_mode = #tpu.pipeline_mode<synchronous>, transform_indices = @transform_4, window_bounds = array<i64: 8, 64>}, {transform_indices = @transform_5, window_bounds = array<i64: 2000, 64>}]} {
    %get3A = arith.constant 0 : index
    %get3A_0 = arith.constant 0 : index
    %get3A_1 = vector.load %arg1[%get3A, %get3A_0] : memref<2000x80xf32, #tpu.memory_space<vmem>>, vector<2000x64xf32>
    %get3A_2 = arith.constant 0 : index
    %get3A_3 = arith.constant 0 : index
    %get3A_4 = vector.load %arg2[%get3A_2, %get3A_3] : memref<2000x80xf32, #tpu.memory_space<vmem>>, vector<2000x64xf32>
    %add3A = arith.addf %get3A_1, %get3A_4 : vector<2000x64xf32>
    %get3A_5 = arith.constant 0 : index
    %get3A_6 = arith.constant 64 : index
    %get3A_7 = vector.load %arg1[%get3A_5, %get3A_6] : memref<2000x80xf32, #tpu.memory_space<vmem>>, vector<2000x1xf32>
    %get3A_8 = arith.constant 0 : index
    %get3A_9 = arith.constant 64 : index
    %get3A_10 = vector.load %arg2[%get3A_8, %get3A_9] : memref<2000x80xf32, #tpu.memory_space<vmem>>, vector<2000x1xf32>
    %add3A_11 = arith.addf %get3A_7, %get3A_10 : vector<2000x1xf32>
    %get3A_12 = arith.constant 0 : index
    %get3A_13 = arith.constant 0 : index
    %get3A_14 = vector.load %arg3[%get3A_12, %get3A_13] : memref<2000x80xf32, #tpu.memory_space<vmem>>, vector<2000x64xf32>
    %get3A_15 = arith.constant 0 : index
    %get3A_16 = arith.constant 64 : index
    %get3A_17 = vector.load %arg3[%get3A_15, %get3A_16] : memref<2000x80xf32, #tpu.memory_space<vmem>>, vector<2000x1xf32>
    %get3A_18 = arith.constant 0 : index
    %get3A_19 = arith.constant 0 : index
    %get3A_20 = vector.load %arg4[%get3A_18, %get3A_19] : memref<2000x16xf32, #tpu.memory_space<vmem>>, vector<2000x1xf32>
    %add3A_21 = arith.addf %get3A_17, %get3A_20 : vector<2000x1xf32>
    %gt3A = arith.constant 0.000000e+00 : f32
    %gt3A_22 = vector.broadcast %gt3A : f32 to vector<2000x1xf32>
    %gt3A_23 = arith.cmpf ogt, %add3A_21, %gt3A_22 : vector<2000x1xf32>
    %mul3A = arith.constant 2.000000e-01 : f32
    %mul3A_24 = vector.broadcast %mul3A : f32 to vector<2000x1xf32>
    %mul3A_25 = arith.mulf %mul3A_24, %add3A_21 : vector<2000x1xf32>
    %select_n3A = arith.select %gt3A_23, %add3A_21, %mul3A_25 : vector<2000x1xi1>, vector<2000x1xf32>
    %exp3A = math.exp %select_n3A : vector<2000x1xf32>
    %mul3A_26 = vector.broadcast %exp3A : vector<2000x1xf32> to vector<2000x64xf32>
    %mul3A_27 = arith.mulf %mul3A_26, %get3A_14 : vector<2000x64xf32>
    %add3A_28 = arith.addf %add3A, %mul3A_27 : vector<2000x64xf32>
    %add3A_29 = arith.addf %add3A_11, %exp3A : vector<2000x1xf32>
    %add3A_30 = arith.constant 1.000000e-16 : f32
    %add3A_31 = vector.broadcast %add3A_30 : f32 to vector<2000x1xf32>
    %add3A_32 = arith.addf %add3A_29, %add3A_31 : vector<2000x1xf32>
    %div3A = vector.broadcast %add3A_32 : vector<2000x1xf32> to vector<2000x64xf32>
    %div3A_33 = arith.divf %add3A_28, %div3A : vector<2000x64xf32>
    %get3A_34 = arith.constant 0 : index
    %get3A_35 = arith.constant 0 : index
    %get3A_36 = vector.load %arg5[%get3A_34, %get3A_35] : memref<8x64xf32, #tpu.memory_space<vmem>>, vector<1x64xf32>
    %add3A_37 = vector.broadcast %get3A_36 : vector<1x64xf32> to vector<2000x64xf32>
    %add3A_38 = arith.addf %div3A_33, %add3A_37 : vector<2000x64xf32>
    %swap3A = arith.constant 0 : index
    %swap3A_39 = arith.constant 0 : index
    %swap3A_40 = vector.load %arg6[%swap3A, %swap3A_39] : memref<2000x64xf32, #tpu.memory_space<vmem>>, vector<2000x64xf32>
    tpu.vector_store %arg6[%swap3A, %swap3A_39], %add3A_38 {strides = array<i32>} : memref<2000x64xf32, #tpu.memory_space<vmem>>, vector<2000x64xf32>,
    return
  }
  func.func @transform_0(%arg0: i32) -> (i32, i32) {
    %c0_i32 = arith.constant 0 : i32
    %c0_i32_0 = arith.constant 0 : i32
    return %arg0, %c0_i32 : i32, i32
  }
  func.func @transform_1(%arg0: i32) -> (i32, i32) {
    %add3A = arith.constant 5 : i32
    %add3A_0 = arith.addi %add3A, %arg0 : i32
    %c0_i32 = arith.constant 0 : i32
    %c0_i32_1 = arith.constant 0 : i32
    return %add3A_0, %c0_i32 : i32, i32
  }
  func.func @transform_2(%arg0: i32) -> (i32, i32) {
    %c0_i32 = arith.constant 0 : i32
    %c0_i32_0 = arith.constant 0 : i32
    return %arg0, %c0_i32 : i32, i32
  }
  func.func @transform_3(%arg0: i32) -> (i32, i32) {
    %c0_i32 = arith.constant 0 : i32
    %c0_i32_0 = arith.constant 0 : i32
    return %arg0, %c0_i32 : i32, i32
  }
  func.func @transform_4(%arg0: i32) -> (i32, i32) {
    %c0_i32 = arith.constant 0 : i32
    %c0_i32_0 = arith.constant 0 : i32
    %c0_i32_1 = arith.constant 0 : i32
    return %c0_i32, %c0_i32_0 : i32, i32
  }
  func.func @transform_5(%arg0: i32) -> (i32, i32) {
    %c0_i32 = arith.constant 0 : i32
    %c0_i32_0 = arith.constant 0 : i32
    return %arg0, %c0_i32 : i32, i32
  }
}

</mosaic_0001>

<sc_bundles>
// kernel: kernel.10.cloned.1.call-start
scs
__scs_entry_jumppad:
0x0: {  	(pc) =	sbr.rel $0x88, $3  }
0x1: {  	(tag) =	ssettag $0x0;
	lr =	simm.s32 $0x1  }
0x2: {  	[smem:$0x3F97] =	sst lr;
	_ =	strace $0xD0000000  }
0x3: {  	_ = 	snop  }
0x4: {  	_ = 	snop  }
0x5: {  	_ = 	snop  }
0x6: {  	_ = 	snop  }
0x7: {  	_ = 	snop  }
__scs_overlays_trampoline_lowered:
0x8: {  	[smem:$0x3FA6] =	sst s0  }
0x9: {  	[smem:$0x3FA7] =	sst s1  }
0xa: {  	[smem:$0x3FA8] =	sst s2  }
0xb: {  	[smem:$0x3FA9] =	sst s3  }
0xc: {  	[smem:$0x3FAA] =	sst s4  }
0xd: {  	[smem:$0x3FAB] =	sst s5  }
0xe: {  	[smem:$0x3FAC] =	sst s6  }
0xf: {  	[smem:$0x3FAD] =	sst s7  }
0x10: {  	[smem:$0x3FAE] =	sst s8  }
0x11: {  	[smem:$0x3FAF] =	sst s9;
	s0 =	simm.s32 @!p0 $0x0  }
0x12: {  	s1 =	sld [smem:$0x3F95];
	s0 =	simm.s32 @p0 $0x1  }
0x13: {  	[smem:$0x3FB0] =	sst s0;
	s0 =	simm.s32 @!p1 $0x0  }
0x14: {  	s2 =	sld [smem:$0x3F94];
	s0 =	simm.s32 @p1 $0x1  }
0x15: {  	[smem:$0x3FB1] =	sst s0;
	s0 =	simm.s32 @!p2 $0x0  }
0x16: {  	s3 =	sld [smem:$0x3FDB];
	s0 =	simm.s32 @p2 $0x1  }
0x17: {  	s4 =	simm.s32 $0x1BF5;
	[smem:$0x3FB3] =	sst s0  }
0x18: {  	s0 =	sld [smem:$0x3F96];
	_ =	swait.ge [sflag:s4], $0x0  }
0x19: {  	s7 =	sld [smem:$0x3F97]  }
0x1a: {  	s8 =	sadd.s32 $0xFFFFE003, lr  }
0x1b: {  	s9 =	sadd.s32 $0xFFFFFEF7, lr;
	s5 =	simm.s32 $0xFFFFFFFF;
	p2 =	slt.u32 s8, $0xFFFFF086  }
0x1c: {  	p1 =	slt.u32 s9, $0xF7A;
	s5 =	simm.s32 @!p2 $0x0  }
0x1d: {  	s5 =	simm.s32 @p1 $0x1;
	p0 =	seq.s32 s7, s2  }
0x1e: {  	s7 =	smul.u32 @!p0 $0xF7A, s2;
	p2 =	seq.s32 @!p0 s5, $0x0  }
0x1f: {  	s9 =	smul.u32 $0xF7A, s1;
	s8 =	simm.s32 @!p0 $0x1BF5;
	p2 =	por !p2, p0  }
0x20: {  	[sflag:s8] =	ssyncset.s32 @!p0 $0xFFFFF086;
	s6 =	sadd.s32 @!p0 s3, s7;
	s7 =	simm.s32 @!p0 $0x108  }
0x21: {  	s3 =	sadd.s32 s3, s9;
	s6 =	sadd.s32 @!p0 $0x88, s6;
	s7 =	simm.s32 @p2 $0x1082  }
0x22: {  	[simem:s7], [sflag:s8] =	dma.local @!p0 [hbm:s6], $0xF7A  }
0x23: {  	s9 =	sor.u32 $0xD0000000, s2;
	s6 =	simm.s32 $0x108;
	_ =	swait.ge @!p0 [sflag:s8], $0x0  }
0x24: {  	s3 =	sadd.s32 $0x88, s3;
	s6 =	simm.s32 @!p1 $0x1082;
	[sflag:s4] =	ssyncset.s32 $0xFFFFF086  }
0x25: {  	[simem:s6], [sflag:s4] =	dma.local [hbm:s3], $0xF7A  }
0x26: {  	[smem:$0x3F97] =	sst s1;
	(tag) =	ssettag s2;
	_ =	strace s9  }
0x27: {  	s1 =	sld [smem:$0x3FA7]  }
0x28: {  	s2 =	sld [smem:$0x3FA8]  }
0x29: {  	s4 =	sld [smem:$0x3FAA]  }
0x2a: {  	p0 =	seq.s32 s5, $0x0;
	s5 =	sld [smem:$0x3FAB]  }
0x2b: {  	s6 =	sld [smem:$0x3FAC]  }
0x2c: {  	s7 =	sld [smem:$0x3FAD]  }
0x2d: {  	s3 =	simm.s32 $0x108;
	s8 =	sld [smem:$0x3FAE]  }
0x2e: {  	s3 =	simm.s32 @!p0 $0x1082;
	s9 =	sld [smem:$0x3FAF]  }
0x2f: {  	lr =	sadd.s32 s0, s3;
	s0 =	sld [smem:$0x3FA6]  }
0x30: {  	s3 =	sld [smem:$0x3FA9]  }
0x31: {  	[smem:$0x3FB2] =	sst s10  }
0x32: {  	s10 =	sld [smem:$0x3FB0];
	_ =	sdelay $0x3  }
0x33: {  	p0 =	seq.s32 s10, $0x1;
	s10 =	sld [smem:$0x3FB2];
	_ =	sdelay $0x3  }
0x34: {  	[smem:$0x3FB2] =	sst s10  }
0x35: {  	s10 =	sld [smem:$0x3FB1];
	_ =	sdelay $0x3  }
0x36: {  	p1 =	seq.s32 s10, $0x1;
	s10 =	sld [smem:$0x3FB2];
	_ =	sdelay $0x3  }
0x37: {  	[smem:$0x3FB2] =	sst s10  }
0x38: {  	s10 =	sld [smem:$0x3FB3]  }
0x39: {  	_ = 	snop;
	(pc) =	sbr.ind lr, $3  }
0x3a: {  	_ = 	snop  }
0x3b: {  	_ = 	snop  }
0x3c: {  	p2 =	seq.s32 s10, $0x1;
	s10 =	sld [smem:$0x3FB2]  }
0x3d: {  	_ =	shalt  }
0x3e: {  	_ =	shalt  }
0x3f: {  	_ =	shalt  }
0x40: {  	_ =	shalt  }
0x41: {  	_ =	shalt  }
0x42: {  	_ =	shalt  }
0x43: {  	_ =	shalt  }
0x44: {  	_ =	shalt  }
0x45: {  	_ =	shalt  }
0x46: {  	_ =	shalt  }
0x47: {  	_ =	shalt  }
0x48: {  	_ =	shalt  }
0x49: {  	_ =	shalt  }
0x4a: {  	_ =	shalt  }
0x4b: {  	_ =	shalt  }
0x4c: {  	_ =	shalt  }
0x4d: {  	_ =	shalt  }
0x4e: {  	_ =	shalt  }
0x4f: {  	_ =	shalt  }
0x50: {  	_ =	shalt  }
0x51: {  	_ =	shalt  }
0x52: {  	_ =	shalt  }
0x53: {  	_ =	shalt  }
0x54: {  	_ =	shalt  }
0x55: {  	_ =	shalt  }
0x56: {  	_ =	shalt  }
0x57: {  	_ =	shalt  }
0x58: {  	_ =	shalt  }
0x59: {  	_ =	shalt  }
0x5a: {  	_ =	shalt  }
0x5b: {  	_ =	shalt  }
0x5c: {  	_ =	shalt  }
0x5d: {  	_ =	shalt  }
0x5e: {  	_ =	shalt  }
0x5f: {  	_ =	shalt  }
0x60: {  	_ =	shalt  }
0x61: {  	_ =	shalt  }
0x62: {  	_ =	shalt  }
0x63: {  	_ =	shalt  }
0x64: {  	_ =	shalt  }
0x65: {  	_ =	shalt  }
0x66: {  	_ =	shalt  }
0x67: {  	_ =	shalt  }
0x68: {  	_ =	shalt  }
0x69: {  	_ =	shalt  }
0x6a: {  	_ =	shalt  }
0x6b: {  	_ =	shalt  }
0x6c: {  	_ =	shalt  }
0x6d: {  	_ =	shalt  }
0x6e: {  	_ =	shalt  }
0x6f: {  	_ =	shalt  }
0x70: {  	_ =	shalt  }
0x71: {  	_ =	shalt  }
0x72: {  	_ =	shalt  }
0x73: {  	_ =	shalt  }
0x74: {  	_ =	shalt  }
0x75: {  	_ =	shalt  }
0x76: {  	_ =	shalt  }
0x77: {  	_ =	shalt  }
0x78: {  	_ =	shalt  }
0x79: {  	_ =	shalt  }
0x7a: {  	_ =	shalt  }
0x7b: {  	_ =	shalt  }
0x7c: {  	_ =	shalt  }
0x7d: {  	_ =	shalt  }
0x7e: {  	_ =	shalt  }
0x7f: {  	_ =	shalt  }
0x80: {  	_ =	shalt  }
0x81: {  	_ =	shalt  }
0x82: {  	_ =	shalt  }
0x83: {  	_ =	shalt  }
0x84: {  	_ =	shalt  }
0x85: {  	_ =	shalt  }
0x86: {  	_ =	shalt  }
0x87: {  	_ =	shalt  }
.Lfunc_end0:
.L_simem_size_0:
called_computation.1_lowered:
.L_overlay_start_0:
0x88: {  	s2 =	sld [smem:$0x3FD9]  }
0x89: {  	s3 =	sld [smem:$0x3FFE];
	_ =	sdelay $0x1  }
0x8a: {  	s1 =	srdreg.scid  }
0x8b: {  	s0 =	sand.u32 $0x1, s1  }
0x8c: {  	s17 =	sshll.u32 s0, $0xA;
	s2 =	sadd.s32 s3, s2  }
0x8d: {  	s2 =	sadd.s32 s2, s17  }
0x8e: {  	[smem:$0x3FBE] =	sst s2  }
0x8f: {  	_ = 	snop  }
0x90: {  	s2 =	sld [smem:$0x3FD0];
	(tm) =	ssettm $0x1  }
0x91: {  	s18 =	sld [smem:$0x3FFB];
	_ =	sdelay $0x3  }
0x92: {  	_ =	strace s18  }
0x93: {  	s3 =	sld [smem:$0x3FFC];
	_ =	sdelay $0x3  }
0x94: {  	_ =	strace s3  }
0x95: {  	s3 =	sld [smem:$0x3FFD];
	_ =	sdelay $0x3  }
0x96: {  	_ =	strace s3  }
0x97: {  	_ =	strace $0x8FFFFFFF  }
0x98: {  	s19 =	sld [smem:$0x3FDB];
	_ =	sdelay $0x1  }
0x99: {  	s4 =	simm.s32 $_scs_section_size  }
0x9a: {  	s5 =	simm.s32 $_size__tile_overlayer_lowered;
	s6 =	simm.s32 $_tile_overlayer_lowered  }
0x9b: {  	s22 =	simm.s32 $0x1BFF;
	s21 =	sshll.u32 s6, $0x1;
	s3 =	sadd.s32 s4, s19  }
0x9c: {  	s7 =	simm.s32 $0x0;
	s20 =	sshll.u32 s5, $0x1;
	s5 =	sadd.s32 s21, s3  }
0x9d: {  	[timem:s7], [sflag:s22] =	dma.local [hbm:s5], s20  }
0x9e: {  	_ =	swait.ge [sflag:s22], s20  }
0x9f: {  	s4 =	ssub.s32 $0x0, s20;
	[sflag:s22] =	ssyncset.done $0x0  }
0xa0: {  	[sflag:s22] =	ssyncadd.s32 s4;
	_ =	sdelay $0x1  }
0xa1: {  	s23 =	simm.s32 $0x1B8B  }
0xa2: {  	_ =	swait.ge [sflag:s23], $0x1  }
0xa3: {  	[sflag:s23] =	ssyncset.done $0x0  }
0xa4: {  	s25 =	simm.s32 $0x1B8E;
	s24 =	sld [smem:$0x3FFE];
	[sflag:s23] =	ssyncadd.s32 $0xFFFFFFFF  }
0xa5: {  	s26 =	simm.s32 $execute0_lowered;
	[smem:$0x3FD2] =	sst s25  }
0xa6: {  	s5 =	sshll.u32 s26, $0x1;
	_ =	strace $0x80000049;
	[dreg:$0x1] =	wrdreg $0xFFFFFFFF  }
0xa7: {  	s28 =	simm.s32 $_size_execute0_lowered;
	s3 =	sadd.s32 s3, s5;
	[dreg:$0x0] =	wrdreg $0x0  }
0xa8: {  	s5 =	sshll.u32 s28, $0x1;
	[dreg:$0x2] =	wrdreg s3  }
0xa9: {  	[dreg:$0x3] =	wrdreg s5  }
0xaa: {  	[dreg:$0x4] =	wrdreg $0xC0  }
0xab: {  	_ =	task [dreg:s7], $0x5FFFF  }
0xac: {  	[dreg:$0x1] =	wrdreg $0xFFFFFFFF  }
0xad: {  	[dreg:$0x0] =	wrdreg $0x60  }
0xae: {  	[dreg:$0x2] =	wrdreg s24  }
0xaf: {  	[dreg:$0x3] =	wrdreg s2  }
0xb0: {  	[dreg:$0x4] =	wrdreg $0x43E00  }
0xb1: {  	[dreg:$0x5] =	wrdreg $0x9  }
0xb2: {  	_ =	task.clear_ibuf [dreg:s7], $0x6FFFF;
	_ =	strace $0x90000049  }
0xb3: {  	s29 =	simm.s32 $0x9;
	_ =	strace $0x8000004B  }
0xb4: {  	_ =	swait.ge [sflag:s29], $0x1  }
0xb5: {  	[sflag:s29] =	ssyncadd.s32 $0xFFFFFFFF  }
0xb6: {  	_ =	strace $0x9000004B  }
0xb7: {  	_ =	sfence  }
0xb8: {  	s30 =	sld [smem:$0x0];
	_ =	sdelay $0x2  }
0xb9: {  	s31 =	sshll.u32 s1, $0xD;
	s1 =	sshrl.u32 s1, $0x2  }
0xba: {  	s3 =	sand.u32 $0x4000, s31;
	s1 =	sadd.s32 s1, s30  }
0xbb: {  	s0 =	sor.u32 s3, s0;
	s1 =	sshll.u32 s1, $0x11  }
0xbc: {  	s0 =	sor.u32 s1, s0  }
0xbd: {  	s0 =	sadd.s32 $0x8F2B, s0  }
0xbe: {  	[sflag:s0] =	ssyncadd.remote.s32 $0x1  }
0xbf: {  	_ =	sfence.sel $0xFFFF  }
0xc0: {  	[dreg:$0x0] =	wrdreg $0xFFFFFFFF;
	(pc) =	sbr.abs _section_cstart, $3  }
0xc1: {  	[dreg:$0x1] =	wrdreg $0xFFFFFFFF  }
0xc2: {  	_ =	task.clear_ibuf [dreg:s7], $0x2FFFF;
	_ =	strace $0x9FFFFFFF  }
0xc3: {  	(tm) =	ssettm $0x7FFFFFFF  }
tec
execute0_lowered:
.L_overlay_start_1:
0x0: {  	(tag) =	ssettag $0x1  }
0x1: {  	s0 =	rddreg [dreg:$0x0]  }
0x2: {  	s2 =	rddreg [dreg:$0x1]  }
0x3: {  	s3 =	rddreg [dreg:$0x2]  }
0x4: {  	s1 =	srdreg.scid;
	s10 =	stileid.u32  }
0x5: {  	s4 =	simm.s32 $0x0;
	s28 =	simm.s32 $0x50;
	s29 =	simm.s32 $0x38E0  }
0x6: {  	s30 =	simm.s32 $0xF0;
	s31 =	simm.s32 $0x8;
	s1 =	sand.u32 $0x1, s1  }
0x7: {  	s8 =	smul.u32 $0x186A, s10;
	[smem:$0x7FF] =	sst s4;
	s5 =	sadd.s32 $0x1600, s0  }
0x8: {  	s6 =	sadd.s32 $0x19E00, s0;
	s7 =	sadd.s32 $0xFAA00, s0;
	s12 =	smul.u32 $0x30D40, s10  }
0x9: {  	s10 =	sshll.u32 s10, $0x1;
	s9 =	smul.u32 $0x186A0, s1;
	_ =	strace $0x8000004A  }
0xa: {  	s13 =	ssub.s32 $0x2, s1;
	s1 =	sor.u32 s1, s10;
	s10 =	simm.s32 $0x3  }
0xb: {  	s11 =	sshrl.u32 s13, $0x1;
	s8 =	sadd.s32 s8, s9;
	s9 =	sshrl.u32 s12, $0x2  }
0xc: {  	s1 =	smul.u32 $0x2710, s1;
	s12 =	simm.s32 $0x5;
	s22 =	sadd.s32 s9, s3  }
0xd: {  	s0 =	sadd.s32 s8, s0;
	s9 =	sadd.s32 $0x1900, s22;
	[dreg:$0x4] =	wrdreg s22  }
0xe: {  	s8 =	ssub.s32 s13, s11;
	s14 =	sadd.s32 $0x3200, s22;
	[dreg:$0x5] =	wrdreg s9  }
0xf: {  	s18 =	sshrl.u32 s1, $0x3;
	s15 =	sadd.s32 $0x4B00, s22;
	[dreg:$0x6] =	wrdreg s14  }
0x10: {  	s11 =	simm.s32 $0x140;
	s16 =	sadd.s32 $0x6400, s22;
	[dreg:$0x7] =	wrdreg s15  }
0x11: {  	s13 =	simm.s32 $0x7;
	s17 =	sadd.s32 $0x7D00, s22;
	[dreg:$0x8] =	wrdreg s16  }
0x12: {  	s19 =	sadd.s32 $0x9600, s22;
	s20 =	sadd.s32 $0xAF00, s22;
	[dreg:$0x9] =	wrdreg s17  }
0x13: {  	s21 =	sadd.s32 $0xA, s18;
	s23 =	sadd.s32 s7, s18;
	[dreg:$0xa] =	wrdreg s19  }
0x14: {  	s0 =	sadd.s32 $0x1EE00, s0;
	s26 =	smax.u32 s8, $0x1;
	[dreg:$0xb] =	wrdreg s20  }
0x15: {  	[dreg:$0xc] =	wrdreg s23;
	s9 =	sadd.s32 s2, s18;
	s24 =	sadd.s32 s7, s21  }
0x16: {  	s25 =	sadd.s32 s2, s21;
	s20 =	sadd.s32 $0xA0, s1;
	[dreg:$0x10] =	wrdreg s0  }
0x17: {  	s21 =	sadd.s32 $0xF0, s1;
	[dreg:$0x11] =	wrdreg s26;
	s26 =	simm.s32 $0xA0  }
0x18: {  	s0 =	simm.s32 $0x1D60;
	s1 =	simm.s32 $0x3E60;
	[dreg:$0xd] =	wrdreg s9  }
0x19: {  	s14 =	simm.s32 $0x2;
	s15 =	simm.s32 $0x4;
	[dreg:$0xe] =	wrdreg s24  }
0x1a: {  	s16 =	simm.s32 $0x190;
	s17 =	simm.s32 $0x0;
	[dreg:$0xf] =	wrdreg s25  }
0x1b: {  	v0 =	vimm.f32 $0.0e+00;
	vm0 =	vmmov $0x1;
	v1 =	vimm.s32 $0x0;
	s24 =	simm.s32 $0x1E0;
	s25 =	simm.s32 $0x9;
	s9 =	simm.s32 $0x1  }
.LBB2_1:
0x1c: {  	[dreg:$0x12] =	wrdreg s17;
	s8 =	simm.s32 $0x140;
	s17 =	simm.s32 $0x0  }
.LBB2_2:
0x1d: {  	p0 =	sne.s32 s8, $0x6CC0;
	[tilespmem:s17+$0x220] =	vst v0;
	s18 =	smov.u32 s8;
	s8 =	sadd.s32 $0x140, s8  }
.Ltmp0:
0x1e: {  	[tilespmem:s17+$0x210] =	vst v0;
	(pc) =	sbr.rel @p0 .LBB2_2-.Ltmp0, $4  }
0x1f: {  	[tilespmem:s17+$0x200] =	vst v0  }
0x20: {  	[tilespmem:s17+$0x1E0] =	vst v0  }
0x21: {  	[tilespmem:s17+$0x1F0] =	vst v0  }
0x22: {  	s17 =	sshra.s32 s18, $0x2  }
0x23: {  	[tilespmem:s17+$0x220] =	vst v0  }
0x24: {  	[tilespmem:s17+$0x210] =	vst v0  }
0x25: {  	[tilespmem:s17+$0x200] =	vst v0  }
0x26: {  	[tilespmem:s17+$0x1E0] =	vst v0  }
0x27: {  	s8 =	simm.s32 $0x0;
	[tilespmem:s17+$0x1F0] =	vst v0;
	s19 =	simm.s32 $0x140;
	s17 =	simm.s32 $0x0  }
.LBB2_4:
0x28: {  	p0 =	sne.s32 s19, $0x6CC0;
	[tilespmem:s17+$0x1DA0] =	vst v0;
	s18 =	smov.u32 s19;
	s19 =	sadd.s32 $0x140, s19  }
.Ltmp1:
0x29: {  	[tilespmem:s17+$0x1D90] =	vst v0;
	(pc) =	sbr.rel @p0 .LBB2_4-.Ltmp1, $4  }
0x2a: {  	[tilespmem:s17+$0x1D80] =	vst v0  }
0x2b: {  	[tilespmem:s17+$0x1D60] =	vst v0  }
0x2c: {  	[tilespmem:s17+$0x1D70] =	vst v0  }
0x2d: {  	s17 =	sshra.s32 s18, $0x2  }
0x2e: {  	[tilespmem:s17+$0x1DA0] =	vst v0  }
0x2f: {  	[tilespmem:s17+$0x1D90] =	vst v0  }
0x30: {  	[tilespmem:s17+$0x1D80] =	vst v0  }
0x31: {  	[tilespmem:s17+$0x1D60] =	vst v0  }
0x32: {  	[tilespmem:s17+$0x1D70] =	vst v0  }
.LBB2_6:
0x33: {  	p0 =	sne.s32 s8, $0x15C0  }
.Ltmp2:
0x34: {  	_ = 	snop;
	(pc) =	sbr.rel @p0 .LBB2_6-.Ltmp2, $3  }
0x35: {  	_ =	sdelay $0x1  }
0x36: {  	s17 =	sshra.s32 s8, $0x2  }
0x37: {  	s8 =	sadd.s32 $0x40, s8;
	[tilespmem:s17+$0x38E0] =	vst v0  }
0x38: {  	s8 =	simm.s32 $0x40;
	s17 =	simm.s32 $0x0  }
.LBB2_8:
0x39: {  	p0 =	sne.s32 s8, $0x15C0;
	[tilespmem:s17+$0x3E60] =	vst v0;
	s17 =	smov.u32 s8;
	s8 =	sadd.s32 $0x40, s8  }
.Ltmp3:
0x3a: {  	(pc) =	sbr.rel @p0 .LBB2_8-.Ltmp3, $2  }
0x3b: {  	_ =	sdelay $0x2  }
0x3c: {  	s17 =	sshra.s32 s17, $0x2  }
0x3d: {  	[tilespmem:s17+$0x3E60] =	vst v0  }
0x3e: {  	[spmem:s22] =	stream.linear.scatter [tilespmem:s24], [sflag:$0x9], $0x1900, $0x38;
	[tilespmem:$0x10730] =	vst v63  }
0x3f: {  	_ =	swait.ge [sflag:s25], $0x1900  }
0x40: {  	[sflag:s25] =	ssyncset.done $0x0  }
0x41: {  	s8 =	rddreg [dreg:$0x5];
	[sflag:s25] =	ssyncadd.s32 $0xFFFFE700  }
0x42: {  	[spmem:s8] =	stream.linear.scatter [tilespmem:s24], [sflag:$0x9], $0x1900, $0x38;
	[tilespmem:$0x10730] =	vst v63  }
0x43: {  	_ =	swait.ge [sflag:s25], $0x1900  }
0x44: {  	[sflag:s25] =	ssyncset.done $0x0  }
0x45: {  	s23 =	rddreg [dreg:$0x6];
	[sflag:s25] =	ssyncadd.s32 $0xFFFFE700  }
0x46: {  	[spmem:s23] =	stream.linear.scatter [tilespmem:s24], [sflag:$0x9], $0x1900, $0x38;
	[tilespmem:$0x10730] =	vst v63  }
0x47: {  	_ =	swait.ge [sflag:s25], $0x1900  }
0x48: {  	[sflag:s25] =	ssyncset.done $0x0  }
0x49: {  	s17 =	rddreg [dreg:$0x7];
	[sflag:s25] =	ssyncadd.s32 $0xFFFFE700  }
0x4a: {  	[spmem:s17] =	stream.linear.scatter [tilespmem:s24], [sflag:$0x9], $0x1900, $0x38;
	[tilespmem:$0x10730] =	vst v63  }
0x4b: {  	_ =	swait.ge [sflag:s25], $0x1900  }
0x4c: {  	[sflag:s25] =	ssyncset.done $0x0  }
0x4d: {  	s18 =	rddreg [dreg:$0x8];
	[sflag:s25] =	ssyncadd.s32 $0xFFFFE700  }
0x4e: {  	[spmem:s18] =	stream.linear.scatter [tilespmem:s24], [sflag:$0x9], $0x1900, $0x38;
	[tilespmem:$0x10730] =	vst v63  }
0x4f: {  	_ =	swait.ge [sflag:s25], $0x1900  }
0x50: {  	[sflag:s25] =	ssyncset.done $0x0  }
0x51: {  	s19 =	rddreg [dreg:$0x9];
	[sflag:s25] =	ssyncadd.s32 $0xFFFFE700  }
0x52: {  	[spmem:s19] =	stream.linear.scatter [tilespmem:s24], [sflag:$0x9], $0x1900, $0x38;
	[tilespmem:$0x10730] =	vst v63  }
0x53: {  	_ =	swait.ge [sflag:s25], $0x1900  }
0x54: {  	[sflag:s25] =	ssyncset.done $0x0  }
0x55: {  	s22 =	rddreg [dreg:$0xa];
	[sflag:s25] =	ssyncadd.s32 $0xFFFFE700  }
0x56: {  	[spmem:s22] =	stream.linear.scatter [tilespmem:s24], [sflag:$0x9], $0x1900, $0x38;
	[tilespmem:$0x10730] =	vst v63  }
0x57: {  	_ =	swait.ge [sflag:s25], $0x1900  }
0x58: {  	[sflag:s25] =	ssyncset.done $0x0  }
0x59: {  	s23 =	rddreg [dreg:$0xb];
	[sflag:s25] =	ssyncadd.s32 $0xFFFFE700  }
0x5a: {  	[spmem:s23] =	stream.linear.scatter [tilespmem:s24], [sflag:$0x9], $0x1450, $0x38;
	[tilespmem:$0x10730] =	vst v63  }
0x5b: {  	_ =	swait.ge [sflag:s25], $0x1450  }
0x5c: {  	[sflag:s25] =	ssyncset.done $0x0  }
0x5d: {  	[sflag:s25] =	ssyncadd.s32 $0xFFFFEBB0  }
0x5e: {  	[bflag:$0x0] =	sbarrier.arrive $0xFFFF  }
0x5f: {  	s19 =	simm.s32 $0x0;
	s17 =	rddreg [dreg:$0xc]  }
0x60: {  	[tilespmem:s19], [sflag:$0x9] =	stream.linear.gather [hbm4b:s17+s19], $0x50, $0x38;
	[tilespmem:$0x10730] =	vst v63  }
0x61: {  	_ =	swait.ge [sflag:s25], $0x50  }
0x62: {  	[sflag:s25] =	ssyncset.done $0x0  }
0x63: {  	s18 =	rddreg [dreg:$0xd];
	[sflag:s25] =	ssyncadd.s32 $0xFFFFFFB0  }
0x64: {  	[tilespmem:s26], [sflag:$0x9] =	stream.linear.gather [hbm4b:s18+s19], $0x50, $0x38;
	[tilespmem:$0x10730] =	vst v63  }
0x65: {  	_ =	swait.ge [sflag:s25], $0x50  }
0x66: {  	[sflag:s25] =	ssyncset.done $0x0  }
0x67: {  	[sflag:s25] =	ssyncadd.s32 $0xFFFFFFB0  }
0x68: {  	[tilespmem:s24], [sflag:$0x1] =	stream.indirect.gather [hbm4b:s5+s28], $0x50, s19, s28, $0xb8;
	[tilespmem:$0x10730] =	vst v63  }
0x69: {  	_ = 	snop  }
0x6a: {  	[tilespmem:s29], [sflag:$0x3] =	stream.indirect.gather [hbm4b:s6+s28], $0x10, s26, s28, $0xb8;
	[tilespmem:$0x10730] =	vst v63  }
0x6b: {  	s22 =	rddreg [dreg:$0xe]  }
0x6c: {  	[tilespmem:s28], [sflag:$0x8] =	stream.linear.gather [hbm4b:s22+s19], $0x50, $0x38;
	[tilespmem:$0x10730] =	vst v63  }
0x6d: {  	s23 =	rddreg [dreg:$0xf]  }
0x6e: {  	[tilespmem:s30], [sflag:$0x8] =	stream.linear.gather [hbm4b:s23+s19], $0x50, $0x38;
	[tilespmem:$0x10730] =	vst v63  }
.LBB2_10:
0x6f: {  	p0 =	seq.s32 s19, $0x0  }
0x70: {  	s8 =	simm.s32 @!p0 $0x6  }
0x71: {  	_ =	swait.ge @!p0 [sflag:s8], $0x1900  }
0x72: {  	[sflag:s8] =	ssyncset.done @!p0 $0x0  }
0x73: {  	[sflag:s8] =	ssyncadd.s32 @!p0 $0xFFFFE700  }
0x74: {  	_ =	swait.ge [sflag:s31], $0x50  }
0x75: {  	[sflag:s31] =	ssyncset.done $0x0  }
0x76: {  	[sflag:s31] =	ssyncadd.s32 $0xFFFFFFB0  }
0x77: {  	_ =	swait.ge [sflag:s31], $0x50  }
0x78: {  	[sflag:s31] =	ssyncset.done $0x0  }
0x79: {  	[sflag:s31] =	ssyncadd.s32 $0xFFFFFFB0  }
0x7a: {  	[tilespmem:s0], [sflag:$0x2] =	stream.indirect.gather [hbm4b:s5+s28], $0x50, s28, s28, $0xb8;
	[tilespmem:$0x10730] =	vst v63  }
0x7b: {  	_ = 	snop  }
0x7c: {  	[tilespmem:s1], [sflag:$0x4] =	stream.indirect.gather [hbm4b:s6+s28], $0x10, s30, s28, $0xb8;
	[tilespmem:$0x10730] =	vst v63  }
0x7d: {  	_ =	swait.ge [sflag:s9], $0x1900  }
0x7e: {  	[sflag:s9] =	ssyncset.done $0x0  }
0x7f: {  	[sflag:s9] =	ssyncadd.s32 $0xFFFFE700  }
0x80: {  	_ =	swait.ge [sflag:s10], $0x500  }
0x81: {  	[sflag:s10] =	ssyncset.done $0x0  }
0x82: {  	[sflag:s10] =	ssyncadd.s32 $0xFFFFFB00  }
0x83: {  	v2 =	vld [tilespmem:$0xA0]  }
0x84: {  	v3 =	vld [tilespmem:$0xB0]  }
0x85: {  	v4 =	vld [tilespmem:$0xC0]  }
0x86: {  	v5 =	vld [tilespmem:$0xD0]  }
0x87: {  	v6 =	vld [tilespmem:$0xE0]  }
0x88: {  	s22 =	smul.u32 $0xA0, s19;
	[tilespmem:$0x140] =	vst v2  }
0x89: {  	[tilespmem:$0x150] =	vst v3  }
0x8a: {  	s18 =	sadd.s32 s22, s20;
	[tilespmem:$0x160] =	vst v4  }
0x8b: {  	s8 =	sshrl.u32 s18, $0x3;
	[tilespmem:$0x170] =	vst v5  }
0x8c: {  	s17 =	sadd.s32 s7, s8;
	[tilespmem:$0x180] =	vst v6  }
0x8d: {  	[tilespmem:s4], [sflag:$0x7] =	stream.linear.gather [hbm4b:s17+s4], $0x50, $0x38;
	[tilespmem:$0x10730] =	vst v63  }
0x8e: {  	s8 =	sadd.s32 s2, s8  }
0x8f: {  	[tilespmem:s26], [sflag:$0x7] =	stream.linear.gather [hbm4b:s8+s4], $0x50, $0x38;
	[tilespmem:$0x10730] =	vst v63  }
0x90: {  	v2 =	vld [tilespmem:$0x220]  }
0x91: {  	v3 =	vld [tilespmem:$0x38E0];
	_ =	sdelay $0x4  }
0x92: {  	v2 =	vadd.f32 v3, v2;
	_ =	sdelay $0x1  }
0x93: {  	v3 =	vmul.f32 $2.000000030e-01, v2  }
0x94: {  	vm1 =	vgt.f32 v2, $0.0e+00  }
0x95: {  	v2 =	vsel vm1, v2, v3  }
0x96: {  	v2 =	vmul.f32 $1.442695020e+00, v2;
	_ =	sdelay $0x1  }
0x97: {  	(erf) = vpow2.f32 v2  }
0x98: {  	s23 =	simm.s32 $0x10  }
0x99: {  	s17 =	simm.s32 $0x1E0;
	v3 =	vld [tilespmem:s23+$0x38E0]  }
0x9a: {  	v2 =	vld [tilespmem:s17+$0x90];
	_ =	sdelay $0x3  }
0x9b: {  	v4 =	vld [tilespmem:s17+$0x0]  }
0x9c: {  	v5 =	vld [tilespmem:s17+$0x10];
	v2 =	vadd.f32 v3, v2  }
0x9d: {  	v7 =	vld [tilespmem:s17+$0x20];
	v62 =	vpop (erf)  }
0x9e: {  	v3 =	vld [tilespmem:s17+$0x30];
	v9 =	vmul.f32 $2.000000030e-01, v2;
	v8 =	vperm.xlane v62, v1  }
0x9f: {  	vm1 =	vgt.f32 v2, $0.0e+00  }
0xa0: {  	v2 =	vsel vm1, v2, v9;
	v6 =	vnsel vm0, $0x0, v62;
	v4 =	vmul.f32 v4, v8  }
0xa1: {  	v2 =	vmul.f32 $1.442695020e+00, v2;
	[tilespmem:s17+$0x40] =	vst v6;
	v5 =	vmul.f32 v5, v8  }
0xa2: {  	v63 =	vmul.f32 v7, v8;
	[tilespmem:s17+$0x0] =	vst v4  }
0xa3: {  	v3 =	vmul.f32 v3, v8;
	(erf) = vpow2.f32 v2;
	[tilespmem:s17+$0x10] =	vst v5  }
0xa4: {  	s23 =	simm.s32 $0x230;
	[tilespmem:s17+$0x20] =	vst v63  }
0xa5: {  	s18 =	simm.s32 $0x20;
	s8 =	simm.s32 $0xC0;
	v2 =	vld [tilespmem:s23+$0x90];
	[tilespmem:s17+$0x30] =	vst v3;
	s17 =	simm.s32 $0x230  }
.LBB2_11:
0xa6: {  	p0 =	sne.s32 s8, $0x1400;
	v3 =	vld [tilespmem:s18+$0x38E0];
	_ =	sdelay $0x2  }
0xa7: {  	v4 =	vld [tilespmem:s23+$0x10]  }
0xa8: {  	v5 =	vld [tilespmem:s23+$0x0]  }
0xa9: {  	v2 =	vadd.f32 v3, v2;
	v3 =	vld [tilespmem:s23+$0x20]  }
0xaa: {  	v6 =	vld [tilespmem:s23+$0x30];
	v7 =	vpop (erf)  }
0xab: {  	v8 =	vmul.f32 $2.000000030e-01, v2;
	v9 =	vnsel vm0, $0x0, v7;
	v7 =	vperm.xlane v7, v1  }
0xac: {  	vm1 =	vgt.f32 v2, $0.0e+00;
	[tilespmem:s23+$0x40] =	vst v9  }
0xad: {  	v2 =	vsel vm1, v2, v8;
	v5 =	vmul.f32 v5, v7;
	v4 =	vmul.f32 v4, v7  }
.Ltmp4:
0xae: {  	v2 =	vmul.f32 $1.442695020e+00, v2;
	v3 =	vmul.f32 v3, v7;
	(pc) =	sbr.rel @p0 .LBB2_11-.Ltmp4, $4  }
0xaf: {  	[tilespmem:s23+$0x0] =	vst v5;
	v5 =	vmul.f32 v6, v7  }
0xb0: {  	[tilespmem:s23+$0x10] =	vst v4;
	(erf) = vpow2.f32 v2  }
0xb1: {  	s23 =	sadd.s32 $0x50, s23;
	[tilespmem:s17+$0x20] =	vst v3  }
0xb2: {  	s18 =	sshra.s32 s8, $0x2;
	s8 =	sadd.s32 $0x40, s8;
	v2 =	vld [tilespmem:s23+$0x90];
	[tilespmem:s17+$0x30] =	vst v5;
	s17 =	smov.u32 s23  }
0xb3: {  	v3 =	vld [tilespmem:s18+$0x38E0];
	_ =	sdelay $0x4  }
0xb4: {  	v2 =	vadd.f32 v3, v2;
	_ =	sdelay $0x1  }
0xb5: {  	v3 =	vmul.f32 $2.000000030e-01, v2  }
0xb6: {  	vm1 =	vgt.f32 v2, $0.0e+00  }
0xb7: {  	v4 =	vld [tilespmem:s23+$0x10];
	v2 =	vsel vm1, v2, v3  }
0xb8: {  	v5 =	vld [tilespmem:s23+$0x20];
	v2 =	vmul.f32 $1.442695020e+00, v2  }
0xb9: {  	v3 =	vld [tilespmem:s23+$0x0]  }
0xba: {  	v6 =	vpop (erf);
	(erf) = vpow2.f32 v2;
	v2 =	vld [tilespmem:s23+$0x30]  }
0xbb: {  	v7 =	vperm.xlane v6, v1;
	_ =	sdelay $0x1  }
0xbc: {  	v6 =	vnsel vm0, $0x0, v6;
	v4 =	vmul.f32 v4, v7  }
0xbd: {  	[tilespmem:s23+$0x40] =	vst v6;
	v3 =	vmul.f32 v3, v7  }
0xbe: {  	v5 =	vmul.f32 v5, v7;
	[tilespmem:s23+$0x10] =	vst v4;
	v2 =	vmul.f32 v2, v7  }
0xbf: {  	[tilespmem:s23+$0x0] =	vst v3  }
0xc0: {  	[tilespmem:s17+$0x20] =	vst v5  }
0xc1: {  	[tilespmem:s17+$0x30] =	vst v2  }
0xc2: {  	[spmem:s3] =	stream.indirect.scatter.add.f32 [tilespmem:s24], [sflag:$0x5], $0x50, s11, s28, $0xb8;
	v2 =	vpop (erf);
	[tilespmem:$0x10730] =	vst v63  }
0xc3: {  	_ =	swait.ge [sflag:s12], $0x1900  }
0xc4: {  	[sflag:s12] =	ssyncset.done $0x0  }
0xc5: {  	[sflag:s12] =	ssyncadd.s32 $0xFFFFE700  }
0xc6: {  	_ =	swait.ge [sflag:s13], $0x50  }
0xc7: {  	[sflag:s13] =	ssyncset.done $0x0  }
0xc8: {  	[sflag:s13] =	ssyncadd.s32 $0xFFFFFFB0  }
0xc9: {  	_ =	swait.ge [sflag:s13], $0x50  }
0xca: {  	[sflag:s13] =	ssyncset.done $0x0  }
0xcb: {  	[sflag:s13] =	ssyncadd.s32 $0xFFFFFFB0  }
0xcc: {  	[tilespmem:s24], [sflag:$0x1] =	stream.indirect.gather [hbm4b:s5+s28], $0x50, s4, s28, $0xb8;
	[tilespmem:$0x10730] =	vst v63  }
0xcd: {  	_ = 	snop  }
0xce: {  	[tilespmem:s29], [sflag:$0x3] =	stream.indirect.gather [hbm4b:s6+s28], $0x10, s26, s28, $0xb8;
	[tilespmem:$0x10730] =	vst v63  }
0xcf: {  	_ =	swait.ge [sflag:s14], $0x1900  }
0xd0: {  	[sflag:s14] =	ssyncset.done $0x0  }
0xd1: {  	[sflag:s14] =	ssyncadd.s32 $0xFFFFE700  }
0xd2: {  	_ =	swait.ge [sflag:s15], $0x500  }
0xd3: {  	[sflag:s15] =	ssyncset.done $0x0  }
0xd4: {  	[sflag:s15] =	ssyncadd.s32 $0xFFFFFB00  }
0xd5: {  	v2 =	vld [tilespmem:$0xF0]  }
0xd6: {  	v3 =	vld [tilespmem:$0x100]  }
0xd7: {  	v58 =	vld [tilespmem:$0x110]  }
0xd8: {  	v59 =	vld [tilespmem:$0x120]  }
0xd9: {  	v60 =	vld [tilespmem:$0x130]  }
0xda: {  	[tilespmem:$0x190] =	vst v2  }
0xdb: {  	p0 =	seq.s32 s19, $0x3D;
	[tilespmem:$0x1A0] =	vst v3  }
0xdc: {  	s8 =	sadd.s32 @!p0 s22, s21;
	[tilespmem:$0x1B0] =	vst v58  }
0xdd: {  	s8 =	sshrl.u32 @!p0 s8, $0x3;
	[tilespmem:$0x1C0] =	vst v59  }
0xde: {  	s18 =	simm.s32 @!p0 $0x0;
	s22 =	simm.s32 @!p0 $0x50;
	s17 =	sadd.s32 @!p0 s7, s8;
	[tilespmem:$0x1D0] =	vst v60  }
0xdf: {  	[tilespmem:s22], [sflag:$0x8] =	stream.linear.gather @!p0 [hbm4b:s17+s18], $0x50, $0x38;
	[tilespmem:$0x10730] =	vst v63  }
0xe0: {  	s8 =	sadd.s32 @!p0 s2, s8;
	s17 =	simm.s32 @!p0 $0xF0  }
0xe1: {  	[tilespmem:s17], [sflag:$0x8] =	stream.linear.gather @!p0 [hbm4b:s8+s18], $0x50, $0x38;
	[tilespmem:$0x10730] =	vst v63  }
0xe2: {  	v2 =	vld [tilespmem:$0x1DA0]  }
0xe3: {  	v3 =	vld [tilespmem:$0x3E60];
	_ =	sdelay $0x4  }
0xe4: {  	v2 =	vadd.f32 v3, v2;
	_ =	sdelay $0x1  }
0xe5: {  	v3 =	vmul.f32 $2.000000030e-01, v2  }
0xe6: {  	vm1 =	vgt.f32 v2, $0.0e+00  }
0xe7: {  	v2 =	vsel vm1, v2, v3  }
0xe8: {  	v2 =	vmul.f32 $1.442695020e+00, v2;
	_ =	sdelay $0x1  }
0xe9: {  	(erf) = vpow2.f32 v2  }
0xea: {  	s23 =	simm.s32 $0x10  }
0xeb: {  	s17 =	simm.s32 $0x1D60;
	v3 =	vld [tilespmem:s23+$0x3E60]  }
0xec: {  	v2 =	vld [tilespmem:s17+$0x90];
	_ =	sdelay $0x3  }
0xed: {  	v4 =	vld [tilespmem:s17+$0x0]  }
0xee: {  	v5 =	vld [tilespmem:s17+$0x10];
	v2 =	vadd.f32 v3, v2  }
0xef: {  	v62 =	vld [tilespmem:s17+$0x20];
	v61 =	vpop (erf)  }
0xf0: {  	v3 =	vld [tilespmem:s17+$0x30];
	v9 =	vmul.f32 $2.000000030e-01, v2;
	v8 =	vperm.xlane v61, v1  }
0xf1: {  	vm1 =	vgt.f32 v2, $0.0e+00  }
0xf2: {  	v2 =	vsel vm1, v2, v9;
	v6 =	vnsel vm0, $0x0, v61;
	v4 =	vmul.f32 v4, v8  }
0xf3: {  	v2 =	vmul.f32 $1.442695020e+00, v2;
	[tilespmem:s17+$0x40] =	vst v6;
	v5 =	vmul.f32 v5, v8  }
0xf4: {  	v63 =	vmul.f32 v62, v8;
	[tilespmem:s17+$0x0] =	vst v4  }
0xf5: {  	v3 =	vmul.f32 v3, v8;
	(erf) = vpow2.f32 v2;
	[tilespmem:s17+$0x10] =	vst v5  }
0xf6: {  	s22 =	simm.s32 $0x1DB0;
	[tilespmem:s17+$0x20] =	vst v63  }
0xf7: {  	s18 =	simm.s32 $0x20;
	s8 =	simm.s32 $0xC0;
	v2 =	vld [tilespmem:s22+$0x90];
	[tilespmem:s17+$0x30] =	vst v3;
	s17 =	simm.s32 $0x1DB0  }
.LBB2_13:
0xf8: {  	p0 =	sne.s32 s8, $0x1400;
	v3 =	vld [tilespmem:s18+$0x3E60];
	_ =	sdelay $0x2  }
0xf9: {  	v4 =	vld [tilespmem:s22+$0x10]  }
0xfa: {  	v5 =	vld [tilespmem:s22+$0x0]  }
0xfb: {  	v2 =	vadd.f32 v3, v2;
	v3 =	vld [tilespmem:s22+$0x20]  }
0xfc: {  	v6 =	vld [tilespmem:s22+$0x30];
	v7 =	vpop (erf)  }
0xfd: {  	v8 =	vmul.f32 $2.000000030e-01, v2;
	v9 =	vnsel vm0, $0x0, v7;
	v7 =	vperm.xlane v7, v1  }
0xfe: {  	vm1 =	vgt.f32 v2, $0.0e+00;
	[tilespmem:s22+$0x40] =	vst v9  }
0xff: {  	v2 =	vsel vm1, v2, v8;
	v5 =	vmul.f32 v5, v7;
	v4 =	vmul.f32 v4, v7  }
.Ltmp5:
0x100: {  	v2 =	vmul.f32 $1.442695020e+00, v2;
	v3 =	vmul.f32 v3, v7;
	(pc) =	sbr.rel @p0 .LBB2_13-.Ltmp5, $4  }
0x101: {  	[tilespmem:s22+$0x0] =	vst v5;
	v5 =	vmul.f32 v6, v7  }
0x102: {  	[tilespmem:s22+$0x10] =	vst v4;
	(erf) = vpow2.f32 v2  }
0x103: {  	s22 =	sadd.s32 $0x50, s22;
	[tilespmem:s17+$0x20] =	vst v3  }
0x104: {  	s18 =	sshra.s32 s8, $0x2;
	s8 =	sadd.s32 $0x40, s8;
	v2 =	vld [tilespmem:s22+$0x90];
	[tilespmem:s17+$0x30] =	vst v5;
	s17 =	smov.u32 s22  }
0x105: {  	v3 =	vld [tilespmem:s18+$0x3E60];
	_ =	sdelay $0x4  }
0x106: {  	v2 =	vadd.f32 v3, v2;
	_ =	sdelay $0x1  }
0x107: {  	v4 =	vmul.f32 $2.000000030e-01, v2  }
0x108: {  	vm1 =	vgt.f32 v2, $0.0e+00  }
0x109: {  	v2 =	vsel vm1, v2, v4  }
0x10a: {  	v3 =	vld [tilespmem:s22+$0x0];
	v2 =	vmul.f32 $1.442695020e+00, v2  }
0x10b: {  	v5 =	vld [tilespmem:s22+$0x10]  }
0x10c: {  	v6 =	vld [tilespmem:s22+$0x20];
	v7 =	vpop (erf);
	(erf) = vpow2.f32 v2  }
0x10d: {  	v62 =	vld [tilespmem:s22+$0x30];
	v8 =	vperm.xlane v7, v1;
	_ =	sdelay $0x1  }
0x10e: {  	s19 =	sadd.s32 $0x1, s19;
	v7 =	vnsel vm0, $0x0, v7;
	v3 =	vmul.f32 v3, v8  }
0x10f: {  	p0 =	sne.s32 s19, $0x3E;
	[tilespmem:s22+$0x40] =	vst v7;
	v2 =	vmul.f32 v5, v8  }
.Ltmp6:
0x110: {  	v63 =	vmul.f32 v6, v8;
	[tilespmem:s22+$0x0] =	vst v3;
	(pc) =	sbr.rel @p0 .LBB2_10-.Ltmp6, $4  }
0x111: {  	v3 =	vmul.f32 v62, v8;
	[tilespmem:s22+$0x10] =	vst v2  }
0x112: {  	[tilespmem:s17+$0x20] =	vst v63  }
0x113: {  	[tilespmem:s17+$0x30] =	vst v3  }
0x114: {  	[spmem:s3] =	stream.indirect.scatter.add.f32 [tilespmem:s0], [sflag:$0x6], $0x50, s16, s28, $0xb8;
	v2 =	vpop (erf);
	[tilespmem:$0x10730] =	vst v63  }
0x115: {  	s8 =	simm.s32 $0x6  }
0x116: {  	_ =	swait.ge [sflag:s8], $0x1900  }
0x117: {  	[sflag:s8] =	ssyncset.done $0x0  }
0x118: {  	[sflag:s8] =	ssyncadd.s32 $0xFFFFE700  }
0x119: {  	_ =	swait.ge [sflag:s9], $0x1900  }
0x11a: {  	[sflag:s9] =	ssyncset.done $0x0  }
0x11b: {  	[sflag:s9] =	ssyncadd.s32 $0xFFFFE700  }
0x11c: {  	_ =	swait.ge [sflag:s10], $0x500  }
0x11d: {  	[sflag:s10] =	ssyncset.done $0x0  }
0x11e: {  	[sflag:s10] =	ssyncadd.s32 $0xFFFFFB00  }
0x11f: {  	v2 =	vld [tilespmem:$0x220]  }
0x120: {  	v3 =	vld [tilespmem:$0x38E0];
	_ =	sdelay $0x3  }
0x121: {  	v4 =	vld [tilespmem:$0xB0]  }
0x122: {  	v6 =	vld [tilespmem:$0xC0];
	v2 =	vadd.f32 v3, v2  }
0x123: {  	v7 =	vld [tilespmem:$0xD0]  }
0x124: {  	v61 =	vld [tilespmem:$0xE0];
	v5 =	vmul.f32 $2.000000030e-01, v2  }
0x125: {  	v3 =	vld [tilespmem:$0xA0];
	vm1 =	vgt.f32 v2, $0.0e+00  }
0x126: {  	[tilespmem:$0x150] =	vst v4;
	v2 =	vsel vm1, v2, v5  }
0x127: {  	[tilespmem:$0x160] =	vst v6;
	v2 =	vmul.f32 $1.442695020e+00, v2  }
0x128: {  	[tilespmem:$0x170] =	vst v7  }
0x129: {  	[tilespmem:$0x180] =	vst v61;
	(erf) = vpow2.f32 v2  }
0x12a: {  	s23 =	simm.s32 $0x10;
	[tilespmem:$0x140] =	vst v3  }
0x12b: {  	s17 =	simm.s32 $0x1E0;
	v3 =	vld [tilespmem:s23+$0x38E0]  }
0x12c: {  	v2 =	vld [tilespmem:s17+$0x90];
	_ =	sdelay $0x3  }
0x12d: {  	v4 =	vld [tilespmem:s17+$0x0]  }
0x12e: {  	v5 =	vld [tilespmem:s17+$0x10];
	v2 =	vadd.f32 v3, v2  }
0x12f: {  	v7 =	vld [tilespmem:s17+$0x20];
	v62 =	vpop (erf)  }
0x130: {  	v3 =	vld [tilespmem:s17+$0x30];
	v9 =	vmul.f32 $2.000000030e-01, v2;
	v8 =	vperm.xlane v62, v1  }
0x131: {  	vm1 =	vgt.f32 v2, $0.0e+00  }
0x132: {  	v2 =	vsel vm1, v2, v9;
	v6 =	vnsel vm0, $0x0, v62;
	v4 =	vmul.f32 v4, v8  }
0x133: {  	v2 =	vmul.f32 $1.442695020e+00, v2;
	[tilespmem:s17+$0x40] =	vst v6;
	v5 =	vmul.f32 v5, v8  }
0x134: {  	v63 =	vmul.f32 v7, v8;
	[tilespmem:s17+$0x0] =	vst v4  }
0x135: {  	v3 =	vmul.f32 v3, v8;
	(erf) = vpow2.f32 v2;
	[tilespmem:s17+$0x10] =	vst v5  }
0x136: {  	s19 =	simm.s32 $0x230;
	[tilespmem:s17+$0x20] =	vst v63  }
0x137: {  	s18 =	simm.s32 $0x20;
	s8 =	simm.s32 $0xC0;
	v2 =	vld [tilespmem:s19+$0x90];
	[tilespmem:s17+$0x30] =	vst v3;
	s17 =	simm.s32 $0x230  }
.LBB2_16:
0x138: {  	p0 =	sne.s32 s8, $0x1400;
	v3 =	vld [tilespmem:s18+$0x38E0];
	_ =	sdelay $0x2  }
0x139: {  	v4 =	vld [tilespmem:s19+$0x10]  }
0x13a: {  	v5 =	vld [tilespmem:s19+$0x0]  }
0x13b: {  	v2 =	vadd.f32 v3, v2;
	v3 =	vld [tilespmem:s19+$0x20]  }
0x13c: {  	v6 =	vld [tilespmem:s19+$0x30];
	v7 =	vpop (erf)  }
0x13d: {  	v8 =	vmul.f32 $2.000000030e-01, v2;
	v9 =	vnsel vm0, $0x0, v7;
	v7 =	vperm.xlane v7, v1  }
0x13e: {  	vm1 =	vgt.f32 v2, $0.0e+00;
	[tilespmem:s19+$0x40] =	vst v9  }
0x13f: {  	v2 =	vsel vm1, v2, v8;
	v5 =	vmul.f32 v5, v7;
	v4 =	vmul.f32 v4, v7  }
.Ltmp7:
0x140: {  	v2 =	vmul.f32 $1.442695020e+00, v2;
	v3 =	vmul.f32 v3, v7;
	(pc) =	sbr.rel @p0 .LBB2_16-.Ltmp7, $4  }
0x141: {  	[tilespmem:s19+$0x0] =	vst v5;
	v5 =	vmul.f32 v6, v7  }
0x142: {  	[tilespmem:s19+$0x10] =	vst v4;
	(erf) = vpow2.f32 v2  }
0x143: {  	s19 =	sadd.s32 $0x50, s19;
	[tilespmem:s17+$0x20] =	vst v3  }
0x144: {  	s18 =	sshra.s32 s8, $0x2;
	s8 =	sadd.s32 $0x40, s8;
	v2 =	vld [tilespmem:s19+$0x90];
	[tilespmem:s17+$0x30] =	vst v5;
	s17 =	smov.u32 s19  }
0x145: {  	v3 =	vld [tilespmem:s18+$0x38E0];
	_ =	sdelay $0x4  }
0x146: {  	v2 =	vadd.f32 v3, v2;
	_ =	sdelay $0x1  }
0x147: {  	v3 =	vmul.f32 $2.000000030e-01, v2  }
0x148: {  	vm1 =	vgt.f32 v2, $0.0e+00  }
0x149: {  	v4 =	vld [tilespmem:s19+$0x10];
	v2 =	vsel vm1, v2, v3  }
0x14a: {  	v5 =	vld [tilespmem:s19+$0x20];
	v2 =	vmul.f32 $1.442695020e+00, v2  }
0x14b: {  	v3 =	vld [tilespmem:s19+$0x0]  }
0x14c: {  	v6 =	vpop (erf);
	(erf) = vpow2.f32 v2;
	v2 =	vld [tilespmem:s19+$0x30]  }
0x14d: {  	v7 =	vperm.xlane v6, v1;
	_ =	sdelay $0x1  }
0x14e: {  	v6 =	vnsel vm0, $0x0, v6;
	v4 =	vmul.f32 v4, v7  }
0x14f: {  	[tilespmem:s19+$0x40] =	vst v6;
	v3 =	vmul.f32 v3, v7  }
0x150: {  	v5 =	vmul.f32 v5, v7;
	[tilespmem:s19+$0x10] =	vst v4;
	v2 =	vmul.f32 v2, v7  }
0x151: {  	[tilespmem:s19+$0x0] =	vst v3  }
0x152: {  	[tilespmem:s17+$0x20] =	vst v5  }
0x153: {  	[tilespmem:s17+$0x30] =	vst v2  }
0x154: {  	[spmem:s3] =	stream.indirect.scatter.add.f32 [tilespmem:s24], [sflag:$0x5], $0x50, s11, s28, $0xb8;
	v2 =	vpop (erf);
	[tilespmem:$0x10730] =	vst v63  }
0x155: {  	_ =	swait.ge [sflag:s12], $0x1900  }
0x156: {  	[sflag:s12] =	ssyncset.done $0x0  }
0x157: {  	[sflag:s12] =	ssyncadd.s32 $0xFFFFE700  }
0x158: {  	s8 =	stileid.u32;
	[bflag:$0x0] =	sbarrier.arrive $0xFFFF  }
0x159: {  	s8 =	sshll.u32 s8, $0x6;
	s22 =	rddreg [dreg:$0x4]  }
0x15a: {  	s8 =	sor.u32 $0x1C09, s8;
	s23 =	rddreg [dreg:$0x10];
	s19 =	sshrl.u32 s22, $0x3  }
0x15b: {  	[hbm:s23], [sflag:s8] =	dma.local [spmem:s19], $0x186A  }
0x15c: {  	_ =	swait.ge [sflag:s25], $0x186A  }
0x15d: {  	s19 =	rddreg [dreg:$0x12]  }
0x15e: {  	s23 =	rddreg [dreg:$0x11];
	s17 =	sadd.s32 $0x1, s19  }
0x15f: {  	p0 =	sne.s32 s17, s23  }
.Ltmp8:
0x160: {  	_ = 	snop;
	(pc) =	sbr.rel @p0 .LBB2_1-.Ltmp8, $3  }
0x161: {  	_ =	sdelay $0x1  }
0x162: {  	[sflag:s25] =	ssyncset.done $0x0  }
0x163: {  	[sflag:s25] =	ssyncadd.s32 $0xFFFFE796  }
0x164: {  	_ =	sfence.sel $0x180000  }
0x165: {  	[bflag:$0x0] =	sbarrier.arrive $0xFFFF  }
0x166: {  	_ =	strace $0x9000004A  }
0x167: {  	s0 =	stileid.u32;
	[bflag:$0x2] =	sbarrier.arrive $0xFFFF  }
0x168: {  	p0 =	sne.s32 s0, $0x0;
	s0 =	rddreg [dreg:$0x3]  }
0x169: {  	s0 =	sadd.s32 @!p0 $0x100000, s0  }
0x16a: {  	[sflag:s0] =	ssyncadd.tile.s32 @!p0 $0x1;
	_ =	shalt  }
.Lfunc_end2:
_tile_overlayer_lowered:
.L_overlay_start_2:
0x16b: {  	(tag) =	ssettag $0x2  }
0x16c: {  	s0 =	rddreg [dreg:$0x0];
	s2 =	stileid.u32  }
0x16d: {  	s1 =	rddreg [dreg:$0x1];
	p0 =	sne.s32 s2, $0x0  }
0x16e: {  	s3 =	rddreg [dreg:$0x2];
	[bflag:$0x3] =	sbarrier.arrive $0xFFFF;
	s2 =	simm.s32 @!p0 $0x1C09  }
0x16f: {  	[timem:s3], [sflag:s2] =	dma.local @!p0 [hbm:s0], s1  }
0x170: {  	s0 =	simm.s32 @!p0 $0x9  }
0x171: {  	_ =	swait.ge @!p0 [sflag:s0], s1  }
0x172: {  	s1 =	ssub.s32 @!p0 $0x0, s1;
	[sflag:s0] =	ssyncset.done @!p0 $0x0  }
0x173: {  	[sflag:s0] =	ssyncadd.s32 @!p0 s1  }
0x174: {  	[bflag:$0x3] =	sbarrier.arrive $0xFFFF  }
0x175: {  	_ =	shalt  }

// kernel: kernel.7.cloned.1.call-start
scs
__scs_entry_jumppad:
0x0: {  	(pc) =	sbr.rel $0x88, $3  }
0x1: {  	(tag) =	ssettag $0x0;
	lr =	simm.s32 $0x1  }
0x2: {  	[smem:$0x3F97] =	sst lr;
	_ =	strace $0xD0000000  }
0x3: {  	_ = 	snop  }
0x4: {  	_ = 	snop  }
0x5: {  	_ = 	snop  }
0x6: {  	_ = 	snop  }
0x7: {  	_ = 	snop  }
__scs_overlays_trampoline_lowered:
0x8: {  	[smem:$0x3FA6] =	sst s0  }
0x9: {  	[smem:$0x3FA7] =	sst s1  }
0xa: {  	[smem:$0x3FA8] =	sst s2  }
0xb: {  	[smem:$0x3FA9] =	sst s3  }
0xc: {  	[smem:$0x3FAA] =	sst s4  }
0xd: {  	[smem:$0x3FAB] =	sst s5  }
0xe: {  	[smem:$0x3FAC] =	sst s6  }
0xf: {  	[smem:$0x3FAD] =	sst s7  }
0x10: {  	[smem:$0x3FAE] =	sst s8  }
0x11: {  	[smem:$0x3FAF] =	sst s9;
	s0 =	simm.s32 @!p0 $0x0  }
0x12: {  	s1 =	sld [smem:$0x3F95];
	s0 =	simm.s32 @p0 $0x1  }
0x13: {  	[smem:$0x3FB0] =	sst s0;
	s0 =	simm.s32 @!p1 $0x0  }
0x14: {  	s2 =	sld [smem:$0x3F94];
	s0 =	simm.s32 @p1 $0x1  }
0x15: {  	[smem:$0x3FB1] =	sst s0;
	s0 =	simm.s32 @!p2 $0x0  }
0x16: {  	s3 =	sld [smem:$0x3FDB];
	s0 =	simm.s32 @p2 $0x1  }
0x17: {  	s4 =	simm.s32 $0x1BF5;
	[smem:$0x3FB3] =	sst s0  }
0x18: {  	s0 =	sld [smem:$0x3F96];
	_ =	swait.ge [sflag:s4], $0x0  }
0x19: {  	s7 =	sld [smem:$0x3F97]  }
0x1a: {  	s8 =	sadd.s32 $0xFFFFE003, lr  }
0x1b: {  	s9 =	sadd.s32 $0xFFFFFEF7, lr;
	s5 =	simm.s32 $0xFFFFFFFF;
	p2 =	slt.u32 s8, $0xFFFFF086  }
0x1c: {  	p1 =	slt.u32 s9, $0xF7A;
	s5 =	simm.s32 @!p2 $0x0  }
0x1d: {  	s5 =	simm.s32 @p1 $0x1;
	p0 =	seq.s32 s7, s2  }
0x1e: {  	s7 =	smul.u32 @!p0 $0xF7A, s2;
	p2 =	seq.s32 @!p0 s5, $0x0  }
0x1f: {  	s9 =	smul.u32 $0xF7A, s1;
	s8 =	simm.s32 @!p0 $0x1BF5;
	p2 =	por !p2, p0  }
0x20: {  	[sflag:s8] =	ssyncset.s32 @!p0 $0xFFFFF086;
	s6 =	sadd.s32 @!p0 s3, s7;
	s7 =	simm.s32 @!p0 $0x108  }
0x21: {  	s3 =	sadd.s32 s3, s9;
	s6 =	sadd.s32 @!p0 $0x88, s6;
	s7 =	simm.s32 @p2 $0x1082  }
0x22: {  	[simem:s7], [sflag:s8] =	dma.local @!p0 [hbm:s6], $0xF7A  }
0x23: {  	s9 =	sor.u32 $0xD0000000, s2;
	s6 =	simm.s32 $0x108;
	_ =	swait.ge @!p0 [sflag:s8], $0x0  }
0x24: {  	s3 =	sadd.s32 $0x88, s3;
	s6 =	simm.s32 @!p1 $0x1082;
	[sflag:s4] =	ssyncset.s32 $0xFFFFF086  }
0x25: {  	[simem:s6], [sflag:s4] =	dma.local [hbm:s3], $0xF7A  }
0x26: {  	[smem:$0x3F97] =	sst s1;
	(tag) =	ssettag s2;
	_ =	strace s9  }
0x27: {  	s1 =	sld [smem:$0x3FA7]  }
0x28: {  	s2 =	sld [smem:$0x3FA8]  }
0x29: {  	s4 =	sld [smem:$0x3FAA]  }
0x2a: {  	p0 =	seq.s32 s5, $0x0;
	s5 =	sld [smem:$0x3FAB]  }
0x2b: {  	s6 =	sld [smem:$0x3FAC]  }
0x2c: {  	s7 =	sld [smem:$0x3FAD]  }
0x2d: {  	s3 =	simm.s32 $0x108;
	s8 =	sld [smem:$0x3FAE]  }
0x2e: {  	s3 =	simm.s32 @!p0 $0x1082;
	s9 =	sld [smem:$0x3FAF]  }
0x2f: {  	lr =	sadd.s32 s0, s3;
	s0 =	sld [smem:$0x3FA6]  }
0x30: {  	s3 =	sld [smem:$0x3FA9]  }
0x31: {  	[smem:$0x3FB2] =	sst s10  }
0x32: {  	s10 =	sld [smem:$0x3FB0];
	_ =	sdelay $0x3  }
0x33: {  	p0 =	seq.s32 s10, $0x1;
	s10 =	sld [smem:$0x3FB2];
	_ =	sdelay $0x3  }
0x34: {  	[smem:$0x3FB2] =	sst s10  }
0x35: {  	s10 =	sld [smem:$0x3FB1];
	_ =	sdelay $0x3  }
0x36: {  	p1 =	seq.s32 s10, $0x1;
	s10 =	sld [smem:$0x3FB2];
	_ =	sdelay $0x3  }
0x37: {  	[smem:$0x3FB2] =	sst s10  }
0x38: {  	s10 =	sld [smem:$0x3FB3]  }
0x39: {  	_ = 	snop;
	(pc) =	sbr.ind lr, $3  }
0x3a: {  	_ = 	snop  }
0x3b: {  	_ = 	snop  }
0x3c: {  	p2 =	seq.s32 s10, $0x1;
	s10 =	sld [smem:$0x3FB2]  }
0x3d: {  	_ =	shalt  }
0x3e: {  	_ =	shalt  }
0x3f: {  	_ =	shalt  }
0x40: {  	_ =	shalt  }
0x41: {  	_ =	shalt  }
0x42: {  	_ =	shalt  }
0x43: {  	_ =	shalt  }
0x44: {  	_ =	shalt  }
0x45: {  	_ =	shalt  }
0x46: {  	_ =	shalt  }
0x47: {  	_ =	shalt  }
0x48: {  	_ =	shalt  }
0x49: {  	_ =	shalt  }
0x4a: {  	_ =	shalt  }
0x4b: {  	_ =	shalt  }
0x4c: {  	_ =	shalt  }
0x4d: {  	_ =	shalt  }
0x4e: {  	_ =	shalt  }
0x4f: {  	_ =	shalt  }
0x50: {  	_ =	shalt  }
0x51: {  	_ =	shalt  }
0x52: {  	_ =	shalt  }
0x53: {  	_ =	shalt  }
0x54: {  	_ =	shalt  }
0x55: {  	_ =	shalt  }
0x56: {  	_ =	shalt  }
0x57: {  	_ =	shalt  }
0x58: {  	_ =	shalt  }
0x59: {  	_ =	shalt  }
0x5a: {  	_ =	shalt  }
0x5b: {  	_ =	shalt  }
0x5c: {  	_ =	shalt  }
0x5d: {  	_ =	shalt  }
0x5e: {  	_ =	shalt  }
0x5f: {  	_ =	shalt  }
0x60: {  	_ =	shalt  }
0x61: {  	_ =	shalt  }
0x62: {  	_ =	shalt  }
0x63: {  	_ =	shalt  }
0x64: {  	_ =	shalt  }
0x65: {  	_ =	shalt  }
0x66: {  	_ =	shalt  }
0x67: {  	_ =	shalt  }
0x68: {  	_ =	shalt  }
0x69: {  	_ =	shalt  }
0x6a: {  	_ =	shalt  }
0x6b: {  	_ =	shalt  }
0x6c: {  	_ =	shalt  }
0x6d: {  	_ =	shalt  }
0x6e: {  	_ =	shalt  }
0x6f: {  	_ =	shalt  }
0x70: {  	_ =	shalt  }
0x71: {  	_ =	shalt  }
0x72: {  	_ =	shalt  }
0x73: {  	_ =	shalt  }
0x74: {  	_ =	shalt  }
0x75: {  	_ =	shalt  }
0x76: {  	_ =	shalt  }
0x77: {  	_ =	shalt  }
0x78: {  	_ =	shalt  }
0x79: {  	_ =	shalt  }
0x7a: {  	_ =	shalt  }
0x7b: {  	_ =	shalt  }
0x7c: {  	_ =	shalt  }
0x7d: {  	_ =	shalt  }
0x7e: {  	_ =	shalt  }
0x7f: {  	_ =	shalt  }
0x80: {  	_ =	shalt  }
0x81: {  	_ =	shalt  }
0x82: {  	_ =	shalt  }
0x83: {  	_ =	shalt  }
0x84: {  	_ =	shalt  }
0x85: {  	_ =	shalt  }
0x86: {  	_ =	shalt  }
0x87: {  	_ =	shalt  }
.Lfunc_end0:
.L_simem_size_0:
called_computation_lowered:
.L_overlay_start_0:
0x88: {  	s2 =	sld [smem:$0x3FD9]  }
0x89: {  	s3 =	sld [smem:$0x3FFE];
	_ =	sdelay $0x1  }
0x8a: {  	s1 =	srdreg.scid  }
0x8b: {  	s0 =	sand.u32 $0x1, s1  }
0x8c: {  	s17 =	sshll.u32 s0, $0xA;
	s2 =	sadd.s32 s3, s2  }
0x8d: {  	s2 =	sadd.s32 s2, s17  }
0x8e: {  	[smem:$0x3FBE] =	sst s2  }
0x8f: {  	_ = 	snop  }
0x90: {  	s2 =	sld [smem:$0x3FD0];
	(tm) =	ssettm $0x1  }
0x91: {  	s18 =	sld [smem:$0x3FFB];
	_ =	sdelay $0x3  }
0x92: {  	_ =	strace s18  }
0x93: {  	s3 =	sld [smem:$0x3FFC];
	_ =	sdelay $0x3  }
0x94: {  	_ =	strace s3  }
0x95: {  	s3 =	sld [smem:$0x3FFD];
	_ =	sdelay $0x3  }
0x96: {  	_ =	strace s3  }
0x97: {  	_ =	strace $0x8FFFFFFF  }
0x98: {  	s19 =	sld [smem:$0x3FDB];
	_ =	sdelay $0x1  }
0x99: {  	s4 =	simm.s32 $_scs_section_size  }
0x9a: {  	s5 =	simm.s32 $_size__tile_overlayer_lowered;
	s6 =	simm.s32 $_tile_overlayer_lowered  }
0x9b: {  	s22 =	simm.s32 $0x1BFF;
	s21 =	sshll.u32 s6, $0x1;
	s3 =	sadd.s32 s4, s19  }
0x9c: {  	s7 =	simm.s32 $0x0;
	s20 =	sshll.u32 s5, $0x1;
	s5 =	sadd.s32 s21, s3  }
0x9d: {  	[timem:s7], [sflag:s22] =	dma.local [hbm:s5], s20  }
0x9e: {  	_ =	swait.ge [sflag:s22], s20  }
0x9f: {  	s4 =	ssub.s32 $0x0, s20;
	[sflag:s22] =	ssyncset.done $0x0  }
0xa0: {  	[sflag:s22] =	ssyncadd.s32 s4;
	_ =	sdelay $0x1  }
0xa1: {  	s23 =	simm.s32 $0x1B8B  }
0xa2: {  	_ =	swait.ge [sflag:s23], $0x1  }
0xa3: {  	[sflag:s23] =	ssyncset.done $0x0  }
0xa4: {  	s25 =	simm.s32 $0x1B8E;
	s24 =	sld [smem:$0x3FFE];
	[sflag:s23] =	ssyncadd.s32 $0xFFFFFFFF  }
0xa5: {  	s26 =	simm.s32 $execute0_lowered;
	[smem:$0x3FD2] =	sst s25  }
0xa6: {  	s5 =	sshll.u32 s26, $0x1;
	_ =	strace $0x80000046;
	[dreg:$0x1] =	wrdreg $0xFFFFFFFF  }
0xa7: {  	s28 =	simm.s32 $_size_execute0_lowered;
	s3 =	sadd.s32 s3, s5;
	[dreg:$0x0] =	wrdreg $0x0  }
0xa8: {  	s5 =	sshll.u32 s28, $0x1;
	[dreg:$0x2] =	wrdreg s3  }
0xa9: {  	[dreg:$0x3] =	wrdreg s5  }
0xaa: {  	[dreg:$0x4] =	wrdreg $0xC0  }
0xab: {  	_ =	task [dreg:s7], $0x5FFFF  }
0xac: {  	[dreg:$0x1] =	wrdreg $0xFFFFFFFF  }
0xad: {  	[dreg:$0x0] =	wrdreg $0x60  }
0xae: {  	[dreg:$0x2] =	wrdreg s24  }
0xaf: {  	[dreg:$0x3] =	wrdreg s2  }
0xb0: {  	[dreg:$0x4] =	wrdreg $0x6FE00  }
0xb1: {  	[dreg:$0x5] =	wrdreg $0x9  }
0xb2: {  	_ =	task.clear_ibuf [dreg:s7], $0x6FFFF;
	_ =	strace $0x90000046  }
0xb3: {  	s29 =	simm.s32 $0x9;
	_ =	strace $0x80000048  }
0xb4: {  	_ =	swait.ge [sflag:s29], $0x1  }
0xb5: {  	[sflag:s29] =	ssyncadd.s32 $0xFFFFFFFF  }
0xb6: {  	_ =	strace $0x90000048  }
0xb7: {  	_ =	sfence  }
0xb8: {  	s30 =	sld [smem:$0x0];
	_ =	sdelay $0x2  }
0xb9: {  	s31 =	sshll.u32 s1, $0xD;
	s1 =	sshrl.u32 s1, $0x2  }
0xba: {  	s3 =	sand.u32 $0x4000, s31;
	s1 =	sadd.s32 s1, s30  }
0xbb: {  	s0 =	sor.u32 s3, s0;
	s1 =	sshll.u32 s1, $0x11  }
0xbc: {  	s0 =	sor.u32 s1, s0  }
0xbd: {  	s0 =	sadd.s32 $0x8F2B, s0  }
0xbe: {  	[sflag:s0] =	ssyncadd.remote.s32 $0x1  }
0xbf: {  	_ =	sfence.sel $0xFFFF  }
0xc0: {  	[dreg:$0x0] =	wrdreg $0xFFFFFFFF;
	(pc) =	sbr.abs _section_cstart, $3  }
0xc1: {  	[dreg:$0x1] =	wrdreg $0xFFFFFFFF  }
0xc2: {  	_ =	task.clear_ibuf [dreg:s7], $0x2FFFF;
	_ =	strace $0x9FFFFFFF  }
0xc3: {  	(tm) =	ssettm $0x7FFFFFFF  }
tec
execute0_lowered:
.L_overlay_start_1:
0x0: {  	(tag) =	ssettag $0x1  }
0x1: {  	s0 =	rddreg [dreg:$0x0]  }
0x2: {  	s2 =	rddreg [dreg:$0x1]  }
0x3: {  	s3 =	rddreg [dreg:$0x2]  }
0x4: {  	s1 =	srdreg.scid;
	s13 =	stileid.u32;
	s4 =	simm.s32 $0x0  }
0x5: {  	s28 =	simm.s32 $0x50;
	s30 =	simm.s32 $0xF0;
	s6 =	smul.u32 $0x271, s13  }
0x6: {  	s31 =	simm.s32 $0x8;
	s29 =	simm.s32 $0x6A60;
	s8 =	smul.u32 $0x57E40, s13  }
0x7: {  	s1 =	sand.u32 $0x1, s1;
	[smem:$0x7FF] =	sst s4;
	s15 =	smul.u32 $0x4E20, s13  }
0x8: {  	s5 =	sadd.s32 $0x9DA00, s0;
	s13 =	simm.s32 $0x4;
	s9 =	smul.u32 $0x2710, s1  }
0x9: {  	_ =	strace $0x80000047;
	s11 =	ssub.s32 $0x2, s1;
	s1 =	sshll.u32 s1, $0x2  }
0xa: {  	v0 =	vlaneseq.u32;
	s12 =	sshrl.u32 s11, $0x1;
	s8 =	sshrl.u32 s8, $0x2;
	s23 =	sshrl.u32 s15, $0x3  }
0xb: {  	v1 =	vadd.s32 s1, v0;
	s1 =	simm.s32 $0x1;
	s8 =	sadd.s32 s8, s3;
	s25 =	sadd.s32 s2, s23  }
0xc: {  	s7 =	sadd.s32 s6, s9;
	s16 =	sadd.s32 $0x2D00, s8;
	[dreg:$0xc] =	wrdreg s25  }
0xd: {  	s6 =	sadd.s32 $0xF5A00, s0;
	s17 =	sadd.s32 $0x5A00, s8;
	[dreg:$0x4] =	wrdreg s16  }
0xe: {  	s14 =	ssub.s32 s11, s12;
	s18 =	sadd.s32 $0x8700, s8;
	[dreg:$0x5] =	wrdreg s17  }
0xf: {  	s12 =	sadd.s32 $0xA, s23;
	s19 =	sadd.s32 $0xB400, s8;
	[dreg:$0x6] =	wrdreg s18  }
0x10: {  	v0 =	vmov s9;
	s9 =	simm.s32 $0x3;
	s20 =	sadd.s32 $0xE100, s8;
	[dreg:$0x7] =	wrdreg s19  }
0x11: {  	s11 =	simm.s32 $0x5;
	s21 =	sadd.s32 $0x10E00, s8;
	[dreg:$0x8] =	wrdreg s20  }
0x12: {  	s10 =	smul.u32 $0x12, s7;
	s22 =	sadd.s32 $0x13B00, s8;
	[dreg:$0x9] =	wrdreg s21  }
0x13: {  	s7 =	sadd.s32 $0xFAA00, s0;
	s25 =	simm.s32 $0x9;
	[dreg:$0xa] =	wrdreg s22  }
0x14: {  	s24 =	sadd.s32 s7, s23;
	s26 =	sadd.s32 s7, s12;
	s12 =	sadd.s32 s2, s12  }
0x15: {  	s20 =	sadd.s32 $0xA0, s15;
	s21 =	sadd.s32 $0xF0, s15;
	[dreg:$0xb] =	wrdreg s24  }
0x16: {  	s23 =	smax.u32 s14, $0x1;
	s14 =	simm.s32 $0x190;
	[dreg:$0xd] =	wrdreg s26  }
0x17: {  	v2 =	vimm.f32 $0.0e+00;
	s15 =	simm.s32 $0x6;
	s0 =	sadd.s32 s10, s0;
	[dreg:$0xe] =	wrdreg s12  }
0x18: {  	vm0 =	vmmov $0xf;
	v3 =	vimm.s32 $0x0;
	v4 =	vimm.s32 $0x1;
	s24 =	simm.s32 $0x1E0;
	s10 =	simm.s32 $0x140;
	s0 =	sadd.s32 $0x104800, s0  }
0x19: {  	v5 =	vimm.s32 $0x2;
	v6 =	vimm.s32 $0x3;
	v1 =	vand.u32 $0xF, v1;
	s12 =	simm.s32 $0x2;
	[dreg:$0xf] =	wrdreg s0;
	s0 =	simm.s32 $0x3360  }
.LBB2_1:
0x1a: {  	s17 =	simm.s32 $0x0;
	s16 =	simm.s32 $0x240  }
.LBB2_2:
0x1b: {  	p0 =	sne.s32 s16, $0xC3C0;
	[tilespmem:s17+$0x260] =	vst v2  }
0x1c: {  	[tilespmem:s17+$0x1E0] =	vst v2  }
0x1d: {  	[tilespmem:s17+$0x1F0] =	vst v2  }
0x1e: {  	[tilespmem:s17+$0x200] =	vst v2  }
.Ltmp0:
0x1f: {  	[tilespmem:s17+$0x210] =	vst v2;
	(pc) =	sbr.rel @p0 .LBB2_2-.Ltmp0, $4  }
0x20: {  	[tilespmem:s17+$0x220] =	vst v2  }
0x21: {  	[tilespmem:s17+$0x230] =	vst v2  }
0x22: {  	[tilespmem:s17+$0x240] =	vst v2  }
0x23: {  	[tilespmem:s17+$0x250] =	vst v2;
	s17 =	sshra.s32 s16, $0x2;
	s16 =	sadd.s32 $0x240, s16  }
0x24: {  	[tilespmem:s17+$0x260] =	vst v2  }
0x25: {  	[tilespmem:s17+$0x1E0] =	vst v2  }
0x26: {  	[tilespmem:s17+$0x1F0] =	vst v2  }
0x27: {  	[tilespmem:s17+$0x200] =	vst v2  }
0x28: {  	[tilespmem:s17+$0x210] =	vst v2  }
0x29: {  	[tilespmem:s17+$0x220] =	vst v2  }
0x2a: {  	[tilespmem:s17+$0x230] =	vst v2  }
0x2b: {  	[tilespmem:s17+$0x240] =	vst v2  }
0x2c: {  	s16 =	simm.s32 $0x0;
	[tilespmem:s17+$0x250] =	vst v2;
	s17 =	simm.s32 $0x0;
	s18 =	simm.s32 $0x240  }
.LBB2_4:
0x2d: {  	p0 =	sne.s32 s18, $0xC3C0;
	[tilespmem:s17+$0x33E0] =	vst v2  }
0x2e: {  	[tilespmem:s17+$0x3360] =	vst v2  }
0x2f: {  	[tilespmem:s17+$0x3370] =	vst v2  }
0x30: {  	[tilespmem:s17+$0x3380] =	vst v2  }
.Ltmp1:
0x31: {  	[tilespmem:s17+$0x3390] =	vst v2;
	(pc) =	sbr.rel @p0 .LBB2_4-.Ltmp1, $4  }
0x32: {  	[tilespmem:s17+$0x33A0] =	vst v2  }
0x33: {  	[tilespmem:s17+$0x33B0] =	vst v2  }
0x34: {  	[tilespmem:s17+$0x33C0] =	vst v2  }
0x35: {  	[tilespmem:s17+$0x33D0] =	vst v2;
	s17 =	sshra.s32 s18, $0x2;
	s18 =	sadd.s32 $0x240, s18  }
0x36: {  	[tilespmem:s17+$0x33E0] =	vst v2  }
0x37: {  	[tilespmem:s17+$0x3360] =	vst v2  }
0x38: {  	[tilespmem:s17+$0x3370] =	vst v2  }
0x39: {  	[tilespmem:s17+$0x3380] =	vst v2  }
0x3a: {  	[tilespmem:s17+$0x3390] =	vst v2  }
0x3b: {  	[tilespmem:s17+$0x33A0] =	vst v2  }
0x3c: {  	[tilespmem:s17+$0x33B0] =	vst v2  }
0x3d: {  	[tilespmem:s17+$0x33C0] =	vst v2  }
0x3e: {  	[tilespmem:s17+$0x33D0] =	vst v2  }
.LBB2_6:
0x3f: {  	p0 =	sne.s32 s16, $0x15C0  }
.Ltmp2:
0x40: {  	_ = 	snop;
	(pc) =	sbr.rel @p0 .LBB2_6-.Ltmp2, $3  }
0x41: {  	_ =	sdelay $0x1  }
0x42: {  	s17 =	sshra.s32 s16, $0x2  }
0x43: {  	s16 =	sadd.s32 $0x40, s16;
	[tilespmem:s17+$0x64E0] =	vst v2  }
0x44: {  	s16 =	simm.s32 $0x40;
	s17 =	simm.s32 $0x0  }
.LBB2_8:
0x45: {  	p0 =	sne.s32 s16, $0x15C0;
	[tilespmem:s17+$0x6A60] =	vst v2;
	s17 =	smov.u32 s16;
	s16 =	sadd.s32 $0x40, s16  }
.Ltmp3:
0x46: {  	(pc) =	sbr.rel @p0 .LBB2_8-.Ltmp3, $2  }
0x47: {  	_ =	sdelay $0x2  }
0x48: {  	s17 =	sshra.s32 s17, $0x2  }
0x49: {  	[tilespmem:s17+$0x6A60] =	vst v2  }
0x4a: {  	[spmem:s8] =	stream.linear.scatter [tilespmem:s24], [sflag:$0x9], $0x2D00, $0x38;
	[tilespmem:$0x1CF70] =	vst v63  }
0x4b: {  	_ =	swait.ge [sflag:s25], $0x2D00  }
0x4c: {  	[sflag:s25] =	ssyncset.done $0x0  }
0x4d: {  	s16 =	rddreg [dreg:$0x4];
	[sflag:s25] =	ssyncadd.s32 $0xFFFFD300  }
0x4e: {  	[spmem:s16] =	stream.linear.scatter [tilespmem:s24], [sflag:$0x9], $0x2D00, $0x38;
	[tilespmem:$0x1CF70] =	vst v63  }
0x4f: {  	_ =	swait.ge [sflag:s25], $0x2D00  }
0x50: {  	[sflag:s25] =	ssyncset.done $0x0  }
0x51: {  	s19 =	rddreg [dreg:$0x5];
	[sflag:s25] =	ssyncadd.s32 $0xFFFFD300  }
0x52: {  	[spmem:s19] =	stream.linear.scatter [tilespmem:s24], [sflag:$0x9], $0x2D00, $0x38;
	[tilespmem:$0x1CF70] =	vst v63  }
0x53: {  	_ =	swait.ge [sflag:s25], $0x2D00  }
0x54: {  	[sflag:s25] =	ssyncset.done $0x0  }
0x55: {  	s22 =	rddreg [dreg:$0x6];
	[sflag:s25] =	ssyncadd.s32 $0xFFFFD300  }
0x56: {  	[spmem:s22] =	stream.linear.scatter [tilespmem:s24], [sflag:$0x9], $0x2D00, $0x38;
	[tilespmem:$0x1CF70] =	vst v63  }
0x57: {  	_ =	swait.ge [sflag:s25], $0x2D00  }
0x58: {  	[sflag:s25] =	ssyncset.done $0x0  }
0x59: {  	s26 =	rddreg [dreg:$0x7];
	[sflag:s25] =	ssyncadd.s32 $0xFFFFD300  }
0x5a: {  	[spmem:s26] =	stream.linear.scatter [tilespmem:s24], [sflag:$0x9], $0x2D00, $0x38;
	[tilespmem:$0x1CF70] =	vst v63  }
0x5b: {  	_ =	swait.ge [sflag:s25], $0x2D00  }
0x5c: {  	[sflag:s25] =	ssyncset.done $0x0  }
0x5d: {  	s17 =	rddreg [dreg:$0x8];
	[sflag:s25] =	ssyncadd.s32 $0xFFFFD300  }
0x5e: {  	[spmem:s17] =	stream.linear.scatter [tilespmem:s24], [sflag:$0x9], $0x2D00, $0x38;
	[tilespmem:$0x1CF70] =	vst v63  }
0x5f: {  	_ =	swait.ge [sflag:s25], $0x2D00  }
0x60: {  	[sflag:s25] =	ssyncset.done $0x0  }
0x61: {  	s18 =	rddreg [dreg:$0x9];
	[sflag:s25] =	ssyncadd.s32 $0xFFFFD300  }
0x62: {  	[spmem:s18] =	stream.linear.scatter [tilespmem:s24], [sflag:$0x9], $0x2D00, $0x38;
	[tilespmem:$0x1CF70] =	vst v63  }
0x63: {  	_ =	swait.ge [sflag:s25], $0x2D00  }
0x64: {  	[sflag:s25] =	ssyncset.done $0x0  }
0x65: {  	s19 =	rddreg [dreg:$0xa];
	[sflag:s25] =	ssyncadd.s32 $0xFFFFD300  }
0x66: {  	[spmem:s19] =	stream.linear.scatter [tilespmem:s24], [sflag:$0x9], $0x2490, $0x38;
	[tilespmem:$0x1CF70] =	vst v63  }
0x67: {  	_ =	swait.ge [sflag:s25], $0x2490  }
0x68: {  	[sflag:s25] =	ssyncset.done $0x0  }
0x69: {  	[sflag:s25] =	ssyncadd.s32 $0xFFFFDB70  }
0x6a: {  	[bflag:$0x0] =	sbarrier.arrive $0xFFFF  }
0x6b: {  	s16 =	simm.s32 $0x0;
	s22 =	rddreg [dreg:$0xb]  }
0x6c: {  	[tilespmem:s16], [sflag:$0x9] =	stream.linear.gather [hbm4b:s22+s16], $0x50, $0x38;
	[tilespmem:$0x1CF70] =	vst v63  }
0x6d: {  	_ =	swait.ge [sflag:s25], $0x50  }
0x6e: {  	[sflag:s25] =	ssyncset.done $0x0  }
0x6f: {  	s18 =	simm.s32 $0xA0;
	s26 =	rddreg [dreg:$0xc];
	[sflag:s25] =	ssyncadd.s32 $0xFFFFFFB0  }
0x70: {  	[tilespmem:s18], [sflag:$0x9] =	stream.linear.gather [hbm4b:s26+s16], $0x50, $0x38;
	[tilespmem:$0x1CF70] =	vst v63  }
0x71: {  	_ =	swait.ge [sflag:s25], $0x50  }
0x72: {  	[sflag:s25] =	ssyncset.done $0x0  }
0x73: {  	[sflag:s25] =	ssyncadd.s32 $0xFFFFFFB0  }
0x74: {  	v7 =	vld [tilespmem:$0x0]  }
0x75: {  	v8 =	vld [tilespmem:$0x10]  }
0x76: {  	v9 =	vld [tilespmem:$0x20]  }
0x77: {  	v10 =	vld [tilespmem:$0x30]  }
0x78: {  	v11 =	vld [tilespmem:$0x40]  }
0x79: {  	v7 =	vadd.s32 v0, v7  }
0x7a: {  	[tilespmem:$0x0] =	vst v7;
	v7 =	vadd.s32 v0, v8  }
0x7b: {  	[tilespmem:$0x10] =	vst v7;
	v7 =	vadd.s32 v0, v9  }
0x7c: {  	[tilespmem:$0x20] =	vst v7;
	v7 =	vadd.s32 v0, v10  }
0x7d: {  	[tilespmem:$0x30] =	vst v7;
	v7 =	vadd.s32 v0, v11  }
0x7e: {  	[tilespmem:$0x40] =	vst v7  }
0x7f: {  	[tilespmem:s24], [sflag:$0x1] =	stream.indirect.gather [hbm4b:s5+s28], $0x90, s16, s28, $0xb8;
	[tilespmem:$0x1CF70] =	vst v63  }
0x80: {  	s19 =	simm.s32 $0x64E0  }
0x81: {  	[tilespmem:s19], [sflag:$0x3] =	stream.indirect.gather [hbm4b:s6+s28], $0x10, s18, s28, $0xb8;
	[tilespmem:$0x1CF70] =	vst v63  }
0x82: {  	s22 =	rddreg [dreg:$0xd]  }
0x83: {  	[tilespmem:s28], [sflag:$0x8] =	stream.linear.gather [hbm4b:s22+s16], $0x50, $0x38;
	[tilespmem:$0x1CF70] =	vst v63  }
0x84: {  	s26 =	rddreg [dreg:$0xe]  }
0x85: {  	[tilespmem:s30], [sflag:$0x8] =	stream.linear.gather [hbm4b:s26+s16], $0x50, $0x38;
	[tilespmem:$0x1CF70] =	vst v63  }
.LBB2_10:
0x86: {  	p0 =	seq.s32 s16, $0x0  }
0x87: {  	s17 =	simm.s32 @!p0 $0x6  }
0x88: {  	_ =	swait.ge @!p0 [sflag:s17], $0x2D00  }
0x89: {  	[sflag:s17] =	ssyncset.done @!p0 $0x0  }
0x8a: {  	[sflag:s17] =	ssyncadd.s32 @!p0 $0xFFFFD300  }
0x8b: {  	_ =	swait.ge [sflag:s31], $0x50  }
0x8c: {  	[sflag:s31] =	ssyncset.done $0x0  }
0x8d: {  	[sflag:s31] =	ssyncadd.s32 $0xFFFFFFB0  }
0x8e: {  	_ =	swait.ge [sflag:s31], $0x50  }
0x8f: {  	[sflag:s31] =	ssyncset.done $0x0  }
0x90: {  	[sflag:s31] =	ssyncadd.s32 $0xFFFFFFB0  }
0x91: {  	v7 =	vld [tilespmem:$0x50]  }
0x92: {  	v8 =	vld [tilespmem:$0x60]  }
0x93: {  	v9 =	vld [tilespmem:$0x70]  }
0x94: {  	v10 =	vld [tilespmem:$0x80]  }
0x95: {  	v11 =	vld [tilespmem:$0x90]  }
0x96: {  	v7 =	vadd.s32 v0, v7  }
0x97: {  	[tilespmem:$0x50] =	vst v7;
	v7 =	vadd.s32 v0, v8  }
0x98: {  	[tilespmem:$0x60] =	vst v7;
	v7 =	vadd.s32 v0, v9  }
0x99: {  	[tilespmem:$0x70] =	vst v7;
	v7 =	vadd.s32 v0, v10  }
0x9a: {  	[tilespmem:$0x80] =	vst v7;
	v7 =	vadd.s32 v0, v11  }
0x9b: {  	[tilespmem:$0x90] =	vst v7  }
0x9c: {  	[tilespmem:s0], [sflag:$0x2] =	stream.indirect.gather [hbm4b:s5+s28], $0x90, s28, s28, $0xb8;
	[tilespmem:$0x1CF70] =	vst v63  }
0x9d: {  	_ = 	snop  }
0x9e: {  	[tilespmem:s29], [sflag:$0x4] =	stream.indirect.gather [hbm4b:s6+s28], $0x10, s30, s28, $0xb8;
	[tilespmem:$0x1CF70] =	vst v63  }
0x9f: {  	_ =	swait.ge [sflag:s1], $0x2D00  }
0xa0: {  	[sflag:s1] =	ssyncset.done $0x0  }
0xa1: {  	[sflag:s1] =	ssyncadd.s32 $0xFFFFD300  }
0xa2: {  	_ =	swait.ge [sflag:s9], $0x500  }
0xa3: {  	[sflag:s9] =	ssyncset.done $0x0  }
0xa4: {  	[sflag:s9] =	ssyncadd.s32 $0xFFFFFB00  }
0xa5: {  	v7 =	vld [tilespmem:$0xA0]  }
0xa6: {  	v8 =	vld [tilespmem:$0xB0]  }
0xa7: {  	v9 =	vld [tilespmem:$0xC0]  }
0xa8: {  	v10 =	vld [tilespmem:$0xD0]  }
0xa9: {  	p0 =	seq.s32 s16, $0x7C;
	v11 =	vld [tilespmem:$0xE0]  }
0xaa: {  	s17 =	smul.u32 @!p0 $0xA0, s16;
	[tilespmem:$0x140] =	vst v7  }
0xab: {  	[tilespmem:$0x150] =	vst v8  }
0xac: {  	s18 =	sadd.s32 @!p0 s17, s20;
	[tilespmem:$0x160] =	vst v9  }
0xad: {  	s18 =	sshrl.u32 @!p0 s18, $0x3;
	[tilespmem:$0x170] =	vst v10  }
0xae: {  	s22 =	simm.s32 @!p0 $0x0;
	s19 =	sadd.s32 @!p0 s7, s18;
	[tilespmem:$0x180] =	vst v11  }
0xaf: {  	[tilespmem:s22], [sflag:$0x7] =	stream.linear.gather @!p0 [hbm4b:s19+s22], $0x50, $0x38;
	[tilespmem:$0x1CF70] =	vst v63  }
0xb0: {  	s18 =	sadd.s32 @!p0 s2, s18;
	s19 =	simm.s32 @!p0 $0xA0  }
0xb1: {  	[tilespmem:s19], [sflag:$0x7] =	stream.linear.gather @!p0 [hbm4b:s18+s22], $0x50, $0x38;
	[tilespmem:$0x1CF70] =	vst v63  }
0xb2: {  	v7 =	vld [tilespmem:$0x64E0];
	_ =	sdelay $0x1  }
0xb3: {  	v8 =	vld [tilespmem:$0x260];
	_ =	sdelay $0x2  }
0xb4: {  	v7 =	vperm.xlane v7, v1;
	_ =	sdelay $0x1  }
0xb5: {  	v7 =	vadd.f32 v8, v7;
	_ =	sdelay $0x1  }
0xb6: {  	v8 =	vmul.f32 $2.000000030e-01, v7  }
0xb7: {  	vm1 =	vgt.f32 v7, $0.0e+00  }
0xb8: {  	v7 =	vsel vm1, v7, v8  }
0xb9: {  	v7 =	vmul.f32 $1.442695020e+00, v7;
	_ =	sdelay $0x1  }
0xba: {  	(erf) = vpow2.f32 v7;
	_ =	sdelay $0x3  }
0xbb: {  	s26 =	simm.s32 $0x10  }
0xbc: {  	s18 =	simm.s32 $0x1E0;
	v8 =	vld [tilespmem:s26+$0x64E0]  }
0xbd: {  	v10 =	vld [tilespmem:s18+$0x10]  }
0xbe: {  	v7 =	vld [tilespmem:s18+$0x110];
	_ =	sdelay $0x1  }
0xbf: {  	v9 =	vld [tilespmem:s18+$0x0];
	v11 =	vpop (erf)  }
0xc0: {  	v13 =	vld [tilespmem:s18+$0x40];
	v8 =	vperm.xlane v8, v1;
	v14 =	vperm.xlane v11, v3  }
0xc1: {  	v15 =	vld [tilespmem:s18+$0x50]  }
0xc2: {  	v12 =	vld [tilespmem:s18+$0x30];
	v7 =	vadd.f32 v7, v8;
	v10 =	vmul.f32 v10, v14  }
0xc3: {  	v19 =	vld [tilespmem:s18+$0x20];
	v60 =	vperm.xlane v11, v5  }
0xc4: {  	v16 =	vld [tilespmem:s18+$0x60];
	v17 =	vnsel vm0, $0x0, v11;
	v9 =	vmul.f32 v9, v14;
	[tilespmem:s18+$0x10] =	vst v10;
	v10 =	vmul.f32 $2.000000030e-01, v7  }
0xc5: {  	v8 =	vld [tilespmem:s18+$0x70];
	vm1 =	vgt.f32 v7, $0.0e+00;
	v18 =	vperm.xlane v11, v4;
	[tilespmem:s18+$0x80] =	vst v17;
	v61 =	vmul.f32 v13, v60  }
0xc6: {  	v11 =	vperm.xlane v11, v6;
	v62 =	vmul.f32 v15, v60;
	[tilespmem:s18+$0x0] =	vst v9;
	v7 =	vsel vm1, v7, v10  }
0xc7: {  	v9 =	vmul.f32 v12, v18;
	[tilespmem:s18+$0x40] =	vst v61;
	v10 =	vmul.f32 $1.442695020e+00, v7  }
0xc8: {  	v63 =	vmul.f32 v19, v18;
	[tilespmem:s18+$0x50] =	vst v62  }
0xc9: {  	[tilespmem:s18+$0x30] =	vst v9;
	v9 =	vmul.f32 v16, v11;
	(erf) = vpow2.f32 v10  }
0xca: {  	s26 =	simm.s32 $0x270;
	[tilespmem:s18+$0x20] =	vst v63;
	v11 =	vmul.f32 v8, v11  }
0xcb: {  	v8 =	vld [tilespmem:s26+$0x110];
	[tilespmem:s18+$0x60] =	vst v9  }
0xcc: {  	s22 =	simm.s32 $0x20;
	s19 =	simm.s32 $0xC0;
	v7 =	vld [tilespmem:s26+$0x60];
	[tilespmem:s18+$0x70] =	vst v11;
	s18 =	simm.s32 $0x270  }
.LBB2_11:
0xcd: {  	p1 =	sne.s32 s19, $0x1400;
	v9 =	vld [tilespmem:s22+$0x64E0]  }
0xce: {  	v10 =	vld [tilespmem:s26+$0x40]  }
0xcf: {  	v11 =	vld [tilespmem:s26+$0x10]  }
0xd0: {  	v12 =	vld [tilespmem:s26+$0x0]  }
0xd1: {  	v13 =	vld [tilespmem:s26+$0x20]  }
0xd2: {  	v9 =	vperm.xlane v9, v1;
	v14 =	vld [tilespmem:s26+$0x30];
	v15 =	vpop (erf)  }
0xd3: {  	v16 =	vnsel vm0, $0x0, v15;
	v17 =	vperm.xlane v15, v3;
	v18 =	vperm.xlane v15, v4;
	v19 =	vld [tilespmem:s26+$0x50]  }
0xd4: {  	v8 =	vadd.f32 v8, v9;
	[tilespmem:s26+$0x80] =	vst v16;
	v9 =	vperm.xlane v15, v5;
	v15 =	vperm.xlane v15, v6;
	v16 =	vld [tilespmem:s26+$0x70]  }
0xd5: {  	v12 =	vmul.f32 v12, v17;
	v11 =	vmul.f32 v11, v17  }
0xd6: {  	v17 =	vmul.f32 $2.000000030e-01, v8;
	v13 =	vmul.f32 v13, v18  }
0xd7: {  	vm1 =	vgt.f32 v8, $0.0e+00;
	v10 =	vmul.f32 v10, v9;
	[tilespmem:s26+$0x0] =	vst v12;
	v12 =	vmul.f32 v14, v18  }
0xd8: {  	v7 =	vmul.f32 v7, v15;
	v8 =	vsel vm1, v8, v17;
	[tilespmem:s26+$0x10] =	vst v11;
	v9 =	vmul.f32 v19, v9  }
0xd9: {  	v8 =	vmul.f32 $1.442695020e+00, v8;
	[tilespmem:s26+$0x20] =	vst v13;
	v11 =	vmul.f32 v16, v15  }
.Ltmp4:
0xda: {  	[tilespmem:s26+$0x30] =	vst v12;
	(pc) =	sbr.rel @p1 .LBB2_11-.Ltmp4, $4  }
0xdb: {  	[tilespmem:s26+$0x40] =	vst v10;
	(erf) = vpow2.f32 v8  }
0xdc: {  	s26 =	sadd.s32 $0x90, s26;
	[tilespmem:s18+$0x50] =	vst v9  }
0xdd: {  	v8 =	vld [tilespmem:s26+$0x110];
	[tilespmem:s18+$0x60] =	vst v7  }
0xde: {  	s22 =	sshra.s32 s19, $0x2;
	s19 =	sadd.s32 $0x40, s19;
	v7 =	vld [tilespmem:s26+$0x60];
	[tilespmem:s18+$0x70] =	vst v11;
	s18 =	smov.u32 s26  }
0xdf: {  	v9 =	vld [tilespmem:s22+$0x64E0];
	_ =	sdelay $0x4  }
0xe0: {  	v9 =	vperm.xlane v9, v1;
	_ =	sdelay $0x1  }
0xe1: {  	v8 =	vadd.f32 v8, v9  }
0xe2: {  	v10 =	vld [tilespmem:s26+$0x10]  }
0xe3: {  	v9 =	vld [tilespmem:s26+$0x0];
	v11 =	vmul.f32 $2.000000030e-01, v8  }
0xe4: {  	v12 =	vld [tilespmem:s26+$0x20];
	v13 =	vpop (erf);
	vm1 =	vgt.f32 v8, $0.0e+00  }
0xe5: {  	v14 =	vld [tilespmem:s26+$0x30];
	v15 =	vperm.xlane v13, v3;
	v8 =	vsel vm1, v8, v11  }
0xe6: {  	v11 =	vld [tilespmem:s26+$0x40];
	v8 =	vmul.f32 $1.442695020e+00, v8  }
0xe7: {  	v18 =	vld [tilespmem:s26+$0x50];
	v16 =	vnsel vm0, $0x0, v13;
	v17 =	vperm.xlane v13, v4;
	v10 =	vmul.f32 v10, v15  }
0xe8: {  	[tilespmem:s26+$0x80] =	vst v16;
	v9 =	vmul.f32 v9, v15;
	(erf) = vpow2.f32 v8  }
0xe9: {  	v52 =	vld [tilespmem:s26+$0x70];
	v12 =	vmul.f32 v12, v17;
	[tilespmem:s26+$0x10] =	vst v10;
	v8 =	vperm.xlane v13, v5  }
0xea: {  	[tilespmem:s26+$0x0] =	vst v9;
	v9 =	vmul.f32 v14, v17  }
0xeb: {  	v10 =	vperm.xlane v13, v6;
	[tilespmem:s26+$0x20] =	vst v12;
	v11 =	vmul.f32 v11, v8  }
0xec: {  	v8 =	vmul.f32 v18, v8;
	[tilespmem:s26+$0x30] =	vst v9  }
0xed: {  	v7 =	vmul.f32 v7, v10;
	[tilespmem:s26+$0x40] =	vst v11  }
0xee: {  	v9 =	vmul.f32 v52, v10;
	[tilespmem:s18+$0x50] =	vst v8  }
0xef: {  	[tilespmem:s18+$0x60] =	vst v7  }
0xf0: {  	[tilespmem:s18+$0x70] =	vst v9  }
0xf1: {  	[spmem:s3] =	stream.indirect.scatter.add.f32 [tilespmem:s24], [sflag:$0x5], $0x90, s10, s28, $0xb8;
	v7 =	vpop (erf);
	[tilespmem:$0x1CF70] =	vst v63  }
0xf2: {  	_ =	swait.ge [sflag:s11], $0x2D00  }
0xf3: {  	[sflag:s11] =	ssyncset.done $0x0  }
0xf4: {  	s18 =	simm.s32 @!p0 $0x7;
	[sflag:s11] =	ssyncadd.s32 $0xFFFFD300  }
0xf5: {  	_ =	swait.ge @!p0 [sflag:s18], $0x50  }
0xf6: {  	[sflag:s18] =	ssyncset.done @!p0 $0x0  }
0xf7: {  	[sflag:s18] =	ssyncadd.s32 @!p0 $0xFFFFFFB0  }
0xf8: {  	_ =	swait.ge @!p0 [sflag:s18], $0x50  }
0xf9: {  	[sflag:s18] =	ssyncset.done @!p0 $0x0  }
0xfa: {  	[sflag:s18] =	ssyncadd.s32 @!p0 $0xFFFFFFB0  }
0xfb: {  	v7 =	vld @!p0 [tilespmem:$0x0]  }
0xfc: {  	v8 =	vld @!p0 [tilespmem:$0x10]  }
0xfd: {  	v9 =	vld @!p0 [tilespmem:$0x20]  }
0xfe: {  	v10 =	vld @!p0 [tilespmem:$0x30]  }
0xff: {  	v11 =	vld @!p0 [tilespmem:$0x40]  }
0x100: {  	v7 =	vadd.s32 @!p0 v0, v7  }
0x101: {  	[tilespmem:$0x0] =	vst @!p0 v7;
	v7 =	vadd.s32 @!p0 v0, v8  }
0x102: {  	[tilespmem:$0x10] =	vst @!p0 v7;
	v7 =	vadd.s32 @!p0 v0, v9  }
0x103: {  	[tilespmem:$0x20] =	vst @!p0 v7;
	v7 =	vadd.s32 @!p0 v0, v10  }
0x104: {  	[tilespmem:$0x30] =	vst @!p0 v7;
	v7 =	vadd.s32 @!p0 v0, v11  }
0x105: {  	s19 =	simm.s32 @!p0 $0x0;
	s22 =	simm.s32 @!p0 $0x1E0;
	s18 =	simm.s32 @!p0 $0x50;
	[tilespmem:$0x40] =	vst @!p0 v7  }
0x106: {  	[tilespmem:s22], [sflag:$0x1] =	stream.indirect.gather @!p0 [hbm4b:s5+s18], $0x90, s19, s18, $0xb8;
	[tilespmem:$0x1CF70] =	vst v63  }
0x107: {  	s26 =	simm.s32 @!p0 $0x64E0;
	s22 =	simm.s32 @!p0 $0xA0  }
0x108: {  	[tilespmem:s26], [sflag:$0x3] =	stream.indirect.gather @!p0 [hbm4b:s6+s18], $0x10, s22, s18, $0xb8;
	[tilespmem:$0x1CF70] =	vst v63  }
0x109: {  	_ =	swait.ge [sflag:s12], $0x2D00  }
0x10a: {  	[sflag:s12] =	ssyncset.done $0x0  }
0x10b: {  	[sflag:s12] =	ssyncadd.s32 $0xFFFFD300  }
0x10c: {  	_ =	swait.ge [sflag:s13], $0x500  }
0x10d: {  	[sflag:s13] =	ssyncset.done $0x0  }
0x10e: {  	[sflag:s13] =	ssyncadd.s32 $0xFFFFFB00  }
0x10f: {  	v7 =	vld [tilespmem:$0xF0]  }
0x110: {  	v8 =	vld [tilespmem:$0x100]  }
0x111: {  	v9 =	vld [tilespmem:$0x110]  }
0x112: {  	v10 =	vld [tilespmem:$0x120]  }
0x113: {  	v11 =	vld [tilespmem:$0x130]  }
0x114: {  	[tilespmem:$0x190] =	vst v7  }
0x115: {  	[tilespmem:$0x1A0] =	vst v8  }
0x116: {  	s17 =	sadd.s32 @!p0 s17, s21;
	[tilespmem:$0x1B0] =	vst v9  }
0x117: {  	s17 =	sshrl.u32 @!p0 s17, $0x3;
	[tilespmem:$0x1C0] =	vst v10  }
0x118: {  	s22 =	sadd.s32 @!p0 s7, s17;
	[tilespmem:$0x1D0] =	vst v11  }
0x119: {  	[tilespmem:s18], [sflag:$0x8] =	stream.linear.gather @!p0 [hbm4b:s22+s19], $0x50, $0x38;
	[tilespmem:$0x1CF70] =	vst v63  }
0x11a: {  	s17 =	sadd.s32 @!p0 s2, s17;
	s18 =	simm.s32 @!p0 $0xF0  }
0x11b: {  	[tilespmem:s18], [sflag:$0x8] =	stream.linear.gather @!p0 [hbm4b:s17+s19], $0x50, $0x38;
	[tilespmem:$0x1CF70] =	vst v63  }
0x11c: {  	v7 =	vld [tilespmem:$0x6A60];
	_ =	sdelay $0x1  }
0x11d: {  	v8 =	vld [tilespmem:$0x33E0];
	_ =	sdelay $0x2  }
0x11e: {  	v7 =	vperm.xlane v7, v1;
	_ =	sdelay $0x1  }
0x11f: {  	v7 =	vadd.f32 v8, v7;
	_ =	sdelay $0x1  }
0x120: {  	v8 =	vmul.f32 $2.000000030e-01, v7  }
0x121: {  	vm1 =	vgt.f32 v7, $0.0e+00  }
0x122: {  	v7 =	vsel vm1, v7, v8  }
0x123: {  	v7 =	vmul.f32 $1.442695020e+00, v7;
	_ =	sdelay $0x1  }
0x124: {  	(erf) = vpow2.f32 v7;
	_ =	sdelay $0x3  }
0x125: {  	s26 =	simm.s32 $0x10  }
0x126: {  	s18 =	simm.s32 $0x3360;
	v8 =	vld [tilespmem:s26+$0x6A60]  }
0x127: {  	v10 =	vld [tilespmem:s18+$0x10]  }
0x128: {  	v7 =	vld [tilespmem:s18+$0x110];
	_ =	sdelay $0x1  }
0x129: {  	v9 =	vld [tilespmem:s18+$0x0];
	v11 =	vpop (erf)  }
0x12a: {  	v54 =	vld [tilespmem:s18+$0x40];
	v8 =	vperm.xlane v8, v1;
	v55 =	vperm.xlane v11, v3  }
0x12b: {  	v56 =	vld [tilespmem:s18+$0x50]  }
0x12c: {  	v53 =	vld [tilespmem:s18+$0x30];
	v7 =	vadd.f32 v7, v8;
	v10 =	vmul.f32 v10, v55  }
0x12d: {  	v19 =	vld [tilespmem:s18+$0x20];
	v60 =	vperm.xlane v11, v5  }
0x12e: {  	v57 =	vld [tilespmem:s18+$0x60];
	v58 =	vnsel vm0, $0x0, v11;
	v9 =	vmul.f32 v9, v55;
	[tilespmem:s18+$0x10] =	vst v10;
	v10 =	vmul.f32 $2.000000030e-01, v7  }
0x12f: {  	v8 =	vld [tilespmem:s18+$0x70];
	vm1 =	vgt.f32 v7, $0.0e+00;
	v59 =	vperm.xlane v11, v4;
	[tilespmem:s18+$0x80] =	vst v58;
	v61 =	vmul.f32 v54, v60  }
0x130: {  	v11 =	vperm.xlane v11, v6;
	v62 =	vmul.f32 v56, v60;
	[tilespmem:s18+$0x0] =	vst v9;
	v7 =	vsel vm1, v7, v10  }
0x131: {  	v9 =	vmul.f32 v53, v59;
	[tilespmem:s18+$0x40] =	vst v61;
	v10 =	vmul.f32 $1.442695020e+00, v7  }
0x132: {  	v63 =	vmul.f32 v19, v59;
	[tilespmem:s18+$0x50] =	vst v62  }
0x133: {  	[tilespmem:s18+$0x30] =	vst v9;
	v9 =	vmul.f32 v57, v11;
	(erf) = vpow2.f32 v10  }
0x134: {  	s17 =	simm.s32 $0x33F0;
	[tilespmem:s18+$0x20] =	vst v63;
	v11 =	vmul.f32 v8, v11  }
0x135: {  	v8 =	vld [tilespmem:s17+$0x110];
	[tilespmem:s18+$0x60] =	vst v9  }
0x136: {  	s22 =	simm.s32 $0x20;
	s19 =	simm.s32 $0xC0;
	v7 =	vld [tilespmem:s17+$0x60];
	[tilespmem:s18+$0x70] =	vst v11;
	s18 =	simm.s32 $0x33F0  }
.LBB2_13:
0x137: {  	p0 =	sne.s32 s19, $0x1400;
	v9 =	vld [tilespmem:s22+$0x6A60]  }
0x138: {  	v10 =	vld [tilespmem:s17+$0x40]  }
0x139: {  	v11 =	vld [tilespmem:s17+$0x10]  }
0x13a: {  	v12 =	vld [tilespmem:s17+$0x0]  }
0x13b: {  	v13 =	vld [tilespmem:s17+$0x20]  }
0x13c: {  	v9 =	vperm.xlane v9, v1;
	v14 =	vld [tilespmem:s17+$0x30];
	v15 =	vpop (erf)  }
0x13d: {  	v16 =	vnsel vm0, $0x0, v15;
	v17 =	vperm.xlane v15, v3;
	v18 =	vperm.xlane v15, v4;
	v19 =	vld [tilespmem:s17+$0x50]  }
0x13e: {  	v8 =	vadd.f32 v8, v9;
	[tilespmem:s17+$0x80] =	vst v16;
	v9 =	vperm.xlane v15, v5;
	v15 =	vperm.xlane v15, v6;
	v16 =	vld [tilespmem:s17+$0x70]  }
0x13f: {  	v12 =	vmul.f32 v12, v17;
	v11 =	vmul.f32 v11, v17  }
0x140: {  	v17 =	vmul.f32 $2.000000030e-01, v8;
	v13 =	vmul.f32 v13, v18  }
0x141: {  	vm1 =	vgt.f32 v8, $0.0e+00;
	v10 =	vmul.f32 v10, v9;
	[tilespmem:s17+$0x0] =	vst v12;
	v12 =	vmul.f32 v14, v18  }
0x142: {  	v7 =	vmul.f32 v7, v15;
	v8 =	vsel vm1, v8, v17;
	[tilespmem:s17+$0x10] =	vst v11;
	v9 =	vmul.f32 v19, v9  }
0x143: {  	v8 =	vmul.f32 $1.442695020e+00, v8;
	[tilespmem:s17+$0x20] =	vst v13;
	v11 =	vmul.f32 v16, v15  }
.Ltmp5:
0x144: {  	[tilespmem:s17+$0x30] =	vst v12;
	(pc) =	sbr.rel @p0 .LBB2_13-.Ltmp5, $4  }
0x145: {  	[tilespmem:s17+$0x40] =	vst v10;
	(erf) = vpow2.f32 v8  }
0x146: {  	s17 =	sadd.s32 $0x90, s17;
	[tilespmem:s18+$0x50] =	vst v9  }
0x147: {  	v8 =	vld [tilespmem:s17+$0x110];
	[tilespmem:s18+$0x60] =	vst v7  }
0x148: {  	s22 =	sshra.s32 s19, $0x2;
	s19 =	sadd.s32 $0x40, s19;
	v7 =	vld [tilespmem:s17+$0x60];
	[tilespmem:s18+$0x70] =	vst v11;
	s18 =	smov.u32 s17  }
0x149: {  	v9 =	vld [tilespmem:s22+$0x6A60];
	_ =	sdelay $0x4  }
0x14a: {  	v9 =	vperm.xlane v9, v1;
	_ =	sdelay $0x1  }
0x14b: {  	v8 =	vadd.f32 v8, v9  }
0x14c: {  	v10 =	vld [tilespmem:s17+$0x0]  }
0x14d: {  	v11 =	vld [tilespmem:s17+$0x10];
	v17 =	vmul.f32 $2.000000030e-01, v8  }
0x14e: {  	v12 =	vld [tilespmem:s17+$0x20];
	v13 =	vpop (erf);
	vm1 =	vgt.f32 v8, $0.0e+00  }
0x14f: {  	v58 =	vld [tilespmem:s17+$0x30];
	v14 =	vperm.xlane v13, v3;
	v8 =	vsel vm1, v8, v17  }
0x150: {  	v15 =	vld [tilespmem:s17+$0x40];
	v8 =	vmul.f32 $1.442695020e+00, v8  }
0x151: {  	v16 =	vnsel vm0, $0x0, v13;
	v18 =	vperm.xlane v13, v4;
	v10 =	vmul.f32 v10, v14  }
0x152: {  	v60 =	vld [tilespmem:s17+$0x70];
	[tilespmem:s17+$0x80] =	vst v16;
	v11 =	vmul.f32 v11, v14;
	(erf) = vpow2.f32 v8  }
0x153: {  	v19 =	vld [tilespmem:s17+$0x50];
	v59 =	vperm.xlane v13, v5;
	v12 =	vmul.f32 v12, v18;
	[tilespmem:s17+$0x0] =	vst v10  }
0x154: {  	v61 =	vperm.xlane v13, v6;
	v9 =	vmul.f32 v58, v18;
	[tilespmem:s17+$0x10] =	vst v11  }
0x155: {  	s16 =	sadd.s32 $0x1, s16;
	v62 =	vmul.f32 v15, v59;
	[tilespmem:s17+$0x20] =	vst v12  }
0x156: {  	p0 =	sne.s32 s16, $0x7D;
	v7 =	vmul.f32 v7, v61;
	[tilespmem:s17+$0x30] =	vst v9  }
.Ltmp6:
0x157: {  	v63 =	vmul.f32 v60, v61;
	[tilespmem:s17+$0x40] =	vst v62;
	(pc) =	sbr.rel @p0 .LBB2_10-.Ltmp6, $4  }
0x158: {  	[tilespmem:s18+$0x60] =	vst v7;
	v8 =	vmul.f32 v19, v59  }
0x159: {  	[tilespmem:s18+$0x70] =	vst v63  }
0x15a: {  	[tilespmem:s18+$0x50] =	vst v8  }
0x15b: {  	[spmem:s3] =	stream.indirect.scatter.add.f32 [tilespmem:s0], [sflag:$0x6], $0x90, s14, s28, $0xb8;
	v7 =	vpop (erf);
	[tilespmem:$0x1CF70] =	vst v63  }
0x15c: {  	_ =	swait.ge [sflag:s15], $0x2D00  }
0x15d: {  	s16 =	stileid.u32;
	[sflag:s15] =	ssyncset.done $0x0  }
0x15e: {  	s17 =	sshrl.u32 s8, $0x3;
	s4 =	sadd.s32 $0x1, s4;
	[sflag:s15] =	ssyncadd.s32 $0xFFFFD300  }
0x15f: {  	s16 =	sshll.u32 s16, $0x6;
	p0 =	sne.s32 s4, s23;
	[bflag:$0x0] =	sbarrier.arrive $0xFFFF  }
.Ltmp7:
0x160: {  	s16 =	sor.u32 $0x1C09, s16;
	s18 =	rddreg [dreg:$0xf];
	(pc) =	sbr.rel @p0 .LBB2_1-.Ltmp7, $4  }
0x161: {  	[hbm:s18], [sflag:s16] =	dma.local [spmem:s17], $0x2BF2  }
0x162: {  	_ =	swait.ge [sflag:s25], $0x2BF2  }
0x163: {  	[sflag:s25] =	ssyncset.done $0x0  }
0x164: {  	[sflag:s25] =	ssyncadd.s32 $0xFFFFD40E  }
0x165: {  	_ =	sfence.sel $0x180000  }
0x166: {  	[bflag:$0x0] =	sbarrier.arrive $0xFFFF  }
0x167: {  	_ =	strace $0x90000047  }
0x168: {  	s0 =	stileid.u32;
	[bflag:$0x2] =	sbarrier.arrive $0xFFFF  }
0x169: {  	p0 =	sne.s32 s0, $0x0;
	s0 =	rddreg [dreg:$0x3]  }
0x16a: {  	s0 =	sadd.s32 @!p0 $0x100000, s0  }
0x16b: {  	[sflag:s0] =	ssyncadd.tile.s32 @!p0 $0x1;
	_ =	shalt  }
.Lfunc_end2:
_tile_overlayer_lowered:
.L_overlay_start_2:
0x16c: {  	(tag) =	ssettag $0x2  }
0x16d: {  	s0 =	rddreg [dreg:$0x0];
	s2 =	stileid.u32  }
0x16e: {  	s1 =	rddreg [dreg:$0x1];
	p0 =	sne.s32 s2, $0x0  }
0x16f: {  	s3 =	rddreg [dreg:$0x2];
	[bflag:$0x3] =	sbarrier.arrive $0xFFFF;
	s2 =	simm.s32 @!p0 $0x1C09  }
0x170: {  	[timem:s3], [sflag:s2] =	dma.local @!p0 [hbm:s0], s1  }
0x171: {  	s0 =	simm.s32 @!p0 $0x9  }
0x172: {  	_ =	swait.ge @!p0 [sflag:s0], s1  }
0x173: {  	s1 =	ssub.s32 @!p0 $0x0, s1;
	[sflag:s0] =	ssyncset.done @!p0 $0x0  }
0x174: {  	[sflag:s0] =	ssyncadd.s32 @!p0 s1  }
0x175: {  	[bflag:$0x3] =	sbarrier.arrive $0xFFFF  }
0x176: {  	_ =	shalt  }

</sc_bundles>
